<compile_context>
chip_gen: v7x
topology: tpu7x:2x2x1
jax: 0.10.2.dev20260603
libtpu: 0.0.44.dev20260713+nightly
codegen_flags: <defaults>
</compile_context>

<pallas_src>
import functools
import jax
import jax.numpy as jnp
from jax import lax
from jax.experimental import pallas as pl
from jax.experimental.pallas import tpu as pltpu
from jax.experimental.pallas import tpu_sc as plsc

_B = 16384
_D = 32
_NC = 2
_NS = 16
_NW = _NC * _NS
_BPW = _B // _NW
_W = 8
_NWAVE = _BPW // _W

_UV = 1000001

_MLP_TILE = 16384


def _extract_one(tile, rows_v, j, lane):
    iota = lax.iota(jnp.int32, 16)
    l_vec = jnp.full((16,), lane, dtype=jnp.int32)
    base = j * _D
    for half in range(2):
        f = iota + (16 * half)
        v = plsc.load_gather(tile, [f >> 3, f & 7, l_vec])
        plsc.store_scatter(rows_v, [base + f], v)


def _wave_scalars(idx_v, w):
    vw = idx_v[pl.ds(pl.multiple_of(w * _W, _W), 16)]
    return [lax.index_in_dim(vw, k, 0, False) for k in range(_W)]


def _fire_wave(tab3_hbm, idx_v, w, buf, sem):
    scalars = _wave_scalars(idx_v, w)
    for k in range(_W):
        off = pl.multiple_of((scalars[k] >> 7) << 7, 128)
        pltpu.async_copy(tab3_hbm.at[:, :, pl.ds(off, 128)], buf.at[k], sem)


def _extract_wave(idx_v, w, buf, rows_v):
    scalars = _wave_scalars(idx_v, w)
    for k in range(_W):
        _extract_one(buf.at[k], rows_v, w * _W + k, scalars[k] & 127)


def _gather_table(tab3_hbm, dummy_hbm, idx_v, bufs, rows_v, sems):
    def drain(buf, sem):
        pltpu.make_async_copy(dummy_hbm, buf, sem).wait()

    nb = len(bufs)
    for p in range(nb):
        _fire_wave(tab3_hbm, idx_v, p, bufs[p], sems[p])

    def body(t, carry):
        w0 = nb * t
        for p in range(nb):
            drain(bufs[p], sems[p])
            _extract_wave(idx_v, w0 + p, bufs[p], rows_v)
            _fire_wave(tab3_hbm, idx_v, w0 + p + nb, bufs[p], sems[p])
        return carry

    n_loop = _NWAVE // nb - 1
    lax.fori_loop(0, n_loop, body, 0)
    for p in range(nb):
        w = n_loop * nb + p
        drain(bufs[p], sems[p])
        _extract_wave(idx_v, w, bufs[p], rows_v)
    for w in range((n_loop + 1) * nb, _NWAVE):
        p = w % nb
        _fire_wave(tab3_hbm, idx_v, w, bufs[p], sems[p])
        drain(bufs[p], sems[p])
        _extract_wave(idx_v, w, bufs[p], rows_v)


def _user_gather_body(uid_hbm, ut3_hbm, dummy_hbm, uout_hbm,
                      uidx_v, buf_a, buf_b, buf_c, urows_v,
                      sem_a, sem_b, sem_c):
    wid = lax.axis_index("s") * _NC + lax.axis_index("c")
    base = wid * _BPW
    pltpu.sync_copy(uid_hbm.at[pl.ds(base, _BPW)], uidx_v.at[pl.ds(0, _BPW)])
    _gather_table(ut3_hbm, dummy_hbm, uidx_v, (buf_a, buf_b, buf_c),
                  urows_v, (sem_a, sem_b, sem_c))
    pltpu.sync_copy(urows_v, uout_hbm.at[wid])


@functools.lru_cache(maxsize=None)
def _sc_user_fn():
    return pl.kernel(
        _user_gather_body,
        out_type=jax.ShapeDtypeStruct((_NW, _BPW * _D), jnp.float32),
        mesh=plsc.VectorSubcoreMesh(core_axis_name="c", subcore_axis_name="s"),
        compiler_params=pltpu.CompilerParams(use_tc_tiling_on_sc=True,
                                             needs_layout_passes=False),
        scratch_types=[
            pltpu.VMEM((_BPW + 16,), jnp.int32),
            pltpu.VMEM((_W, 4, 8, 128), jnp.float32),
            pltpu.VMEM((_W, 4, 8, 128), jnp.float32),
            pltpu.VMEM((_W, 4, 8, 128), jnp.float32),
            pltpu.VMEM((_BPW * _D,), jnp.float32),
            pltpu.SemaphoreType.DMA,
            pltpu.SemaphoreType.DMA,
            pltpu.SemaphoreType.DMA,
        ],
    )


_CH = 128
_NCHB = _BPW // _CH


def _book_gather_body(bid_hbm, btab_hbm, bout_hbm, bidx_v, brows_v, bsem):
    wid = lax.axis_index("s") * _NC + lax.axis_index("c")
    pltpu.sync_copy(bid_hbm.at[wid], bidx_v)
    copies = []
    for j in range(_NCHB):
        copies.append(pltpu.async_copy(btab_hbm.at[bidx_v.at[j]],
                                       brows_v.at[j], bsem))
    for c in copies:
        c.wait()
    pltpu.sync_copy(brows_v, bout_hbm.at[wid])


@functools.lru_cache(maxsize=None)
def _sc_book_fn():
    return pl.kernel(
        _book_gather_body,
        out_type=jax.ShapeDtypeStruct((_NW, _NCHB, _CH, _D), jnp.float32),
        mesh=plsc.VectorSubcoreMesh(core_axis_name="c", subcore_axis_name="s"),
        compiler_params=pltpu.CompilerParams(use_tc_tiling_on_sc=False),
        scratch_types=[
            pltpu.VMEM((_NCHB, _CH), jnp.int32),
            pltpu.VMEM((_NCHB, _CH, _D), jnp.float32),
            pltpu.SemaphoreType.DMA,
        ],
    )


def _mlp_body(u_ref, b_ref, w1u_ref, w1b_ref, b1_ref, w2_ref, b2_ref,
              w3_ref, b3_ref, w4_ref, b4_ref, out_ref):
    h = u_ref[...] @ w1u_ref[...] + b_ref[...] @ w1b_ref[...] + b1_ref[...]
    h = jnp.maximum(h, 0.0)
    h = jnp.maximum(h @ w2_ref[...] + b2_ref[...], 0.0)
    h = jnp.maximum(h @ w3_ref[...] + b3_ref[...], 0.0)
    out_ref[...] = h @ w4_ref[...] + b4_ref[...]


def _mlp(u_emb, b_emb, W1u, W1b, b1, W2, b2, W3, b3, W4, b4):
    n_tiles = _B // _MLP_TILE
    full = lambda shape: pl.BlockSpec(shape, lambda i: (0, 0))
    return pl.pallas_call(
        _mlp_body,
        grid=(n_tiles,),
        in_specs=[
            pl.BlockSpec((_MLP_TILE, _D), lambda i: (i, 0)),
            pl.BlockSpec((_MLP_TILE, _D), lambda i: (i, 0)),
            full(W1u.shape), full(W1b.shape), full(b1.shape),
            full(W2.shape), full(b2.shape),
            full(W3.shape), full(b3.shape),
            full(W4.shape), full(b4.shape),
        ],
        out_specs=pl.BlockSpec((_MLP_TILE, 1), lambda i: (i, 0)),
        out_shape=jax.ShapeDtypeStruct((_B, 1), jnp.float32),
    )(u_emb, b_emb, W1u, W1b, b1, W2, b2, W3, b3, W4, b4)


def kernel(user_id, book_title, user_table, book_table,
           W1, b1, W2, b2, W3, b3, W4, b4):
    ut3 = user_table.T.reshape(4, 8, _UV)
    dummy = jnp.zeros((_W, 4, 8, 128), jnp.float32)
    u_rows = _sc_user_fn()(user_id, ut3, dummy)
    bid3 = book_title.reshape(_NW, _NCHB, _CH)
    b_rows = _sc_book_fn()(bid3, book_table)
    u_emb = u_rows.reshape(_B, _D)
    b_emb = b_rows.reshape(_B, _D)
    return _mlp(u_emb, b_emb,
                W1[:_D], W1[_D:], b1.reshape(1, -1),
                W2, b2.reshape(1, -1),
                W3, b3.reshape(1, -1),
                W4, b4.reshape(1, -1))

# --- scband reference (transcript-rebuilt; emitter-appended) ---
"""Pipeline reference for scband-ranking-model-24146306138457 (READ-ONLY COPY).

The authoritative reference and input builder live on the scoring server;
editing this copy changes nothing except your own understanding.
"""

import jax, jax.numpy as jnp
import numpy as np

USER_VOCAB = 1000000
BOOK_VOCAB = 100000
EMBED_DIM = 32
BATCH = 16384


def setup_inputs(seed: int = 0) -> dict:
    key = jax.random.key(seed)
    ks = jax.random.split(key, 12)
    user_id = jax.random.randint(ks[0], (BATCH,), 0, USER_VOCAB, dtype=jnp.int64 if jax.config.jax_enable_x64 else jnp.int32).astype(jnp.int32)
    book_title = jax.random.randint(ks[1], (BATCH,), 0, BOOK_VOCAB, dtype=jnp.int32)
    # Embedding tables: vocabulary_size() + 1 rows as in the keras model
    user_table = jax.random.normal(ks[2], (USER_VOCAB + 1, EMBED_DIM), dtype=jnp.float32) * 0.05
    book_table = jax.random.normal(ks[3], (BOOK_VOCAB + 1, EMBED_DIM), dtype=jnp.float32) * 0.05
    # MLP: Dense(32) -> Dense(16) -> Dense(8) -> Dense(1)
    W1 = jax.random.normal(ks[4], (2 * EMBED_DIM, 32), dtype=jnp.float32) * (1.0 / np.sqrt(2 * EMBED_DIM))
    b1 = jnp.zeros((32,), dtype=jnp.float32)
    W2 = jax.random.normal(ks[5], (32, 16), dtype=jnp.float32) * (1.0 / np.sqrt(32))
    b2 = jnp.zeros((16,), dtype=jnp.float32)
    W3 = jax.random.normal(ks[6], (16, 8), dtype=jnp.float32) * (1.0 / np.sqrt(16))
    b3 = jnp.zeros((8,), dtype=jnp.float32)
    W4 = jax.random.normal(ks[7], (8, 1), dtype=jnp.float32) * (1.0 / np.sqrt(8))
    b4 = jnp.zeros((1,), dtype=jnp.float32)
    return {
        'user_id': user_id, 'book_title': book_title,
        'user_table': user_table, 'book_table': book_table,
        'W1': W1, 'b1': b1, 'W2': W2, 'b2': b2,
        'W3': W3, 'b3': b3, 'W4': W4, 'b4': b4,
    }


def reference(user_id, book_title, user_table, book_table, W1, b1, W2, b2, W3, b3, W4, b4):
    user_embedding = jnp.take(user_table, user_id, axis=0)   # [B, 32]
    book_embedding = jnp.take(book_table, book_title, axis=0)  # [B, 32]
    x = jnp.concatenate([user_embedding, book_embedding], axis=1)  # [B, 64]
    h = jax.nn.relu(x @ W1 + b1)
    h = jax.nn.relu(h @ W2 + b2)
    h = jax.nn.relu(h @ W3 + b3)
    out = h @ W4 + b4  # [B, 1]
    return out

if __name__ == "__main__":
    import jax
    _d = setup_inputs()
    print(jax.jit(kernel)(*tuple(_d.values())))

</pallas_src>

<mosaic_0001>
#map = affine_map<(d0, d1) -> (0)>
#map1 = affine_map<(d0, d1) -> (0, 0, 0)>
#map2 = affine_map<(d0, d1) -> (0, 0, 0, 0)>
#map3 = affine_map<(d0, d1) -> (0, 0)>
module attributes {stable_mosaic.version = 14 : i64} {
  func.func @_user_gather_body(%arg0: i32, %arg1: i32, %arg2: memref<16384xi32, #tpu.memory_space<hbm>>, %arg3: memref<4x8x1000001xf32, #tpu.memory_space<hbm>>, %arg4: memref<8x4x8x128xf32, #tpu.memory_space<hbm>>, %arg5: memref<32x16384xf32, #tpu.memory_space<hbm>>, %arg6: memref<528xi32, #tpu.memory_space<vmem>>, %arg7: memref<8x4x8x128xf32, #tpu.memory_space<vmem>>, %arg8: memref<8x4x8x128xf32, #tpu.memory_space<vmem>>, %arg9: memref<8x4x8x128xf32, #tpu.memory_space<vmem>>, %arg10: memref<16384xf32, #tpu.memory_space<vmem>>, %arg11: memref<!tpu.dma_semaphore, #tpu.memory_space<semaphore_mem>>, %arg12: memref<!tpu.dma_semaphore, #tpu.memory_space<semaphore_mem>>, %arg13: memref<!tpu.dma_semaphore, #tpu.memory_space<semaphore_mem>>) attributes {dimension_semantics = [#tpu.dimension_semantics<core_parallel>, #tpu.dimension_semantics<subcore_parallel>], iteration_bounds = array<i64: 2, 16>, scalar_prefetch = 0 : i64, scratch_operands = 8 : i64, tpu.core_type = #tpu.core_type<sc_vector_subcore>, window_params = [{transform_indices = #map}, {transform_indices = #map1}, {transform_indices = #map2}, {transform_indices = #map3}]} {
    %mul3A = arith.constant 2 : i32
    %mul3A_0 = arith.muli %arg1, %mul3A : i32
    %add3A = arith.addi %mul3A_0, %arg0 : i32
    %mul3A_1 = arith.constant 512 : i32
    %mul3A_2 = arith.muli %add3A, %mul3A_1 : i32
    "tpu.region"() ({
      %run_scoped3A = tpu.sem_alloc : memref<!tpu.dma_semaphore, #tpu.memory_space<semaphore_mem>>
      %dma_start3A_2205 = arith.constant 0 : i32
      %dma_start3A_2206 = tpu.memref_slice %arg6[%dma_start3A_2205] : memref<528xi32, #tpu.memory_space<vmem>> -> memref<512xi32, #tpu.memory_space<vmem>>
      %dma_start3A_2207 = tpu.memref_slice %arg2[%mul3A_2] : memref<16384xi32, #tpu.memory_space<hbm>> -> memref<512xi32, #tpu.memory_space<hbm>>
      %dma_start3A_2208 = arith.constant 0 : i32
      %dma_start3A_2209 = tpu.memref_slice %arg6[%dma_start3A_2208] : memref<528xi32, #tpu.memory_space<vmem>> -> memref<512xi32, #tpu.memory_space<vmem>>
      %dma_start3A_2210 = tpu.memref_slice %arg2[%mul3A_2] : memref<16384xi32, #tpu.memory_space<hbm>> -> memref<512xi32, #tpu.memory_space<hbm>>
      tpu.enqueue_dma source(%dma_start3A_2210 : memref<512xi32, #tpu.memory_space<hbm>>) target(%dma_start3A_2209 : memref<512xi32, #tpu.memory_space<vmem>>) target_semaphore(%run_scoped3A : memref<!tpu.dma_semaphore, #tpu.memory_space<semaphore_mem>>)
      %dma_wait3A = arith.constant 0 : i32
      %dma_wait3A_2211 = tpu.memref_slice %arg6[%dma_wait3A] : memref<528xi32, #tpu.memory_space<vmem>> -> memref<512xi32, #tpu.memory_space<vmem>>
      %dma_wait3A_2212 = tpu.memref_slice %arg2[%mul3A_2] : memref<16384xi32, #tpu.memory_space<hbm>> -> memref<512xi32, #tpu.memory_space<hbm>>
      %dma_wait3A_2213 = arith.constant 0 : i32
      %dma_wait3A_2214 = tpu.memref_slice %arg6[%dma_wait3A_2213] : memref<528xi32, #tpu.memory_space<vmem>> -> memref<512xi32, #tpu.memory_space<vmem>>
      %dma_wait3A_2215 = tpu.memref_slice %arg2[%mul3A_2] : memref<16384xi32, #tpu.memory_space<hbm>> -> memref<512xi32, #tpu.memory_space<hbm>>
      tpu.wait_dma2 semaphore(%run_scoped3A : memref<!tpu.dma_semaphore, #tpu.memory_space<semaphore_mem>>) src(%dma_wait3A_2215 : memref<512xi32, #tpu.memory_space<hbm>>) dst(%dma_wait3A_2214 : memref<512xi32, #tpu.memory_space<vmem>>)
      tpu.yield
    }) : () -> ()
    %multiple_of3A = arith.constant 0 : i32
    %multiple_of3A_3 = tpu.assume_multiple %multiple_of3A, 8 : i32
    %get3A = arith.index_cast %multiple_of3A_3 : i32 to index
    %get3A_4 = tpu.vector_load %arg6[%get3A] {strides = array<i32>} : memref<528xi32, #tpu.memory_space<vmem>>, vector<16xi32>,
    %slice3A = vector.extract_strided_slice %get3A_4 {offsets = [0], sizes = [1], strides = [1]} : vector<16xi32> to vector<1xi32>
    %squeeze3A = vector.extract %slice3A[0] : i32 from vector<1xi32>
    %slice3A_5 = vector.extract_strided_slice %get3A_4 {offsets = [1], sizes = [1], strides = [1]} : vector<16xi32> to vector<1xi32>
    %squeeze3A_6 = vector.extract %slice3A_5[0] : i32 from vector<1xi32>
    %slice3A_7 = vector.extract_strided_slice %get3A_4 {offsets = [2], sizes = [1], strides = [1]} : vector<16xi32> to vector<1xi32>
    %squeeze3A_8 = vector.extract %slice3A_7[0] : i32 from vector<1xi32>
    %slice3A_9 = vector.extract_strided_slice %get3A_4 {offsets = [3], sizes = [1], strides = [1]} : vector<16xi32> to vector<1xi32>
    %squeeze3A_10 = vector.extract %slice3A_9[0] : i32 from vector<1xi32>
    %slice3A_11 = vector.extract_strided_slice %get3A_4 {offsets = [4], sizes = [1], strides = [1]} : vector<16xi32> to vector<1xi32>
    %squeeze3A_12 = vector.extract %slice3A_11[0] : i32 from vector<1xi32>
    %slice3A_13 = vector.extract_strided_slice %get3A_4 {offsets = [5], sizes = [1], strides = [1]} : vector<16xi32> to vector<1xi32>
    %squeeze3A_14 = vector.extract %slice3A_13[0] : i32 from vector<1xi32>
    %slice3A_15 = vector.extract_strided_slice %get3A_4 {offsets = [6], sizes = [1], strides = [1]} : vector<16xi32> to vector<1xi32>
    %squeeze3A_16 = vector.extract %slice3A_15[0] : i32 from vector<1xi32>
    %slice3A_17 = vector.extract_strided_slice %get3A_4 {offsets = [7], sizes = [1], strides = [1]} : vector<16xi32> to vector<1xi32>
    %squeeze3A_18 = vector.extract %slice3A_17[0] : i32 from vector<1xi32>
    %shift_right_arithmetic3A = arith.constant 7 : i32
    %shift_right_arithmetic3A_19 = arith.shrsi %squeeze3A, %shift_right_arithmetic3A : i32
    %shift_left3A = arith.constant 7 : i32
    %shift_left3A_20 = arith.shli %shift_right_arithmetic3A_19, %shift_left3A : i32
    %multiple_of3A_21 = tpu.assume_multiple %shift_left3A_20, 128 : i32
    %dma_start3A = arith.constant 0 : i32
    %dma_start3A_22 = arith.constant 0 : i32
    %dma_start3A_23 = arith.constant 0 : i32
    %dma_start3A_24 = arith.constant 0 : i32
    %dma_start3A_25 = tpu.memref_slice %arg7[%dma_start3A, %dma_start3A_22, %dma_start3A_23, %dma_start3A_24] : memref<8x4x8x128xf32, #tpu.memory_space<vmem>> -> memref<1x4x8x128xf32, #tpu.memory_space<vmem>>
    %dma_start3A_26 = tpu.memref_squeeze %dma_start3A_25 : memref<1x4x8x128xf32, #tpu.memory_space<vmem>> -> memref<4x8x128xf32, #tpu.memory_space<vmem>>
    %dma_start3A_27 = arith.constant 0 : i32
    %dma_start3A_28 = arith.constant 0 : i32
    %dma_start3A_29 = tpu.memref_slice %arg3[%dma_start3A_27, %dma_start3A_28, %multiple_of3A_21] : memref<4x8x1000001xf32, #tpu.memory_space<hbm>> -> memref<4x8x128xf32, #tpu.memory_space<hbm>>
    %dma_start3A_30 = arith.constant 0 : i32
    %dma_start3A_31 = arith.constant 0 : i32
    %dma_start3A_32 = arith.constant 0 : i32
    %dma_start3A_33 = tpu.memref_slice %arg7[%dma_start3A, %dma_start3A_30, %dma_start3A_31, %dma_start3A_32] : memref<8x4x8x128xf32, #tpu.memory_space<vmem>> -> memref<1x4x8x128xf32, #tpu.memory_space<vmem>>
    %dma_start3A_34 = tpu.memref_squeeze %dma_start3A_33 : memref<1x4x8x128xf32, #tpu.memory_space<vmem>> -> memref<4x8x128xf32, #tpu.memory_space<vmem>>
    %dma_start3A_35 = arith.constant 0 : i32
    %dma_start3A_36 = arith.constant 0 : i32
    %dma_start3A_37 = tpu.memref_slice %arg3[%dma_start3A_35, %dma_start3A_36, %multiple_of3A_21] : memref<4x8x1000001xf32, #tpu.memory_space<hbm>> -> memref<4x8x128xf32, #tpu.memory_space<hbm>>
    tpu.enqueue_dma source(%dma_start3A_37 : memref<4x8x128xf32, #tpu.memory_space<hbm>>) target(%dma_start3A_34 : memref<4x8x128xf32, #tpu.memory_space<vmem>>) target_semaphore(%arg11 : memref<!tpu.dma_semaphore, #tpu.memory_space<semaphore_mem>>)
    %shift_right_arithmetic3A_38 = arith.constant 7 : i32
    %shift_right_arithmetic3A_39 = arith.shrsi %squeeze3A_6, %shift_right_arithmetic3A_38 : i32
    %shift_left3A_40 = arith.constant 7 : i32
    %shift_left3A_41 = arith.shli %shift_right_arithmetic3A_39, %shift_left3A_40 : i32
    %multiple_of3A_42 = tpu.assume_multiple %shift_left3A_41, 128 : i32
    %dma_start3A_43 = arith.constant 1 : i32
    %dma_start3A_44 = arith.constant 0 : i32
    %dma_start3A_45 = arith.constant 0 : i32
    %dma_start3A_46 = arith.constant 0 : i32
    %dma_start3A_47 = tpu.memref_slice %arg7[%dma_start3A_43, %dma_start3A_44, %dma_start3A_45, %dma_start3A_46] : memref<8x4x8x128xf32, #tpu.memory_space<vmem>> -> memref<1x4x8x128xf32, #tpu.memory_space<vmem>>
    %dma_start3A_48 = tpu.memref_squeeze %dma_start3A_47 : memref<1x4x8x128xf32, #tpu.memory_space<vmem>> -> memref<4x8x128xf32, #tpu.memory_space<vmem>>
    %dma_start3A_49 = arith.constant 0 : i32
    %dma_start3A_50 = arith.constant 0 : i32
    %dma_start3A_51 = tpu.memref_slice %arg3[%dma_start3A_49, %dma_start3A_50, %multiple_of3A_42] : memref<4x8x1000001xf32, #tpu.memory_space<hbm>> -> memref<4x8x128xf32, #tpu.memory_space<hbm>>
    %dma_start3A_52 = arith.constant 0 : i32
    %dma_start3A_53 = arith.constant 0 : i32
    %dma_start3A_54 = arith.constant 0 : i32
    %dma_start3A_55 = tpu.memref_slice %arg7[%dma_start3A_43, %dma_start3A_52, %dma_start3A_53, %dma_start3A_54] : memref<8x4x8x128xf32, #tpu.memory_space<vmem>> -> memref<1x4x8x128xf32, #tpu.memory_space<vmem>>
    %dma_start3A_56 = tpu.memref_squeeze %dma_start3A_55 : memref<1x4x8x128xf32, #tpu.memory_space<vmem>> -> memref<4x8x128xf32, #tpu.memory_space<vmem>>
    %dma_start3A_57 = arith.constant 0 : i32
    %dma_start3A_58 = arith.constant 0 : i32
    %dma_start3A_59 = tpu.memref_slice %arg3[%dma_start3A_57, %dma_start3A_58, %multiple_of3A_42] : memref<4x8x1000001xf32, #tpu.memory_space<hbm>> -> memref<4x8x128xf32, #tpu.memory_space<hbm>>
    tpu.enqueue_dma source(%dma_start3A_59 : memref<4x8x128xf32, #tpu.memory_space<hbm>>) target(%dma_start3A_56 : memref<4x8x128xf32, #tpu.memory_space<vmem>>) target_semaphore(%arg11 : memref<!tpu.dma_semaphore, #tpu.memory_space<semaphore_mem>>)
    %shift_right_arithmetic3A_60 = arith.constant 7 : i32
    %shift_right_arithmetic3A_61 = arith.shrsi %squeeze3A_8, %shift_right_arithmetic3A_60 : i32
    %shift_left3A_62 = arith.constant 7 : i32
    %shift_left3A_63 = arith.shli %shift_right_arithmetic3A_61, %shift_left3A_62 : i32
    %multiple_of3A_64 = tpu.assume_multiple %shift_left3A_63, 128 : i32
    %dma_start3A_65 = arith.constant 2 : i32
    %dma_start3A_66 = arith.constant 0 : i32
    %dma_start3A_67 = arith.constant 0 : i32
    %dma_start3A_68 = arith.constant 0 : i32
    %dma_start3A_69 = tpu.memref_slice %arg7[%dma_start3A_65, %dma_start3A_66, %dma_start3A_67, %dma_start3A_68] : memref<8x4x8x128xf32, #tpu.memory_space<vmem>> -> memref<1x4x8x128xf32, #tpu.memory_space<vmem>>
    %dma_start3A_70 = tpu.memref_squeeze %dma_start3A_69 : memref<1x4x8x128xf32, #tpu.memory_space<vmem>> -> memref<4x8x128xf32, #tpu.memory_space<vmem>>
    %dma_start3A_71 = arith.constant 0 : i32
    %dma_start3A_72 = arith.constant 0 : i32
    %dma_start3A_73 = tpu.memref_slice %arg3[%dma_start3A_71, %dma_start3A_72, %multiple_of3A_64] : memref<4x8x1000001xf32, #tpu.memory_space<hbm>> -> memref<4x8x128xf32, #tpu.memory_space<hbm>>
    %dma_start3A_74 = arith.constant 0 : i32
    %dma_start3A_75 = arith.constant 0 : i32
    %dma_start3A_76 = arith.constant 0 : i32
    %dma_start3A_77 = tpu.memref_slice %arg7[%dma_start3A_65, %dma_start3A_74, %dma_start3A_75, %dma_start3A_76] : memref<8x4x8x128xf32, #tpu.memory_space<vmem>> -> memref<1x4x8x128xf32, #tpu.memory_space<vmem>>
    %dma_start3A_78 = tpu.memref_squeeze %dma_start3A_77 : memref<1x4x8x128xf32, #tpu.memory_space<vmem>> -> memref<4x8x128xf32, #tpu.memory_space<vmem>>
    %dma_start3A_79 = arith.constant 0 : i32
    %dma_start3A_80 = arith.constant 0 : i32
    %dma_start3A_81 = tpu.memref_slice %arg3[%dma_start3A_79, %dma_start3A_80, %multiple_of3A_64] : memref<4x8x1000001xf32, #tpu.memory_space<hbm>> -> memref<4x8x128xf32, #tpu.memory_space<hbm>>
    tpu.enqueue_dma source(%dma_start3A_81 : memref<4x8x128xf32, #tpu.memory_space<hbm>>) target(%dma_start3A_78 : memref<4x8x128xf32, #tpu.memory_space<vmem>>) target_semaphore(%arg11 : memref<!tpu.dma_semaphore, #tpu.memory_space<semaphore_mem>>)
    %shift_right_arithmetic3A_82 = arith.constant 7 : i32
    %shift_right_arithmetic3A_83 = arith.shrsi %squeeze3A_10, %shift_right_arithmetic3A_82 : i32
    %shift_left3A_84 = arith.constant 7 : i32
    %shift_left3A_85 = arith.shli %shift_right_arithmetic3A_83, %shift_left3A_84 : i32
    %multiple_of3A_86 = tpu.assume_multiple %shift_left3A_85, 128 : i32
    %dma_start3A_87 = arith.constant 3 : i32
    %dma_start3A_88 = arith.constant 0 : i32
    %dma_start3A_89 = arith.constant 0 : i32
    %dma_start3A_90 = arith.constant 0 : i32
    %dma_start3A_91 = tpu.memref_slice %arg7[%dma_start3A_87, %dma_start3A_88, %dma_start3A_89, %dma_start3A_90] : memref<8x4x8x128xf32, #tpu.memory_space<vmem>> -> memref<1x4x8x128xf32, #tpu.memory_space<vmem>>
    %dma_start3A_92 = tpu.memref_squeeze %dma_start3A_91 : memref<1x4x8x128xf32, #tpu.memory_space<vmem>> -> memref<4x8x128xf32, #tpu.memory_space<vmem>>
    %dma_start3A_93 = arith.constant 0 : i32
    %dma_start3A_94 = arith.constant 0 : i32
    %dma_start3A_95 = tpu.memref_slice %arg3[%dma_start3A_93, %dma_start3A_94, %multiple_of3A_86] : memref<4x8x1000001xf32, #tpu.memory_space<hbm>> -> memref<4x8x128xf32, #tpu.memory_space<hbm>>
    %dma_start3A_96 = arith.constant 0 : i32
    %dma_start3A_97 = arith.constant 0 : i32
    %dma_start3A_98 = arith.constant 0 : i32
    %dma_start3A_99 = tpu.memref_slice %arg7[%dma_start3A_87, %dma_start3A_96, %dma_start3A_97, %dma_start3A_98] : memref<8x4x8x128xf32, #tpu.memory_space<vmem>> -> memref<1x4x8x128xf32, #tpu.memory_space<vmem>>
    %dma_start3A_100 = tpu.memref_squeeze %dma_start3A_99 : memref<1x4x8x128xf32, #tpu.memory_space<vmem>> -> memref<4x8x128xf32, #tpu.memory_space<vmem>>
    %dma_start3A_101 = arith.constant 0 : i32
    %dma_start3A_102 = arith.constant 0 : i32
    %dma_start3A_103 = tpu.memref_slice %arg3[%dma_start3A_101, %dma_start3A_102, %multiple_of3A_86] : memref<4x8x1000001xf32, #tpu.memory_space<hbm>> -> memref<4x8x128xf32, #tpu.memory_space<hbm>>
    tpu.enqueue_dma source(%dma_start3A_103 : memref<4x8x128xf32, #tpu.memory_space<hbm>>) target(%dma_start3A_100 : memref<4x8x128xf32, #tpu.memory_space<vmem>>) target_semaphore(%arg11 : memref<!tpu.dma_semaphore, #tpu.memory_space<semaphore_mem>>)
    %shift_right_arithmetic3A_104 = arith.constant 7 : i32
    %shift_right_arithmetic3A_105 = arith.shrsi %squeeze3A_12, %shift_right_arithmetic3A_104 : i32
    %shift_left3A_106 = arith.constant 7 : i32
    %shift_left3A_107 = arith.shli %shift_right_arithmetic3A_105, %shift_left3A_106 : i32
    %multiple_of3A_108 = tpu.assume_multiple %shift_left3A_107, 128 : i32
    %dma_start3A_109 = arith.constant 4 : i32
    %dma_start3A_110 = arith.constant 0 : i32
    %dma_start3A_111 = arith.constant 0 : i32
    %dma_start3A_112 = arith.constant 0 : i32
    %dma_start3A_113 = tpu.memref_slice %arg7[%dma_start3A_109, %dma_start3A_110, %dma_start3A_111, %dma_start3A_112] : memref<8x4x8x128xf32, #tpu.memory_space<vmem>> -> memref<1x4x8x128xf32, #tpu.memory_space<vmem>>
    %dma_start3A_114 = tpu.memref_squeeze %dma_start3A_113 : memref<1x4x8x128xf32, #tpu.memory_space<vmem>> -> memref<4x8x128xf32, #tpu.memory_space<vmem>>
    %dma_start3A_115 = arith.constant 0 : i32
    %dma_start3A_116 = arith.constant 0 : i32
    %dma_start3A_117 = tpu.memref_slice %arg3[%dma_start3A_115, %dma_start3A_116, %multiple_of3A_108] : memref<4x8x1000001xf32, #tpu.memory_space<hbm>> -> memref<4x8x128xf32, #tpu.memory_space<hbm>>
    %dma_start3A_118 = arith.constant 0 : i32
    %dma_start3A_119 = arith.constant 0 : i32
    %dma_start3A_120 = arith.constant 0 : i32
    %dma_start3A_121 = tpu.memref_slice %arg7[%dma_start3A_109, %dma_start3A_118, %dma_start3A_119, %dma_start3A_120] : memref<8x4x8x128xf32, #tpu.memory_space<vmem>> -> memref<1x4x8x128xf32, #tpu.memory_space<vmem>>
    %dma_start3A_122 = tpu.memref_squeeze %dma_start3A_121 : memref<1x4x8x128xf32, #tpu.memory_space<vmem>> -> memref<4x8x128xf32, #tpu.memory_space<vmem>>
    %dma_start3A_123 = arith.constant 0 : i32
    %dma_start3A_124 = arith.constant 0 : i32
    %dma_start3A_125 = tpu.memref_slice %arg3[%dma_start3A_123, %dma_start3A_124, %multiple_of3A_108] : memref<4x8x1000001xf32, #tpu.memory_space<hbm>> -> memref<4x8x128xf32, #tpu.memory_space<hbm>>
    tpu.enqueue_dma source(%dma_start3A_125 : memref<4x8x128xf32, #tpu.memory_space<hbm>>) target(%dma_start3A_122 : memref<4x8x128xf32, #tpu.memory_space<vmem>>) target_semaphore(%arg11 : memref<!tpu.dma_semaphore, #tpu.memory_space<semaphore_mem>>)
    %shift_right_arithmetic3A_126 = arith.constant 7 : i32
    %shift_right_arithmetic3A_127 = arith.shrsi %squeeze3A_14, %shift_right_arithmetic3A_126 : i32
    %shift_left3A_128 = arith.constant 7 : i32
    %shift_left3A_129 = arith.shli %shift_right_arithmetic3A_127, %shift_left3A_128 : i32
    %multiple_of3A_130 = tpu.assume_multiple %shift_left3A_129, 128 : i32
    %dma_start3A_131 = arith.constant 5 : i32
    %dma_start3A_132 = arith.constant 0 : i32
    %dma_start3A_133 = arith.constant 0 : i32
    %dma_start3A_134 = arith.constant 0 : i32
    %dma_start3A_135 = tpu.memref_slice %arg7[%dma_start3A_131, %dma_start3A_132, %dma_start3A_133, %dma_start3A_134] : memref<8x4x8x128xf32, #tpu.memory_space<vmem>> -> memref<1x4x8x128xf32, #tpu.memory_space<vmem>>
    %dma_start3A_136 = tpu.memref_squeeze %dma_start3A_135 : memref<1x4x8x128xf32, #tpu.memory_space<vmem>> -> memref<4x8x128xf32, #tpu.memory_space<vmem>>
    %dma_start3A_137 = arith.constant 0 : i32
    %dma_start3A_138 = arith.constant 0 : i32
    %dma_start3A_139 = tpu.memref_slice %arg3[%dma_start3A_137, %dma_start3A_138, %multiple_of3A_130] : memref<4x8x1000001xf32, #tpu.memory_space<hbm>> -> memref<4x8x128xf32, #tpu.memory_space<hbm>>
    %dma_start3A_140 = arith.constant 0 : i32
    %dma_start3A_141 = arith.constant 0 : i32
    %dma_start3A_142 = arith.constant 0 : i32
    %dma_start3A_143 = tpu.memref_slice %arg7[%dma_start3A_131, %dma_start3A_140, %dma_start3A_141, %dma_start3A_142] : memref<8x4x8x128xf32, #tpu.memory_space<vmem>> -> memref<1x4x8x128xf32, #tpu.memory_space<vmem>>
    %dma_start3A_144 = tpu.memref_squeeze %dma_start3A_143 : memref<1x4x8x128xf32, #tpu.memory_space<vmem>> -> memref<4x8x128xf32, #tpu.memory_space<vmem>>
    %dma_start3A_145 = arith.constant 0 : i32
    %dma_start3A_146 = arith.constant 0 : i32
    %dma_start3A_147 = tpu.memref_slice %arg3[%dma_start3A_145, %dma_start3A_146, %multiple_of3A_130] : memref<4x8x1000001xf32, #tpu.memory_space<hbm>> -> memref<4x8x128xf32, #tpu.memory_space<hbm>>
    tpu.enqueue_dma source(%dma_start3A_147 : memref<4x8x128xf32, #tpu.memory_space<hbm>>) target(%dma_start3A_144 : memref<4x8x128xf32, #tpu.memory_space<vmem>>) target_semaphore(%arg11 : memref<!tpu.dma_semaphore, #tpu.memory_space<semaphore_mem>>)
    %shift_right_arithmetic3A_148 = arith.constant 7 : i32
    %shift_right_arithmetic3A_149 = arith.shrsi %squeeze3A_16, %shift_right_arithmetic3A_148 : i32
    %shift_left3A_150 = arith.constant 7 : i32
    %shift_left3A_151 = arith.shli %shift_right_arithmetic3A_149, %shift_left3A_150 : i32
    %multiple_of3A_152 = tpu.assume_multiple %shift_left3A_151, 128 : i32
    %dma_start3A_153 = arith.constant 6 : i32
    %dma_start3A_154 = arith.constant 0 : i32
    %dma_start3A_155 = arith.constant 0 : i32
    %dma_start3A_156 = arith.constant 0 : i32
    %dma_start3A_157 = tpu.memref_slice %arg7[%dma_start3A_153, %dma_start3A_154, %dma_start3A_155, %dma_start3A_156] : memref<8x4x8x128xf32, #tpu.memory_space<vmem>> -> memref<1x4x8x128xf32, #tpu.memory_space<vmem>>
    %dma_start3A_158 = tpu.memref_squeeze %dma_start3A_157 : memref<1x4x8x128xf32, #tpu.memory_space<vmem>> -> memref<4x8x128xf32, #tpu.memory_space<vmem>>
    %dma_start3A_159 = arith.constant 0 : i32
    %dma_start3A_160 = arith.constant 0 : i32
    %dma_start3A_161 = tpu.memref_slice %arg3[%dma_start3A_159, %dma_start3A_160, %multiple_of3A_152] : memref<4x8x1000001xf32, #tpu.memory_space<hbm>> -> memref<4x8x128xf32, #tpu.memory_space<hbm>>
    %dma_start3A_162 = arith.constant 0 : i32
    %dma_start3A_163 = arith.constant 0 : i32
    %dma_start3A_164 = arith.constant 0 : i32
    %dma_start3A_165 = tpu.memref_slice %arg7[%dma_start3A_153, %dma_start3A_162, %dma_start3A_163, %dma_start3A_164] : memref<8x4x8x128xf32, #tpu.memory_space<vmem>> -> memref<1x4x8x128xf32, #tpu.memory_space<vmem>>
    %dma_start3A_166 = tpu.memref_squeeze %dma_start3A_165 : memref<1x4x8x128xf32, #tpu.memory_space<vmem>> -> memref<4x8x128xf32, #tpu.memory_space<vmem>>
    %dma_start3A_167 = arith.constant 0 : i32
    %dma_start3A_168 = arith.constant 0 : i32
    %dma_start3A_169 = tpu.memref_slice %arg3[%dma_start3A_167, %dma_start3A_168, %multiple_of3A_152] : memref<4x8x1000001xf32, #tpu.memory_space<hbm>> -> memref<4x8x128xf32, #tpu.memory_space<hbm>>
    tpu.enqueue_dma source(%dma_start3A_169 : memref<4x8x128xf32, #tpu.memory_space<hbm>>) target(%dma_start3A_166 : memref<4x8x128xf32, #tpu.memory_space<vmem>>) target_semaphore(%arg11 : memref<!tpu.dma_semaphore, #tpu.memory_space<semaphore_mem>>)
    %shift_right_arithmetic3A_170 = arith.constant 7 : i32
    %shift_right_arithmetic3A_171 = arith.shrsi %squeeze3A_18, %shift_right_arithmetic3A_170 : i32
    %shift_left3A_172 = arith.constant 7 : i32
    %shift_left3A_173 = arith.shli %shift_right_arithmetic3A_171, %shift_left3A_172 : i32
    %multiple_of3A_174 = tpu.assume_multiple %shift_left3A_173, 128 : i32
    %dma_start3A_175 = arith.constant 7 : i32
    %dma_start3A_176 = arith.constant 0 : i32
    %dma_start3A_177 = arith.constant 0 : i32
    %dma_start3A_178 = arith.constant 0 : i32
    %dma_start3A_179 = tpu.memref_slice %arg7[%dma_start3A_175, %dma_start3A_176, %dma_start3A_177, %dma_start3A_178] : memref<8x4x8x128xf32, #tpu.memory_space<vmem>> -> memref<1x4x8x128xf32, #tpu.memory_space<vmem>>
    %dma_start3A_180 = tpu.memref_squeeze %dma_start3A_179 : memref<1x4x8x128xf32, #tpu.memory_space<vmem>> -> memref<4x8x128xf32, #tpu.memory_space<vmem>>
    %dma_start3A_181 = arith.constant 0 : i32
    %dma_start3A_182 = arith.constant 0 : i32
    %dma_start3A_183 = tpu.memref_slice %arg3[%dma_start3A_181, %dma_start3A_182, %multiple_of3A_174] : memref<4x8x1000001xf32, #tpu.memory_space<hbm>> -> memref<4x8x128xf32, #tpu.memory_space<hbm>>
    %dma_start3A_184 = arith.constant 0 : i32
    %dma_start3A_185 = arith.constant 0 : i32
    %dma_start3A_186 = arith.constant 0 : i32
    %dma_start3A_187 = tpu.memref_slice %arg7[%dma_start3A_175, %dma_start3A_184, %dma_start3A_185, %dma_start3A_186] : memref<8x4x8x128xf32, #tpu.memory_space<vmem>> -> memref<1x4x8x128xf32, #tpu.memory_space<vmem>>
    %dma_start3A_188 = tpu.memref_squeeze %dma_start3A_187 : memref<1x4x8x128xf32, #tpu.memory_space<vmem>> -> memref<4x8x128xf32, #tpu.memory_space<vmem>>
    %dma_start3A_189 = arith.constant 0 : i32
    %dma_start3A_190 = arith.constant 0 : i32
    %dma_start3A_191 = tpu.memref_slice %arg3[%dma_start3A_189, %dma_start3A_190, %multiple_of3A_174] : memref<4x8x1000001xf32, #tpu.memory_space<hbm>> -> memref<4x8x128xf32, #tpu.memory_space<hbm>>
    tpu.enqueue_dma source(%dma_start3A_191 : memref<4x8x128xf32, #tpu.memory_space<hbm>>) target(%dma_start3A_188 : memref<4x8x128xf32, #tpu.memory_space<vmem>>) target_semaphore(%arg11 : memref<!tpu.dma_semaphore, #tpu.memory_space<semaphore_mem>>)
    %multiple_of3A_192 = arith.constant 8 : i32
    %multiple_of3A_193 = tpu.assume_multiple %multiple_of3A_192, 8 : i32
    %get3A_194 = arith.index_cast %multiple_of3A_193 : i32 to index
    %get3A_195 = tpu.vector_load %arg6[%get3A_194] {strides = array<i32>} : memref<528xi32, #tpu.memory_space<vmem>>, vector<16xi32>,
    %slice3A_196 = vector.extract_strided_slice %get3A_195 {offsets = [0], sizes = [1], strides = [1]} : vector<16xi32> to vector<1xi32>
    %squeeze3A_197 = vector.extract %slice3A_196[0] : i32 from vector<1xi32>
    %slice3A_198 = vector.extract_strided_slice %get3A_195 {offsets = [1], sizes = [1], strides = [1]} : vector<16xi32> to vector<1xi32>
    %squeeze3A_199 = vector.extract %slice3A_198[0] : i32 from vector<1xi32>
    %slice3A_200 = vector.extract_strided_slice %get3A_195 {offsets = [2], sizes = [1], strides = [1]} : vector<16xi32> to vector<1xi32>
    %squeeze3A_201 = vector.extract %slice3A_200[0] : i32 from vector<1xi32>
    %slice3A_202 = vector.extract_strided_slice %get3A_195 {offsets = [3], sizes = [1], strides = [1]} : vector<16xi32> to vector<1xi32>
    %squeeze3A_203 = vector.extract %slice3A_202[0] : i32 from vector<1xi32>
    %slice3A_204 = vector.extract_strided_slice %get3A_195 {offsets = [4], sizes = [1], strides = [1]} : vector<16xi32> to vector<1xi32>
    %squeeze3A_205 = vector.extract %slice3A_204[0] : i32 from vector<1xi32>
    %slice3A_206 = vector.extract_strided_slice %get3A_195 {offsets = [5], sizes = [1], strides = [1]} : vector<16xi32> to vector<1xi32>
    %squeeze3A_207 = vector.extract %slice3A_206[0] : i32 from vector<1xi32>
    %slice3A_208 = vector.extract_strided_slice %get3A_195 {offsets = [6], sizes = [1], strides = [1]} : vector<16xi32> to vector<1xi32>
    %squeeze3A_209 = vector.extract %slice3A_208[0] : i32 from vector<1xi32>
    %slice3A_210 = vector.extract_strided_slice %get3A_195 {offsets = [7], sizes = [1], strides = [1]} : vector<16xi32> to vector<1xi32>
    %squeeze3A_211 = vector.extract %slice3A_210[0] : i32 from vector<1xi32>
    %shift_right_arithmetic3A_212 = arith.constant 7 : i32
    %shift_right_arithmetic3A_213 = arith.shrsi %squeeze3A_197, %shift_right_arithmetic3A_212 : i32
    %shift_left3A_214 = arith.constant 7 : i32
    %shift_left3A_215 = arith.shli %shift_right_arithmetic3A_213, %shift_left3A_214 : i32
    %multiple_of3A_216 = tpu.assume_multiple %shift_left3A_215, 128 : i32
    %dma_start3A_217 = arith.constant 0 : i32
    %dma_start3A_218 = arith.constant 0 : i32
    %dma_start3A_219 = arith.constant 0 : i32
    %dma_start3A_220 = arith.constant 0 : i32
    %dma_start3A_221 = tpu.memref_slice %arg8[%dma_start3A_217, %dma_start3A_218, %dma_start3A_219, %dma_start3A_220] : memref<8x4x8x128xf32, #tpu.memory_space<vmem>> -> memref<1x4x8x128xf32, #tpu.memory_space<vmem>>
    %dma_start3A_222 = tpu.memref_squeeze %dma_start3A_221 : memref<1x4x8x128xf32, #tpu.memory_space<vmem>> -> memref<4x8x128xf32, #tpu.memory_space<vmem>>
    %dma_start3A_223 = arith.constant 0 : i32
    %dma_start3A_224 = arith.constant 0 : i32
    %dma_start3A_225 = tpu.memref_slice %arg3[%dma_start3A_223, %dma_start3A_224, %multiple_of3A_216] : memref<4x8x1000001xf32, #tpu.memory_space<hbm>> -> memref<4x8x128xf32, #tpu.memory_space<hbm>>
    %dma_start3A_226 = arith.constant 0 : i32
    %dma_start3A_227 = arith.constant 0 : i32
    %dma_start3A_228 = arith.constant 0 : i32
    %dma_start3A_229 = tpu.memref_slice %arg8[%dma_start3A_217, %dma_start3A_226, %dma_start3A_227, %dma_start3A_228] : memref<8x4x8x128xf32, #tpu.memory_space<vmem>> -> memref<1x4x8x128xf32, #tpu.memory_space<vmem>>
    %dma_start3A_230 = tpu.memref_squeeze %dma_start3A_229 : memref<1x4x8x128xf32, #tpu.memory_space<vmem>> -> memref<4x8x128xf32, #tpu.memory_space<vmem>>
    %dma_start3A_231 = arith.constant 0 : i32
    %dma_start3A_232 = arith.constant 0 : i32
    %dma_start3A_233 = tpu.memref_slice %arg3[%dma_start3A_231, %dma_start3A_232, %multiple_of3A_216] : memref<4x8x1000001xf32, #tpu.memory_space<hbm>> -> memref<4x8x128xf32, #tpu.memory_space<hbm>>
    tpu.enqueue_dma source(%dma_start3A_233 : memref<4x8x128xf32, #tpu.memory_space<hbm>>) target(%dma_start3A_230 : memref<4x8x128xf32, #tpu.memory_space<vmem>>) target_semaphore(%arg12 : memref<!tpu.dma_semaphore, #tpu.memory_space<semaphore_mem>>)
    %shift_right_arithmetic3A_234 = arith.constant 7 : i32
    %shift_right_arithmetic3A_235 = arith.shrsi %squeeze3A_199, %shift_right_arithmetic3A_234 : i32
    %shift_left3A_236 = arith.constant 7 : i32
    %shift_left3A_237 = arith.shli %shift_right_arithmetic3A_235, %shift_left3A_236 : i32
    %multiple_of3A_238 = tpu.assume_multiple %shift_left3A_237, 128 : i32
    %dma_start3A_239 = arith.constant 1 : i32
    %dma_start3A_240 = arith.constant 0 : i32
    %dma_start3A_241 = arith.constant 0 : i32
    %dma_start3A_242 = arith.constant 0 : i32
    %dma_start3A_243 = tpu.memref_slice %arg8[%dma_start3A_239, %dma_start3A_240, %dma_start3A_241, %dma_start3A_242] : memref<8x4x8x128xf32, #tpu.memory_space<vmem>> -> memref<1x4x8x128xf32, #tpu.memory_space<vmem>>
    %dma_start3A_244 = tpu.memref_squeeze %dma_start3A_243 : memref<1x4x8x128xf32, #tpu.memory_space<vmem>> -> memref<4x8x128xf32, #tpu.memory_space<vmem>>
    %dma_start3A_245 = arith.constant 0 : i32
    %dma_start3A_246 = arith.constant 0 : i32
    %dma_start3A_247 = tpu.memref_slice %arg3[%dma_start3A_245, %dma_start3A_246, %multiple_of3A_238] : memref<4x8x1000001xf32, #tpu.memory_space<hbm>> -> memref<4x8x128xf32, #tpu.memory_space<hbm>>
    %dma_start3A_248 = arith.constant 0 : i32
    %dma_start3A_249 = arith.constant 0 : i32
    %dma_start3A_250 = arith.constant 0 : i32
    %dma_start3A_251 = tpu.memref_slice %arg8[%dma_start3A_239, %dma_start3A_248, %dma_start3A_249, %dma_start3A_250] : memref<8x4x8x128xf32, #tpu.memory_space<vmem>> -> memref<1x4x8x128xf32, #tpu.memory_space<vmem>>
    %dma_start3A_252 = tpu.memref_squeeze %dma_start3A_251 : memref<1x4x8x128xf32, #tpu.memory_space<vmem>> -> memref<4x8x128xf32, #tpu.memory_space<vmem>>
    %dma_start3A_253 = arith.constant 0 : i32
    %dma_start3A_254 = arith.constant 0 : i32
    %dma_start3A_255 = tpu.memref_slice %arg3[%dma_start3A_253, %dma_start3A_254, %multiple_of3A_238] : memref<4x8x1000001xf32, #tpu.memory_space<hbm>> -> memref<4x8x128xf32, #tpu.memory_space<hbm>>
    tpu.enqueue_dma source(%dma_start3A_255 : memref<4x8x128xf32, #tpu.memory_space<hbm>>) target(%dma_start3A_252 : memref<4x8x128xf32, #tpu.memory_space<vmem>>) target_semaphore(%arg12 : memref<!tpu.dma_semaphore, #tpu.memory_space<semaphore_mem>>)
    %shift_right_arithmetic3A_256 = arith.constant 7 : i32
    %shift_right_arithmetic3A_257 = arith.shrsi %squeeze3A_201, %shift_right_arithmetic3A_256 : i32
    %shift_left3A_258 = arith.constant 7 : i32
    %shift_left3A_259 = arith.shli %shift_right_arithmetic3A_257, %shift_left3A_258 : i32
    %multiple_of3A_260 = tpu.assume_multiple %shift_left3A_259, 128 : i32
    %dma_start3A_261 = arith.constant 2 : i32
    %dma_start3A_262 = arith.constant 0 : i32
    %dma_start3A_263 = arith.constant 0 : i32
    %dma_start3A_264 = arith.constant 0 : i32
    %dma_start3A_265 = tpu.memref_slice %arg8[%dma_start3A_261, %dma_start3A_262, %dma_start3A_263, %dma_start3A_264] : memref<8x4x8x128xf32, #tpu.memory_space<vmem>> -> memref<1x4x8x128xf32, #tpu.memory_space<vmem>>
    %dma_start3A_266 = tpu.memref_squeeze %dma_start3A_265 : memref<1x4x8x128xf32, #tpu.memory_space<vmem>> -> memref<4x8x128xf32, #tpu.memory_space<vmem>>
    %dma_start3A_267 = arith.constant 0 : i32
    %dma_start3A_268 = arith.constant 0 : i32
    %dma_start3A_269 = tpu.memref_slice %arg3[%dma_start3A_267, %dma_start3A_268, %multiple_of3A_260] : memref<4x8x1000001xf32, #tpu.memory_space<hbm>> -> memref<4x8x128xf32, #tpu.memory_space<hbm>>
    %dma_start3A_270 = arith.constant 0 : i32
    %dma_start3A_271 = arith.constant 0 : i32
    %dma_start3A_272 = arith.constant 0 : i32
    %dma_start3A_273 = tpu.memref_slice %arg8[%dma_start3A_261, %dma_start3A_270, %dma_start3A_271, %dma_start3A_272] : memref<8x4x8x128xf32, #tpu.memory_space<vmem>> -> memref<1x4x8x128xf32, #tpu.memory_space<vmem>>
    %dma_start3A_274 = tpu.memref_squeeze %dma_start3A_273 : memref<1x4x8x128xf32, #tpu.memory_space<vmem>> -> memref<4x8x128xf32, #tpu.memory_space<vmem>>
    %dma_start3A_275 = arith.constant 0 : i32
    %dma_start3A_276 = arith.constant 0 : i32
    %dma_start3A_277 = tpu.memref_slice %arg3[%dma_start3A_275, %dma_start3A_276, %multiple_of3A_260] : memref<4x8x1000001xf32, #tpu.memory_space<hbm>> -> memref<4x8x128xf32, #tpu.memory_space<hbm>>
    tpu.enqueue_dma source(%dma_start3A_277 : memref<4x8x128xf32, #tpu.memory_space<hbm>>) target(%dma_start3A_274 : memref<4x8x128xf32, #tpu.memory_space<vmem>>) target_semaphore(%arg12 : memref<!tpu.dma_semaphore, #tpu.memory_space<semaphore_mem>>)
    %shift_right_arithmetic3A_278 = arith.constant 7 : i32
    %shift_right_arithmetic3A_279 = arith.shrsi %squeeze3A_203, %shift_right_arithmetic3A_278 : i32
    %shift_left3A_280 = arith.constant 7 : i32
    %shift_left3A_281 = arith.shli %shift_right_arithmetic3A_279, %shift_left3A_280 : i32
    %multiple_of3A_282 = tpu.assume_multiple %shift_left3A_281, 128 : i32
    %dma_start3A_283 = arith.constant 3 : i32
    %dma_start3A_284 = arith.constant 0 : i32
    %dma_start3A_285 = arith.constant 0 : i32
    %dma_start3A_286 = arith.constant 0 : i32
    %dma_start3A_287 = tpu.memref_slice %arg8[%dma_start3A_283, %dma_start3A_284, %dma_start3A_285, %dma_start3A_286] : memref<8x4x8x128xf32, #tpu.memory_space<vmem>> -> memref<1x4x8x128xf32, #tpu.memory_space<vmem>>
    %dma_start3A_288 = tpu.memref_squeeze %dma_start3A_287 : memref<1x4x8x128xf32, #tpu.memory_space<vmem>> -> memref<4x8x128xf32, #tpu.memory_space<vmem>>
    %dma_start3A_289 = arith.constant 0 : i32
    %dma_start3A_290 = arith.constant 0 : i32
    %dma_start3A_291 = tpu.memref_slice %arg3[%dma_start3A_289, %dma_start3A_290, %multiple_of3A_282] : memref<4x8x1000001xf32, #tpu.memory_space<hbm>> -> memref<4x8x128xf32, #tpu.memory_space<hbm>>
    %dma_start3A_292 = arith.constant 0 : i32
    %dma_start3A_293 = arith.constant 0 : i32
    %dma_start3A_294 = arith.constant 0 : i32
    %dma_start3A_295 = tpu.memref_slice %arg8[%dma_start3A_283, %dma_start3A_292, %dma_start3A_293, %dma_start3A_294] : memref<8x4x8x128xf32, #tpu.memory_space<vmem>> -> memref<1x4x8x128xf32, #tpu.memory_space<vmem>>
    %dma_start3A_296 = tpu.memref_squeeze %dma_start3A_295 : memref<1x4x8x128xf32, #tpu.memory_space<vmem>> -> memref<4x8x128xf32, #tpu.memory_space<vmem>>
    %dma_start3A_297 = arith.constant 0 : i32
    %dma_start3A_298 = arith.constant 0 : i32
    %dma_start3A_299 = tpu.memref_slice %arg3[%dma_start3A_297, %dma_start3A_298, %multiple_of3A_282] : memref<4x8x1000001xf32, #tpu.memory_space<hbm>> -> memref<4x8x128xf32, #tpu.memory_space<hbm>>
    tpu.enqueue_dma source(%dma_start3A_299 : memref<4x8x128xf32, #tpu.memory_space<hbm>>) target(%dma_start3A_296 : memref<4x8x128xf32, #tpu.memory_space<vmem>>) target_semaphore(%arg12 : memref<!tpu.dma_semaphore, #tpu.memory_space<semaphore_mem>>)
    %shift_right_arithmetic3A_300 = arith.constant 7 : i32
    %shift_right_arithmetic3A_301 = arith.shrsi %squeeze3A_205, %shift_right_arithmetic3A_300 : i32
    %shift_left3A_302 = arith.constant 7 : i32
    %shift_left3A_303 = arith.shli %shift_right_arithmetic3A_301, %shift_left3A_302 : i32
    %multiple_of3A_304 = tpu.assume_multiple %shift_left3A_303, 128 : i32
    %dma_start3A_305 = arith.constant 4 : i32
    %dma_start3A_306 = arith.constant 0 : i32
    %dma_start3A_307 = arith.constant 0 : i32
    %dma_start3A_308 = arith.constant 0 : i32
    %dma_start3A_309 = tpu.memref_slice %arg8[%dma_start3A_305, %dma_start3A_306, %dma_start3A_307, %dma_start3A_308] : memref<8x4x8x128xf32, #tpu.memory_space<vmem>> -> memref<1x4x8x128xf32, #tpu.memory_space<vmem>>
    %dma_start3A_310 = tpu.memref_squeeze %dma_start3A_309 : memref<1x4x8x128xf32, #tpu.memory_space<vmem>> -> memref<4x8x128xf32, #tpu.memory_space<vmem>>
    %dma_start3A_311 = arith.constant 0 : i32
    %dma_start3A_312 = arith.constant 0 : i32
    %dma_start3A_313 = tpu.memref_slice %arg3[%dma_start3A_311, %dma_start3A_312, %multiple_of3A_304] : memref<4x8x1000001xf32, #tpu.memory_space<hbm>> -> memref<4x8x128xf32, #tpu.memory_space<hbm>>
    %dma_start3A_314 = arith.constant 0 : i32
    %dma_start3A_315 = arith.constant 0 : i32
    %dma_start3A_316 = arith.constant 0 : i32
    %dma_start3A_317 = tpu.memref_slice %arg8[%dma_start3A_305, %dma_start3A_314, %dma_start3A_315, %dma_start3A_316] : memref<8x4x8x128xf32, #tpu.memory_space<vmem>> -> memref<1x4x8x128xf32, #tpu.memory_space<vmem>>
    %dma_start3A_318 = tpu.memref_squeeze %dma_start3A_317 : memref<1x4x8x128xf32, #tpu.memory_space<vmem>> -> memref<4x8x128xf32, #tpu.memory_space<vmem>>
    %dma_start3A_319 = arith.constant 0 : i32
    %dma_start3A_320 = arith.constant 0 : i32
    %dma_start3A_321 = tpu.memref_slice %arg3[%dma_start3A_319, %dma_start3A_320, %multiple_of3A_304] : memref<4x8x1000001xf32, #tpu.memory_space<hbm>> -> memref<4x8x128xf32, #tpu.memory_space<hbm>>
    tpu.enqueue_dma source(%dma_start3A_321 : memref<4x8x128xf32, #tpu.memory_space<hbm>>) target(%dma_start3A_318 : memref<4x8x128xf32, #tpu.memory_space<vmem>>) target_semaphore(%arg12 : memref<!tpu.dma_semaphore, #tpu.memory_space<semaphore_mem>>)
    %shift_right_arithmetic3A_322 = arith.constant 7 : i32
    %shift_right_arithmetic3A_323 = arith.shrsi %squeeze3A_207, %shift_right_arithmetic3A_322 : i32
    %shift_left3A_324 = arith.constant 7 : i32
    %shift_left3A_325 = arith.shli %shift_right_arithmetic3A_323, %shift_left3A_324 : i32
    %multiple_of3A_326 = tpu.assume_multiple %shift_left3A_325, 128 : i32
    %dma_start3A_327 = arith.constant 5 : i32
    %dma_start3A_328 = arith.constant 0 : i32
    %dma_start3A_329 = arith.constant 0 : i32
    %dma_start3A_330 = arith.constant 0 : i32
    %dma_start3A_331 = tpu.memref_slice %arg8[%dma_start3A_327, %dma_start3A_328, %dma_start3A_329, %dma_start3A_330] : memref<8x4x8x128xf32, #tpu.memory_space<vmem>> -> memref<1x4x8x128xf32, #tpu.memory_space<vmem>>
    %dma_start3A_332 = tpu.memref_squeeze %dma_start3A_331 : memref<1x4x8x128xf32, #tpu.memory_space<vmem>> -> memref<4x8x128xf32, #tpu.memory_space<vmem>>
    %dma_start3A_333 = arith.constant 0 : i32
    %dma_start3A_334 = arith.constant 0 : i32
    %dma_start3A_335 = tpu.memref_slice %arg3[%dma_start3A_333, %dma_start3A_334, %multiple_of3A_326] : memref<4x8x1000001xf32, #tpu.memory_space<hbm>> -> memref<4x8x128xf32, #tpu.memory_space<hbm>>
    %dma_start3A_336 = arith.constant 0 : i32
    %dma_start3A_337 = arith.constant 0 : i32
    %dma_start3A_338 = arith.constant 0 : i32
    %dma_start3A_339 = tpu.memref_slice %arg8[%dma_start3A_327, %dma_start3A_336, %dma_start3A_337, %dma_start3A_338] : memref<8x4x8x128xf32, #tpu.memory_space<vmem>> -> memref<1x4x8x128xf32, #tpu.memory_space<vmem>>
    %dma_start3A_340 = tpu.memref_squeeze %dma_start3A_339 : memref<1x4x8x128xf32, #tpu.memory_space<vmem>> -> memref<4x8x128xf32, #tpu.memory_space<vmem>>
    %dma_start3A_341 = arith.constant 0 : i32
    %dma_start3A_342 = arith.constant 0 : i32
    %dma_start3A_343 = tpu.memref_slice %arg3[%dma_start3A_341, %dma_start3A_342, %multiple_of3A_326] : memref<4x8x1000001xf32, #tpu.memory_space<hbm>> -> memref<4x8x128xf32, #tpu.memory_space<hbm>>
    tpu.enqueue_dma source(%dma_start3A_343 : memref<4x8x128xf32, #tpu.memory_space<hbm>>) target(%dma_start3A_340 : memref<4x8x128xf32, #tpu.memory_space<vmem>>) target_semaphore(%arg12 : memref<!tpu.dma_semaphore, #tpu.memory_space<semaphore_mem>>)
    %shift_right_arithmetic3A_344 = arith.constant 7 : i32
    %shift_right_arithmetic3A_345 = arith.shrsi %squeeze3A_209, %shift_right_arithmetic3A_344 : i32
    %shift_left3A_346 = arith.constant 7 : i32
    %shift_left3A_347 = arith.shli %shift_right_arithmetic3A_345, %shift_left3A_346 : i32
    %multiple_of3A_348 = tpu.assume_multiple %shift_left3A_347, 128 : i32
    %dma_start3A_349 = arith.constant 6 : i32
    %dma_start3A_350 = arith.constant 0 : i32
    %dma_start3A_351 = arith.constant 0 : i32
    %dma_start3A_352 = arith.constant 0 : i32
    %dma_start3A_353 = tpu.memref_slice %arg8[%dma_start3A_349, %dma_start3A_350, %dma_start3A_351, %dma_start3A_352] : memref<8x4x8x128xf32, #tpu.memory_space<vmem>> -> memref<1x4x8x128xf32, #tpu.memory_space<vmem>>
    %dma_start3A_354 = tpu.memref_squeeze %dma_start3A_353 : memref<1x4x8x128xf32, #tpu.memory_space<vmem>> -> memref<4x8x128xf32, #tpu.memory_space<vmem>>
    %dma_start3A_355 = arith.constant 0 : i32
    %dma_start3A_356 = arith.constant 0 : i32
    %dma_start3A_357 = tpu.memref_slice %arg3[%dma_start3A_355, %dma_start3A_356, %multiple_of3A_348] : memref<4x8x1000001xf32, #tpu.memory_space<hbm>> -> memref<4x8x128xf32, #tpu.memory_space<hbm>>
    %dma_start3A_358 = arith.constant 0 : i32
    %dma_start3A_359 = arith.constant 0 : i32
    %dma_start3A_360 = arith.constant 0 : i32
    %dma_start3A_361 = tpu.memref_slice %arg8[%dma_start3A_349, %dma_start3A_358, %dma_start3A_359, %dma_start3A_360] : memref<8x4x8x128xf32, #tpu.memory_space<vmem>> -> memref<1x4x8x128xf32, #tpu.memory_space<vmem>>
    %dma_start3A_362 = tpu.memref_squeeze %dma_start3A_361 : memref<1x4x8x128xf32, #tpu.memory_space<vmem>> -> memref<4x8x128xf32, #tpu.memory_space<vmem>>
    %dma_start3A_363 = arith.constant 0 : i32
    %dma_start3A_364 = arith.constant 0 : i32
    %dma_start3A_365 = tpu.memref_slice %arg3[%dma_start3A_363, %dma_start3A_364, %multiple_of3A_348] : memref<4x8x1000001xf32, #tpu.memory_space<hbm>> -> memref<4x8x128xf32, #tpu.memory_space<hbm>>
    tpu.enqueue_dma source(%dma_start3A_365 : memref<4x8x128xf32, #tpu.memory_space<hbm>>) target(%dma_start3A_362 : memref<4x8x128xf32, #tpu.memory_space<vmem>>) target_semaphore(%arg12 : memref<!tpu.dma_semaphore, #tpu.memory_space<semaphore_mem>>)
    %shift_right_arithmetic3A_366 = arith.constant 7 : i32
    %shift_right_arithmetic3A_367 = arith.shrsi %squeeze3A_211, %shift_right_arithmetic3A_366 : i32
    %shift_left3A_368 = arith.constant 7 : i32
    %shift_left3A_369 = arith.shli %shift_right_arithmetic3A_367, %shift_left3A_368 : i32
    %multiple_of3A_370 = tpu.assume_multiple %shift_left3A_369, 128 : i32
    %dma_start3A_371 = arith.constant 7 : i32
    %dma_start3A_372 = arith.constant 0 : i32
    %dma_start3A_373 = arith.constant 0 : i32
    %dma_start3A_374 = arith.constant 0 : i32
    %dma_start3A_375 = tpu.memref_slice %arg8[%dma_start3A_371, %dma_start3A_372, %dma_start3A_373, %dma_start3A_374] : memref<8x4x8x128xf32, #tpu.memory_space<vmem>> -> memref<1x4x8x128xf32, #tpu.memory_space<vmem>>
    %dma_start3A_376 = tpu.memref_squeeze %dma_start3A_375 : memref<1x4x8x128xf32, #tpu.memory_space<vmem>> -> memref<4x8x128xf32, #tpu.memory_space<vmem>>
    %dma_start3A_377 = arith.constant 0 : i32
    %dma_start3A_378 = arith.constant 0 : i32
    %dma_start3A_379 = tpu.memref_slice %arg3[%dma_start3A_377, %dma_start3A_378, %multiple_of3A_370] : memref<4x8x1000001xf32, #tpu.memory_space<hbm>> -> memref<4x8x128xf32, #tpu.memory_space<hbm>>
    %dma_start3A_380 = arith.constant 0 : i32
    %dma_start3A_381 = arith.constant 0 : i32
    %dma_start3A_382 = arith.constant 0 : i32
    %dma_start3A_383 = tpu.memref_slice %arg8[%dma_start3A_371, %dma_start3A_380, %dma_start3A_381, %dma_start3A_382] : memref<8x4x8x128xf32, #tpu.memory_space<vmem>> -> memref<1x4x8x128xf32, #tpu.memory_space<vmem>>
    %dma_start3A_384 = tpu.memref_squeeze %dma_start3A_383 : memref<1x4x8x128xf32, #tpu.memory_space<vmem>> -> memref<4x8x128xf32, #tpu.memory_space<vmem>>
    %dma_start3A_385 = arith.constant 0 : i32
    %dma_start3A_386 = arith.constant 0 : i32
    %dma_start3A_387 = tpu.memref_slice %arg3[%dma_start3A_385, %dma_start3A_386, %multiple_of3A_370] : memref<4x8x1000001xf32, #tpu.memory_space<hbm>> -> memref<4x8x128xf32, #tpu.memory_space<hbm>>
    tpu.enqueue_dma source(%dma_start3A_387 : memref<4x8x128xf32, #tpu.memory_space<hbm>>) target(%dma_start3A_384 : memref<4x8x128xf32, #tpu.memory_space<vmem>>) target_semaphore(%arg12 : memref<!tpu.dma_semaphore, #tpu.memory_space<semaphore_mem>>)
    %multiple_of3A_388 = arith.constant 16 : i32
    %multiple_of3A_389 = tpu.assume_multiple %multiple_of3A_388, 8 : i32
    %get3A_390 = arith.index_cast %multiple_of3A_389 : i32 to index
    %get3A_391 = tpu.vector_load %arg6[%get3A_390] {strides = array<i32>} : memref<528xi32, #tpu.memory_space<vmem>>, vector<16xi32>,
    %slice3A_392 = vector.extract_strided_slice %get3A_391 {offsets = [0], sizes = [1], strides = [1]} : vector<16xi32> to vector<1xi32>
    %squeeze3A_393 = vector.extract %slice3A_392[0] : i32 from vector<1xi32>
    %slice3A_394 = vector.extract_strided_slice %get3A_391 {offsets = [1], sizes = [1], strides = [1]} : vector<16xi32> to vector<1xi32>
    %squeeze3A_395 = vector.extract %slice3A_394[0] : i32 from vector<1xi32>
    %slice3A_396 = vector.extract_strided_slice %get3A_391 {offsets = [2], sizes = [1], strides = [1]} : vector<16xi32> to vector<1xi32>
    %squeeze3A_397 = vector.extract %slice3A_396[0] : i32 from vector<1xi32>
    %slice3A_398 = vector.extract_strided_slice %get3A_391 {offsets = [3], sizes = [1], strides = [1]} : vector<16xi32> to vector<1xi32>
    %squeeze3A_399 = vector.extract %slice3A_398[0] : i32 from vector<1xi32>
    %slice3A_400 = vector.extract_strided_slice %get3A_391 {offsets = [4], sizes = [1], strides = [1]} : vector<16xi32> to vector<1xi32>
    %squeeze3A_401 = vector.extract %slice3A_400[0] : i32 from vector<1xi32>
    %slice3A_402 = vector.extract_strided_slice %get3A_391 {offsets = [5], sizes = [1], strides = [1]} : vector<16xi32> to vector<1xi32>
    %squeeze3A_403 = vector.extract %slice3A_402[0] : i32 from vector<1xi32>
    %slice3A_404 = vector.extract_strided_slice %get3A_391 {offsets = [6], sizes = [1], strides = [1]} : vector<16xi32> to vector<1xi32>
    %squeeze3A_405 = vector.extract %slice3A_404[0] : i32 from vector<1xi32>
    %slice3A_406 = vector.extract_strided_slice %get3A_391 {offsets = [7], sizes = [1], strides = [1]} : vector<16xi32> to vector<1xi32>
    %squeeze3A_407 = vector.extract %slice3A_406[0] : i32 from vector<1xi32>
    %shift_right_arithmetic3A_408 = arith.constant 7 : i32
    %shift_right_arithmetic3A_409 = arith.shrsi %squeeze3A_393, %shift_right_arithmetic3A_408 : i32
    %shift_left3A_410 = arith.constant 7 : i32
    %shift_left3A_411 = arith.shli %shift_right_arithmetic3A_409, %shift_left3A_410 : i32
    %multiple_of3A_412 = tpu.assume_multiple %shift_left3A_411, 128 : i32
    %dma_start3A_413 = arith.constant 0 : i32
    %dma_start3A_414 = arith.constant 0 : i32
    %dma_start3A_415 = arith.constant 0 : i32
    %dma_start3A_416 = arith.constant 0 : i32
    %dma_start3A_417 = tpu.memref_slice %arg9[%dma_start3A_413, %dma_start3A_414, %dma_start3A_415, %dma_start3A_416] : memref<8x4x8x128xf32, #tpu.memory_space<vmem>> -> memref<1x4x8x128xf32, #tpu.memory_space<vmem>>
    %dma_start3A_418 = tpu.memref_squeeze %dma_start3A_417 : memref<1x4x8x128xf32, #tpu.memory_space<vmem>> -> memref<4x8x128xf32, #tpu.memory_space<vmem>>
    %dma_start3A_419 = arith.constant 0 : i32
    %dma_start3A_420 = arith.constant 0 : i32
    %dma_start3A_421 = tpu.memref_slice %arg3[%dma_start3A_419, %dma_start3A_420, %multiple_of3A_412] : memref<4x8x1000001xf32, #tpu.memory_space<hbm>> -> memref<4x8x128xf32, #tpu.memory_space<hbm>>
    %dma_start3A_422 = arith.constant 0 : i32
    %dma_start3A_423 = arith.constant 0 : i32
    %dma_start3A_424 = arith.constant 0 : i32
    %dma_start3A_425 = tpu.memref_slice %arg9[%dma_start3A_413, %dma_start3A_422, %dma_start3A_423, %dma_start3A_424] : memref<8x4x8x128xf32, #tpu.memory_space<vmem>> -> memref<1x4x8x128xf32, #tpu.memory_space<vmem>>
    %dma_start3A_426 = tpu.memref_squeeze %dma_start3A_425 : memref<1x4x8x128xf32, #tpu.memory_space<vmem>> -> memref<4x8x128xf32, #tpu.memory_space<vmem>>
    %dma_start3A_427 = arith.constant 0 : i32
    %dma_start3A_428 = arith.constant 0 : i32
    %dma_start3A_429 = tpu.memref_slice %arg3[%dma_start3A_427, %dma_start3A_428, %multiple_of3A_412] : memref<4x8x1000001xf32, #tpu.memory_space<hbm>> -> memref<4x8x128xf32, #tpu.memory_space<hbm>>
    tpu.enqueue_dma source(%dma_start3A_429 : memref<4x8x128xf32, #tpu.memory_space<hbm>>) target(%dma_start3A_426 : memref<4x8x128xf32, #tpu.memory_space<vmem>>) target_semaphore(%arg13 : memref<!tpu.dma_semaphore, #tpu.memory_space<semaphore_mem>>)
    %shift_right_arithmetic3A_430 = arith.constant 7 : i32
    %shift_right_arithmetic3A_431 = arith.shrsi %squeeze3A_395, %shift_right_arithmetic3A_430 : i32
    %shift_left3A_432 = arith.constant 7 : i32
    %shift_left3A_433 = arith.shli %shift_right_arithmetic3A_431, %shift_left3A_432 : i32
    %multiple_of3A_434 = tpu.assume_multiple %shift_left3A_433, 128 : i32
    %dma_start3A_435 = arith.constant 1 : i32
    %dma_start3A_436 = arith.constant 0 : i32
    %dma_start3A_437 = arith.constant 0 : i32
    %dma_start3A_438 = arith.constant 0 : i32
    %dma_start3A_439 = tpu.memref_slice %arg9[%dma_start3A_435, %dma_start3A_436, %dma_start3A_437, %dma_start3A_438] : memref<8x4x8x128xf32, #tpu.memory_space<vmem>> -> memref<1x4x8x128xf32, #tpu.memory_space<vmem>>
    %dma_start3A_440 = tpu.memref_squeeze %dma_start3A_439 : memref<1x4x8x128xf32, #tpu.memory_space<vmem>> -> memref<4x8x128xf32, #tpu.memory_space<vmem>>
    %dma_start3A_441 = arith.constant 0 : i32
    %dma_start3A_442 = arith.constant 0 : i32
    %dma_start3A_443 = tpu.memref_slice %arg3[%dma_start3A_441, %dma_start3A_442, %multiple_of3A_434] : memref<4x8x1000001xf32, #tpu.memory_space<hbm>> -> memref<4x8x128xf32, #tpu.memory_space<hbm>>
    %dma_start3A_444 = arith.constant 0 : i32
    %dma_start3A_445 = arith.constant 0 : i32
    %dma_start3A_446 = arith.constant 0 : i32
    %dma_start3A_447 = tpu.memref_slice %arg9[%dma_start3A_435, %dma_start3A_444, %dma_start3A_445, %dma_start3A_446] : memref<8x4x8x128xf32, #tpu.memory_space<vmem>> -> memref<1x4x8x128xf32, #tpu.memory_space<vmem>>
    %dma_start3A_448 = tpu.memref_squeeze %dma_start3A_447 : memref<1x4x8x128xf32, #tpu.memory_space<vmem>> -> memref<4x8x128xf32, #tpu.memory_space<vmem>>
    %dma_start3A_449 = arith.constant 0 : i32
    %dma_start3A_450 = arith.constant 0 : i32
    %dma_start3A_451 = tpu.memref_slice %arg3[%dma_start3A_449, %dma_start3A_450, %multiple_of3A_434] : memref<4x8x1000001xf32, #tpu.memory_space<hbm>> -> memref<4x8x128xf32, #tpu.memory_space<hbm>>
    tpu.enqueue_dma source(%dma_start3A_451 : memref<4x8x128xf32, #tpu.memory_space<hbm>>) target(%dma_start3A_448 : memref<4x8x128xf32, #tpu.memory_space<vmem>>) target_semaphore(%arg13 : memref<!tpu.dma_semaphore, #tpu.memory_space<semaphore_mem>>)
    %shift_right_arithmetic3A_452 = arith.constant 7 : i32
    %shift_right_arithmetic3A_453 = arith.shrsi %squeeze3A_397, %shift_right_arithmetic3A_452 : i32
    %shift_left3A_454 = arith.constant 7 : i32
    %shift_left3A_455 = arith.shli %shift_right_arithmetic3A_453, %shift_left3A_454 : i32
    %multiple_of3A_456 = tpu.assume_multiple %shift_left3A_455, 128 : i32
    %dma_start3A_457 = arith.constant 2 : i32
    %dma_start3A_458 = arith.constant 0 : i32
    %dma_start3A_459 = arith.constant 0 : i32
    %dma_start3A_460 = arith.constant 0 : i32
    %dma_start3A_461 = tpu.memref_slice %arg9[%dma_start3A_457, %dma_start3A_458, %dma_start3A_459, %dma_start3A_460] : memref<8x4x8x128xf32, #tpu.memory_space<vmem>> -> memref<1x4x8x128xf32, #tpu.memory_space<vmem>>
    %dma_start3A_462 = tpu.memref_squeeze %dma_start3A_461 : memref<1x4x8x128xf32, #tpu.memory_space<vmem>> -> memref<4x8x128xf32, #tpu.memory_space<vmem>>
    %dma_start3A_463 = arith.constant 0 : i32
    %dma_start3A_464 = arith.constant 0 : i32
    %dma_start3A_465 = tpu.memref_slice %arg3[%dma_start3A_463, %dma_start3A_464, %multiple_of3A_456] : memref<4x8x1000001xf32, #tpu.memory_space<hbm>> -> memref<4x8x128xf32, #tpu.memory_space<hbm>>
    %dma_start3A_466 = arith.constant 0 : i32
    %dma_start3A_467 = arith.constant 0 : i32
    %dma_start3A_468 = arith.constant 0 : i32
    %dma_start3A_469 = tpu.memref_slice %arg9[%dma_start3A_457, %dma_start3A_466, %dma_start3A_467, %dma_start3A_468] : memref<8x4x8x128xf32, #tpu.memory_space<vmem>> -> memref<1x4x8x128xf32, #tpu.memory_space<vmem>>
    %dma_start3A_470 = tpu.memref_squeeze %dma_start3A_469 : memref<1x4x8x128xf32, #tpu.memory_space<vmem>> -> memref<4x8x128xf32, #tpu.memory_space<vmem>>
    %dma_start3A_471 = arith.constant 0 : i32
    %dma_start3A_472 = arith.constant 0 : i32
    %dma_start3A_473 = tpu.memref_slice %arg3[%dma_start3A_471, %dma_start3A_472, %multiple_of3A_456] : memref<4x8x1000001xf32, #tpu.memory_space<hbm>> -> memref<4x8x128xf32, #tpu.memory_space<hbm>>
    tpu.enqueue_dma source(%dma_start3A_473 : memref<4x8x128xf32, #tpu.memory_space<hbm>>) target(%dma_start3A_470 : memref<4x8x128xf32, #tpu.memory_space<vmem>>) target_semaphore(%arg13 : memref<!tpu.dma_semaphore, #tpu.memory_space<semaphore_mem>>)
    %shift_right_arithmetic3A_474 = arith.constant 7 : i32
    %shift_right_arithmetic3A_475 = arith.shrsi %squeeze3A_399, %shift_right_arithmetic3A_474 : i32
    %shift_left3A_476 = arith.constant 7 : i32
    %shift_left3A_477 = arith.shli %shift_right_arithmetic3A_475, %shift_left3A_476 : i32
    %multiple_of3A_478 = tpu.assume_multiple %shift_left3A_477, 128 : i32
    %dma_start3A_479 = arith.constant 3 : i32
    %dma_start3A_480 = arith.constant 0 : i32
    %dma_start3A_481 = arith.constant 0 : i32
    %dma_start3A_482 = arith.constant 0 : i32
    %dma_start3A_483 = tpu.memref_slice %arg9[%dma_start3A_479, %dma_start3A_480, %dma_start3A_481, %dma_start3A_482] : memref<8x4x8x128xf32, #tpu.memory_space<vmem>> -> memref<1x4x8x128xf32, #tpu.memory_space<vmem>>
    %dma_start3A_484 = tpu.memref_squeeze %dma_start3A_483 : memref<1x4x8x128xf32, #tpu.memory_space<vmem>> -> memref<4x8x128xf32, #tpu.memory_space<vmem>>
    %dma_start3A_485 = arith.constant 0 : i32
    %dma_start3A_486 = arith.constant 0 : i32
    %dma_start3A_487 = tpu.memref_slice %arg3[%dma_start3A_485, %dma_start3A_486, %multiple_of3A_478] : memref<4x8x1000001xf32, #tpu.memory_space<hbm>> -> memref<4x8x128xf32, #tpu.memory_space<hbm>>
    %dma_start3A_488 = arith.constant 0 : i32
    %dma_start3A_489 = arith.constant 0 : i32
    %dma_start3A_490 = arith.constant 0 : i32
    %dma_start3A_491 = tpu.memref_slice %arg9[%dma_start3A_479, %dma_start3A_488, %dma_start3A_489, %dma_start3A_490] : memref<8x4x8x128xf32, #tpu.memory_space<vmem>> -> memref<1x4x8x128xf32, #tpu.memory_space<vmem>>
    %dma_start3A_492 = tpu.memref_squeeze %dma_start3A_491 : memref<1x4x8x128xf32, #tpu.memory_space<vmem>> -> memref<4x8x128xf32, #tpu.memory_space<vmem>>
    %dma_start3A_493 = arith.constant 0 : i32
    %dma_start3A_494 = arith.constant 0 : i32
    %dma_start3A_495 = tpu.memref_slice %arg3[%dma_start3A_493, %dma_start3A_494, %multiple_of3A_478] : memref<4x8x1000001xf32, #tpu.memory_space<hbm>> -> memref<4x8x128xf32, #tpu.memory_space<hbm>>
    tpu.enqueue_dma source(%dma_start3A_495 : memref<4x8x128xf32, #tpu.memory_space<hbm>>) target(%dma_start3A_492 : memref<4x8x128xf32, #tpu.memory_space<vmem>>) target_semaphore(%arg13 : memref<!tpu.dma_semaphore, #tpu.memory_space<semaphore_mem>>)
    %shift_right_arithmetic3A_496 = arith.constant 7 : i32
    %shift_right_arithmetic3A_497 = arith.shrsi %squeeze3A_401, %shift_right_arithmetic3A_496 : i32
    %shift_left3A_498 = arith.constant 7 : i32
    %shift_left3A_499 = arith.shli %shift_right_arithmetic3A_497, %shift_left3A_498 : i32
    %multiple_of3A_500 = tpu.assume_multiple %shift_left3A_499, 128 : i32
    %dma_start3A_501 = arith.constant 4 : i32
    %dma_start3A_502 = arith.constant 0 : i32
    %dma_start3A_503 = arith.constant 0 : i32
    %dma_start3A_504 = arith.constant 0 : i32
    %dma_start3A_505 = tpu.memref_slice %arg9[%dma_start3A_501, %dma_start3A_502, %dma_start3A_503, %dma_start3A_504] : memref<8x4x8x128xf32, #tpu.memory_space<vmem>> -> memref<1x4x8x128xf32, #tpu.memory_space<vmem>>
    %dma_start3A_506 = tpu.memref_squeeze %dma_start3A_505 : memref<1x4x8x128xf32, #tpu.memory_space<vmem>> -> memref<4x8x128xf32, #tpu.memory_space<vmem>>
    %dma_start3A_507 = arith.constant 0 : i32
    %dma_start3A_508 = arith.constant 0 : i32
    %dma_start3A_509 = tpu.memref_slice %arg3[%dma_start3A_507, %dma_start3A_508, %multiple_of3A_500] : memref<4x8x1000001xf32, #tpu.memory_space<hbm>> -> memref<4x8x128xf32, #tpu.memory_space<hbm>>
    %dma_start3A_510 = arith.constant 0 : i32
    %dma_start3A_511 = arith.constant 0 : i32
    %dma_start3A_512 = arith.constant 0 : i32
    %dma_start3A_513 = tpu.memref_slice %arg9[%dma_start3A_501, %dma_start3A_510, %dma_start3A_511, %dma_start3A_512] : memref<8x4x8x128xf32, #tpu.memory_space<vmem>> -> memref<1x4x8x128xf32, #tpu.memory_space<vmem>>
    %dma_start3A_514 = tpu.memref_squeeze %dma_start3A_513 : memref<1x4x8x128xf32, #tpu.memory_space<vmem>> -> memref<4x8x128xf32, #tpu.memory_space<vmem>>
    %dma_start3A_515 = arith.constant 0 : i32
    %dma_start3A_516 = arith.constant 0 : i32
    %dma_start3A_517 = tpu.memref_slice %arg3[%dma_start3A_515, %dma_start3A_516, %multiple_of3A_500] : memref<4x8x1000001xf32, #tpu.memory_space<hbm>> -> memref<4x8x128xf32, #tpu.memory_space<hbm>>
    tpu.enqueue_dma source(%dma_start3A_517 : memref<4x8x128xf32, #tpu.memory_space<hbm>>) target(%dma_start3A_514 : memref<4x8x128xf32, #tpu.memory_space<vmem>>) target_semaphore(%arg13 : memref<!tpu.dma_semaphore, #tpu.memory_space<semaphore_mem>>)
    %shift_right_arithmetic3A_518 = arith.constant 7 : i32
    %shift_right_arithmetic3A_519 = arith.shrsi %squeeze3A_403, %shift_right_arithmetic3A_518 : i32
    %shift_left3A_520 = arith.constant 7 : i32
    %shift_left3A_521 = arith.shli %shift_right_arithmetic3A_519, %shift_left3A_520 : i32
    %multiple_of3A_522 = tpu.assume_multiple %shift_left3A_521, 128 : i32
    %dma_start3A_523 = arith.constant 5 : i32
    %dma_start3A_524 = arith.constant 0 : i32
    %dma_start3A_525 = arith.constant 0 : i32
    %dma_start3A_526 = arith.constant 0 : i32
    %dma_start3A_527 = tpu.memref_slice %arg9[%dma_start3A_523, %dma_start3A_524, %dma_start3A_525, %dma_start3A_526] : memref<8x4x8x128xf32, #tpu.memory_space<vmem>> -> memref<1x4x8x128xf32, #tpu.memory_space<vmem>>
    %dma_start3A_528 = tpu.memref_squeeze %dma_start3A_527 : memref<1x4x8x128xf32, #tpu.memory_space<vmem>> -> memref<4x8x128xf32, #tpu.memory_space<vmem>>
    %dma_start3A_529 = arith.constant 0 : i32
    %dma_start3A_530 = arith.constant 0 : i32
    %dma_start3A_531 = tpu.memref_slice %arg3[%dma_start3A_529, %dma_start3A_530, %multiple_of3A_522] : memref<4x8x1000001xf32, #tpu.memory_space<hbm>> -> memref<4x8x128xf32, #tpu.memory_space<hbm>>
    %dma_start3A_532 = arith.constant 0 : i32
    %dma_start3A_533 = arith.constant 0 : i32
    %dma_start3A_534 = arith.constant 0 : i32
    %dma_start3A_535 = tpu.memref_slice %arg9[%dma_start3A_523, %dma_start3A_532, %dma_start3A_533, %dma_start3A_534] : memref<8x4x8x128xf32, #tpu.memory_space<vmem>> -> memref<1x4x8x128xf32, #tpu.memory_space<vmem>>
    %dma_start3A_536 = tpu.memref_squeeze %dma_start3A_535 : memref<1x4x8x128xf32, #tpu.memory_space<vmem>> -> memref<4x8x128xf32, #tpu.memory_space<vmem>>
    %dma_start3A_537 = arith.constant 0 : i32
    %dma_start3A_538 = arith.constant 0 : i32
    %dma_start3A_539 = tpu.memref_slice %arg3[%dma_start3A_537, %dma_start3A_538, %multiple_of3A_522] : memref<4x8x1000001xf32, #tpu.memory_space<hbm>> -> memref<4x8x128xf32, #tpu.memory_space<hbm>>
    tpu.enqueue_dma source(%dma_start3A_539 : memref<4x8x128xf32, #tpu.memory_space<hbm>>) target(%dma_start3A_536 : memref<4x8x128xf32, #tpu.memory_space<vmem>>) target_semaphore(%arg13 : memref<!tpu.dma_semaphore, #tpu.memory_space<semaphore_mem>>)
    %shift_right_arithmetic3A_540 = arith.constant 7 : i32
    %shift_right_arithmetic3A_541 = arith.shrsi %squeeze3A_405, %shift_right_arithmetic3A_540 : i32
    %shift_left3A_542 = arith.constant 7 : i32
    %shift_left3A_543 = arith.shli %shift_right_arithmetic3A_541, %shift_left3A_542 : i32
    %multiple_of3A_544 = tpu.assume_multiple %shift_left3A_543, 128 : i32
    %dma_start3A_545 = arith.constant 6 : i32
    %dma_start3A_546 = arith.constant 0 : i32
    %dma_start3A_547 = arith.constant 0 : i32
    %dma_start3A_548 = arith.constant 0 : i32
    %dma_start3A_549 = tpu.memref_slice %arg9[%dma_start3A_545, %dma_start3A_546, %dma_start3A_547, %dma_start3A_548] : memref<8x4x8x128xf32, #tpu.memory_space<vmem>> -> memref<1x4x8x128xf32, #tpu.memory_space<vmem>>
    %dma_start3A_550 = tpu.memref_squeeze %dma_start3A_549 : memref<1x4x8x128xf32, #tpu.memory_space<vmem>> -> memref<4x8x128xf32, #tpu.memory_space<vmem>>
    %dma_start3A_551 = arith.constant 0 : i32
    %dma_start3A_552 = arith.constant 0 : i32
    %dma_start3A_553 = tpu.memref_slice %arg3[%dma_start3A_551, %dma_start3A_552, %multiple_of3A_544] : memref<4x8x1000001xf32, #tpu.memory_space<hbm>> -> memref<4x8x128xf32, #tpu.memory_space<hbm>>
    %dma_start3A_554 = arith.constant 0 : i32
    %dma_start3A_555 = arith.constant 0 : i32
    %dma_start3A_556 = arith.constant 0 : i32
    %dma_start3A_557 = tpu.memref_slice %arg9[%dma_start3A_545, %dma_start3A_554, %dma_start3A_555, %dma_start3A_556] : memref<8x4x8x128xf32, #tpu.memory_space<vmem>> -> memref<1x4x8x128xf32, #tpu.memory_space<vmem>>
    %dma_start3A_558 = tpu.memref_squeeze %dma_start3A_557 : memref<1x4x8x128xf32, #tpu.memory_space<vmem>> -> memref<4x8x128xf32, #tpu.memory_space<vmem>>
    %dma_start3A_559 = arith.constant 0 : i32
    %dma_start3A_560 = arith.constant 0 : i32
    %dma_start3A_561 = tpu.memref_slice %arg3[%dma_start3A_559, %dma_start3A_560, %multiple_of3A_544] : memref<4x8x1000001xf32, #tpu.memory_space<hbm>> -> memref<4x8x128xf32, #tpu.memory_space<hbm>>
    tpu.enqueue_dma source(%dma_start3A_561 : memref<4x8x128xf32, #tpu.memory_space<hbm>>) target(%dma_start3A_558 : memref<4x8x128xf32, #tpu.memory_space<vmem>>) target_semaphore(%arg13 : memref<!tpu.dma_semaphore, #tpu.memory_space<semaphore_mem>>)
    %shift_right_arithmetic3A_562 = arith.constant 7 : i32
    %shift_right_arithmetic3A_563 = arith.shrsi %squeeze3A_407, %shift_right_arithmetic3A_562 : i32
    %shift_left3A_564 = arith.constant 7 : i32
    %shift_left3A_565 = arith.shli %shift_right_arithmetic3A_563, %shift_left3A_564 : i32
    %multiple_of3A_566 = tpu.assume_multiple %shift_left3A_565, 128 : i32
    %dma_start3A_567 = arith.constant 7 : i32
    %dma_start3A_568 = arith.constant 0 : i32
    %dma_start3A_569 = arith.constant 0 : i32
    %dma_start3A_570 = arith.constant 0 : i32
    %dma_start3A_571 = tpu.memref_slice %arg9[%dma_start3A_567, %dma_start3A_568, %dma_start3A_569, %dma_start3A_570] : memref<8x4x8x128xf32, #tpu.memory_space<vmem>> -> memref<1x4x8x128xf32, #tpu.memory_space<vmem>>
    %dma_start3A_572 = tpu.memref_squeeze %dma_start3A_571 : memref<1x4x8x128xf32, #tpu.memory_space<vmem>> -> memref<4x8x128xf32, #tpu.memory_space<vmem>>
    %dma_start3A_573 = arith.constant 0 : i32
    %dma_start3A_574 = arith.constant 0 : i32
    %dma_start3A_575 = tpu.memref_slice %arg3[%dma_start3A_573, %dma_start3A_574, %multiple_of3A_566] : memref<4x8x1000001xf32, #tpu.memory_space<hbm>> -> memref<4x8x128xf32, #tpu.memory_space<hbm>>
    %dma_start3A_576 = arith.constant 0 : i32
    %dma_start3A_577 = arith.constant 0 : i32
    %dma_start3A_578 = arith.constant 0 : i32
    %dma_start3A_579 = tpu.memref_slice %arg9[%dma_start3A_567, %dma_start3A_576, %dma_start3A_577, %dma_start3A_578] : memref<8x4x8x128xf32, #tpu.memory_space<vmem>> -> memref<1x4x8x128xf32, #tpu.memory_space<vmem>>
    %dma_start3A_580 = tpu.memref_squeeze %dma_start3A_579 : memref<1x4x8x128xf32, #tpu.memory_space<vmem>> -> memref<4x8x128xf32, #tpu.memory_space<vmem>>
    %dma_start3A_581 = arith.constant 0 : i32
    %dma_start3A_582 = arith.constant 0 : i32
    %dma_start3A_583 = tpu.memref_slice %arg3[%dma_start3A_581, %dma_start3A_582, %multiple_of3A_566] : memref<4x8x1000001xf32, #tpu.memory_space<hbm>> -> memref<4x8x128xf32, #tpu.memory_space<hbm>>
    tpu.enqueue_dma source(%dma_start3A_583 : memref<4x8x128xf32, #tpu.memory_space<hbm>>) target(%dma_start3A_580 : memref<4x8x128xf32, #tpu.memory_space<vmem>>) target_semaphore(%arg13 : memref<!tpu.dma_semaphore, #tpu.memory_space<semaphore_mem>>)
    %scan3A = arith.constant 0 : i32
    %scan3A_584 = arith.constant 0 : i32
    %scan3A_585 = arith.constant 20 : i32
    %scan3A_586 = arith.addi %scan3A_584, %scan3A_585 : i32
    %scan3A_587 = arith.constant 1 : i32
    scf.for %scan3A_2205 = %scan3A_584 to %scan3A_586 step %scan3A_587  : i32 {
      %mul3A_2206 = arith.constant 3 : i32
      %mul3A_2207 = arith.muli %mul3A_2206, %scan3A_2205 : i32
      tpu.wait_dma2 semaphore(%arg11 : memref<!tpu.dma_semaphore, #tpu.memory_space<semaphore_mem>>) src(%arg4 : memref<8x4x8x128xf32, #tpu.memory_space<hbm>>) dst(%arg7 : memref<8x4x8x128xf32, #tpu.memory_space<vmem>>)
      %add3A_2208 = arith.constant 0 : i32
      %add3A_2209 = arith.addi %mul3A_2207, %add3A_2208 : i32
      %mul3A_2210 = arith.constant 8 : i32
      %mul3A_2211 = arith.muli %add3A_2209, %mul3A_2210 : i32
      %multiple_of3A_2212 = tpu.assume_multiple %mul3A_2211, 8 : i32
      %get3A_2213 = arith.index_cast %multiple_of3A_2212 : i32 to index
      %get3A_2214 = tpu.vector_load %arg6[%get3A_2213] {strides = array<i32>} : memref<528xi32, #tpu.memory_space<vmem>>, vector<16xi32>,
      %slice3A_2215 = vector.extract_strided_slice %get3A_2214 {offsets = [0], sizes = [1], strides = [1]} : vector<16xi32> to vector<1xi32>
      %squeeze3A_2216 = vector.extract %slice3A_2215[0] : i32 from vector<1xi32>
      %slice3A_2217 = vector.extract_strided_slice %get3A_2214 {offsets = [1], sizes = [1], strides = [1]} : vector<16xi32> to vector<1xi32>
      %squeeze3A_2218 = vector.extract %slice3A_2217[0] : i32 from vector<1xi32>
      %slice3A_2219 = vector.extract_strided_slice %get3A_2214 {offsets = [2], sizes = [1], strides = [1]} : vector<16xi32> to vector<1xi32>
      %squeeze3A_2220 = vector.extract %slice3A_2219[0] : i32 from vector<1xi32>
      %slice3A_2221 = vector.extract_strided_slice %get3A_2214 {offsets = [3], sizes = [1], strides = [1]} : vector<16xi32> to vector<1xi32>
      %squeeze3A_2222 = vector.extract %slice3A_2221[0] : i32 from vector<1xi32>
      %slice3A_2223 = vector.extract_strided_slice %get3A_2214 {offsets = [4], sizes = [1], strides = [1]} : vector<16xi32> to vector<1xi32>
      %squeeze3A_2224 = vector.extract %slice3A_2223[0] : i32 from vector<1xi32>
      %slice3A_2225 = vector.extract_strided_slice %get3A_2214 {offsets = [5], sizes = [1], strides = [1]} : vector<16xi32> to vector<1xi32>
      %squeeze3A_2226 = vector.extract %slice3A_2225[0] : i32 from vector<1xi32>
      %slice3A_2227 = vector.extract_strided_slice %get3A_2214 {offsets = [6], sizes = [1], strides = [1]} : vector<16xi32> to vector<1xi32>
      %squeeze3A_2228 = vector.extract %slice3A_2227[0] : i32 from vector<1xi32>
      %slice3A_2229 = vector.extract_strided_slice %get3A_2214 {offsets = [7], sizes = [1], strides = [1]} : vector<16xi32> to vector<1xi32>
      %squeeze3A_2230 = vector.extract %slice3A_2229[0] : i32 from vector<1xi32>
      %mul3A_2231 = arith.constant 8 : i32
      %mul3A_2232 = arith.muli %add3A_2209, %mul3A_2231 : i32
      %add3A_2233 = arith.constant 0 : i32
      %add3A_2234 = arith.addi %mul3A_2232, %add3A_2233 : i32
      %and3A_2235 = arith.constant 127 : i32
      %and3A_2236 = arith.andi %squeeze3A_2216, %and3A_2235 : i32
      %iota3A_2237 = tpu.iota {dimensions = array<i32: 0>} : vector<16xi32>
      %broadcast_in_dim3A_2238 = vector.broadcast %and3A_2236 : i32 to vector<16xi32>
      %mul3A_2239 = arith.constant 32 : i32
      %mul3A_2240 = arith.muli %add3A_2234, %mul3A_2239 : i32
      %add3A_2241 = arith.constant 0 : i32
      %add3A_2242 = vector.broadcast %add3A_2241 : i32 to vector<16xi32>
      %add3A_2243 = arith.addi %iota3A_2237, %add3A_2242 : vector<16xi32>
      %shift_right_arithmetic3A_2244 = arith.constant 3 : i32
      %shift_right_arithmetic3A_2245 = vector.broadcast %shift_right_arithmetic3A_2244 : i32 to vector<16xi32>
      %shift_right_arithmetic3A_2246 = arith.shrsi %add3A_2243, %shift_right_arithmetic3A_2245 : vector<16xi32>
      %and3A_2247 = arith.constant 7 : i32
      %and3A_2248 = vector.broadcast %and3A_2247 : i32 to vector<16xi32>
      %and3A_2249 = arith.andi %add3A_2243, %and3A_2248 : vector<16xi32>
      %gather3A_2250 = arith.constant 0 : i32
      %gather3A_2251 = arith.constant 0 : i32
      %gather3A_2252 = arith.constant 0 : i32
      %gather3A_2253 = arith.constant 0 : i32
      %gather3A_2254 = tpu.memref_slice %arg7[%gather3A_2250, %gather3A_2251, %gather3A_2252, %gather3A_2253] : memref<8x4x8x128xf32, #tpu.memory_space<vmem>> -> memref<1x4x8x128xf32, #tpu.memory_space<vmem>>
      %gather3A_2255 = tpu.memref_squeeze %gather3A_2254 : memref<1x4x8x128xf32, #tpu.memory_space<vmem>> -> memref<4x8x128xf32, #tpu.memory_space<vmem>>
      %gather3A_2256 = tpu.vector_load_idx %gather3A_2255[%shift_right_arithmetic3A_2246, %and3A_2249, %broadcast_in_dim3A_2238] : memref<4x8x128xf32, #tpu.memory_space<vmem>>[vector<16xi32>, vector<16xi32>, vector<16xi32>], vector<16xf32>,
      %add3A_2257 = vector.broadcast %mul3A_2240 : i32 to vector<16xi32>
      %add3A_2258 = arith.addi %add3A_2257, %add3A_2243 : vector<16xi32>
      tpu.vector_store_idx %arg10[%add3A_2258], %gather3A_2256 : memref<16384xf32, #tpu.memory_space<vmem>>[vector<16xi32>], vector<16xf32>,
      %add3A_2259 = arith.constant 16 : i32
      %add3A_2260 = vector.broadcast %add3A_2259 : i32 to vector<16xi32>
      %add3A_2261 = arith.addi %iota3A_2237, %add3A_2260 : vector<16xi32>
      %shift_right_arithmetic3A_2262 = arith.constant 3 : i32
      %shift_right_arithmetic3A_2263 = vector.broadcast %shift_right_arithmetic3A_2262 : i32 to vector<16xi32>
      %shift_right_arithmetic3A_2264 = arith.shrsi %add3A_2261, %shift_right_arithmetic3A_2263 : vector<16xi32>
      %and3A_2265 = arith.constant 7 : i32
      %and3A_2266 = vector.broadcast %and3A_2265 : i32 to vector<16xi32>
      %and3A_2267 = arith.andi %add3A_2261, %and3A_2266 : vector<16xi32>
      %gather3A_2268 = arith.constant 0 : i32
      %gather3A_2269 = arith.constant 0 : i32
      %gather3A_2270 = arith.constant 0 : i32
      %gather3A_2271 = arith.constant 0 : i32
      %gather3A_2272 = tpu.memref_slice %arg7[%gather3A_2268, %gather3A_2269, %gather3A_2270, %gather3A_2271] : memref<8x4x8x128xf32, #tpu.memory_space<vmem>> -> memref<1x4x8x128xf32, #tpu.memory_space<vmem>>
      %gather3A_2273 = tpu.memref_squeeze %gather3A_2272 : memref<1x4x8x128xf32, #tpu.memory_space<vmem>> -> memref<4x8x128xf32, #tpu.memory_space<vmem>>
      %gather3A_2274 = tpu.vector_load_idx %gather3A_2273[%shift_right_arithmetic3A_2264, %and3A_2267, %broadcast_in_dim3A_2238] : memref<4x8x128xf32, #tpu.memory_space<vmem>>[vector<16xi32>, vector<16xi32>, vector<16xi32>], vector<16xf32>,
      %add3A_2275 = vector.broadcast %mul3A_2240 : i32 to vector<16xi32>
      %add3A_2276 = arith.addi %add3A_2275, %add3A_2261 : vector<16xi32>
      tpu.vector_store_idx %arg10[%add3A_2276], %gather3A_2274 : memref<16384xf32, #tpu.memory_space<vmem>>[vector<16xi32>], vector<16xf32>,
      %mul3A_2277 = arith.constant 8 : i32
      %mul3A_2278 = arith.muli %add3A_2209, %mul3A_2277 : i32
      %add3A_2279 = arith.constant 1 : i32
      %add3A_2280 = arith.addi %mul3A_2278, %add3A_2279 : i32
      %and3A_2281 = arith.constant 127 : i32
      %and3A_2282 = arith.andi %squeeze3A_2218, %and3A_2281 : i32
      %iota3A_2283 = tpu.iota {dimensions = array<i32: 0>} : vector<16xi32>
      %broadcast_in_dim3A_2284 = vector.broadcast %and3A_2282 : i32 to vector<16xi32>
      %mul3A_2285 = arith.constant 32 : i32
      %mul3A_2286 = arith.muli %add3A_2280, %mul3A_2285 : i32
      %add3A_2287 = arith.constant 0 : i32
      %add3A_2288 = vector.broadcast %add3A_2287 : i32 to vector<16xi32>
      %add3A_2289 = arith.addi %iota3A_2283, %add3A_2288 : vector<16xi32>
      %shift_right_arithmetic3A_2290 = arith.constant 3 : i32
      %shift_right_arithmetic3A_2291 = vector.broadcast %shift_right_arithmetic3A_2290 : i32 to vector<16xi32>
      %shift_right_arithmetic3A_2292 = arith.shrsi %add3A_2289, %shift_right_arithmetic3A_2291 : vector<16xi32>
      %and3A_2293 = arith.constant 7 : i32
      %and3A_2294 = vector.broadcast %and3A_2293 : i32 to vector<16xi32>
      %and3A_2295 = arith.andi %add3A_2289, %and3A_2294 : vector<16xi32>
      %gather3A_2296 = arith.constant 1 : i32
      %gather3A_2297 = arith.constant 0 : i32
      %gather3A_2298 = arith.constant 0 : i32
      %gather3A_2299 = arith.constant 0 : i32
      %gather3A_2300 = tpu.memref_slice %arg7[%gather3A_2296, %gather3A_2297, %gather3A_2298, %gather3A_2299] : memref<8x4x8x128xf32, #tpu.memory_space<vmem>> -> memref<1x4x8x128xf32, #tpu.memory_space<vmem>>
      %gather3A_2301 = tpu.memref_squeeze %gather3A_2300 : memref<1x4x8x128xf32, #tpu.memory_space<vmem>> -> memref<4x8x128xf32, #tpu.memory_space<vmem>>
      %gather3A_2302 = tpu.vector_load_idx %gather3A_2301[%shift_right_arithmetic3A_2292, %and3A_2295, %broadcast_in_dim3A_2284] : memref<4x8x128xf32, #tpu.memory_space<vmem>>[vector<16xi32>, vector<16xi32>, vector<16xi32>], vector<16xf32>,
      %add3A_2303 = vector.broadcast %mul3A_2286 : i32 to vector<16xi32>
      %add3A_2304 = arith.addi %add3A_2303, %add3A_2289 : vector<16xi32>
      tpu.vector_store_idx %arg10[%add3A_2304], %gather3A_2302 : memref<16384xf32, #tpu.memory_space<vmem>>[vector<16xi32>], vector<16xf32>,
      %add3A_2305 = arith.constant 16 : i32
      %add3A_2306 = vector.broadcast %add3A_2305 : i32 to vector<16xi32>
      %add3A_2307 = arith.addi %iota3A_2283, %add3A_2306 : vector<16xi32>
      %shift_right_arithmetic3A_2308 = arith.constant 3 : i32
      %shift_right_arithmetic3A_2309 = vector.broadcast %shift_right_arithmetic3A_2308 : i32 to vector<16xi32>
      %shift_right_arithmetic3A_2310 = arith.shrsi %add3A_2307, %shift_right_arithmetic3A_2309 : vector<16xi32>
      %and3A_2311 = arith.constant 7 : i32
      %and3A_2312 = vector.broadcast %and3A_2311 : i32 to vector<16xi32>
      %and3A_2313 = arith.andi %add3A_2307, %and3A_2312 : vector<16xi32>
      %gather3A_2314 = arith.constant 1 : i32
      %gather3A_2315 = arith.constant 0 : i32
      %gather3A_2316 = arith.constant 0 : i32
      %gather3A_2317 = arith.constant 0 : i32
      %gather3A_2318 = tpu.memref_slice %arg7[%gather3A_2314, %gather3A_2315, %gather3A_2316, %gather3A_2317] : memref<8x4x8x128xf32, #tpu.memory_space<vmem>> -> memref<1x4x8x128xf32, #tpu.memory_space<vmem>>
      %gather3A_2319 = tpu.memref_squeeze %gather3A_2318 : memref<1x4x8x128xf32, #tpu.memory_space<vmem>> -> memref<4x8x128xf32, #tpu.memory_space<vmem>>
      %gather3A_2320 = tpu.vector_load_idx %gather3A_2319[%shift_right_arithmetic3A_2310, %and3A_2313, %broadcast_in_dim3A_2284] : memref<4x8x128xf32, #tpu.memory_space<vmem>>[vector<16xi32>, vector<16xi32>, vector<16xi32>], vector<16xf32>,
      %add3A_2321 = vector.broadcast %mul3A_2286 : i32 to vector<16xi32>
      %add3A_2322 = arith.addi %add3A_2321, %add3A_2307 : vector<16xi32>
      tpu.vector_store_idx %arg10[%add3A_2322], %gather3A_2320 : memref<16384xf32, #tpu.memory_space<vmem>>[vector<16xi32>], vector<16xf32>,
      %mul3A_2323 = arith.constant 8 : i32
      %mul3A_2324 = arith.muli %add3A_2209, %mul3A_2323 : i32
      %add3A_2325 = arith.constant 2 : i32
      %add3A_2326 = arith.addi %mul3A_2324, %add3A_2325 : i32
      %and3A_2327 = arith.constant 127 : i32
      %and3A_2328 = arith.andi %squeeze3A_2220, %and3A_2327 : i32
      %iota3A_2329 = tpu.iota {dimensions = array<i32: 0>} : vector<16xi32>
      %broadcast_in_dim3A_2330 = vector.broadcast %and3A_2328 : i32 to vector<16xi32>
      %mul3A_2331 = arith.constant 32 : i32
      %mul3A_2332 = arith.muli %add3A_2326, %mul3A_2331 : i32
      %add3A_2333 = arith.constant 0 : i32
      %add3A_2334 = vector.broadcast %add3A_2333 : i32 to vector<16xi32>
      %add3A_2335 = arith.addi %iota3A_2329, %add3A_2334 : vector<16xi32>
      %shift_right_arithmetic3A_2336 = arith.constant 3 : i32
      %shift_right_arithmetic3A_2337 = vector.broadcast %shift_right_arithmetic3A_2336 : i32 to vector<16xi32>
      %shift_right_arithmetic3A_2338 = arith.shrsi %add3A_2335, %shift_right_arithmetic3A_2337 : vector<16xi32>
      %and3A_2339 = arith.constant 7 : i32
      %and3A_2340 = vector.broadcast %and3A_2339 : i32 to vector<16xi32>
      %and3A_2341 = arith.andi %add3A_2335, %and3A_2340 : vector<16xi32>
      %gather3A_2342 = arith.constant 2 : i32
      %gather3A_2343 = arith.constant 0 : i32
      %gather3A_2344 = arith.constant 0 : i32
      %gather3A_2345 = arith.constant 0 : i32
      %gather3A_2346 = tpu.memref_slice %arg7[%gather3A_2342, %gather3A_2343, %gather3A_2344, %gather3A_2345] : memref<8x4x8x128xf32, #tpu.memory_space<vmem>> -> memref<1x4x8x128xf32, #tpu.memory_space<vmem>>
      %gather3A_2347 = tpu.memref_squeeze %gather3A_2346 : memref<1x4x8x128xf32, #tpu.memory_space<vmem>> -> memref<4x8x128xf32, #tpu.memory_space<vmem>>
      %gather3A_2348 = tpu.vector_load_idx %gather3A_2347[%shift_right_arithmetic3A_2338, %and3A_2341, %broadcast_in_dim3A_2330] : memref<4x8x128xf32, #tpu.memory_space<vmem>>[vector<16xi32>, vector<16xi32>, vector<16xi32>], vector<16xf32>,
      %add3A_2349 = vector.broadcast %mul3A_2332 : i32 to vector<16xi32>
      %add3A_2350 = arith.addi %add3A_2349, %add3A_2335 : vector<16xi32>
      tpu.vector_store_idx %arg10[%add3A_2350], %gather3A_2348 : memref<16384xf32, #tpu.memory_space<vmem>>[vector<16xi32>], vector<16xf32>,
      %add3A_2351 = arith.constant 16 : i32
      %add3A_2352 = vector.broadcast %add3A_2351 : i32 to vector<16xi32>
      %add3A_2353 = arith.addi %iota3A_2329, %add3A_2352 : vector<16xi32>
      %shift_right_arithmetic3A_2354 = arith.constant 3 : i32
      %shift_right_arithmetic3A_2355 = vector.broadcast %shift_right_arithmetic3A_2354 : i32 to vector<16xi32>
      %shift_right_arithmetic3A_2356 = arith.shrsi %add3A_2353, %shift_right_arithmetic3A_2355 : vector<16xi32>
      %and3A_2357 = arith.constant 7 : i32
      %and3A_2358 = vector.broadcast %and3A_2357 : i32 to vector<16xi32>
      %and3A_2359 = arith.andi %add3A_2353, %and3A_2358 : vector<16xi32>
      %gather3A_2360 = arith.constant 2 : i32
      %gather3A_2361 = arith.constant 0 : i32
      %gather3A_2362 = arith.constant 0 : i32
      %gather3A_2363 = arith.constant 0 : i32
      %gather3A_2364 = tpu.memref_slice %arg7[%gather3A_2360, %gather3A_2361, %gather3A_2362, %gather3A_2363] : memref<8x4x8x128xf32, #tpu.memory_space<vmem>> -> memref<1x4x8x128xf32, #tpu.memory_space<vmem>>
      %gather3A_2365 = tpu.memref_squeeze %gather3A_2364 : memref<1x4x8x128xf32, #tpu.memory_space<vmem>> -> memref<4x8x128xf32, #tpu.memory_space<vmem>>
      %gather3A_2366 = tpu.vector_load_idx %gather3A_2365[%shift_right_arithmetic3A_2356, %and3A_2359, %broadcast_in_dim3A_2330] : memref<4x8x128xf32, #tpu.memory_space<vmem>>[vector<16xi32>, vector<16xi32>, vector<16xi32>], vector<16xf32>,
      %add3A_2367 = vector.broadcast %mul3A_2332 : i32 to vector<16xi32>
      %add3A_2368 = arith.addi %add3A_2367, %add3A_2353 : vector<16xi32>
      tpu.vector_store_idx %arg10[%add3A_2368], %gather3A_2366 : memref<16384xf32, #tpu.memory_space<vmem>>[vector<16xi32>], vector<16xf32>,
      %mul3A_2369 = arith.constant 8 : i32
      %mul3A_2370 = arith.muli %add3A_2209, %mul3A_2369 : i32
      %add3A_2371 = arith.constant 3 : i32
      %add3A_2372 = arith.addi %mul3A_2370, %add3A_2371 : i32
      %and3A_2373 = arith.constant 127 : i32
      %and3A_2374 = arith.andi %squeeze3A_2222, %and3A_2373 : i32
      %iota3A_2375 = tpu.iota {dimensions = array<i32: 0>} : vector<16xi32>
      %broadcast_in_dim3A_2376 = vector.broadcast %and3A_2374 : i32 to vector<16xi32>
      %mul3A_2377 = arith.constant 32 : i32
      %mul3A_2378 = arith.muli %add3A_2372, %mul3A_2377 : i32
      %add3A_2379 = arith.constant 0 : i32
      %add3A_2380 = vector.broadcast %add3A_2379 : i32 to vector<16xi32>
      %add3A_2381 = arith.addi %iota3A_2375, %add3A_2380 : vector<16xi32>
      %shift_right_arithmetic3A_2382 = arith.constant 3 : i32
      %shift_right_arithmetic3A_2383 = vector.broadcast %shift_right_arithmetic3A_2382 : i32 to vector<16xi32>
      %shift_right_arithmetic3A_2384 = arith.shrsi %add3A_2381, %shift_right_arithmetic3A_2383 : vector<16xi32>
      %and3A_2385 = arith.constant 7 : i32
      %and3A_2386 = vector.broadcast %and3A_2385 : i32 to vector<16xi32>
      %and3A_2387 = arith.andi %add3A_2381, %and3A_2386 : vector<16xi32>
      %gather3A_2388 = arith.constant 3 : i32
      %gather3A_2389 = arith.constant 0 : i32
      %gather3A_2390 = arith.constant 0 : i32
      %gather3A_2391 = arith.constant 0 : i32
      %gather3A_2392 = tpu.memref_slice %arg7[%gather3A_2388, %gather3A_2389, %gather3A_2390, %gather3A_2391] : memref<8x4x8x128xf32, #tpu.memory_space<vmem>> -> memref<1x4x8x128xf32, #tpu.memory_space<vmem>>
      %gather3A_2393 = tpu.memref_squeeze %gather3A_2392 : memref<1x4x8x128xf32, #tpu.memory_space<vmem>> -> memref<4x8x128xf32, #tpu.memory_space<vmem>>
      %gather3A_2394 = tpu.vector_load_idx %gather3A_2393[%shift_right_arithmetic3A_2384, %and3A_2387, %broadcast_in_dim3A_2376] : memref<4x8x128xf32, #tpu.memory_space<vmem>>[vector<16xi32>, vector<16xi32>, vector<16xi32>], vector<16xf32>,
      %add3A_2395 = vector.broadcast %mul3A_2378 : i32 to vector<16xi32>
      %add3A_2396 = arith.addi %add3A_2395, %add3A_2381 : vector<16xi32>
      tpu.vector_store_idx %arg10[%add3A_2396], %gather3A_2394 : memref<16384xf32, #tpu.memory_space<vmem>>[vector<16xi32>], vector<16xf32>,
      %add3A_2397 = arith.constant 16 : i32
      %add3A_2398 = vector.broadcast %add3A_2397 : i32 to vector<16xi32>
      %add3A_2399 = arith.addi %iota3A_2375, %add3A_2398 : vector<16xi32>
      %shift_right_arithmetic3A_2400 = arith.constant 3 : i32
      %shift_right_arithmetic3A_2401 = vector.broadcast %shift_right_arithmetic3A_2400 : i32 to vector<16xi32>
      %shift_right_arithmetic3A_2402 = arith.shrsi %add3A_2399, %shift_right_arithmetic3A_2401 : vector<16xi32>
      %and3A_2403 = arith.constant 7 : i32
      %and3A_2404 = vector.broadcast %and3A_2403 : i32 to vector<16xi32>
      %and3A_2405 = arith.andi %add3A_2399, %and3A_2404 : vector<16xi32>
      %gather3A_2406 = arith.constant 3 : i32
      %gather3A_2407 = arith.constant 0 : i32
      %gather3A_2408 = arith.constant 0 : i32
      %gather3A_2409 = arith.constant 0 : i32
      %gather3A_2410 = tpu.memref_slice %arg7[%gather3A_2406, %gather3A_2407, %gather3A_2408, %gather3A_2409] : memref<8x4x8x128xf32, #tpu.memory_space<vmem>> -> memref<1x4x8x128xf32, #tpu.memory_space<vmem>>
      %gather3A_2411 = tpu.memref_squeeze %gather3A_2410 : memref<1x4x8x128xf32, #tpu.memory_space<vmem>> -> memref<4x8x128xf32, #tpu.memory_space<vmem>>
      %gather3A_2412 = tpu.vector_load_idx %gather3A_2411[%shift_right_arithmetic3A_2402, %and3A_2405, %broadcast_in_dim3A_2376] : memref<4x8x128xf32, #tpu.memory_space<vmem>>[vector<16xi32>, vector<16xi32>, vector<16xi32>], vector<16xf32>,
      %add3A_2413 = vector.broadcast %mul3A_2378 : i32 to vector<16xi32>
      %add3A_2414 = arith.addi %add3A_2413, %add3A_2399 : vector<16xi32>
      tpu.vector_store_idx %arg10[%add3A_2414], %gather3A_2412 : memref<16384xf32, #tpu.memory_space<vmem>>[vector<16xi32>], vector<16xf32>,
      %mul3A_2415 = arith.constant 8 : i32
      %mul3A_2416 = arith.muli %add3A_2209, %mul3A_2415 : i32
      %add3A_2417 = arith.constant 4 : i32
      %add3A_2418 = arith.addi %mul3A_2416, %add3A_2417 : i32
      %and3A_2419 = arith.constant 127 : i32
      %and3A_2420 = arith.andi %squeeze3A_2224, %and3A_2419 : i32
      %iota3A_2421 = tpu.iota {dimensions = array<i32: 0>} : vector<16xi32>
      %broadcast_in_dim3A_2422 = vector.broadcast %and3A_2420 : i32 to vector<16xi32>
      %mul3A_2423 = arith.constant 32 : i32
      %mul3A_2424 = arith.muli %add3A_2418, %mul3A_2423 : i32
      %add3A_2425 = arith.constant 0 : i32
      %add3A_2426 = vector.broadcast %add3A_2425 : i32 to vector<16xi32>
      %add3A_2427 = arith.addi %iota3A_2421, %add3A_2426 : vector<16xi32>
      %shift_right_arithmetic3A_2428 = arith.constant 3 : i32
      %shift_right_arithmetic3A_2429 = vector.broadcast %shift_right_arithmetic3A_2428 : i32 to vector<16xi32>
      %shift_right_arithmetic3A_2430 = arith.shrsi %add3A_2427, %shift_right_arithmetic3A_2429 : vector<16xi32>
      %and3A_2431 = arith.constant 7 : i32
      %and3A_2432 = vector.broadcast %and3A_2431 : i32 to vector<16xi32>
      %and3A_2433 = arith.andi %add3A_2427, %and3A_2432 : vector<16xi32>
      %gather3A_2434 = arith.constant 4 : i32
      %gather3A_2435 = arith.constant 0 : i32
      %gather3A_2436 = arith.constant 0 : i32
      %gather3A_2437 = arith.constant 0 : i32
      %gather3A_2438 = tpu.memref_slice %arg7[%gather3A_2434, %gather3A_2435, %gather3A_2436, %gather3A_2437] : memref<8x4x8x128xf32, #tpu.memory_space<vmem>> -> memref<1x4x8x128xf32, #tpu.memory_space<vmem>>
      %gather3A_2439 = tpu.memref_squeeze %gather3A_2438 : memref<1x4x8x128xf32, #tpu.memory_space<vmem>> -> memref<4x8x128xf32, #tpu.memory_space<vmem>>
      %gather3A_2440 = tpu.vector_load_idx %gather3A_2439[%shift_right_arithmetic3A_2430, %and3A_2433, %broadcast_in_dim3A_2422] : memref<4x8x128xf32, #tpu.memory_space<vmem>>[vector<16xi32>, vector<16xi32>, vector<16xi32>], vector<16xf32>,
      %add3A_2441 = vector.broadcast %mul3A_2424 : i32 to vector<16xi32>
      %add3A_2442 = arith.addi %add3A_2441, %add3A_2427 : vector<16xi32>
      tpu.vector_store_idx %arg10[%add3A_2442], %gather3A_2440 : memref<16384xf32, #tpu.memory_space<vmem>>[vector<16xi32>], vector<16xf32>,
      %add3A_2443 = arith.constant 16 : i32
      %add3A_2444 = vector.broadcast %add3A_2443 : i32 to vector<16xi32>
      %add3A_2445 = arith.addi %iota3A_2421, %add3A_2444 : vector<16xi32>
      %shift_right_arithmetic3A_2446 = arith.constant 3 : i32
      %shift_right_arithmetic3A_2447 = vector.broadcast %shift_right_arithmetic3A_2446 : i32 to vector<16xi32>
      %shift_right_arithmetic3A_2448 = arith.shrsi %add3A_2445, %shift_right_arithmetic3A_2447 : vector<16xi32>
      %and3A_2449 = arith.constant 7 : i32
      %and3A_2450 = vector.broadcast %and3A_2449 : i32 to vector<16xi32>
      %and3A_2451 = arith.andi %add3A_2445, %and3A_2450 : vector<16xi32>
      %gather3A_2452 = arith.constant 4 : i32
      %gather3A_2453 = arith.constant 0 : i32
      %gather3A_2454 = arith.constant 0 : i32
      %gather3A_2455 = arith.constant 0 : i32
      %gather3A_2456 = tpu.memref_slice %arg7[%gather3A_2452, %gather3A_2453, %gather3A_2454, %gather3A_2455] : memref<8x4x8x128xf32, #tpu.memory_space<vmem>> -> memref<1x4x8x128xf32, #tpu.memory_space<vmem>>
      %gather3A_2457 = tpu.memref_squeeze %gather3A_2456 : memref<1x4x8x128xf32, #tpu.memory_space<vmem>> -> memref<4x8x128xf32, #tpu.memory_space<vmem>>
      %gather3A_2458 = tpu.vector_load_idx %gather3A_2457[%shift_right_arithmetic3A_2448, %and3A_2451, %broadcast_in_dim3A_2422] : memref<4x8x128xf32, #tpu.memory_space<vmem>>[vector<16xi32>, vector<16xi32>, vector<16xi32>], vector<16xf32>,
      %add3A_2459 = vector.broadcast %mul3A_2424 : i32 to vector<16xi32>
      %add3A_2460 = arith.addi %add3A_2459, %add3A_2445 : vector<16xi32>
      tpu.vector_store_idx %arg10[%add3A_2460], %gather3A_2458 : memref<16384xf32, #tpu.memory_space<vmem>>[vector<16xi32>], vector<16xf32>,
      %mul3A_2461 = arith.constant 8 : i32
      %mul3A_2462 = arith.muli %add3A_2209, %mul3A_2461 : i32
      %add3A_2463 = arith.constant 5 : i32
      %add3A_2464 = arith.addi %mul3A_2462, %add3A_2463 : i32
      %and3A_2465 = arith.constant 127 : i32
      %and3A_2466 = arith.andi %squeeze3A_2226, %and3A_2465 : i32
      %iota3A_2467 = tpu.iota {dimensions = array<i32: 0>} : vector<16xi32>
      %broadcast_in_dim3A_2468 = vector.broadcast %and3A_2466 : i32 to vector<16xi32>
      %mul3A_2469 = arith.constant 32 : i32
      %mul3A_2470 = arith.muli %add3A_2464, %mul3A_2469 : i32
      %add3A_2471 = arith.constant 0 : i32
      %add3A_2472 = vector.broadcast %add3A_2471 : i32 to vector<16xi32>
      %add3A_2473 = arith.addi %iota3A_2467, %add3A_2472 : vector<16xi32>
      %shift_right_arithmetic3A_2474 = arith.constant 3 : i32
      %shift_right_arithmetic3A_2475 = vector.broadcast %shift_right_arithmetic3A_2474 : i32 to vector<16xi32>
      %shift_right_arithmetic3A_2476 = arith.shrsi %add3A_2473, %shift_right_arithmetic3A_2475 : vector<16xi32>
      %and3A_2477 = arith.constant 7 : i32
      %and3A_2478 = vector.broadcast %and3A_2477 : i32 to vector<16xi32>
      %and3A_2479 = arith.andi %add3A_2473, %and3A_2478 : vector<16xi32>
      %gather3A_2480 = arith.constant 5 : i32
      %gather3A_2481 = arith.constant 0 : i32
      %gather3A_2482 = arith.constant 0 : i32
      %gather3A_2483 = arith.constant 0 : i32
      %gather3A_2484 = tpu.memref_slice %arg7[%gather3A_2480, %gather3A_2481, %gather3A_2482, %gather3A_2483] : memref<8x4x8x128xf32, #tpu.memory_space<vmem>> -> memref<1x4x8x128xf32, #tpu.memory_space<vmem>>
      %gather3A_2485 = tpu.memref_squeeze %gather3A_2484 : memref<1x4x8x128xf32, #tpu.memory_space<vmem>> -> memref<4x8x128xf32, #tpu.memory_space<vmem>>
      %gather3A_2486 = tpu.vector_load_idx %gather3A_2485[%shift_right_arithmetic3A_2476, %and3A_2479, %broadcast_in_dim3A_2468] : memref<4x8x128xf32, #tpu.memory_space<vmem>>[vector<16xi32>, vector<16xi32>, vector<16xi32>], vector<16xf32>,
      %add3A_2487 = vector.broadcast %mul3A_2470 : i32 to vector<16xi32>
      %add3A_2488 = arith.addi %add3A_2487, %add3A_2473 : vector<16xi32>
      tpu.vector_store_idx %arg10[%add3A_2488], %gather3A_2486 : memref<16384xf32, #tpu.memory_space<vmem>>[vector<16xi32>], vector<16xf32>,
      %add3A_2489 = arith.constant 16 : i32
      %add3A_2490 = vector.broadcast %add3A_2489 : i32 to vector<16xi32>
      %add3A_2491 = arith.addi %iota3A_2467, %add3A_2490 : vector<16xi32>
      %shift_right_arithmetic3A_2492 = arith.constant 3 : i32
      %shift_right_arithmetic3A_2493 = vector.broadcast %shift_right_arithmetic3A_2492 : i32 to vector<16xi32>
      %shift_right_arithmetic3A_2494 = arith.shrsi %add3A_2491, %shift_right_arithmetic3A_2493 : vector<16xi32>
      %and3A_2495 = arith.constant 7 : i32
      %and3A_2496 = vector.broadcast %and3A_2495 : i32 to vector<16xi32>
      %and3A_2497 = arith.andi %add3A_2491, %and3A_2496 : vector<16xi32>
      %gather3A_2498 = arith.constant 5 : i32
      %gather3A_2499 = arith.constant 0 : i32
      %gather3A_2500 = arith.constant 0 : i32
      %gather3A_2501 = arith.constant 0 : i32
      %gather3A_2502 = tpu.memref_slice %arg7[%gather3A_2498, %gather3A_2499, %gather3A_2500, %gather3A_2501] : memref<8x4x8x128xf32, #tpu.memory_space<vmem>> -> memref<1x4x8x128xf32, #tpu.memory_space<vmem>>
      %gather3A_2503 = tpu.memref_squeeze %gather3A_2502 : memref<1x4x8x128xf32, #tpu.memory_space<vmem>> -> memref<4x8x128xf32, #tpu.memory_space<vmem>>
      %gather3A_2504 = tpu.vector_load_idx %gather3A_2503[%shift_right_arithmetic3A_2494, %and3A_2497, %broadcast_in_dim3A_2468] : memref<4x8x128xf32, #tpu.memory_space<vmem>>[vector<16xi32>, vector<16xi32>, vector<16xi32>], vector<16xf32>,
      %add3A_2505 = vector.broadcast %mul3A_2470 : i32 to vector<16xi32>
      %add3A_2506 = arith.addi %add3A_2505, %add3A_2491 : vector<16xi32>
      tpu.vector_store_idx %arg10[%add3A_2506], %gather3A_2504 : memref<16384xf32, #tpu.memory_space<vmem>>[vector<16xi32>], vector<16xf32>,
      %mul3A_2507 = arith.constant 8 : i32
      %mul3A_2508 = arith.muli %add3A_2209, %mul3A_2507 : i32
      %add3A_2509 = arith.constant 6 : i32
      %add3A_2510 = arith.addi %mul3A_2508, %add3A_2509 : i32
      %and3A_2511 = arith.constant 127 : i32
      %and3A_2512 = arith.andi %squeeze3A_2228, %and3A_2511 : i32
      %iota3A_2513 = tpu.iota {dimensions = array<i32: 0>} : vector<16xi32>
      %broadcast_in_dim3A_2514 = vector.broadcast %and3A_2512 : i32 to vector<16xi32>
      %mul3A_2515 = arith.constant 32 : i32
      %mul3A_2516 = arith.muli %add3A_2510, %mul3A_2515 : i32
      %add3A_2517 = arith.constant 0 : i32
      %add3A_2518 = vector.broadcast %add3A_2517 : i32 to vector<16xi32>
      %add3A_2519 = arith.addi %iota3A_2513, %add3A_2518 : vector<16xi32>
      %shift_right_arithmetic3A_2520 = arith.constant 3 : i32
      %shift_right_arithmetic3A_2521 = vector.broadcast %shift_right_arithmetic3A_2520 : i32 to vector<16xi32>
      %shift_right_arithmetic3A_2522 = arith.shrsi %add3A_2519, %shift_right_arithmetic3A_2521 : vector<16xi32>
      %and3A_2523 = arith.constant 7 : i32
      %and3A_2524 = vector.broadcast %and3A_2523 : i32 to vector<16xi32>
      %and3A_2525 = arith.andi %add3A_2519, %and3A_2524 : vector<16xi32>
      %gather3A_2526 = arith.constant 6 : i32
      %gather3A_2527 = arith.constant 0 : i32
      %gather3A_2528 = arith.constant 0 : i32
      %gather3A_2529 = arith.constant 0 : i32
      %gather3A_2530 = tpu.memref_slice %arg7[%gather3A_2526, %gather3A_2527, %gather3A_2528, %gather3A_2529] : memref<8x4x8x128xf32, #tpu.memory_space<vmem>> -> memref<1x4x8x128xf32, #tpu.memory_space<vmem>>
      %gather3A_2531 = tpu.memref_squeeze %gather3A_2530 : memref<1x4x8x128xf32, #tpu.memory_space<vmem>> -> memref<4x8x128xf32, #tpu.memory_space<vmem>>
      %gather3A_2532 = tpu.vector_load_idx %gather3A_2531[%shift_right_arithmetic3A_2522, %and3A_2525, %broadcast_in_dim3A_2514] : memref<4x8x128xf32, #tpu.memory_space<vmem>>[vector<16xi32>, vector<16xi32>, vector<16xi32>], vector<16xf32>,
      %add3A_2533 = vector.broadcast %mul3A_2516 : i32 to vector<16xi32>
      %add3A_2534 = arith.addi %add3A_2533, %add3A_2519 : vector<16xi32>
      tpu.vector_store_idx %arg10[%add3A_2534], %gather3A_2532 : memref<16384xf32, #tpu.memory_space<vmem>>[vector<16xi32>], vector<16xf32>,
      %add3A_2535 = arith.constant 16 : i32
      %add3A_2536 = vector.broadcast %add3A_2535 : i32 to vector<16xi32>
      %add3A_2537 = arith.addi %iota3A_2513, %add3A_2536 : vector<16xi32>
      %shift_right_arithmetic3A_2538 = arith.constant 3 : i32
      %shift_right_arithmetic3A_2539 = vector.broadcast %shift_right_arithmetic3A_2538 : i32 to vector<16xi32>
      %shift_right_arithmetic3A_2540 = arith.shrsi %add3A_2537, %shift_right_arithmetic3A_2539 : vector<16xi32>
      %and3A_2541 = arith.constant 7 : i32
      %and3A_2542 = vector.broadcast %and3A_2541 : i32 to vector<16xi32>
      %and3A_2543 = arith.andi %add3A_2537, %and3A_2542 : vector<16xi32>
      %gather3A_2544 = arith.constant 6 : i32
      %gather3A_2545 = arith.constant 0 : i32
      %gather3A_2546 = arith.constant 0 : i32
      %gather3A_2547 = arith.constant 0 : i32
      %gather3A_2548 = tpu.memref_slice %arg7[%gather3A_2544, %gather3A_2545, %gather3A_2546, %gather3A_2547] : memref<8x4x8x128xf32, #tpu.memory_space<vmem>> -> memref<1x4x8x128xf32, #tpu.memory_space<vmem>>
      %gather3A_2549 = tpu.memref_squeeze %gather3A_2548 : memref<1x4x8x128xf32, #tpu.memory_space<vmem>> -> memref<4x8x128xf32, #tpu.memory_space<vmem>>
      %gather3A_2550 = tpu.vector_load_idx %gather3A_2549[%shift_right_arithmetic3A_2540, %and3A_2543, %broadcast_in_dim3A_2514] : memref<4x8x128xf32, #tpu.memory_space<vmem>>[vector<16xi32>, vector<16xi32>, vector<16xi32>], vector<16xf32>,
      %add3A_2551 = vector.broadcast %mul3A_2516 : i32 to vector<16xi32>
      %add3A_2552 = arith.addi %add3A_2551, %add3A_2537 : vector<16xi32>
      tpu.vector_store_idx %arg10[%add3A_2552], %gather3A_2550 : memref<16384xf32, #tpu.memory_space<vmem>>[vector<16xi32>], vector<16xf32>,
      %mul3A_2553 = arith.constant 8 : i32
      %mul3A_2554 = arith.muli %add3A_2209, %mul3A_2553 : i32
      %add3A_2555 = arith.constant 7 : i32
      %add3A_2556 = arith.addi %mul3A_2554, %add3A_2555 : i32
      %and3A_2557 = arith.constant 127 : i32
      %and3A_2558 = arith.andi %squeeze3A_2230, %and3A_2557 : i32
      %iota3A_2559 = tpu.iota {dimensions = array<i32: 0>} : vector<16xi32>
      %broadcast_in_dim3A_2560 = vector.broadcast %and3A_2558 : i32 to vector<16xi32>
      %mul3A_2561 = arith.constant 32 : i32
      %mul3A_2562 = arith.muli %add3A_2556, %mul3A_2561 : i32
      %add3A_2563 = arith.constant 0 : i32
      %add3A_2564 = vector.broadcast %add3A_2563 : i32 to vector<16xi32>
      %add3A_2565 = arith.addi %iota3A_2559, %add3A_2564 : vector<16xi32>
      %shift_right_arithmetic3A_2566 = arith.constant 3 : i32
      %shift_right_arithmetic3A_2567 = vector.broadcast %shift_right_arithmetic3A_2566 : i32 to vector<16xi32>
      %shift_right_arithmetic3A_2568 = arith.shrsi %add3A_2565, %shift_right_arithmetic3A_2567 : vector<16xi32>
      %and3A_2569 = arith.constant 7 : i32
      %and3A_2570 = vector.broadcast %and3A_2569 : i32 to vector<16xi32>
      %and3A_2571 = arith.andi %add3A_2565, %and3A_2570 : vector<16xi32>
      %gather3A_2572 = arith.constant 7 : i32
      %gather3A_2573 = arith.constant 0 : i32
      %gather3A_2574 = arith.constant 0 : i32
      %gather3A_2575 = arith.constant 0 : i32
      %gather3A_2576 = tpu.memref_slice %arg7[%gather3A_2572, %gather3A_2573, %gather3A_2574, %gather3A_2575] : memref<8x4x8x128xf32, #tpu.memory_space<vmem>> -> memref<1x4x8x128xf32, #tpu.memory_space<vmem>>
      %gather3A_2577 = tpu.memref_squeeze %gather3A_2576 : memref<1x4x8x128xf32, #tpu.memory_space<vmem>> -> memref<4x8x128xf32, #tpu.memory_space<vmem>>
      %gather3A_2578 = tpu.vector_load_idx %gather3A_2577[%shift_right_arithmetic3A_2568, %and3A_2571, %broadcast_in_dim3A_2560] : memref<4x8x128xf32, #tpu.memory_space<vmem>>[vector<16xi32>, vector<16xi32>, vector<16xi32>], vector<16xf32>,
      %add3A_2579 = vector.broadcast %mul3A_2562 : i32 to vector<16xi32>
      %add3A_2580 = arith.addi %add3A_2579, %add3A_2565 : vector<16xi32>
      tpu.vector_store_idx %arg10[%add3A_2580], %gather3A_2578 : memref<16384xf32, #tpu.memory_space<vmem>>[vector<16xi32>], vector<16xf32>,
      %add3A_2581 = arith.constant 16 : i32
      %add3A_2582 = vector.broadcast %add3A_2581 : i32 to vector<16xi32>
      %add3A_2583 = arith.addi %iota3A_2559, %add3A_2582 : vector<16xi32>
      %shift_right_arithmetic3A_2584 = arith.constant 3 : i32
      %shift_right_arithmetic3A_2585 = vector.broadcast %shift_right_arithmetic3A_2584 : i32 to vector<16xi32>
      %shift_right_arithmetic3A_2586 = arith.shrsi %add3A_2583, %shift_right_arithmetic3A_2585 : vector<16xi32>
      %and3A_2587 = arith.constant 7 : i32
      %and3A_2588 = vector.broadcast %and3A_2587 : i32 to vector<16xi32>
      %and3A_2589 = arith.andi %add3A_2583, %and3A_2588 : vector<16xi32>
      %gather3A_2590 = arith.constant 7 : i32
      %gather3A_2591 = arith.constant 0 : i32
      %gather3A_2592 = arith.constant 0 : i32
      %gather3A_2593 = arith.constant 0 : i32
      %gather3A_2594 = tpu.memref_slice %arg7[%gather3A_2590, %gather3A_2591, %gather3A_2592, %gather3A_2593] : memref<8x4x8x128xf32, #tpu.memory_space<vmem>> -> memref<1x4x8x128xf32, #tpu.memory_space<vmem>>
      %gather3A_2595 = tpu.memref_squeeze %gather3A_2594 : memref<1x4x8x128xf32, #tpu.memory_space<vmem>> -> memref<4x8x128xf32, #tpu.memory_space<vmem>>
      %gather3A_2596 = tpu.vector_load_idx %gather3A_2595[%shift_right_arithmetic3A_2586, %and3A_2589, %broadcast_in_dim3A_2560] : memref<4x8x128xf32, #tpu.memory_space<vmem>>[vector<16xi32>, vector<16xi32>, vector<16xi32>], vector<16xf32>,
      %add3A_2597 = vector.broadcast %mul3A_2562 : i32 to vector<16xi32>
      %add3A_2598 = arith.addi %add3A_2597, %add3A_2583 : vector<16xi32>
      tpu.vector_store_idx %arg10[%add3A_2598], %gather3A_2596 : memref<16384xf32, #tpu.memory_space<vmem>>[vector<16xi32>], vector<16xf32>,
      %add3A_2599 = arith.constant 0 : i32
      %add3A_2600 = arith.addi %mul3A_2207, %add3A_2599 : i32
      %add3A_2601 = arith.constant 3 : i32
      %add3A_2602 = arith.addi %add3A_2600, %add3A_2601 : i32
      %mul3A_2603 = arith.constant 8 : i32
      %mul3A_2604 = arith.muli %add3A_2602, %mul3A_2603 : i32
      %multiple_of3A_2605 = tpu.assume_multiple %mul3A_2604, 8 : i32
      %get3A_2606 = arith.index_cast %multiple_of3A_2605 : i32 to index
      %get3A_2607 = tpu.vector_load %arg6[%get3A_2606] {strides = array<i32>} : memref<528xi32, #tpu.memory_space<vmem>>, vector<16xi32>,
      %slice3A_2608 = vector.extract_strided_slice %get3A_2607 {offsets = [0], sizes = [1], strides = [1]} : vector<16xi32> to vector<1xi32>
      %squeeze3A_2609 = vector.extract %slice3A_2608[0] : i32 from vector<1xi32>
      %slice3A_2610 = vector.extract_strided_slice %get3A_2607 {offsets = [1], sizes = [1], strides = [1]} : vector<16xi32> to vector<1xi32>
      %squeeze3A_2611 = vector.extract %slice3A_2610[0] : i32 from vector<1xi32>
      %slice3A_2612 = vector.extract_strided_slice %get3A_2607 {offsets = [2], sizes = [1], strides = [1]} : vector<16xi32> to vector<1xi32>
      %squeeze3A_2613 = vector.extract %slice3A_2612[0] : i32 from vector<1xi32>
      %slice3A_2614 = vector.extract_strided_slice %get3A_2607 {offsets = [3], sizes = [1], strides = [1]} : vector<16xi32> to vector<1xi32>
      %squeeze3A_2615 = vector.extract %slice3A_2614[0] : i32 from vector<1xi32>
      %slice3A_2616 = vector.extract_strided_slice %get3A_2607 {offsets = [4], sizes = [1], strides = [1]} : vector<16xi32> to vector<1xi32>
      %squeeze3A_2617 = vector.extract %slice3A_2616[0] : i32 from vector<1xi32>
      %slice3A_2618 = vector.extract_strided_slice %get3A_2607 {offsets = [5], sizes = [1], strides = [1]} : vector<16xi32> to vector<1xi32>
      %squeeze3A_2619 = vector.extract %slice3A_2618[0] : i32 from vector<1xi32>
      %slice3A_2620 = vector.extract_strided_slice %get3A_2607 {offsets = [6], sizes = [1], strides = [1]} : vector<16xi32> to vector<1xi32>
      %squeeze3A_2621 = vector.extract %slice3A_2620[0] : i32 from vector<1xi32>
      %slice3A_2622 = vector.extract_strided_slice %get3A_2607 {offsets = [7], sizes = [1], strides = [1]} : vector<16xi32> to vector<1xi32>
      %squeeze3A_2623 = vector.extract %slice3A_2622[0] : i32 from vector<1xi32>
      %shift_right_arithmetic3A_2624 = arith.constant 7 : i32
      %shift_right_arithmetic3A_2625 = arith.shrsi %squeeze3A_2609, %shift_right_arithmetic3A_2624 : i32
      %shift_left3A_2626 = arith.constant 7 : i32
      %shift_left3A_2627 = arith.shli %shift_right_arithmetic3A_2625, %shift_left3A_2626 : i32
      %multiple_of3A_2628 = tpu.assume_multiple %shift_left3A_2627, 128 : i32
      %dma_start3A_2629 = arith.constant 0 : i32
      %dma_start3A_2630 = arith.constant 0 : i32
      %dma_start3A_2631 = arith.constant 0 : i32
      %dma_start3A_2632 = arith.constant 0 : i32
      %dma_start3A_2633 = tpu.memref_slice %arg7[%dma_start3A_2629, %dma_start3A_2630, %dma_start3A_2631, %dma_start3A_2632] : memref<8x4x8x128xf32, #tpu.memory_space<vmem>> -> memref<1x4x8x128xf32, #tpu.memory_space<vmem>>
      %dma_start3A_2634 = tpu.memref_squeeze %dma_start3A_2633 : memref<1x4x8x128xf32, #tpu.memory_space<vmem>> -> memref<4x8x128xf32, #tpu.memory_space<vmem>>
      %dma_start3A_2635 = arith.constant 0 : i32
      %dma_start3A_2636 = arith.constant 0 : i32
      %dma_start3A_2637 = tpu.memref_slice %arg3[%dma_start3A_2635, %dma_start3A_2636, %multiple_of3A_2628] : memref<4x8x1000001xf32, #tpu.memory_space<hbm>> -> memref<4x8x128xf32, #tpu.memory_space<hbm>>
      %dma_start3A_2638 = arith.constant 0 : i32
      %dma_start3A_2639 = arith.constant 0 : i32
      %dma_start3A_2640 = arith.constant 0 : i32
      %dma_start3A_2641 = tpu.memref_slice %arg7[%dma_start3A_2629, %dma_start3A_2638, %dma_start3A_2639, %dma_start3A_2640] : memref<8x4x8x128xf32, #tpu.memory_space<vmem>> -> memref<1x4x8x128xf32, #tpu.memory_space<vmem>>
      %dma_start3A_2642 = tpu.memref_squeeze %dma_start3A_2641 : memref<1x4x8x128xf32, #tpu.memory_space<vmem>> -> memref<4x8x128xf32, #tpu.memory_space<vmem>>
      %dma_start3A_2643 = arith.constant 0 : i32
      %dma_start3A_2644 = arith.constant 0 : i32
      %dma_start3A_2645 = tpu.memref_slice %arg3[%dma_start3A_2643, %dma_start3A_2644, %multiple_of3A_2628] : memref<4x8x1000001xf32, #tpu.memory_space<hbm>> -> memref<4x8x128xf32, #tpu.memory_space<hbm>>
      tpu.enqueue_dma source(%dma_start3A_2645 : memref<4x8x128xf32, #tpu.memory_space<hbm>>) target(%dma_start3A_2642 : memref<4x8x128xf32, #tpu.memory_space<vmem>>) target_semaphore(%arg11 : memref<!tpu.dma_semaphore, #tpu.memory_space<semaphore_mem>>)
      %shift_right_arithmetic3A_2646 = arith.constant 7 : i32
      %shift_right_arithmetic3A_2647 = arith.shrsi %squeeze3A_2611, %shift_right_arithmetic3A_2646 : i32
      %shift_left3A_2648 = arith.constant 7 : i32
      %shift_left3A_2649 = arith.shli %shift_right_arithmetic3A_2647, %shift_left3A_2648 : i32
      %multiple_of3A_2650 = tpu.assume_multiple %shift_left3A_2649, 128 : i32
      %dma_start3A_2651 = arith.constant 1 : i32
      %dma_start3A_2652 = arith.constant 0 : i32
      %dma_start3A_2653 = arith.constant 0 : i32
      %dma_start3A_2654 = arith.constant 0 : i32
      %dma_start3A_2655 = tpu.memref_slice %arg7[%dma_start3A_2651, %dma_start3A_2652, %dma_start3A_2653, %dma_start3A_2654] : memref<8x4x8x128xf32, #tpu.memory_space<vmem>> -> memref<1x4x8x128xf32, #tpu.memory_space<vmem>>
      %dma_start3A_2656 = tpu.memref_squeeze %dma_start3A_2655 : memref<1x4x8x128xf32, #tpu.memory_space<vmem>> -> memref<4x8x128xf32, #tpu.memory_space<vmem>>
      %dma_start3A_2657 = arith.constant 0 : i32
      %dma_start3A_2658 = arith.constant 0 : i32
      %dma_start3A_2659 = tpu.memref_slice %arg3[%dma_start3A_2657, %dma_start3A_2658, %multiple_of3A_2650] : memref<4x8x1000001xf32, #tpu.memory_space<hbm>> -> memref<4x8x128xf32, #tpu.memory_space<hbm>>
      %dma_start3A_2660 = arith.constant 0 : i32
      %dma_start3A_2661 = arith.constant 0 : i32
      %dma_start3A_2662 = arith.constant 0 : i32
      %dma_start3A_2663 = tpu.memref_slice %arg7[%dma_start3A_2651, %dma_start3A_2660, %dma_start3A_2661, %dma_start3A_2662] : memref<8x4x8x128xf32, #tpu.memory_space<vmem>> -> memref<1x4x8x128xf32, #tpu.memory_space<vmem>>
      %dma_start3A_2664 = tpu.memref_squeeze %dma_start3A_2663 : memref<1x4x8x128xf32, #tpu.memory_space<vmem>> -> memref<4x8x128xf32, #tpu.memory_space<vmem>>
      %dma_start3A_2665 = arith.constant 0 : i32
      %dma_start3A_2666 = arith.constant 0 : i32
      %dma_start3A_2667 = tpu.memref_slice %arg3[%dma_start3A_2665, %dma_start3A_2666, %multiple_of3A_2650] : memref<4x8x1000001xf32, #tpu.memory_space<hbm>> -> memref<4x8x128xf32, #tpu.memory_space<hbm>>
      tpu.enqueue_dma source(%dma_start3A_2667 : memref<4x8x128xf32, #tpu.memory_space<hbm>>) target(%dma_start3A_2664 : memref<4x8x128xf32, #tpu.memory_space<vmem>>) target_semaphore(%arg11 : memref<!tpu.dma_semaphore, #tpu.memory_space<semaphore_mem>>)
      %shift_right_arithmetic3A_2668 = arith.constant 7 : i32
      %shift_right_arithmetic3A_2669 = arith.shrsi %squeeze3A_2613, %shift_right_arithmetic3A_2668 : i32
      %shift_left3A_2670 = arith.constant 7 : i32
      %shift_left3A_2671 = arith.shli %shift_right_arithmetic3A_2669, %shift_left3A_2670 : i32
      %multiple_of3A_2672 = tpu.assume_multiple %shift_left3A_2671, 128 : i32
      %dma_start3A_2673 = arith.constant 2 : i32
      %dma_start3A_2674 = arith.constant 0 : i32
      %dma_start3A_2675 = arith.constant 0 : i32
      %dma_start3A_2676 = arith.constant 0 : i32
      %dma_start3A_2677 = tpu.memref_slice %arg7[%dma_start3A_2673, %dma_start3A_2674, %dma_start3A_2675, %dma_start3A_2676] : memref<8x4x8x128xf32, #tpu.memory_space<vmem>> -> memref<1x4x8x128xf32, #tpu.memory_space<vmem>>
      %dma_start3A_2678 = tpu.memref_squeeze %dma_start3A_2677 : memref<1x4x8x128xf32, #tpu.memory_space<vmem>> -> memref<4x8x128xf32, #tpu.memory_space<vmem>>
      %dma_start3A_2679 = arith.constant 0 : i32
      %dma_start3A_2680 = arith.constant 0 : i32
      %dma_start3A_2681 = tpu.memref_slice %arg3[%dma_start3A_2679, %dma_start3A_2680, %multiple_of3A_2672] : memref<4x8x1000001xf32, #tpu.memory_space<hbm>> -> memref<4x8x128xf32, #tpu.memory_space<hbm>>
      %dma_start3A_2682 = arith.constant 0 : i32
      %dma_start3A_2683 = arith.constant 0 : i32
      %dma_start3A_2684 = arith.constant 0 : i32
      %dma_start3A_2685 = tpu.memref_slice %arg7[%dma_start3A_2673, %dma_start3A_2682, %dma_start3A_2683, %dma_start3A_2684] : memref<8x4x8x128xf32, #tpu.memory_space<vmem>> -> memref<1x4x8x128xf32, #tpu.memory_space<vmem>>
      %dma_start3A_2686 = tpu.memref_squeeze %dma_start3A_2685 : memref<1x4x8x128xf32, #tpu.memory_space<vmem>> -> memref<4x8x128xf32, #tpu.memory_space<vmem>>
      %dma_start3A_2687 = arith.constant 0 : i32
      %dma_start3A_2688 = arith.constant 0 : i32
      %dma_start3A_2689 = tpu.memref_slice %arg3[%dma_start3A_2687, %dma_start3A_2688, %multiple_of3A_2672] : memref<4x8x1000001xf32, #tpu.memory_space<hbm>> -> memref<4x8x128xf32, #tpu.memory_space<hbm>>
      tpu.enqueue_dma source(%dma_start3A_2689 : memref<4x8x128xf32, #tpu.memory_space<hbm>>) target(%dma_start3A_2686 : memref<4x8x128xf32, #tpu.memory_space<vmem>>) target_semaphore(%arg11 : memref<!tpu.dma_semaphore, #tpu.memory_space<semaphore_mem>>)
      %shift_right_arithmetic3A_2690 = arith.constant 7 : i32
      %shift_right_arithmetic3A_2691 = arith.shrsi %squeeze3A_2615, %shift_right_arithmetic3A_2690 : i32
      %shift_left3A_2692 = arith.constant 7 : i32
      %shift_left3A_2693 = arith.shli %shift_right_arithmetic3A_2691, %shift_left3A_2692 : i32
      %multiple_of3A_2694 = tpu.assume_multiple %shift_left3A_2693, 128 : i32
      %dma_start3A_2695 = arith.constant 3 : i32
      %dma_start3A_2696 = arith.constant 0 : i32
      %dma_start3A_2697 = arith.constant 0 : i32
      %dma_start3A_2698 = arith.constant 0 : i32
      %dma_start3A_2699 = tpu.memref_slice %arg7[%dma_start3A_2695, %dma_start3A_2696, %dma_start3A_2697, %dma_start3A_2698] : memref<8x4x8x128xf32, #tpu.memory_space<vmem>> -> memref<1x4x8x128xf32, #tpu.memory_space<vmem>>
      %dma_start3A_2700 = tpu.memref_squeeze %dma_start3A_2699 : memref<1x4x8x128xf32, #tpu.memory_space<vmem>> -> memref<4x8x128xf32, #tpu.memory_space<vmem>>
      %dma_start3A_2701 = arith.constant 0 : i32
      %dma_start3A_2702 = arith.constant 0 : i32
      %dma_start3A_2703 = tpu.memref_slice %arg3[%dma_start3A_2701, %dma_start3A_2702, %multiple_of3A_2694] : memref<4x8x1000001xf32, #tpu.memory_space<hbm>> -> memref<4x8x128xf32, #tpu.memory_space<hbm>>
      %dma_start3A_2704 = arith.constant 0 : i32
      %dma_start3A_2705 = arith.constant 0 : i32
      %dma_start3A_2706 = arith.constant 0 : i32
      %dma_start3A_2707 = tpu.memref_slice %arg7[%dma_start3A_2695, %dma_start3A_2704, %dma_start3A_2705, %dma_start3A_2706] : memref<8x4x8x128xf32, #tpu.memory_space<vmem>> -> memref<1x4x8x128xf32, #tpu.memory_space<vmem>>
      %dma_start3A_2708 = tpu.memref_squeeze %dma_start3A_2707 : memref<1x4x8x128xf32, #tpu.memory_space<vmem>> -> memref<4x8x128xf32, #tpu.memory_space<vmem>>
      %dma_start3A_2709 = arith.constant 0 : i32
      %dma_start3A_2710 = arith.constant 0 : i32
      %dma_start3A_2711 = tpu.memref_slice %arg3[%dma_start3A_2709, %dma_start3A_2710, %multiple_of3A_2694] : memref<4x8x1000001xf32, #tpu.memory_space<hbm>> -> memref<4x8x128xf32, #tpu.memory_space<hbm>>
      tpu.enqueue_dma source(%dma_start3A_2711 : memref<4x8x128xf32, #tpu.memory_space<hbm>>) target(%dma_start3A_2708 : memref<4x8x128xf32, #tpu.memory_space<vmem>>) target_semaphore(%arg11 : memref<!tpu.dma_semaphore, #tpu.memory_space<semaphore_mem>>)
      %shift_right_arithmetic3A_2712 = arith.constant 7 : i32
      %shift_right_arithmetic3A_2713 = arith.shrsi %squeeze3A_2617, %shift_right_arithmetic3A_2712 : i32
      %shift_left3A_2714 = arith.constant 7 : i32
      %shift_left3A_2715 = arith.shli %shift_right_arithmetic3A_2713, %shift_left3A_2714 : i32
      %multiple_of3A_2716 = tpu.assume_multiple %shift_left3A_2715, 128 : i32
      %dma_start3A_2717 = arith.constant 4 : i32
      %dma_start3A_2718 = arith.constant 0 : i32
      %dma_start3A_2719 = arith.constant 0 : i32
      %dma_start3A_2720 = arith.constant 0 : i32
      %dma_start3A_2721 = tpu.memref_slice %arg7[%dma_start3A_2717, %dma_start3A_2718, %dma_start3A_2719, %dma_start3A_2720] : memref<8x4x8x128xf32, #tpu.memory_space<vmem>> -> memref<1x4x8x128xf32, #tpu.memory_space<vmem>>
      %dma_start3A_2722 = tpu.memref_squeeze %dma_start3A_2721 : memref<1x4x8x128xf32, #tpu.memory_space<vmem>> -> memref<4x8x128xf32, #tpu.memory_space<vmem>>
      %dma_start3A_2723 = arith.constant 0 : i32
      %dma_start3A_2724 = arith.constant 0 : i32
      %dma_start3A_2725 = tpu.memref_slice %arg3[%dma_start3A_2723, %dma_start3A_2724, %multiple_of3A_2716] : memref<4x8x1000001xf32, #tpu.memory_space<hbm>> -> memref<4x8x128xf32, #tpu.memory_space<hbm>>
      %dma_start3A_2726 = arith.constant 0 : i32
      %dma_start3A_2727 = arith.constant 0 : i32
      %dma_start3A_2728 = arith.constant 0 : i32
      %dma_start3A_2729 = tpu.memref_slice %arg7[%dma_start3A_2717, %dma_start3A_2726, %dma_start3A_2727, %dma_start3A_2728] : memref<8x4x8x128xf32, #tpu.memory_space<vmem>> -> memref<1x4x8x128xf32, #tpu.memory_space<vmem>>
      %dma_start3A_2730 = tpu.memref_squeeze %dma_start3A_2729 : memref<1x4x8x128xf32, #tpu.memory_space<vmem>> -> memref<4x8x128xf32, #tpu.memory_space<vmem>>
      %dma_start3A_2731 = arith.constant 0 : i32
      %dma_start3A_2732 = arith.constant 0 : i32
      %dma_start3A_2733 = tpu.memref_slice %arg3[%dma_start3A_2731, %dma_start3A_2732, %multiple_of3A_2716] : memref<4x8x1000001xf32, #tpu.memory_space<hbm>> -> memref<4x8x128xf32, #tpu.memory_space<hbm>>
      tpu.enqueue_dma source(%dma_start3A_2733 : memref<4x8x128xf32, #tpu.memory_space<hbm>>) target(%dma_start3A_2730 : memref<4x8x128xf32, #tpu.memory_space<vmem>>) target_semaphore(%arg11 : memref<!tpu.dma_semaphore, #tpu.memory_space<semaphore_mem>>)
      %shift_right_arithmetic3A_2734 = arith.constant 7 : i32
      %shift_right_arithmetic3A_2735 = arith.shrsi %squeeze3A_2619, %shift_right_arithmetic3A_2734 : i32
      %shift_left3A_2736 = arith.constant 7 : i32
      %shift_left3A_2737 = arith.shli %shift_right_arithmetic3A_2735, %shift_left3A_2736 : i32
      %multiple_of3A_2738 = tpu.assume_multiple %shift_left3A_2737, 128 : i32
      %dma_start3A_2739 = arith.constant 5 : i32
      %dma_start3A_2740 = arith.constant 0 : i32
      %dma_start3A_2741 = arith.constant 0 : i32
      %dma_start3A_2742 = arith.constant 0 : i32
      %dma_start3A_2743 = tpu.memref_slice %arg7[%dma_start3A_2739, %dma_start3A_2740, %dma_start3A_2741, %dma_start3A_2742] : memref<8x4x8x128xf32, #tpu.memory_space<vmem>> -> memref<1x4x8x128xf32, #tpu.memory_space<vmem>>
      %dma_start3A_2744 = tpu.memref_squeeze %dma_start3A_2743 : memref<1x4x8x128xf32, #tpu.memory_space<vmem>> -> memref<4x8x128xf32, #tpu.memory_space<vmem>>
      %dma_start3A_2745 = arith.constant 0 : i32
      %dma_start3A_2746 = arith.constant 0 : i32
      %dma_start3A_2747 = tpu.memref_slice %arg3[%dma_start3A_2745, %dma_start3A_2746, %multiple_of3A_2738] : memref<4x8x1000001xf32, #tpu.memory_space<hbm>> -> memref<4x8x128xf32, #tpu.memory_space<hbm>>
      %dma_start3A_2748 = arith.constant 0 : i32
      %dma_start3A_2749 = arith.constant 0 : i32
      %dma_start3A_2750 = arith.constant 0 : i32
      %dma_start3A_2751 = tpu.memref_slice %arg7[%dma_start3A_2739, %dma_start3A_2748, %dma_start3A_2749, %dma_start3A_2750] : memref<8x4x8x128xf32, #tpu.memory_space<vmem>> -> memref<1x4x8x128xf32, #tpu.memory_space<vmem>>
      %dma_start3A_2752 = tpu.memref_squeeze %dma_start3A_2751 : memref<1x4x8x128xf32, #tpu.memory_space<vmem>> -> memref<4x8x128xf32, #tpu.memory_space<vmem>>
      %dma_start3A_2753 = arith.constant 0 : i32
      %dma_start3A_2754 = arith.constant 0 : i32
      %dma_start3A_2755 = tpu.memref_slice %arg3[%dma_start3A_2753, %dma_start3A_2754, %multiple_of3A_2738] : memref<4x8x1000001xf32, #tpu.memory_space<hbm>> -> memref<4x8x128xf32, #tpu.memory_space<hbm>>
      tpu.enqueue_dma source(%dma_start3A_2755 : memref<4x8x128xf32, #tpu.memory_space<hbm>>) target(%dma_start3A_2752 : memref<4x8x128xf32, #tpu.memory_space<vmem>>) target_semaphore(%arg11 : memref<!tpu.dma_semaphore, #tpu.memory_space<semaphore_mem>>)
      %shift_right_arithmetic3A_2756 = arith.constant 7 : i32
      %shift_right_arithmetic3A_2757 = arith.shrsi %squeeze3A_2621, %shift_right_arithmetic3A_2756 : i32
      %shift_left3A_2758 = arith.constant 7 : i32
      %shift_left3A_2759 = arith.shli %shift_right_arithmetic3A_2757, %shift_left3A_2758 : i32
      %multiple_of3A_2760 = tpu.assume_multiple %shift_left3A_2759, 128 : i32
      %dma_start3A_2761 = arith.constant 6 : i32
      %dma_start3A_2762 = arith.constant 0 : i32
      %dma_start3A_2763 = arith.constant 0 : i32
      %dma_start3A_2764 = arith.constant 0 : i32
      %dma_start3A_2765 = tpu.memref_slice %arg7[%dma_start3A_2761, %dma_start3A_2762, %dma_start3A_2763, %dma_start3A_2764] : memref<8x4x8x128xf32, #tpu.memory_space<vmem>> -> memref<1x4x8x128xf32, #tpu.memory_space<vmem>>
      %dma_start3A_2766 = tpu.memref_squeeze %dma_start3A_2765 : memref<1x4x8x128xf32, #tpu.memory_space<vmem>> -> memref<4x8x128xf32, #tpu.memory_space<vmem>>
      %dma_start3A_2767 = arith.constant 0 : i32
      %dma_start3A_2768 = arith.constant 0 : i32
      %dma_start3A_2769 = tpu.memref_slice %arg3[%dma_start3A_2767, %dma_start3A_2768, %multiple_of3A_2760] : memref<4x8x1000001xf32, #tpu.memory_space<hbm>> -> memref<4x8x128xf32, #tpu.memory_space<hbm>>
      %dma_start3A_2770 = arith.constant 0 : i32
      %dma_start3A_2771 = arith.constant 0 : i32
      %dma_start3A_2772 = arith.constant 0 : i32
      %dma_start3A_2773 = tpu.memref_slice %arg7[%dma_start3A_2761, %dma_start3A_2770, %dma_start3A_2771, %dma_start3A_2772] : memref<8x4x8x128xf32, #tpu.memory_space<vmem>> -> memref<1x4x8x128xf32, #tpu.memory_space<vmem>>
      %dma_start3A_2774 = tpu.memref_squeeze %dma_start3A_2773 : memref<1x4x8x128xf32, #tpu.memory_space<vmem>> -> memref<4x8x128xf32, #tpu.memory_space<vmem>>
      %dma_start3A_2775 = arith.constant 0 : i32
      %dma_start3A_2776 = arith.constant 0 : i32
      %dma_start3A_2777 = tpu.memref_slice %arg3[%dma_start3A_2775, %dma_start3A_2776, %multiple_of3A_2760] : memref<4x8x1000001xf32, #tpu.memory_space<hbm>> -> memref<4x8x128xf32, #tpu.memory_space<hbm>>
      tpu.enqueue_dma source(%dma_start3A_2777 : memref<4x8x128xf32, #tpu.memory_space<hbm>>) target(%dma_start3A_2774 : memref<4x8x128xf32, #tpu.memory_space<vmem>>) target_semaphore(%arg11 : memref<!tpu.dma_semaphore, #tpu.memory_space<semaphore_mem>>)
      %shift_right_arithmetic3A_2778 = arith.constant 7 : i32
      %shift_right_arithmetic3A_2779 = arith.shrsi %squeeze3A_2623, %shift_right_arithmetic3A_2778 : i32
      %shift_left3A_2780 = arith.constant 7 : i32
      %shift_left3A_2781 = arith.shli %shift_right_arithmetic3A_2779, %shift_left3A_2780 : i32
      %multiple_of3A_2782 = tpu.assume_multiple %shift_left3A_2781, 128 : i32
      %dma_start3A_2783 = arith.constant 7 : i32
      %dma_start3A_2784 = arith.constant 0 : i32
      %dma_start3A_2785 = arith.constant 0 : i32
      %dma_start3A_2786 = arith.constant 0 : i32
      %dma_start3A_2787 = tpu.memref_slice %arg7[%dma_start3A_2783, %dma_start3A_2784, %dma_start3A_2785, %dma_start3A_2786] : memref<8x4x8x128xf32, #tpu.memory_space<vmem>> -> memref<1x4x8x128xf32, #tpu.memory_space<vmem>>
      %dma_start3A_2788 = tpu.memref_squeeze %dma_start3A_2787 : memref<1x4x8x128xf32, #tpu.memory_space<vmem>> -> memref<4x8x128xf32, #tpu.memory_space<vmem>>
      %dma_start3A_2789 = arith.constant 0 : i32
      %dma_start3A_2790 = arith.constant 0 : i32
      %dma_start3A_2791 = tpu.memref_slice %arg3[%dma_start3A_2789, %dma_start3A_2790, %multiple_of3A_2782] : memref<4x8x1000001xf32, #tpu.memory_space<hbm>> -> memref<4x8x128xf32, #tpu.memory_space<hbm>>
      %dma_start3A_2792 = arith.constant 0 : i32
      %dma_start3A_2793 = arith.constant 0 : i32
      %dma_start3A_2794 = arith.constant 0 : i32
      %dma_start3A_2795 = tpu.memref_slice %arg7[%dma_start3A_2783, %dma_start3A_2792, %dma_start3A_2793, %dma_start3A_2794] : memref<8x4x8x128xf32, #tpu.memory_space<vmem>> -> memref<1x4x8x128xf32, #tpu.memory_space<vmem>>
      %dma_start3A_2796 = tpu.memref_squeeze %dma_start3A_2795 : memref<1x4x8x128xf32, #tpu.memory_space<vmem>> -> memref<4x8x128xf32, #tpu.memory_space<vmem>>
      %dma_start3A_2797 = arith.constant 0 : i32
      %dma_start3A_2798 = arith.constant 0 : i32
      %dma_start3A_2799 = tpu.memref_slice %arg3[%dma_start3A_2797, %dma_start3A_2798, %multiple_of3A_2782] : memref<4x8x1000001xf32, #tpu.memory_space<hbm>> -> memref<4x8x128xf32, #tpu.memory_space<hbm>>
      tpu.enqueue_dma source(%dma_start3A_2799 : memref<4x8x128xf32, #tpu.memory_space<hbm>>) target(%dma_start3A_2796 : memref<4x8x128xf32, #tpu.memory_space<vmem>>) target_semaphore(%arg11 : memref<!tpu.dma_semaphore, #tpu.memory_space<semaphore_mem>>)
      tpu.wait_dma2 semaphore(%arg12 : memref<!tpu.dma_semaphore, #tpu.memory_space<semaphore_mem>>) src(%arg4 : memref<8x4x8x128xf32, #tpu.memory_space<hbm>>) dst(%arg8 : memref<8x4x8x128xf32, #tpu.memory_space<vmem>>)
      %add3A_2800 = arith.constant 1 : i32
      %add3A_2801 = arith.addi %mul3A_2207, %add3A_2800 : i32
      %mul3A_2802 = arith.constant 8 : i32
      %mul3A_2803 = arith.muli %add3A_2801, %mul3A_2802 : i32
      %multiple_of3A_2804 = tpu.assume_multiple %mul3A_2803, 8 : i32
      %get3A_2805 = arith.index_cast %multiple_of3A_2804 : i32 to index
      %get3A_2806 = tpu.vector_load %arg6[%get3A_2805] {strides = array<i32>} : memref<528xi32, #tpu.memory_space<vmem>>, vector<16xi32>,
      %slice3A_2807 = vector.extract_strided_slice %get3A_2806 {offsets = [0], sizes = [1], strides = [1]} : vector<16xi32> to vector<1xi32>
      %squeeze3A_2808 = vector.extract %slice3A_2807[0] : i32 from vector<1xi32>
      %slice3A_2809 = vector.extract_strided_slice %get3A_2806 {offsets = [1], sizes = [1], strides = [1]} : vector<16xi32> to vector<1xi32>
      %squeeze3A_2810 = vector.extract %slice3A_2809[0] : i32 from vector<1xi32>
      %slice3A_2811 = vector.extract_strided_slice %get3A_2806 {offsets = [2], sizes = [1], strides = [1]} : vector<16xi32> to vector<1xi32>
      %squeeze3A_2812 = vector.extract %slice3A_2811[0] : i32 from vector<1xi32>
      %slice3A_2813 = vector.extract_strided_slice %get3A_2806 {offsets = [3], sizes = [1], strides = [1]} : vector<16xi32> to vector<1xi32>
      %squeeze3A_2814 = vector.extract %slice3A_2813[0] : i32 from vector<1xi32>
      %slice3A_2815 = vector.extract_strided_slice %get3A_2806 {offsets = [4], sizes = [1], strides = [1]} : vector<16xi32> to vector<1xi32>
      %squeeze3A_2816 = vector.extract %slice3A_2815[0] : i32 from vector<1xi32>
      %slice3A_2817 = vector.extract_strided_slice %get3A_2806 {offsets = [5], sizes = [1], strides = [1]} : vector<16xi32> to vector<1xi32>
      %squeeze3A_2818 = vector.extract %slice3A_2817[0] : i32 from vector<1xi32>
      %slice3A_2819 = vector.extract_strided_slice %get3A_2806 {offsets = [6], sizes = [1], strides = [1]} : vector<16xi32> to vector<1xi32>
      %squeeze3A_2820 = vector.extract %slice3A_2819[0] : i32 from vector<1xi32>
      %slice3A_2821 = vector.extract_strided_slice %get3A_2806 {offsets = [7], sizes = [1], strides = [1]} : vector<16xi32> to vector<1xi32>
      %squeeze3A_2822 = vector.extract %slice3A_2821[0] : i32 from vector<1xi32>
      %mul3A_2823 = arith.constant 8 : i32
      %mul3A_2824 = arith.muli %add3A_2801, %mul3A_2823 : i32
      %add3A_2825 = arith.constant 0 : i32
      %add3A_2826 = arith.addi %mul3A_2824, %add3A_2825 : i32
      %and3A_2827 = arith.constant 127 : i32
      %and3A_2828 = arith.andi %squeeze3A_2808, %and3A_2827 : i32
      %iota3A_2829 = tpu.iota {dimensions = array<i32: 0>} : vector<16xi32>
      %broadcast_in_dim3A_2830 = vector.broadcast %and3A_2828 : i32 to vector<16xi32>
      %mul3A_2831 = arith.constant 32 : i32
      %mul3A_2832 = arith.muli %add3A_2826, %mul3A_2831 : i32
      %add3A_2833 = arith.constant 0 : i32
      %add3A_2834 = vector.broadcast %add3A_2833 : i32 to vector<16xi32>
      %add3A_2835 = arith.addi %iota3A_2829, %add3A_2834 : vector<16xi32>
      %shift_right_arithmetic3A_2836 = arith.constant 3 : i32
      %shift_right_arithmetic3A_2837 = vector.broadcast %shift_right_arithmetic3A_2836 : i32 to vector<16xi32>
      %shift_right_arithmetic3A_2838 = arith.shrsi %add3A_2835, %shift_right_arithmetic3A_2837 : vector<16xi32>
      %and3A_2839 = arith.constant 7 : i32
      %and3A_2840 = vector.broadcast %and3A_2839 : i32 to vector<16xi32>
      %and3A_2841 = arith.andi %add3A_2835, %and3A_2840 : vector<16xi32>
      %gather3A_2842 = arith.constant 0 : i32
      %gather3A_2843 = arith.constant 0 : i32
      %gather3A_2844 = arith.constant 0 : i32
      %gather3A_2845 = arith.constant 0 : i32
      %gather3A_2846 = tpu.memref_slice %arg8[%gather3A_2842, %gather3A_2843, %gather3A_2844, %gather3A_2845] : memref<8x4x8x128xf32, #tpu.memory_space<vmem>> -> memref<1x4x8x128xf32, #tpu.memory_space<vmem>>
      %gather3A_2847 = tpu.memref_squeeze %gather3A_2846 : memref<1x4x8x128xf32, #tpu.memory_space<vmem>> -> memref<4x8x128xf32, #tpu.memory_space<vmem>>
      %gather3A_2848 = tpu.vector_load_idx %gather3A_2847[%shift_right_arithmetic3A_2838, %and3A_2841, %broadcast_in_dim3A_2830] : memref<4x8x128xf32, #tpu.memory_space<vmem>>[vector<16xi32>, vector<16xi32>, vector<16xi32>], vector<16xf32>,
      %add3A_2849 = vector.broadcast %mul3A_2832 : i32 to vector<16xi32>
      %add3A_2850 = arith.addi %add3A_2849, %add3A_2835 : vector<16xi32>
      tpu.vector_store_idx %arg10[%add3A_2850], %gather3A_2848 : memref<16384xf32, #tpu.memory_space<vmem>>[vector<16xi32>], vector<16xf32>,
      %add3A_2851 = arith.constant 16 : i32
      %add3A_2852 = vector.broadcast %add3A_2851 : i32 to vector<16xi32>
      %add3A_2853 = arith.addi %iota3A_2829, %add3A_2852 : vector<16xi32>
      %shift_right_arithmetic3A_2854 = arith.constant 3 : i32
      %shift_right_arithmetic3A_2855 = vector.broadcast %shift_right_arithmetic3A_2854 : i32 to vector<16xi32>
      %shift_right_arithmetic3A_2856 = arith.shrsi %add3A_2853, %shift_right_arithmetic3A_2855 : vector<16xi32>
      %and3A_2857 = arith.constant 7 : i32
      %and3A_2858 = vector.broadcast %and3A_2857 : i32 to vector<16xi32>
      %and3A_2859 = arith.andi %add3A_2853, %and3A_2858 : vector<16xi32>
      %gather3A_2860 = arith.constant 0 : i32
      %gather3A_2861 = arith.constant 0 : i32
      %gather3A_2862 = arith.constant 0 : i32
      %gather3A_2863 = arith.constant 0 : i32
      %gather3A_2864 = tpu.memref_slice %arg8[%gather3A_2860, %gather3A_2861, %gather3A_2862, %gather3A_2863] : memref<8x4x8x128xf32, #tpu.memory_space<vmem>> -> memref<1x4x8x128xf32, #tpu.memory_space<vmem>>
      %gather3A_2865 = tpu.memref_squeeze %gather3A_2864 : memref<1x4x8x128xf32, #tpu.memory_space<vmem>> -> memref<4x8x128xf32, #tpu.memory_space<vmem>>
      %gather3A_2866 = tpu.vector_load_idx %gather3A_2865[%shift_right_arithmetic3A_2856, %and3A_2859, %broadcast_in_dim3A_2830] : memref<4x8x128xf32, #tpu.memory_space<vmem>>[vector<16xi32>, vector<16xi32>, vector<16xi32>], vector<16xf32>,
      %add3A_2867 = vector.broadcast %mul3A_2832 : i32 to vector<16xi32>
      %add3A_2868 = arith.addi %add3A_2867, %add3A_2853 : vector<16xi32>
      tpu.vector_store_idx %arg10[%add3A_2868], %gather3A_2866 : memref<16384xf32, #tpu.memory_space<vmem>>[vector<16xi32>], vector<16xf32>,
      %mul3A_2869 = arith.constant 8 : i32
      %mul3A_2870 = arith.muli %add3A_2801, %mul3A_2869 : i32
      %add3A_2871 = arith.constant 1 : i32
      %add3A_2872 = arith.addi %mul3A_2870, %add3A_2871 : i32
      %and3A_2873 = arith.constant 127 : i32
      %and3A_2874 = arith.andi %squeeze3A_2810, %and3A_2873 : i32
      %iota3A_2875 = tpu.iota {dimensions = array<i32: 0>} : vector<16xi32>
      %broadcast_in_dim3A_2876 = vector.broadcast %and3A_2874 : i32 to vector<16xi32>
      %mul3A_2877 = arith.constant 32 : i32
      %mul3A_2878 = arith.muli %add3A_2872, %mul3A_2877 : i32
      %add3A_2879 = arith.constant 0 : i32
      %add3A_2880 = vector.broadcast %add3A_2879 : i32 to vector<16xi32>
      %add3A_2881 = arith.addi %iota3A_2875, %add3A_2880 : vector<16xi32>
      %shift_right_arithmetic3A_2882 = arith.constant 3 : i32
      %shift_right_arithmetic3A_2883 = vector.broadcast %shift_right_arithmetic3A_2882 : i32 to vector<16xi32>
      %shift_right_arithmetic3A_2884 = arith.shrsi %add3A_2881, %shift_right_arithmetic3A_2883 : vector<16xi32>
      %and3A_2885 = arith.constant 7 : i32
      %and3A_2886 = vector.broadcast %and3A_2885 : i32 to vector<16xi32>
      %and3A_2887 = arith.andi %add3A_2881, %and3A_2886 : vector<16xi32>
      %gather3A_2888 = arith.constant 1 : i32
      %gather3A_2889 = arith.constant 0 : i32
      %gather3A_2890 = arith.constant 0 : i32
      %gather3A_2891 = arith.constant 0 : i32
      %gather3A_2892 = tpu.memref_slice %arg8[%gather3A_2888, %gather3A_2889, %gather3A_2890, %gather3A_2891] : memref<8x4x8x128xf32, #tpu.memory_space<vmem>> -> memref<1x4x8x128xf32, #tpu.memory_space<vmem>>
      %gather3A_2893 = tpu.memref_squeeze %gather3A_2892 : memref<1x4x8x128xf32, #tpu.memory_space<vmem>> -> memref<4x8x128xf32, #tpu.memory_space<vmem>>
      %gather3A_2894 = tpu.vector_load_idx %gather3A_2893[%shift_right_arithmetic3A_2884, %and3A_2887, %broadcast_in_dim3A_2876] : memref<4x8x128xf32, #tpu.memory_space<vmem>>[vector<16xi32>, vector<16xi32>, vector<16xi32>], vector<16xf32>,
      %add3A_2895 = vector.broadcast %mul3A_2878 : i32 to vector<16xi32>
      %add3A_2896 = arith.addi %add3A_2895, %add3A_2881 : vector<16xi32>
      tpu.vector_store_idx %arg10[%add3A_2896], %gather3A_2894 : memref<16384xf32, #tpu.memory_space<vmem>>[vector<16xi32>], vector<16xf32>,
      %add3A_2897 = arith.constant 16 : i32
      %add3A_2898 = vector.broadcast %add3A_2897 : i32 to vector<16xi32>
      %add3A_2899 = arith.addi %iota3A_2875, %add3A_2898 : vector<16xi32>
      %shift_right_arithmetic3A_2900 = arith.constant 3 : i32
      %shift_right_arithmetic3A_2901 = vector.broadcast %shift_right_arithmetic3A_2900 : i32 to vector<16xi32>
      %shift_right_arithmetic3A_2902 = arith.shrsi %add3A_2899, %shift_right_arithmetic3A_2901 : vector<16xi32>
      %and3A_2903 = arith.constant 7 : i32
      %and3A_2904 = vector.broadcast %and3A_2903 : i32 to vector<16xi32>
      %and3A_2905 = arith.andi %add3A_2899, %and3A_2904 : vector<16xi32>
      %gather3A_2906 = arith.constant 1 : i32
      %gather3A_2907 = arith.constant 0 : i32
      %gather3A_2908 = arith.constant 0 : i32
      %gather3A_2909 = arith.constant 0 : i32
      %gather3A_2910 = tpu.memref_slice %arg8[%gather3A_2906, %gather3A_2907, %gather3A_2908, %gather3A_2909] : memref<8x4x8x128xf32, #tpu.memory_space<vmem>> -> memref<1x4x8x128xf32, #tpu.memory_space<vmem>>
      %gather3A_2911 = tpu.memref_squeeze %gather3A_2910 : memref<1x4x8x128xf32, #tpu.memory_space<vmem>> -> memref<4x8x128xf32, #tpu.memory_space<vmem>>
      %gather3A_2912 = tpu.vector_load_idx %gather3A_2911[%shift_right_arithmetic3A_2902, %and3A_2905, %broadcast_in_dim3A_2876] : memref<4x8x128xf32, #tpu.memory_space<vmem>>[vector<16xi32>, vector<16xi32>, vector<16xi32>], vector<16xf32>,
      %add3A_2913 = vector.broadcast %mul3A_2878 : i32 to vector<16xi32>
      %add3A_2914 = arith.addi %add3A_2913, %add3A_2899 : vector<16xi32>
      tpu.vector_store_idx %arg10[%add3A_2914], %gather3A_2912 : memref<16384xf32, #tpu.memory_space<vmem>>[vector<16xi32>], vector<16xf32>,
      %mul3A_2915 = arith.constant 8 : i32
      %mul3A_2916 = arith.muli %add3A_2801, %mul3A_2915 : i32
      %add3A_2917 = arith.constant 2 : i32
      %add3A_2918 = arith.addi %mul3A_2916, %add3A_2917 : i32
      %and3A_2919 = arith.constant 127 : i32
      %and3A_2920 = arith.andi %squeeze3A_2812, %and3A_2919 : i32
      %iota3A_2921 = tpu.iota {dimensions = array<i32: 0>} : vector<16xi32>
      %broadcast_in_dim3A_2922 = vector.broadcast %and3A_2920 : i32 to vector<16xi32>
      %mul3A_2923 = arith.constant 32 : i32
      %mul3A_2924 = arith.muli %add3A_2918, %mul3A_2923 : i32
      %add3A_2925 = arith.constant 0 : i32
      %add3A_2926 = vector.broadcast %add3A_2925 : i32 to vector<16xi32>
      %add3A_2927 = arith.addi %iota3A_2921, %add3A_2926 : vector<16xi32>
      %shift_right_arithmetic3A_2928 = arith.constant 3 : i32
      %shift_right_arithmetic3A_2929 = vector.broadcast %shift_right_arithmetic3A_2928 : i32 to vector<16xi32>
      %shift_right_arithmetic3A_2930 = arith.shrsi %add3A_2927, %shift_right_arithmetic3A_2929 : vector<16xi32>
      %and3A_2931 = arith.constant 7 : i32
      %and3A_2932 = vector.broadcast %and3A_2931 : i32 to vector<16xi32>
      %and3A_2933 = arith.andi %add3A_2927, %and3A_2932 : vector<16xi32>
      %gather3A_2934 = arith.constant 2 : i32
      %gather3A_2935 = arith.constant 0 : i32
      %gather3A_2936 = arith.constant 0 : i32
      %gather3A_2937 = arith.constant 0 : i32
      %gather3A_2938 = tpu.memref_slice %arg8[%gather3A_2934, %gather3A_2935, %gather3A_2936, %gather3A_2937] : memref<8x4x8x128xf32, #tpu.memory_space<vmem>> -> memref<1x4x8x128xf32, #tpu.memory_space<vmem>>
      %gather3A_2939 = tpu.memref_squeeze %gather3A_2938 : memref<1x4x8x128xf32, #tpu.memory_space<vmem>> -> memref<4x8x128xf32, #tpu.memory_space<vmem>>
      %gather3A_2940 = tpu.vector_load_idx %gather3A_2939[%shift_right_arithmetic3A_2930, %and3A_2933, %broadcast_in_dim3A_2922] : memref<4x8x128xf32, #tpu.memory_space<vmem>>[vector<16xi32>, vector<16xi32>, vector<16xi32>], vector<16xf32>,
      %add3A_2941 = vector.broadcast %mul3A_2924 : i32 to vector<16xi32>
      %add3A_2942 = arith.addi %add3A_2941, %add3A_2927 : vector<16xi32>
      tpu.vector_store_idx %arg10[%add3A_2942], %gather3A_2940 : memref<16384xf32, #tpu.memory_space<vmem>>[vector<16xi32>], vector<16xf32>,
      %add3A_2943 = arith.constant 16 : i32
      %add3A_2944 = vector.broadcast %add3A_2943 : i32 to vector<16xi32>
      %add3A_2945 = arith.addi %iota3A_2921, %add3A_2944 : vector<16xi32>
      %shift_right_arithmetic3A_2946 = arith.constant 3 : i32
      %shift_right_arithmetic3A_2947 = vector.broadcast %shift_right_arithmetic3A_2946 : i32 to vector<16xi32>
      %shift_right_arithmetic3A_2948 = arith.shrsi %add3A_2945, %shift_right_arithmetic3A_2947 : vector<16xi32>
      %and3A_2949 = arith.constant 7 : i32
      %and3A_2950 = vector.broadcast %and3A_2949 : i32 to vector<16xi32>
      %and3A_2951 = arith.andi %add3A_2945, %and3A_2950 : vector<16xi32>
      %gather3A_2952 = arith.constant 2 : i32
      %gather3A_2953 = arith.constant 0 : i32
      %gather3A_2954 = arith.constant 0 : i32
      %gather3A_2955 = arith.constant 0 : i32
      %gather3A_2956 = tpu.memref_slice %arg8[%gather3A_2952, %gather3A_2953, %gather3A_2954, %gather3A_2955] : memref<8x4x8x128xf32, #tpu.memory_space<vmem>> -> memref<1x4x8x128xf32, #tpu.memory_space<vmem>>
      %gather3A_2957 = tpu.memref_squeeze %gather3A_2956 : memref<1x4x8x128xf32, #tpu.memory_space<vmem>> -> memref<4x8x128xf32, #tpu.memory_space<vmem>>
      %gather3A_2958 = tpu.vector_load_idx %gather3A_2957[%shift_right_arithmetic3A_2948, %and3A_2951, %broadcast_in_dim3A_2922] : memref<4x8x128xf32, #tpu.memory_space<vmem>>[vector<16xi32>, vector<16xi32>, vector<16xi32>], vector<16xf32>,
      %add3A_2959 = vector.broadcast %mul3A_2924 : i32 to vector<16xi32>
      %add3A_2960 = arith.addi %add3A_2959, %add3A_2945 : vector<16xi32>
      tpu.vector_store_idx %arg10[%add3A_2960], %gather3A_2958 : memref<16384xf32, #tpu.memory_space<vmem>>[vector<16xi32>], vector<16xf32>,
      %mul3A_2961 = arith.constant 8 : i32
      %mul3A_2962 = arith.muli %add3A_2801, %mul3A_2961 : i32
      %add3A_2963 = arith.constant 3 : i32
      %add3A_2964 = arith.addi %mul3A_2962, %add3A_2963 : i32
      %and3A_2965 = arith.constant 127 : i32
      %and3A_2966 = arith.andi %squeeze3A_2814, %and3A_2965 : i32
      %iota3A_2967 = tpu.iota {dimensions = array<i32: 0>} : vector<16xi32>
      %broadcast_in_dim3A_2968 = vector.broadcast %and3A_2966 : i32 to vector<16xi32>
      %mul3A_2969 = arith.constant 32 : i32
      %mul3A_2970 = arith.muli %add3A_2964, %mul3A_2969 : i32
      %add3A_2971 = arith.constant 0 : i32
      %add3A_2972 = vector.broadcast %add3A_2971 : i32 to vector<16xi32>
      %add3A_2973 = arith.addi %iota3A_2967, %add3A_2972 : vector<16xi32>
      %shift_right_arithmetic3A_2974 = arith.constant 3 : i32
      %shift_right_arithmetic3A_2975 = vector.broadcast %shift_right_arithmetic3A_2974 : i32 to vector<16xi32>
      %shift_right_arithmetic3A_2976 = arith.shrsi %add3A_2973, %shift_right_arithmetic3A_2975 : vector<16xi32>
      %and3A_2977 = arith.constant 7 : i32
      %and3A_2978 = vector.broadcast %and3A_2977 : i32 to vector<16xi32>
      %and3A_2979 = arith.andi %add3A_2973, %and3A_2978 : vector<16xi32>
      %gather3A_2980 = arith.constant 3 : i32
      %gather3A_2981 = arith.constant 0 : i32
      %gather3A_2982 = arith.constant 0 : i32
      %gather3A_2983 = arith.constant 0 : i32
      %gather3A_2984 = tpu.memref_slice %arg8[%gather3A_2980, %gather3A_2981, %gather3A_2982, %gather3A_2983] : memref<8x4x8x128xf32, #tpu.memory_space<vmem>> -> memref<1x4x8x128xf32, #tpu.memory_space<vmem>>
      %gather3A_2985 = tpu.memref_squeeze %gather3A_2984 : memref<1x4x8x128xf32, #tpu.memory_space<vmem>> -> memref<4x8x128xf32, #tpu.memory_space<vmem>>
      %gather3A_2986 = tpu.vector_load_idx %gather3A_2985[%shift_right_arithmetic3A_2976, %and3A_2979, %broadcast_in_dim3A_2968] : memref<4x8x128xf32, #tpu.memory_space<vmem>>[vector<16xi32>, vector<16xi32>, vector<16xi32>], vector<16xf32>,
      %add3A_2987 = vector.broadcast %mul3A_2970 : i32 to vector<16xi32>
      %add3A_2988 = arith.addi %add3A_2987, %add3A_2973 : vector<16xi32>
      tpu.vector_store_idx %arg10[%add3A_2988], %gather3A_2986 : memref<16384xf32, #tpu.memory_space<vmem>>[vector<16xi32>], vector<16xf32>,
      %add3A_2989 = arith.constant 16 : i32
      %add3A_2990 = vector.broadcast %add3A_2989 : i32 to vector<16xi32>
      %add3A_2991 = arith.addi %iota3A_2967, %add3A_2990 : vector<16xi32>
      %shift_right_arithmetic3A_2992 = arith.constant 3 : i32
      %shift_right_arithmetic3A_2993 = vector.broadcast %shift_right_arithmetic3A_2992 : i32 to vector<16xi32>
      %shift_right_arithmetic3A_2994 = arith.shrsi %add3A_2991, %shift_right_arithmetic3A_2993 : vector<16xi32>
      %and3A_2995 = arith.constant 7 : i32
      %and3A_2996 = vector.broadcast %and3A_2995 : i32 to vector<16xi32>
      %and3A_2997 = arith.andi %add3A_2991, %and3A_2996 : vector<16xi32>
      %gather3A_2998 = arith.constant 3 : i32
      %gather3A_2999 = arith.constant 0 : i32
      %gather3A_3000 = arith.constant 0 : i32
      %gather3A_3001 = arith.constant 0 : i32
      %gather3A_3002 = tpu.memref_slice %arg8[%gather3A_2998, %gather3A_2999, %gather3A_3000, %gather3A_3001] : memref<8x4x8x128xf32, #tpu.memory_space<vmem>> -> memref<1x4x8x128xf32, #tpu.memory_space<vmem>>
      %gather3A_3003 = tpu.memref_squeeze %gather3A_3002 : memref<1x4x8x128xf32, #tpu.memory_space<vmem>> -> memref<4x8x128xf32, #tpu.memory_space<vmem>>
      %gather3A_3004 = tpu.vector_load_idx %gather3A_3003[%shift_right_arithmetic3A_2994, %and3A_2997, %broadcast_in_dim3A_2968] : memref<4x8x128xf32, #tpu.memory_space<vmem>>[vector<16xi32>, vector<16xi32>, vector<16xi32>], vector<16xf32>,
      %add3A_3005 = vector.broadcast %mul3A_2970 : i32 to vector<16xi32>
      %add3A_3006 = arith.addi %add3A_3005, %add3A_2991 : vector<16xi32>
      tpu.vector_store_idx %arg10[%add3A_3006], %gather3A_3004 : memref<16384xf32, #tpu.memory_space<vmem>>[vector<16xi32>], vector<16xf32>,
      %mul3A_3007 = arith.constant 8 : i32
      %mul3A_3008 = arith.muli %add3A_2801, %mul3A_3007 : i32
      %add3A_3009 = arith.constant 4 : i32
      %add3A_3010 = arith.addi %mul3A_3008, %add3A_3009 : i32
      %and3A_3011 = arith.constant 127 : i32
      %and3A_3012 = arith.andi %squeeze3A_2816, %and3A_3011 : i32
      %iota3A_3013 = tpu.iota {dimensions = array<i32: 0>} : vector<16xi32>
      %broadcast_in_dim3A_3014 = vector.broadcast %and3A_3012 : i32 to vector<16xi32>
      %mul3A_3015 = arith.constant 32 : i32
      %mul3A_3016 = arith.muli %add3A_3010, %mul3A_3015 : i32
      %add3A_3017 = arith.constant 0 : i32
      %add3A_3018 = vector.broadcast %add3A_3017 : i32 to vector<16xi32>
      %add3A_3019 = arith.addi %iota3A_3013, %add3A_3018 : vector<16xi32>
      %shift_right_arithmetic3A_3020 = arith.constant 3 : i32
      %shift_right_arithmetic3A_3021 = vector.broadcast %shift_right_arithmetic3A_3020 : i32 to vector<16xi32>
      %shift_right_arithmetic3A_3022 = arith.shrsi %add3A_3019, %shift_right_arithmetic3A_3021 : vector<16xi32>
      %and3A_3023 = arith.constant 7 : i32
      %and3A_3024 = vector.broadcast %and3A_3023 : i32 to vector<16xi32>
      %and3A_3025 = arith.andi %add3A_3019, %and3A_3024 : vector<16xi32>
      %gather3A_3026 = arith.constant 4 : i32
      %gather3A_3027 = arith.constant 0 : i32
      %gather3A_3028 = arith.constant 0 : i32
      %gather3A_3029 = arith.constant 0 : i32
      %gather3A_3030 = tpu.memref_slice %arg8[%gather3A_3026, %gather3A_3027, %gather3A_3028, %gather3A_3029] : memref<8x4x8x128xf32, #tpu.memory_space<vmem>> -> memref<1x4x8x128xf32, #tpu.memory_space<vmem>>
      %gather3A_3031 = tpu.memref_squeeze %gather3A_3030 : memref<1x4x8x128xf32, #tpu.memory_space<vmem>> -> memref<4x8x128xf32, #tpu.memory_space<vmem>>
      %gather3A_3032 = tpu.vector_load_idx %gather3A_3031[%shift_right_arithmetic3A_3022, %and3A_3025, %broadcast_in_dim3A_3014] : memref<4x8x128xf32, #tpu.memory_space<vmem>>[vector<16xi32>, vector<16xi32>, vector<16xi32>], vector<16xf32>,
      %add3A_3033 = vector.broadcast %mul3A_3016 : i32 to vector<16xi32>
      %add3A_3034 = arith.addi %add3A_3033, %add3A_3019 : vector<16xi32>
      tpu.vector_store_idx %arg10[%add3A_3034], %gather3A_3032 : memref<16384xf32, #tpu.memory_space<vmem>>[vector<16xi32>], vector<16xf32>,
      %add3A_3035 = arith.constant 16 : i32
      %add3A_3036 = vector.broadcast %add3A_3035 : i32 to vector<16xi32>
      %add3A_3037 = arith.addi %iota3A_3013, %add3A_3036 : vector<16xi32>
      %shift_right_arithmetic3A_3038 = arith.constant 3 : i32
      %shift_right_arithmetic3A_3039 = vector.broadcast %shift_right_arithmetic3A_3038 : i32 to vector<16xi32>
      %shift_right_arithmetic3A_3040 = arith.shrsi %add3A_3037, %shift_right_arithmetic3A_3039 : vector<16xi32>
      %and3A_3041 = arith.constant 7 : i32
      %and3A_3042 = vector.broadcast %and3A_3041 : i32 to vector<16xi32>
      %and3A_3043 = arith.andi %add3A_3037, %and3A_3042 : vector<16xi32>
      %gather3A_3044 = arith.constant 4 : i32
      %gather3A_3045 = arith.constant 0 : i32
      %gather3A_3046 = arith.constant 0 : i32
      %gather3A_3047 = arith.constant 0 : i32
      %gather3A_3048 = tpu.memref_slice %arg8[%gather3A_3044, %gather3A_3045, %gather3A_3046, %gather3A_3047] : memref<8x4x8x128xf32, #tpu.memory_space<vmem>> -> memref<1x4x8x128xf32, #tpu.memory_space<vmem>>
      %gather3A_3049 = tpu.memref_squeeze %gather3A_3048 : memref<1x4x8x128xf32, #tpu.memory_space<vmem>> -> memref<4x8x128xf32, #tpu.memory_space<vmem>>
      %gather3A_3050 = tpu.vector_load_idx %gather3A_3049[%shift_right_arithmetic3A_3040, %and3A_3043, %broadcast_in_dim3A_3014] : memref<4x8x128xf32, #tpu.memory_space<vmem>>[vector<16xi32>, vector<16xi32>, vector<16xi32>], vector<16xf32>,
      %add3A_3051 = vector.broadcast %mul3A_3016 : i32 to vector<16xi32>
      %add3A_3052 = arith.addi %add3A_3051, %add3A_3037 : vector<16xi32>
      tpu.vector_store_idx %arg10[%add3A_3052], %gather3A_3050 : memref<16384xf32, #tpu.memory_space<vmem>>[vector<16xi32>], vector<16xf32>,
      %mul3A_3053 = arith.constant 8 : i32
      %mul3A_3054 = arith.muli %add3A_2801, %mul3A_3053 : i32
      %add3A_3055 = arith.constant 5 : i32
      %add3A_3056 = arith.addi %mul3A_3054, %add3A_3055 : i32
      %and3A_3057 = arith.constant 127 : i32
      %and3A_3058 = arith.andi %squeeze3A_2818, %and3A_3057 : i32
      %iota3A_3059 = tpu.iota {dimensions = array<i32: 0>} : vector<16xi32>
      %broadcast_in_dim3A_3060 = vector.broadcast %and3A_3058 : i32 to vector<16xi32>
      %mul3A_3061 = arith.constant 32 : i32
      %mul3A_3062 = arith.muli %add3A_3056, %mul3A_3061 : i32
      %add3A_3063 = arith.constant 0 : i32
      %add3A_3064 = vector.broadcast %add3A_3063 : i32 to vector<16xi32>
      %add3A_3065 = arith.addi %iota3A_3059, %add3A_3064 : vector<16xi32>
      %shift_right_arithmetic3A_3066 = arith.constant 3 : i32
      %shift_right_arithmetic3A_3067 = vector.broadcast %shift_right_arithmetic3A_3066 : i32 to vector<16xi32>
      %shift_right_arithmetic3A_3068 = arith.shrsi %add3A_3065, %shift_right_arithmetic3A_3067 : vector<16xi32>
      %and3A_3069 = arith.constant 7 : i32
      %and3A_3070 = vector.broadcast %and3A_3069 : i32 to vector<16xi32>
      %and3A_3071 = arith.andi %add3A_3065, %and3A_3070 : vector<16xi32>
      %gather3A_3072 = arith.constant 5 : i32
      %gather3A_3073 = arith.constant 0 : i32
      %gather3A_3074 = arith.constant 0 : i32
      %gather3A_3075 = arith.constant 0 : i32
      %gather3A_3076 = tpu.memref_slice %arg8[%gather3A_3072, %gather3A_3073, %gather3A_3074, %gather3A_3075] : memref<8x4x8x128xf32, #tpu.memory_space<vmem>> -> memref<1x4x8x128xf32, #tpu.memory_space<vmem>>
      %gather3A_3077 = tpu.memref_squeeze %gather3A_3076 : memref<1x4x8x128xf32, #tpu.memory_space<vmem>> -> memref<4x8x128xf32, #tpu.memory_space<vmem>>
      %gather3A_3078 = tpu.vector_load_idx %gather3A_3077[%shift_right_arithmetic3A_3068, %and3A_3071, %broadcast_in_dim3A_3060] : memref<4x8x128xf32, #tpu.memory_space<vmem>>[vector<16xi32>, vector<16xi32>, vector<16xi32>], vector<16xf32>,
      %add3A_3079 = vector.broadcast %mul3A_3062 : i32 to vector<16xi32>
      %add3A_3080 = arith.addi %add3A_3079, %add3A_3065 : vector<16xi32>
      tpu.vector_store_idx %arg10[%add3A_3080], %gather3A_3078 : memref<16384xf32, #tpu.memory_space<vmem>>[vector<16xi32>], vector<16xf32>,
      %add3A_3081 = arith.constant 16 : i32
      %add3A_3082 = vector.broadcast %add3A_3081 : i32 to vector<16xi32>
      %add3A_3083 = arith.addi %iota3A_3059, %add3A_3082 : vector<16xi32>
      %shift_right_arithmetic3A_3084 = arith.constant 3 : i32
      %shift_right_arithmetic3A_3085 = vector.broadcast %shift_right_arithmetic3A_3084 : i32 to vector<16xi32>
      %shift_right_arithmetic3A_3086 = arith.shrsi %add3A_3083, %shift_right_arithmetic3A_3085 : vector<16xi32>
      %and3A_3087 = arith.constant 7 : i32
      %and3A_3088 = vector.broadcast %and3A_3087 : i32 to vector<16xi32>
      %and3A_3089 = arith.andi %add3A_3083, %and3A_3088 : vector<16xi32>
      %gather3A_3090 = arith.constant 5 : i32
      %gather3A_3091 = arith.constant 0 : i32
      %gather3A_3092 = arith.constant 0 : i32
      %gather3A_3093 = arith.constant 0 : i32
      %gather3A_3094 = tpu.memref_slice %arg8[%gather3A_3090, %gather3A_3091, %gather3A_3092, %gather3A_3093] : memref<8x4x8x128xf32, #tpu.memory_space<vmem>> -> memref<1x4x8x128xf32, #tpu.memory_space<vmem>>
      %gather3A_3095 = tpu.memref_squeeze %gather3A_3094 : memref<1x4x8x128xf32, #tpu.memory_space<vmem>> -> memref<4x8x128xf32, #tpu.memory_space<vmem>>
      %gather3A_3096 = tpu.vector_load_idx %gather3A_3095[%shift_right_arithmetic3A_3086, %and3A_3089, %broadcast_in_dim3A_3060] : memref<4x8x128xf32, #tpu.memory_space<vmem>>[vector<16xi32>, vector<16xi32>, vector<16xi32>], vector<16xf32>,
      %add3A_3097 = vector.broadcast %mul3A_3062 : i32 to vector<16xi32>
      %add3A_3098 = arith.addi %add3A_3097, %add3A_3083 : vector<16xi32>
      tpu.vector_store_idx %arg10[%add3A_3098], %gather3A_3096 : memref<16384xf32, #tpu.memory_space<vmem>>[vector<16xi32>], vector<16xf32>,
      %mul3A_3099 = arith.constant 8 : i32
      %mul3A_3100 = arith.muli %add3A_2801, %mul3A_3099 : i32
      %add3A_3101 = arith.constant 6 : i32
      %add3A_3102 = arith.addi %mul3A_3100, %add3A_3101 : i32
      %and3A_3103 = arith.constant 127 : i32
      %and3A_3104 = arith.andi %squeeze3A_2820, %and3A_3103 : i32
      %iota3A_3105 = tpu.iota {dimensions = array<i32: 0>} : vector<16xi32>
      %broadcast_in_dim3A_3106 = vector.broadcast %and3A_3104 : i32 to vector<16xi32>
      %mul3A_3107 = arith.constant 32 : i32
      %mul3A_3108 = arith.muli %add3A_3102, %mul3A_3107 : i32
      %add3A_3109 = arith.constant 0 : i32
      %add3A_3110 = vector.broadcast %add3A_3109 : i32 to vector<16xi32>
      %add3A_3111 = arith.addi %iota3A_3105, %add3A_3110 : vector<16xi32>
      %shift_right_arithmetic3A_3112 = arith.constant 3 : i32
      %shift_right_arithmetic3A_3113 = vector.broadcast %shift_right_arithmetic3A_3112 : i32 to vector<16xi32>
      %shift_right_arithmetic3A_3114 = arith.shrsi %add3A_3111, %shift_right_arithmetic3A_3113 : vector<16xi32>
      %and3A_3115 = arith.constant 7 : i32
      %and3A_3116 = vector.broadcast %and3A_3115 : i32 to vector<16xi32>
      %and3A_3117 = arith.andi %add3A_3111, %and3A_3116 : vector<16xi32>
      %gather3A_3118 = arith.constant 6 : i32
      %gather3A_3119 = arith.constant 0 : i32
      %gather3A_3120 = arith.constant 0 : i32
      %gather3A_3121 = arith.constant 0 : i32
      %gather3A_3122 = tpu.memref_slice %arg8[%gather3A_3118, %gather3A_3119, %gather3A_3120, %gather3A_3121] : memref<8x4x8x128xf32, #tpu.memory_space<vmem>> -> memref<1x4x8x128xf32, #tpu.memory_space<vmem>>
      %gather3A_3123 = tpu.memref_squeeze %gather3A_3122 : memref<1x4x8x128xf32, #tpu.memory_space<vmem>> -> memref<4x8x128xf32, #tpu.memory_space<vmem>>
      %gather3A_3124 = tpu.vector_load_idx %gather3A_3123[%shift_right_arithmetic3A_3114, %and3A_3117, %broadcast_in_dim3A_3106] : memref<4x8x128xf32, #tpu.memory_space<vmem>>[vector<16xi32>, vector<16xi32>, vector<16xi32>], vector<16xf32>,
      %add3A_3125 = vector.broadcast %mul3A_3108 : i32 to vector<16xi32>
      %add3A_3126 = arith.addi %add3A_3125, %add3A_3111 : vector<16xi32>
      tpu.vector_store_idx %arg10[%add3A_3126], %gather3A_3124 : memref<16384xf32, #tpu.memory_space<vmem>>[vector<16xi32>], vector<16xf32>,
      %add3A_3127 = arith.constant 16 : i32
      %add3A_3128 = vector.broadcast %add3A_3127 : i32 to vector<16xi32>
      %add3A_3129 = arith.addi %iota3A_3105, %add3A_3128 : vector<16xi32>
      %shift_right_arithmetic3A_3130 = arith.constant 3 : i32
      %shift_right_arithmetic3A_3131 = vector.broadcast %shift_right_arithmetic3A_3130 : i32 to vector<16xi32>
      %shift_right_arithmetic3A_3132 = arith.shrsi %add3A_3129, %shift_right_arithmetic3A_3131 : vector<16xi32>
      %and3A_3133 = arith.constant 7 : i32
      %and3A_3134 = vector.broadcast %and3A_3133 : i32 to vector<16xi32>
      %and3A_3135 = arith.andi %add3A_3129, %and3A_3134 : vector<16xi32>
      %gather3A_3136 = arith.constant 6 : i32
      %gather3A_3137 = arith.constant 0 : i32
      %gather3A_3138 = arith.constant 0 : i32
      %gather3A_3139 = arith.constant 0 : i32
      %gather3A_3140 = tpu.memref_slice %arg8[%gather3A_3136, %gather3A_3137, %gather3A_3138, %gather3A_3139] : memref<8x4x8x128xf32, #tpu.memory_space<vmem>> -> memref<1x4x8x128xf32, #tpu.memory_space<vmem>>
      %gather3A_3141 = tpu.memref_squeeze %gather3A_3140 : memref<1x4x8x128xf32, #tpu.memory_space<vmem>> -> memref<4x8x128xf32, #tpu.memory_space<vmem>>
      %gather3A_3142 = tpu.vector_load_idx %gather3A_3141[%shift_right_arithmetic3A_3132, %and3A_3135, %broadcast_in_dim3A_3106] : memref<4x8x128xf32, #tpu.memory_space<vmem>>[vector<16xi32>, vector<16xi32>, vector<16xi32>], vector<16xf32>,
      %add3A_3143 = vector.broadcast %mul3A_3108 : i32 to vector<16xi32>
      %add3A_3144 = arith.addi %add3A_3143, %add3A_3129 : vector<16xi32>
      tpu.vector_store_idx %arg10[%add3A_3144], %gather3A_3142 : memref<16384xf32, #tpu.memory_space<vmem>>[vector<16xi32>], vector<16xf32>,
      %mul3A_3145 = arith.constant 8 : i32
      %mul3A_3146 = arith.muli %add3A_2801, %mul3A_3145 : i32
      %add3A_3147 = arith.constant 7 : i32
      %add3A_3148 = arith.addi %mul3A_3146, %add3A_3147 : i32
      %and3A_3149 = arith.constant 127 : i32
      %and3A_3150 = arith.andi %squeeze3A_2822, %and3A_3149 : i32
      %iota3A_3151 = tpu.iota {dimensions = array<i32: 0>} : vector<16xi32>
      %broadcast_in_dim3A_3152 = vector.broadcast %and3A_3150 : i32 to vector<16xi32>
      %mul3A_3153 = arith.constant 32 : i32
      %mul3A_3154 = arith.muli %add3A_3148, %mul3A_3153 : i32
      %add3A_3155 = arith.constant 0 : i32
      %add3A_3156 = vector.broadcast %add3A_3155 : i32 to vector<16xi32>
      %add3A_3157 = arith.addi %iota3A_3151, %add3A_3156 : vector<16xi32>
      %shift_right_arithmetic3A_3158 = arith.constant 3 : i32
      %shift_right_arithmetic3A_3159 = vector.broadcast %shift_right_arithmetic3A_3158 : i32 to vector<16xi32>
      %shift_right_arithmetic3A_3160 = arith.shrsi %add3A_3157, %shift_right_arithmetic3A_3159 : vector<16xi32>
      %and3A_3161 = arith.constant 7 : i32
      %and3A_3162 = vector.broadcast %and3A_3161 : i32 to vector<16xi32>
      %and3A_3163 = arith.andi %add3A_3157, %and3A_3162 : vector<16xi32>
      %gather3A_3164 = arith.constant 7 : i32
      %gather3A_3165 = arith.constant 0 : i32
      %gather3A_3166 = arith.constant 0 : i32
      %gather3A_3167 = arith.constant 0 : i32
      %gather3A_3168 = tpu.memref_slice %arg8[%gather3A_3164, %gather3A_3165, %gather3A_3166, %gather3A_3167] : memref<8x4x8x128xf32, #tpu.memory_space<vmem>> -> memref<1x4x8x128xf32, #tpu.memory_space<vmem>>
      %gather3A_3169 = tpu.memref_squeeze %gather3A_3168 : memref<1x4x8x128xf32, #tpu.memory_space<vmem>> -> memref<4x8x128xf32, #tpu.memory_space<vmem>>
      %gather3A_3170 = tpu.vector_load_idx %gather3A_3169[%shift_right_arithmetic3A_3160, %and3A_3163, %broadcast_in_dim3A_3152] : memref<4x8x128xf32, #tpu.memory_space<vmem>>[vector<16xi32>, vector<16xi32>, vector<16xi32>], vector<16xf32>,
      %add3A_3171 = vector.broadcast %mul3A_3154 : i32 to vector<16xi32>
      %add3A_3172 = arith.addi %add3A_3171, %add3A_3157 : vector<16xi32>
      tpu.vector_store_idx %arg10[%add3A_3172], %gather3A_3170 : memref<16384xf32, #tpu.memory_space<vmem>>[vector<16xi32>], vector<16xf32>,
      %add3A_3173 = arith.constant 16 : i32
      %add3A_3174 = vector.broadcast %add3A_3173 : i32 to vector<16xi32>
      %add3A_3175 = arith.addi %iota3A_3151, %add3A_3174 : vector<16xi32>
      %shift_right_arithmetic3A_3176 = arith.constant 3 : i32
      %shift_right_arithmetic3A_3177 = vector.broadcast %shift_right_arithmetic3A_3176 : i32 to vector<16xi32>
      %shift_right_arithmetic3A_3178 = arith.shrsi %add3A_3175, %shift_right_arithmetic3A_3177 : vector<16xi32>
      %and3A_3179 = arith.constant 7 : i32
      %and3A_3180 = vector.broadcast %and3A_3179 : i32 to vector<16xi32>
      %and3A_3181 = arith.andi %add3A_3175, %and3A_3180 : vector<16xi32>
      %gather3A_3182 = arith.constant 7 : i32
      %gather3A_3183 = arith.constant 0 : i32
      %gather3A_3184 = arith.constant 0 : i32
      %gather3A_3185 = arith.constant 0 : i32
      %gather3A_3186 = tpu.memref_slice %arg8[%gather3A_3182, %gather3A_3183, %gather3A_3184, %gather3A_3185] : memref<8x4x8x128xf32, #tpu.memory_space<vmem>> -> memref<1x4x8x128xf32, #tpu.memory_space<vmem>>
      %gather3A_3187 = tpu.memref_squeeze %gather3A_3186 : memref<1x4x8x128xf32, #tpu.memory_space<vmem>> -> memref<4x8x128xf32, #tpu.memory_space<vmem>>
      %gather3A_3188 = tpu.vector_load_idx %gather3A_3187[%shift_right_arithmetic3A_3178, %and3A_3181, %broadcast_in_dim3A_3152] : memref<4x8x128xf32, #tpu.memory_space<vmem>>[vector<16xi32>, vector<16xi32>, vector<16xi32>], vector<16xf32>,
      %add3A_3189 = vector.broadcast %mul3A_3154 : i32 to vector<16xi32>
      %add3A_3190 = arith.addi %add3A_3189, %add3A_3175 : vector<16xi32>
      tpu.vector_store_idx %arg10[%add3A_3190], %gather3A_3188 : memref<16384xf32, #tpu.memory_space<vmem>>[vector<16xi32>], vector<16xf32>,
      %add3A_3191 = arith.constant 1 : i32
      %add3A_3192 = arith.addi %mul3A_2207, %add3A_3191 : i32
      %add3A_3193 = arith.constant 3 : i32
      %add3A_3194 = arith.addi %add3A_3192, %add3A_3193 : i32
      %mul3A_3195 = arith.constant 8 : i32
      %mul3A_3196 = arith.muli %add3A_3194, %mul3A_3195 : i32
      %multiple_of3A_3197 = tpu.assume_multiple %mul3A_3196, 8 : i32
      %get3A_3198 = arith.index_cast %multiple_of3A_3197 : i32 to index
      %get3A_3199 = tpu.vector_load %arg6[%get3A_3198] {strides = array<i32>} : memref<528xi32, #tpu.memory_space<vmem>>, vector<16xi32>,
      %slice3A_3200 = vector.extract_strided_slice %get3A_3199 {offsets = [0], sizes = [1], strides = [1]} : vector<16xi32> to vector<1xi32>
      %squeeze3A_3201 = vector.extract %slice3A_3200[0] : i32 from vector<1xi32>
      %slice3A_3202 = vector.extract_strided_slice %get3A_3199 {offsets = [1], sizes = [1], strides = [1]} : vector<16xi32> to vector<1xi32>
      %squeeze3A_3203 = vector.extract %slice3A_3202[0] : i32 from vector<1xi32>
      %slice3A_3204 = vector.extract_strided_slice %get3A_3199 {offsets = [2], sizes = [1], strides = [1]} : vector<16xi32> to vector<1xi32>
      %squeeze3A_3205 = vector.extract %slice3A_3204[0] : i32 from vector<1xi32>
      %slice3A_3206 = vector.extract_strided_slice %get3A_3199 {offsets = [3], sizes = [1], strides = [1]} : vector<16xi32> to vector<1xi32>
      %squeeze3A_3207 = vector.extract %slice3A_3206[0] : i32 from vector<1xi32>
      %slice3A_3208 = vector.extract_strided_slice %get3A_3199 {offsets = [4], sizes = [1], strides = [1]} : vector<16xi32> to vector<1xi32>
      %squeeze3A_3209 = vector.extract %slice3A_3208[0] : i32 from vector<1xi32>
      %slice3A_3210 = vector.extract_strided_slice %get3A_3199 {offsets = [5], sizes = [1], strides = [1]} : vector<16xi32> to vector<1xi32>
      %squeeze3A_3211 = vector.extract %slice3A_3210[0] : i32 from vector<1xi32>
      %slice3A_3212 = vector.extract_strided_slice %get3A_3199 {offsets = [6], sizes = [1], strides = [1]} : vector<16xi32> to vector<1xi32>
      %squeeze3A_3213 = vector.extract %slice3A_3212[0] : i32 from vector<1xi32>
      %slice3A_3214 = vector.extract_strided_slice %get3A_3199 {offsets = [7], sizes = [1], strides = [1]} : vector<16xi32> to vector<1xi32>
      %squeeze3A_3215 = vector.extract %slice3A_3214[0] : i32 from vector<1xi32>
      %shift_right_arithmetic3A_3216 = arith.constant 7 : i32
      %shift_right_arithmetic3A_3217 = arith.shrsi %squeeze3A_3201, %shift_right_arithmetic3A_3216 : i32
      %shift_left3A_3218 = arith.constant 7 : i32
      %shift_left3A_3219 = arith.shli %shift_right_arithmetic3A_3217, %shift_left3A_3218 : i32
      %multiple_of3A_3220 = tpu.assume_multiple %shift_left3A_3219, 128 : i32
      %dma_start3A_3221 = arith.constant 0 : i32
      %dma_start3A_3222 = arith.constant 0 : i32
      %dma_start3A_3223 = arith.constant 0 : i32
      %dma_start3A_3224 = arith.constant 0 : i32
      %dma_start3A_3225 = tpu.memref_slice %arg8[%dma_start3A_3221, %dma_start3A_3222, %dma_start3A_3223, %dma_start3A_3224] : memref<8x4x8x128xf32, #tpu.memory_space<vmem>> -> memref<1x4x8x128xf32, #tpu.memory_space<vmem>>
      %dma_start3A_3226 = tpu.memref_squeeze %dma_start3A_3225 : memref<1x4x8x128xf32, #tpu.memory_space<vmem>> -> memref<4x8x128xf32, #tpu.memory_space<vmem>>
      %dma_start3A_3227 = arith.constant 0 : i32
      %dma_start3A_3228 = arith.constant 0 : i32
      %dma_start3A_3229 = tpu.memref_slice %arg3[%dma_start3A_3227, %dma_start3A_3228, %multiple_of3A_3220] : memref<4x8x1000001xf32, #tpu.memory_space<hbm>> -> memref<4x8x128xf32, #tpu.memory_space<hbm>>
      %dma_start3A_3230 = arith.constant 0 : i32
      %dma_start3A_3231 = arith.constant 0 : i32
      %dma_start3A_3232 = arith.constant 0 : i32
      %dma_start3A_3233 = tpu.memref_slice %arg8[%dma_start3A_3221, %dma_start3A_3230, %dma_start3A_3231, %dma_start3A_3232] : memref<8x4x8x128xf32, #tpu.memory_space<vmem>> -> memref<1x4x8x128xf32, #tpu.memory_space<vmem>>
      %dma_start3A_3234 = tpu.memref_squeeze %dma_start3A_3233 : memref<1x4x8x128xf32, #tpu.memory_space<vmem>> -> memref<4x8x128xf32, #tpu.memory_space<vmem>>
      %dma_start3A_3235 = arith.constant 0 : i32
      %dma_start3A_3236 = arith.constant 0 : i32
      %dma_start3A_3237 = tpu.memref_slice %arg3[%dma_start3A_3235, %dma_start3A_3236, %multiple_of3A_3220] : memref<4x8x1000001xf32, #tpu.memory_space<hbm>> -> memref<4x8x128xf32, #tpu.memory_space<hbm>>
      tpu.enqueue_dma source(%dma_start3A_3237 : memref<4x8x128xf32, #tpu.memory_space<hbm>>) target(%dma_start3A_3234 : memref<4x8x128xf32, #tpu.memory_space<vmem>>) target_semaphore(%arg12 : memref<!tpu.dma_semaphore, #tpu.memory_space<semaphore_mem>>)
      %shift_right_arithmetic3A_3238 = arith.constant 7 : i32
      %shift_right_arithmetic3A_3239 = arith.shrsi %squeeze3A_3203, %shift_right_arithmetic3A_3238 : i32
      %shift_left3A_3240 = arith.constant 7 : i32
      %shift_left3A_3241 = arith.shli %shift_right_arithmetic3A_3239, %shift_left3A_3240 : i32
      %multiple_of3A_3242 = tpu.assume_multiple %shift_left3A_3241, 128 : i32
      %dma_start3A_3243 = arith.constant 1 : i32
      %dma_start3A_3244 = arith.constant 0 : i32
      %dma_start3A_3245 = arith.constant 0 : i32
      %dma_start3A_3246 = arith.constant 0 : i32
      %dma_start3A_3247 = tpu.memref_slice %arg8[%dma_start3A_3243, %dma_start3A_3244, %dma_start3A_3245, %dma_start3A_3246] : memref<8x4x8x128xf32, #tpu.memory_space<vmem>> -> memref<1x4x8x128xf32, #tpu.memory_space<vmem>>
      %dma_start3A_3248 = tpu.memref_squeeze %dma_start3A_3247 : memref<1x4x8x128xf32, #tpu.memory_space<vmem>> -> memref<4x8x128xf32, #tpu.memory_space<vmem>>
      %dma_start3A_3249 = arith.constant 0 : i32
      %dma_start3A_3250 = arith.constant 0 : i32
      %dma_start3A_3251 = tpu.memref_slice %arg3[%dma_start3A_3249, %dma_start3A_3250, %multiple_of3A_3242] : memref<4x8x1000001xf32, #tpu.memory_space<hbm>> -> memref<4x8x128xf32, #tpu.memory_space<hbm>>
      %dma_start3A_3252 = arith.constant 0 : i32
      %dma_start3A_3253 = arith.constant 0 : i32
      %dma_start3A_3254 = arith.constant 0 : i32
      %dma_start3A_3255 = tpu.memref_slice %arg8[%dma_start3A_3243, %dma_start3A_3252, %dma_start3A_3253, %dma_start3A_3254] : memref<8x4x8x128xf32, #tpu.memory_space<vmem>> -> memref<1x4x8x128xf32, #tpu.memory_space<vmem>>
      %dma_start3A_3256 = tpu.memref_squeeze %dma_start3A_3255 : memref<1x4x8x128xf32, #tpu.memory_space<vmem>> -> memref<4x8x128xf32, #tpu.memory_space<vmem>>
      %dma_start3A_3257 = arith.constant 0 : i32
      %dma_start3A_3258 = arith.constant 0 : i32
      %dma_start3A_3259 = tpu.memref_slice %arg3[%dma_start3A_3257, %dma_start3A_3258, %multiple_of3A_3242] : memref<4x8x1000001xf32, #tpu.memory_space<hbm>> -> memref<4x8x128xf32, #tpu.memory_space<hbm>>
      tpu.enqueue_dma source(%dma_start3A_3259 : memref<4x8x128xf32, #tpu.memory_space<hbm>>) target(%dma_start3A_3256 : memref<4x8x128xf32, #tpu.memory_space<vmem>>) target_semaphore(%arg12 : memref<!tpu.dma_semaphore, #tpu.memory_space<semaphore_mem>>)
      %shift_right_arithmetic3A_3260 = arith.constant 7 : i32
      %shift_right_arithmetic3A_3261 = arith.shrsi %squeeze3A_3205, %shift_right_arithmetic3A_3260 : i32
      %shift_left3A_3262 = arith.constant 7 : i32
      %shift_left3A_3263 = arith.shli %shift_right_arithmetic3A_3261, %shift_left3A_3262 : i32
      %multiple_of3A_3264 = tpu.assume_multiple %shift_left3A_3263, 128 : i32
      %dma_start3A_3265 = arith.constant 2 : i32
      %dma_start3A_3266 = arith.constant 0 : i32
      %dma_start3A_3267 = arith.constant 0 : i32
      %dma_start3A_3268 = arith.constant 0 : i32
      %dma_start3A_3269 = tpu.memref_slice %arg8[%dma_start3A_3265, %dma_start3A_3266, %dma_start3A_3267, %dma_start3A_3268] : memref<8x4x8x128xf32, #tpu.memory_space<vmem>> -> memref<1x4x8x128xf32, #tpu.memory_space<vmem>>
      %dma_start3A_3270 = tpu.memref_squeeze %dma_start3A_3269 : memref<1x4x8x128xf32, #tpu.memory_space<vmem>> -> memref<4x8x128xf32, #tpu.memory_space<vmem>>
      %dma_start3A_3271 = arith.constant 0 : i32
      %dma_start3A_3272 = arith.constant 0 : i32
      %dma_start3A_3273 = tpu.memref_slice %arg3[%dma_start3A_3271, %dma_start3A_3272, %multiple_of3A_3264] : memref<4x8x1000001xf32, #tpu.memory_space<hbm>> -> memref<4x8x128xf32, #tpu.memory_space<hbm>>
      %dma_start3A_3274 = arith.constant 0 : i32
      %dma_start3A_3275 = arith.constant 0 : i32
      %dma_start3A_3276 = arith.constant 0 : i32
      %dma_start3A_3277 = tpu.memref_slice %arg8[%dma_start3A_3265, %dma_start3A_3274, %dma_start3A_3275, %dma_start3A_3276] : memref<8x4x8x128xf32, #tpu.memory_space<vmem>> -> memref<1x4x8x128xf32, #tpu.memory_space<vmem>>
      %dma_start3A_3278 = tpu.memref_squeeze %dma_start3A_3277 : memref<1x4x8x128xf32, #tpu.memory_space<vmem>> -> memref<4x8x128xf32, #tpu.memory_space<vmem>>
      %dma_start3A_3279 = arith.constant 0 : i32
      %dma_start3A_3280 = arith.constant 0 : i32
      %dma_start3A_3281 = tpu.memref_slice %arg3[%dma_start3A_3279, %dma_start3A_3280, %multiple_of3A_3264] : memref<4x8x1000001xf32, #tpu.memory_space<hbm>> -> memref<4x8x128xf32, #tpu.memory_space<hbm>>
      tpu.enqueue_dma source(%dma_start3A_3281 : memref<4x8x128xf32, #tpu.memory_space<hbm>>) target(%dma_start3A_3278 : memref<4x8x128xf32, #tpu.memory_space<vmem>>) target_semaphore(%arg12 : memref<!tpu.dma_semaphore, #tpu.memory_space<semaphore_mem>>)
      %shift_right_arithmetic3A_3282 = arith.constant 7 : i32
      %shift_right_arithmetic3A_3283 = arith.shrsi %squeeze3A_3207, %shift_right_arithmetic3A_3282 : i32
      %shift_left3A_3284 = arith.constant 7 : i32
      %shift_left3A_3285 = arith.shli %shift_right_arithmetic3A_3283, %shift_left3A_3284 : i32
      %multiple_of3A_3286 = tpu.assume_multiple %shift_left3A_3285, 128 : i32
      %dma_start3A_3287 = arith.constant 3 : i32
      %dma_start3A_3288 = arith.constant 0 : i32
      %dma_start3A_3289 = arith.constant 0 : i32
      %dma_start3A_3290 = arith.constant 0 : i32
      %dma_start3A_3291 = tpu.memref_slice %arg8[%dma_start3A_3287, %dma_start3A_3288, %dma_start3A_3289, %dma_start3A_3290] : memref<8x4x8x128xf32, #tpu.memory_space<vmem>> -> memref<1x4x8x128xf32, #tpu.memory_space<vmem>>
      %dma_start3A_3292 = tpu.memref_squeeze %dma_start3A_3291 : memref<1x4x8x128xf32, #tpu.memory_space<vmem>> -> memref<4x8x128xf32, #tpu.memory_space<vmem>>
      %dma_start3A_3293 = arith.constant 0 : i32
      %dma_start3A_3294 = arith.constant 0 : i32
      %dma_start3A_3295 = tpu.memref_slice %arg3[%dma_start3A_3293, %dma_start3A_3294, %multiple_of3A_3286] : memref<4x8x1000001xf32, #tpu.memory_space<hbm>> -> memref<4x8x128xf32, #tpu.memory_space<hbm>>
      %dma_start3A_3296 = arith.constant 0 : i32
      %dma_start3A_3297 = arith.constant 0 : i32
      %dma_start3A_3298 = arith.constant 0 : i32
      %dma_start3A_3299 = tpu.memref_slice %arg8[%dma_start3A_3287, %dma_start3A_3296, %dma_start3A_3297, %dma_start3A_3298] : memref<8x4x8x128xf32, #tpu.memory_space<vmem>> -> memref<1x4x8x128xf32, #tpu.memory_space<vmem>>
      %dma_start3A_3300 = tpu.memref_squeeze %dma_start3A_3299 : memref<1x4x8x128xf32, #tpu.memory_space<vmem>> -> memref<4x8x128xf32, #tpu.memory_space<vmem>>
      %dma_start3A_3301 = arith.constant 0 : i32
      %dma_start3A_3302 = arith.constant 0 : i32
      %dma_start3A_3303 = tpu.memref_slice %arg3[%dma_start3A_3301, %dma_start3A_3302, %multiple_of3A_3286] : memref<4x8x1000001xf32, #tpu.memory_space<hbm>> -> memref<4x8x128xf32, #tpu.memory_space<hbm>>
      tpu.enqueue_dma source(%dma_start3A_3303 : memref<4x8x128xf32, #tpu.memory_space<hbm>>) target(%dma_start3A_3300 : memref<4x8x128xf32, #tpu.memory_space<vmem>>) target_semaphore(%arg12 : memref<!tpu.dma_semaphore, #tpu.memory_space<semaphore_mem>>)
      %shift_right_arithmetic3A_3304 = arith.constant 7 : i32
      %shift_right_arithmetic3A_3305 = arith.shrsi %squeeze3A_3209, %shift_right_arithmetic3A_3304 : i32
      %shift_left3A_3306 = arith.constant 7 : i32
      %shift_left3A_3307 = arith.shli %shift_right_arithmetic3A_3305, %shift_left3A_3306 : i32
      %multiple_of3A_3308 = tpu.assume_multiple %shift_left3A_3307, 128 : i32
      %dma_start3A_3309 = arith.constant 4 : i32
      %dma_start3A_3310 = arith.constant 0 : i32
      %dma_start3A_3311 = arith.constant 0 : i32
      %dma_start3A_3312 = arith.constant 0 : i32
      %dma_start3A_3313 = tpu.memref_slice %arg8[%dma_start3A_3309, %dma_start3A_3310, %dma_start3A_3311, %dma_start3A_3312] : memref<8x4x8x128xf32, #tpu.memory_space<vmem>> -> memref<1x4x8x128xf32, #tpu.memory_space<vmem>>
      %dma_start3A_3314 = tpu.memref_squeeze %dma_start3A_3313 : memref<1x4x8x128xf32, #tpu.memory_space<vmem>> -> memref<4x8x128xf32, #tpu.memory_space<vmem>>
      %dma_start3A_3315 = arith.constant 0 : i32
      %dma_start3A_3316 = arith.constant 0 : i32
      %dma_start3A_3317 = tpu.memref_slice %arg3[%dma_start3A_3315, %dma_start3A_3316, %multiple_of3A_3308] : memref<4x8x1000001xf32, #tpu.memory_space<hbm>> -> memref<4x8x128xf32, #tpu.memory_space<hbm>>
      %dma_start3A_3318 = arith.constant 0 : i32
      %dma_start3A_3319 = arith.constant 0 : i32
      %dma_start3A_3320 = arith.constant 0 : i32
      %dma_start3A_3321 = tpu.memref_slice %arg8[%dma_start3A_3309, %dma_start3A_3318, %dma_start3A_3319, %dma_start3A_3320] : memref<8x4x8x128xf32, #tpu.memory_space<vmem>> -> memref<1x4x8x128xf32, #tpu.memory_space<vmem>>
      %dma_start3A_3322 = tpu.memref_squeeze %dma_start3A_3321 : memref<1x4x8x128xf32, #tpu.memory_space<vmem>> -> memref<4x8x128xf32, #tpu.memory_space<vmem>>
      %dma_start3A_3323 = arith.constant 0 : i32
      %dma_start3A_3324 = arith.constant 0 : i32
      %dma_start3A_3325 = tpu.memref_slice %arg3[%dma_start3A_3323, %dma_start3A_3324, %multiple_of3A_3308] : memref<4x8x1000001xf32, #tpu.memory_space<hbm>> -> memref<4x8x128xf32, #tpu.memory_space<hbm>>
      tpu.enqueue_dma source(%dma_start3A_3325 : memref<4x8x128xf32, #tpu.memory_space<hbm>>) target(%dma_start3A_3322 : memref<4x8x128xf32, #tpu.memory_space<vmem>>) target_semaphore(%arg12 : memref<!tpu.dma_semaphore, #tpu.memory_space<semaphore_mem>>)
      %shift_right_arithmetic3A_3326 = arith.constant 7 : i32
      %shift_right_arithmetic3A_3327 = arith.shrsi %squeeze3A_3211, %shift_right_arithmetic3A_3326 : i32
      %shift_left3A_3328 = arith.constant 7 : i32
      %shift_left3A_3329 = arith.shli %shift_right_arithmetic3A_3327, %shift_left3A_3328 : i32
      %multiple_of3A_3330 = tpu.assume_multiple %shift_left3A_3329, 128 : i32
      %dma_start3A_3331 = arith.constant 5 : i32
      %dma_start3A_3332 = arith.constant 0 : i32
      %dma_start3A_3333 = arith.constant 0 : i32
      %dma_start3A_3334 = arith.constant 0 : i32
      %dma_start3A_3335 = tpu.memref_slice %arg8[%dma_start3A_3331, %dma_start3A_3332, %dma_start3A_3333, %dma_start3A_3334] : memref<8x4x8x128xf32, #tpu.memory_space<vmem>> -> memref<1x4x8x128xf32, #tpu.memory_space<vmem>>
      %dma_start3A_3336 = tpu.memref_squeeze %dma_start3A_3335 : memref<1x4x8x128xf32, #tpu.memory_space<vmem>> -> memref<4x8x128xf32, #tpu.memory_space<vmem>>
      %dma_start3A_3337 = arith.constant 0 : i32
      %dma_start3A_3338 = arith.constant 0 : i32
      %dma_start3A_3339 = tpu.memref_slice %arg3[%dma_start3A_3337, %dma_start3A_3338, %multiple_of3A_3330] : memref<4x8x1000001xf32, #tpu.memory_space<hbm>> -> memref<4x8x128xf32, #tpu.memory_space<hbm>>
      %dma_start3A_3340 = arith.constant 0 : i32
      %dma_start3A_3341 = arith.constant 0 : i32
      %dma_start3A_3342 = arith.constant 0 : i32
      %dma_start3A_3343 = tpu.memref_slice %arg8[%dma_start3A_3331, %dma_start3A_3340, %dma_start3A_3341, %dma_start3A_3342] : memref<8x4x8x128xf32, #tpu.memory_space<vmem>> -> memref<1x4x8x128xf32, #tpu.memory_space<vmem>>
      %dma_start3A_3344 = tpu.memref_squeeze %dma_start3A_3343 : memref<1x4x8x128xf32, #tpu.memory_space<vmem>> -> memref<4x8x128xf32, #tpu.memory_space<vmem>>
      %dma_start3A_3345 = arith.constant 0 : i32
      %dma_start3A_3346 = arith.constant 0 : i32
      %dma_start3A_3347 = tpu.memref_slice %arg3[%dma_start3A_3345, %dma_start3A_3346, %multiple_of3A_3330] : memref<4x8x1000001xf32, #tpu.memory_space<hbm>> -> memref<4x8x128xf32, #tpu.memory_space<hbm>>
      tpu.enqueue_dma source(%dma_start3A_3347 : memref<4x8x128xf32, #tpu.memory_space<hbm>>) target(%dma_start3A_3344 : memref<4x8x128xf32, #tpu.memory_space<vmem>>) target_semaphore(%arg12 : memref<!tpu.dma_semaphore, #tpu.memory_space<semaphore_mem>>)
      %shift_right_arithmetic3A_3348 = arith.constant 7 : i32
      %shift_right_arithmetic3A_3349 = arith.shrsi %squeeze3A_3213, %shift_right_arithmetic3A_3348 : i32
      %shift_left3A_3350 = arith.constant 7 : i32
      %shift_left3A_3351 = arith.shli %shift_right_arithmetic3A_3349, %shift_left3A_3350 : i32
      %multiple_of3A_3352 = tpu.assume_multiple %shift_left3A_3351, 128 : i32
      %dma_start3A_3353 = arith.constant 6 : i32
      %dma_start3A_3354 = arith.constant 0 : i32
      %dma_start3A_3355 = arith.constant 0 : i32
      %dma_start3A_3356 = arith.constant 0 : i32
      %dma_start3A_3357 = tpu.memref_slice %arg8[%dma_start3A_3353, %dma_start3A_3354, %dma_start3A_3355, %dma_start3A_3356] : memref<8x4x8x128xf32, #tpu.memory_space<vmem>> -> memref<1x4x8x128xf32, #tpu.memory_space<vmem>>
      %dma_start3A_3358 = tpu.memref_squeeze %dma_start3A_3357 : memref<1x4x8x128xf32, #tpu.memory_space<vmem>> -> memref<4x8x128xf32, #tpu.memory_space<vmem>>
      %dma_start3A_3359 = arith.constant 0 : i32
      %dma_start3A_3360 = arith.constant 0 : i32
      %dma_start3A_3361 = tpu.memref_slice %arg3[%dma_start3A_3359, %dma_start3A_3360, %multiple_of3A_3352] : memref<4x8x1000001xf32, #tpu.memory_space<hbm>> -> memref<4x8x128xf32, #tpu.memory_space<hbm>>
      %dma_start3A_3362 = arith.constant 0 : i32
      %dma_start3A_3363 = arith.constant 0 : i32
      %dma_start3A_3364 = arith.constant 0 : i32
      %dma_start3A_3365 = tpu.memref_slice %arg8[%dma_start3A_3353, %dma_start3A_3362, %dma_start3A_3363, %dma_start3A_3364] : memref<8x4x8x128xf32, #tpu.memory_space<vmem>> -> memref<1x4x8x128xf32, #tpu.memory_space<vmem>>
      %dma_start3A_3366 = tpu.memref_squeeze %dma_start3A_3365 : memref<1x4x8x128xf32, #tpu.memory_space<vmem>> -> memref<4x8x128xf32, #tpu.memory_space<vmem>>
      %dma_start3A_3367 = arith.constant 0 : i32
      %dma_start3A_3368 = arith.constant 0 : i32
      %dma_start3A_3369 = tpu.memref_slice %arg3[%dma_start3A_3367, %dma_start3A_3368, %multiple_of3A_3352] : memref<4x8x1000001xf32, #tpu.memory_space<hbm>> -> memref<4x8x128xf32, #tpu.memory_space<hbm>>
      tpu.enqueue_dma source(%dma_start3A_3369 : memref<4x8x128xf32, #tpu.memory_space<hbm>>) target(%dma_start3A_3366 : memref<4x8x128xf32, #tpu.memory_space<vmem>>) target_semaphore(%arg12 : memref<!tpu.dma_semaphore, #tpu.memory_space<semaphore_mem>>)
      %shift_right_arithmetic3A_3370 = arith.constant 7 : i32
      %shift_right_arithmetic3A_3371 = arith.shrsi %squeeze3A_3215, %shift_right_arithmetic3A_3370 : i32
      %shift_left3A_3372 = arith.constant 7 : i32
      %shift_left3A_3373 = arith.shli %shift_right_arithmetic3A_3371, %shift_left3A_3372 : i32
      %multiple_of3A_3374 = tpu.assume_multiple %shift_left3A_3373, 128 : i32
      %dma_start3A_3375 = arith.constant 7 : i32
      %dma_start3A_3376 = arith.constant 0 : i32
      %dma_start3A_3377 = arith.constant 0 : i32
      %dma_start3A_3378 = arith.constant 0 : i32
      %dma_start3A_3379 = tpu.memref_slice %arg8[%dma_start3A_3375, %dma_start3A_3376, %dma_start3A_3377, %dma_start3A_3378] : memref<8x4x8x128xf32, #tpu.memory_space<vmem>> -> memref<1x4x8x128xf32, #tpu.memory_space<vmem>>
      %dma_start3A_3380 = tpu.memref_squeeze %dma_start3A_3379 : memref<1x4x8x128xf32, #tpu.memory_space<vmem>> -> memref<4x8x128xf32, #tpu.memory_space<vmem>>
      %dma_start3A_3381 = arith.constant 0 : i32
      %dma_start3A_3382 = arith.constant 0 : i32
      %dma_start3A_3383 = tpu.memref_slice %arg3[%dma_start3A_3381, %dma_start3A_3382, %multiple_of3A_3374] : memref<4x8x1000001xf32, #tpu.memory_space<hbm>> -> memref<4x8x128xf32, #tpu.memory_space<hbm>>
      %dma_start3A_3384 = arith.constant 0 : i32
      %dma_start3A_3385 = arith.constant 0 : i32
      %dma_start3A_3386 = arith.constant 0 : i32
      %dma_start3A_3387 = tpu.memref_slice %arg8[%dma_start3A_3375, %dma_start3A_3384, %dma_start3A_3385, %dma_start3A_3386] : memref<8x4x8x128xf32, #tpu.memory_space<vmem>> -> memref<1x4x8x128xf32, #tpu.memory_space<vmem>>
      %dma_start3A_3388 = tpu.memref_squeeze %dma_start3A_3387 : memref<1x4x8x128xf32, #tpu.memory_space<vmem>> -> memref<4x8x128xf32, #tpu.memory_space<vmem>>
      %dma_start3A_3389 = arith.constant 0 : i32
      %dma_start3A_3390 = arith.constant 0 : i32
      %dma_start3A_3391 = tpu.memref_slice %arg3[%dma_start3A_3389, %dma_start3A_3390, %multiple_of3A_3374] : memref<4x8x1000001xf32, #tpu.memory_space<hbm>> -> memref<4x8x128xf32, #tpu.memory_space<hbm>>
      tpu.enqueue_dma source(%dma_start3A_3391 : memref<4x8x128xf32, #tpu.memory_space<hbm>>) target(%dma_start3A_3388 : memref<4x8x128xf32, #tpu.memory_space<vmem>>) target_semaphore(%arg12 : memref<!tpu.dma_semaphore, #tpu.memory_space<semaphore_mem>>)
      tpu.wait_dma2 semaphore(%arg13 : memref<!tpu.dma_semaphore, #tpu.memory_space<semaphore_mem>>) src(%arg4 : memref<8x4x8x128xf32, #tpu.memory_space<hbm>>) dst(%arg9 : memref<8x4x8x128xf32, #tpu.memory_space<vmem>>)
      %add3A_3392 = arith.constant 2 : i32
      %add3A_3393 = arith.addi %mul3A_2207, %add3A_3392 : i32
      %mul3A_3394 = arith.constant 8 : i32
      %mul3A_3395 = arith.muli %add3A_3393, %mul3A_3394 : i32
      %multiple_of3A_3396 = tpu.assume_multiple %mul3A_3395, 8 : i32
      %get3A_3397 = arith.index_cast %multiple_of3A_3396 : i32 to index
      %get3A_3398 = tpu.vector_load %arg6[%get3A_3397] {strides = array<i32>} : memref<528xi32, #tpu.memory_space<vmem>>, vector<16xi32>,
      %slice3A_3399 = vector.extract_strided_slice %get3A_3398 {offsets = [0], sizes = [1], strides = [1]} : vector<16xi32> to vector<1xi32>
      %squeeze3A_3400 = vector.extract %slice3A_3399[0] : i32 from vector<1xi32>
      %slice3A_3401 = vector.extract_strided_slice %get3A_3398 {offsets = [1], sizes = [1], strides = [1]} : vector<16xi32> to vector<1xi32>
      %squeeze3A_3402 = vector.extract %slice3A_3401[0] : i32 from vector<1xi32>
      %slice3A_3403 = vector.extract_strided_slice %get3A_3398 {offsets = [2], sizes = [1], strides = [1]} : vector<16xi32> to vector<1xi32>
      %squeeze3A_3404 = vector.extract %slice3A_3403[0] : i32 from vector<1xi32>
      %slice3A_3405 = vector.extract_strided_slice %get3A_3398 {offsets = [3], sizes = [1], strides = [1]} : vector<16xi32> to vector<1xi32>
      %squeeze3A_3406 = vector.extract %slice3A_3405[0] : i32 from vector<1xi32>
      %slice3A_3407 = vector.extract_strided_slice %get3A_3398 {offsets = [4], sizes = [1], strides = [1]} : vector<16xi32> to vector<1xi32>
      %squeeze3A_3408 = vector.extract %slice3A_3407[0] : i32 from vector<1xi32>
      %slice3A_3409 = vector.extract_strided_slice %get3A_3398 {offsets = [5], sizes = [1], strides = [1]} : vector<16xi32> to vector<1xi32>
      %squeeze3A_3410 = vector.extract %slice3A_3409[0] : i32 from vector<1xi32>
      %slice3A_3411 = vector.extract_strided_slice %get3A_3398 {offsets = [6], sizes = [1], strides = [1]} : vector<16xi32> to vector<1xi32>
      %squeeze3A_3412 = vector.extract %slice3A_3411[0] : i32 from vector<1xi32>
      %slice3A_3413 = vector.extract_strided_slice %get3A_3398 {offsets = [7], sizes = [1], strides = [1]} : vector<16xi32> to vector<1xi32>
      %squeeze3A_3414 = vector.extract %slice3A_3413[0] : i32 from vector<1xi32>
      %mul3A_3415 = arith.constant 8 : i32
      %mul3A_3416 = arith.muli %add3A_3393, %mul3A_3415 : i32
      %add3A_3417 = arith.constant 0 : i32
      %add3A_3418 = arith.addi %mul3A_3416, %add3A_3417 : i32
      %and3A_3419 = arith.constant 127 : i32
      %and3A_3420 = arith.andi %squeeze3A_3400, %and3A_3419 : i32
      %iota3A_3421 = tpu.iota {dimensions = array<i32: 0>} : vector<16xi32>
      %broadcast_in_dim3A_3422 = vector.broadcast %and3A_3420 : i32 to vector<16xi32>
      %mul3A_3423 = arith.constant 32 : i32
      %mul3A_3424 = arith.muli %add3A_3418, %mul3A_3423 : i32
      %add3A_3425 = arith.constant 0 : i32
      %add3A_3426 = vector.broadcast %add3A_3425 : i32 to vector<16xi32>
      %add3A_3427 = arith.addi %iota3A_3421, %add3A_3426 : vector<16xi32>
      %shift_right_arithmetic3A_3428 = arith.constant 3 : i32
      %shift_right_arithmetic3A_3429 = vector.broadcast %shift_right_arithmetic3A_3428 : i32 to vector<16xi32>
      %shift_right_arithmetic3A_3430 = arith.shrsi %add3A_3427, %shift_right_arithmetic3A_3429 : vector<16xi32>
      %and3A_3431 = arith.constant 7 : i32
      %and3A_3432 = vector.broadcast %and3A_3431 : i32 to vector<16xi32>
      %and3A_3433 = arith.andi %add3A_3427, %and3A_3432 : vector<16xi32>
      %gather3A_3434 = arith.constant 0 : i32
      %gather3A_3435 = arith.constant 0 : i32
      %gather3A_3436 = arith.constant 0 : i32
      %gather3A_3437 = arith.constant 0 : i32
      %gather3A_3438 = tpu.memref_slice %arg9[%gather3A_3434, %gather3A_3435, %gather3A_3436, %gather3A_3437] : memref<8x4x8x128xf32, #tpu.memory_space<vmem>> -> memref<1x4x8x128xf32, #tpu.memory_space<vmem>>
      %gather3A_3439 = tpu.memref_squeeze %gather3A_3438 : memref<1x4x8x128xf32, #tpu.memory_space<vmem>> -> memref<4x8x128xf32, #tpu.memory_space<vmem>>
      %gather3A_3440 = tpu.vector_load_idx %gather3A_3439[%shift_right_arithmetic3A_3430, %and3A_3433, %broadcast_in_dim3A_3422] : memref<4x8x128xf32, #tpu.memory_space<vmem>>[vector<16xi32>, vector<16xi32>, vector<16xi32>], vector<16xf32>,
      %add3A_3441 = vector.broadcast %mul3A_3424 : i32 to vector<16xi32>
      %add3A_3442 = arith.addi %add3A_3441, %add3A_3427 : vector<16xi32>
      tpu.vector_store_idx %arg10[%add3A_3442], %gather3A_3440 : memref<16384xf32, #tpu.memory_space<vmem>>[vector<16xi32>], vector<16xf32>,
      %add3A_3443 = arith.constant 16 : i32
      %add3A_3444 = vector.broadcast %add3A_3443 : i32 to vector<16xi32>
      %add3A_3445 = arith.addi %iota3A_3421, %add3A_3444 : vector<16xi32>
      %shift_right_arithmetic3A_3446 = arith.constant 3 : i32
      %shift_right_arithmetic3A_3447 = vector.broadcast %shift_right_arithmetic3A_3446 : i32 to vector<16xi32>
      %shift_right_arithmetic3A_3448 = arith.shrsi %add3A_3445, %shift_right_arithmetic3A_3447 : vector<16xi32>
      %and3A_3449 = arith.constant 7 : i32
      %and3A_3450 = vector.broadcast %and3A_3449 : i32 to vector<16xi32>
      %and3A_3451 = arith.andi %add3A_3445, %and3A_3450 : vector<16xi32>
      %gather3A_3452 = arith.constant 0 : i32
      %gather3A_3453 = arith.constant 0 : i32
      %gather3A_3454 = arith.constant 0 : i32
      %gather3A_3455 = arith.constant 0 : i32
      %gather3A_3456 = tpu.memref_slice %arg9[%gather3A_3452, %gather3A_3453, %gather3A_3454, %gather3A_3455] : memref<8x4x8x128xf32, #tpu.memory_space<vmem>> -> memref<1x4x8x128xf32, #tpu.memory_space<vmem>>
      %gather3A_3457 = tpu.memref_squeeze %gather3A_3456 : memref<1x4x8x128xf32, #tpu.memory_space<vmem>> -> memref<4x8x128xf32, #tpu.memory_space<vmem>>
      %gather3A_3458 = tpu.vector_load_idx %gather3A_3457[%shift_right_arithmetic3A_3448, %and3A_3451, %broadcast_in_dim3A_3422] : memref<4x8x128xf32, #tpu.memory_space<vmem>>[vector<16xi32>, vector<16xi32>, vector<16xi32>], vector<16xf32>,
      %add3A_3459 = vector.broadcast %mul3A_3424 : i32 to vector<16xi32>
      %add3A_3460 = arith.addi %add3A_3459, %add3A_3445 : vector<16xi32>
      tpu.vector_store_idx %arg10[%add3A_3460], %gather3A_3458 : memref<16384xf32, #tpu.memory_space<vmem>>[vector<16xi32>], vector<16xf32>,
      %mul3A_3461 = arith.constant 8 : i32
      %mul3A_3462 = arith.muli %add3A_3393, %mul3A_3461 : i32
      %add3A_3463 = arith.constant 1 : i32
      %add3A_3464 = arith.addi %mul3A_3462, %add3A_3463 : i32
      %and3A_3465 = arith.constant 127 : i32
      %and3A_3466 = arith.andi %squeeze3A_3402, %and3A_3465 : i32
      %iota3A_3467 = tpu.iota {dimensions = array<i32: 0>} : vector<16xi32>
      %broadcast_in_dim3A_3468 = vector.broadcast %and3A_3466 : i32 to vector<16xi32>
      %mul3A_3469 = arith.constant 32 : i32
      %mul3A_3470 = arith.muli %add3A_3464, %mul3A_3469 : i32
      %add3A_3471 = arith.constant 0 : i32
      %add3A_3472 = vector.broadcast %add3A_3471 : i32 to vector<16xi32>
      %add3A_3473 = arith.addi %iota3A_3467, %add3A_3472 : vector<16xi32>
      %shift_right_arithmetic3A_3474 = arith.constant 3 : i32
      %shift_right_arithmetic3A_3475 = vector.broadcast %shift_right_arithmetic3A_3474 : i32 to vector<16xi32>
      %shift_right_arithmetic3A_3476 = arith.shrsi %add3A_3473, %shift_right_arithmetic3A_3475 : vector<16xi32>
      %and3A_3477 = arith.constant 7 : i32
      %and3A_3478 = vector.broadcast %and3A_3477 : i32 to vector<16xi32>
      %and3A_3479 = arith.andi %add3A_3473, %and3A_3478 : vector<16xi32>
      %gather3A_3480 = arith.constant 1 : i32
      %gather3A_3481 = arith.constant 0 : i32
      %gather3A_3482 = arith.constant 0 : i32
      %gather3A_3483 = arith.constant 0 : i32
      %gather3A_3484 = tpu.memref_slice %arg9[%gather3A_3480, %gather3A_3481, %gather3A_3482, %gather3A_3483] : memref<8x4x8x128xf32, #tpu.memory_space<vmem>> -> memref<1x4x8x128xf32, #tpu.memory_space<vmem>>
      %gather3A_3485 = tpu.memref_squeeze %gather3A_3484 : memref<1x4x8x128xf32, #tpu.memory_space<vmem>> -> memref<4x8x128xf32, #tpu.memory_space<vmem>>
      %gather3A_3486 = tpu.vector_load_idx %gather3A_3485[%shift_right_arithmetic3A_3476, %and3A_3479, %broadcast_in_dim3A_3468] : memref<4x8x128xf32, #tpu.memory_space<vmem>>[vector<16xi32>, vector<16xi32>, vector<16xi32>], vector<16xf32>,
      %add3A_3487 = vector.broadcast %mul3A_3470 : i32 to vector<16xi32>
      %add3A_3488 = arith.addi %add3A_3487, %add3A_3473 : vector<16xi32>
      tpu.vector_store_idx %arg10[%add3A_3488], %gather3A_3486 : memref<16384xf32, #tpu.memory_space<vmem>>[vector<16xi32>], vector<16xf32>,
      %add3A_3489 = arith.constant 16 : i32
      %add3A_3490 = vector.broadcast %add3A_3489 : i32 to vector<16xi32>
      %add3A_3491 = arith.addi %iota3A_3467, %add3A_3490 : vector<16xi32>
      %shift_right_arithmetic3A_3492 = arith.constant 3 : i32
      %shift_right_arithmetic3A_3493 = vector.broadcast %shift_right_arithmetic3A_3492 : i32 to vector<16xi32>
      %shift_right_arithmetic3A_3494 = arith.shrsi %add3A_3491, %shift_right_arithmetic3A_3493 : vector<16xi32>
      %and3A_3495 = arith.constant 7 : i32
      %and3A_3496 = vector.broadcast %and3A_3495 : i32 to vector<16xi32>
      %and3A_3497 = arith.andi %add3A_3491, %and3A_3496 : vector<16xi32>
      %gather3A_3498 = arith.constant 1 : i32
      %gather3A_3499 = arith.constant 0 : i32
      %gather3A_3500 = arith.constant 0 : i32
      %gather3A_3501 = arith.constant 0 : i32
      %gather3A_3502 = tpu.memref_slice %arg9[%gather3A_3498, %gather3A_3499, %gather3A_3500, %gather3A_3501] : memref<8x4x8x128xf32, #tpu.memory_space<vmem>> -> memref<1x4x8x128xf32, #tpu.memory_space<vmem>>
      %gather3A_3503 = tpu.memref_squeeze %gather3A_3502 : memref<1x4x8x128xf32, #tpu.memory_space<vmem>> -> memref<4x8x128xf32, #tpu.memory_space<vmem>>
      %gather3A_3504 = tpu.vector_load_idx %gather3A_3503[%shift_right_arithmetic3A_3494, %and3A_3497, %broadcast_in_dim3A_3468] : memref<4x8x128xf32, #tpu.memory_space<vmem>>[vector<16xi32>, vector<16xi32>, vector<16xi32>], vector<16xf32>,
      %add3A_3505 = vector.broadcast %mul3A_3470 : i32 to vector<16xi32>
      %add3A_3506 = arith.addi %add3A_3505, %add3A_3491 : vector<16xi32>
      tpu.vector_store_idx %arg10[%add3A_3506], %gather3A_3504 : memref<16384xf32, #tpu.memory_space<vmem>>[vector<16xi32>], vector<16xf32>,
      %mul3A_3507 = arith.constant 8 : i32
      %mul3A_3508 = arith.muli %add3A_3393, %mul3A_3507 : i32
      %add3A_3509 = arith.constant 2 : i32
      %add3A_3510 = arith.addi %mul3A_3508, %add3A_3509 : i32
      %and3A_3511 = arith.constant 127 : i32
      %and3A_3512 = arith.andi %squeeze3A_3404, %and3A_3511 : i32
      %iota3A_3513 = tpu.iota {dimensions = array<i32: 0>} : vector<16xi32>
      %broadcast_in_dim3A_3514 = vector.broadcast %and3A_3512 : i32 to vector<16xi32>
      %mul3A_3515 = arith.constant 32 : i32
      %mul3A_3516 = arith.muli %add3A_3510, %mul3A_3515 : i32
      %add3A_3517 = arith.constant 0 : i32
      %add3A_3518 = vector.broadcast %add3A_3517 : i32 to vector<16xi32>
      %add3A_3519 = arith.addi %iota3A_3513, %add3A_3518 : vector<16xi32>
      %shift_right_arithmetic3A_3520 = arith.constant 3 : i32
      %shift_right_arithmetic3A_3521 = vector.broadcast %shift_right_arithmetic3A_3520 : i32 to vector<16xi32>
      %shift_right_arithmetic3A_3522 = arith.shrsi %add3A_3519, %shift_right_arithmetic3A_3521 : vector<16xi32>
      %and3A_3523 = arith.constant 7 : i32
      %and3A_3524 = vector.broadcast %and3A_3523 : i32 to vector<16xi32>
      %and3A_3525 = arith.andi %add3A_3519, %and3A_3524 : vector<16xi32>
      %gather3A_3526 = arith.constant 2 : i32
      %gather3A_3527 = arith.constant 0 : i32
      %gather3A_3528 = arith.constant 0 : i32
      %gather3A_3529 = arith.constant 0 : i32
      %gather3A_3530 = tpu.memref_slice %arg9[%gather3A_3526, %gather3A_3527, %gather3A_3528, %gather3A_3529] : memref<8x4x8x128xf32, #tpu.memory_space<vmem>> -> memref<1x4x8x128xf32, #tpu.memory_space<vmem>>
      %gather3A_3531 = tpu.memref_squeeze %gather3A_3530 : memref<1x4x8x128xf32, #tpu.memory_space<vmem>> -> memref<4x8x128xf32, #tpu.memory_space<vmem>>
      %gather3A_3532 = tpu.vector_load_idx %gather3A_3531[%shift_right_arithmetic3A_3522, %and3A_3525, %broadcast_in_dim3A_3514] : memref<4x8x128xf32, #tpu.memory_space<vmem>>[vector<16xi32>, vector<16xi32>, vector<16xi32>], vector<16xf32>,
      %add3A_3533 = vector.broadcast %mul3A_3516 : i32 to vector<16xi32>
      %add3A_3534 = arith.addi %add3A_3533, %add3A_3519 : vector<16xi32>
      tpu.vector_store_idx %arg10[%add3A_3534], %gather3A_3532 : memref<16384xf32, #tpu.memory_space<vmem>>[vector<16xi32>], vector<16xf32>,
      %add3A_3535 = arith.constant 16 : i32
      %add3A_3536 = vector.broadcast %add3A_3535 : i32 to vector<16xi32>
      %add3A_3537 = arith.addi %iota3A_3513, %add3A_3536 : vector<16xi32>
      %shift_right_arithmetic3A_3538 = arith.constant 3 : i32
      %shift_right_arithmetic3A_3539 = vector.broadcast %shift_right_arithmetic3A_3538 : i32 to vector<16xi32>
      %shift_right_arithmetic3A_3540 = arith.shrsi %add3A_3537, %shift_right_arithmetic3A_3539 : vector<16xi32>
      %and3A_3541 = arith.constant 7 : i32
      %and3A_3542 = vector.broadcast %and3A_3541 : i32 to vector<16xi32>
      %and3A_3543 = arith.andi %add3A_3537, %and3A_3542 : vector<16xi32>
      %gather3A_3544 = arith.constant 2 : i32
      %gather3A_3545 = arith.constant 0 : i32
      %gather3A_3546 = arith.constant 0 : i32
      %gather3A_3547 = arith.constant 0 : i32
      %gather3A_3548 = tpu.memref_slice %arg9[%gather3A_3544, %gather3A_3545, %gather3A_3546, %gather3A_3547] : memref<8x4x8x128xf32, #tpu.memory_space<vmem>> -> memref<1x4x8x128xf32, #tpu.memory_space<vmem>>
      %gather3A_3549 = tpu.memref_squeeze %gather3A_3548 : memref<1x4x8x128xf32, #tpu.memory_space<vmem>> -> memref<4x8x128xf32, #tpu.memory_space<vmem>>
      %gather3A_3550 = tpu.vector_load_idx %gather3A_3549[%shift_right_arithmetic3A_3540, %and3A_3543, %broadcast_in_dim3A_3514] : memref<4x8x128xf32, #tpu.memory_space<vmem>>[vector<16xi32>, vector<16xi32>, vector<16xi32>], vector<16xf32>,
      %add3A_3551 = vector.broadcast %mul3A_3516 : i32 to vector<16xi32>
      %add3A_3552 = arith.addi %add3A_3551, %add3A_3537 : vector<16xi32>
      tpu.vector_store_idx %arg10[%add3A_3552], %gather3A_3550 : memref<16384xf32, #tpu.memory_space<vmem>>[vector<16xi32>], vector<16xf32>,
      %mul3A_3553 = arith.constant 8 : i32
      %mul3A_3554 = arith.muli %add3A_3393, %mul3A_3553 : i32
      %add3A_3555 = arith.constant 3 : i32
      %add3A_3556 = arith.addi %mul3A_3554, %add3A_3555 : i32
      %and3A_3557 = arith.constant 127 : i32
      %and3A_3558 = arith.andi %squeeze3A_3406, %and3A_3557 : i32
      %iota3A_3559 = tpu.iota {dimensions = array<i32: 0>} : vector<16xi32>
      %broadcast_in_dim3A_3560 = vector.broadcast %and3A_3558 : i32 to vector<16xi32>
      %mul3A_3561 = arith.constant 32 : i32
      %mul3A_3562 = arith.muli %add3A_3556, %mul3A_3561 : i32
      %add3A_3563 = arith.constant 0 : i32
      %add3A_3564 = vector.broadcast %add3A_3563 : i32 to vector<16xi32>
      %add3A_3565 = arith.addi %iota3A_3559, %add3A_3564 : vector<16xi32>
      %shift_right_arithmetic3A_3566 = arith.constant 3 : i32
      %shift_right_arithmetic3A_3567 = vector.broadcast %shift_right_arithmetic3A_3566 : i32 to vector<16xi32>
      %shift_right_arithmetic3A_3568 = arith.shrsi %add3A_3565, %shift_right_arithmetic3A_3567 : vector<16xi32>
      %and3A_3569 = arith.constant 7 : i32
      %and3A_3570 = vector.broadcast %and3A_3569 : i32 to vector<16xi32>
      %and3A_3571 = arith.andi %add3A_3565, %and3A_3570 : vector<16xi32>
      %gather3A_3572 = arith.constant 3 : i32
      %gather3A_3573 = arith.constant 0 : i32
      %gather3A_3574 = arith.constant 0 : i32
      %gather3A_3575 = arith.constant 0 : i32
      %gather3A_3576 = tpu.memref_slice %arg9[%gather3A_3572, %gather3A_3573, %gather3A_3574, %gather3A_3575] : memref<8x4x8x128xf32, #tpu.memory_space<vmem>> -> memref<1x4x8x128xf32, #tpu.memory_space<vmem>>
      %gather3A_3577 = tpu.memref_squeeze %gather3A_3576 : memref<1x4x8x128xf32, #tpu.memory_space<vmem>> -> memref<4x8x128xf32, #tpu.memory_space<vmem>>
      %gather3A_3578 = tpu.vector_load_idx %gather3A_3577[%shift_right_arithmetic3A_3568, %and3A_3571, %broadcast_in_dim3A_3560] : memref<4x8x128xf32, #tpu.memory_space<vmem>>[vector<16xi32>, vector<16xi32>, vector<16xi32>], vector<16xf32>,
      %add3A_3579 = vector.broadcast %mul3A_3562 : i32 to vector<16xi32>
      %add3A_3580 = arith.addi %add3A_3579, %add3A_3565 : vector<16xi32>
      tpu.vector_store_idx %arg10[%add3A_3580], %gather3A_3578 : memref<16384xf32, #tpu.memory_space<vmem>>[vector<16xi32>], vector<16xf32>,
      %add3A_3581 = arith.constant 16 : i32
      %add3A_3582 = vector.broadcast %add3A_3581 : i32 to vector<16xi32>
      %add3A_3583 = arith.addi %iota3A_3559, %add3A_3582 : vector<16xi32>
      %shift_right_arithmetic3A_3584 = arith.constant 3 : i32
      %shift_right_arithmetic3A_3585 = vector.broadcast %shift_right_arithmetic3A_3584 : i32 to vector<16xi32>
      %shift_right_arithmetic3A_3586 = arith.shrsi %add3A_3583, %shift_right_arithmetic3A_3585 : vector<16xi32>
      %and3A_3587 = arith.constant 7 : i32
      %and3A_3588 = vector.broadcast %and3A_3587 : i32 to vector<16xi32>
      %and3A_3589 = arith.andi %add3A_3583, %and3A_3588 : vector<16xi32>
      %gather3A_3590 = arith.constant 3 : i32
      %gather3A_3591 = arith.constant 0 : i32
      %gather3A_3592 = arith.constant 0 : i32
      %gather3A_3593 = arith.constant 0 : i32
      %gather3A_3594 = tpu.memref_slice %arg9[%gather3A_3590, %gather3A_3591, %gather3A_3592, %gather3A_3593] : memref<8x4x8x128xf32, #tpu.memory_space<vmem>> -> memref<1x4x8x128xf32, #tpu.memory_space<vmem>>
      %gather3A_3595 = tpu.memref_squeeze %gather3A_3594 : memref<1x4x8x128xf32, #tpu.memory_space<vmem>> -> memref<4x8x128xf32, #tpu.memory_space<vmem>>
      %gather3A_3596 = tpu.vector_load_idx %gather3A_3595[%shift_right_arithmetic3A_3586, %and3A_3589, %broadcast_in_dim3A_3560] : memref<4x8x128xf32, #tpu.memory_space<vmem>>[vector<16xi32>, vector<16xi32>, vector<16xi32>], vector<16xf32>,
      %add3A_3597 = vector.broadcast %mul3A_3562 : i32 to vector<16xi32>
      %add3A_3598 = arith.addi %add3A_3597, %add3A_3583 : vector<16xi32>
      tpu.vector_store_idx %arg10[%add3A_3598], %gather3A_3596 : memref<16384xf32, #tpu.memory_space<vmem>>[vector<16xi32>], vector<16xf32>,
      %mul3A_3599 = arith.constant 8 : i32
      %mul3A_3600 = arith.muli %add3A_3393, %mul3A_3599 : i32
      %add3A_3601 = arith.constant 4 : i32
      %add3A_3602 = arith.addi %mul3A_3600, %add3A_3601 : i32
      %and3A_3603 = arith.constant 127 : i32
      %and3A_3604 = arith.andi %squeeze3A_3408, %and3A_3603 : i32
      %iota3A_3605 = tpu.iota {dimensions = array<i32: 0>} : vector<16xi32>
      %broadcast_in_dim3A_3606 = vector.broadcast %and3A_3604 : i32 to vector<16xi32>
      %mul3A_3607 = arith.constant 32 : i32
      %mul3A_3608 = arith.muli %add3A_3602, %mul3A_3607 : i32
      %add3A_3609 = arith.constant 0 : i32
      %add3A_3610 = vector.broadcast %add3A_3609 : i32 to vector<16xi32>
      %add3A_3611 = arith.addi %iota3A_3605, %add3A_3610 : vector<16xi32>
      %shift_right_arithmetic3A_3612 = arith.constant 3 : i32
      %shift_right_arithmetic3A_3613 = vector.broadcast %shift_right_arithmetic3A_3612 : i32 to vector<16xi32>
      %shift_right_arithmetic3A_3614 = arith.shrsi %add3A_3611, %shift_right_arithmetic3A_3613 : vector<16xi32>
      %and3A_3615 = arith.constant 7 : i32
      %and3A_3616 = vector.broadcast %and3A_3615 : i32 to vector<16xi32>
      %and3A_3617 = arith.andi %add3A_3611, %and3A_3616 : vector<16xi32>
      %gather3A_3618 = arith.constant 4 : i32
      %gather3A_3619 = arith.constant 0 : i32
      %gather3A_3620 = arith.constant 0 : i32
      %gather3A_3621 = arith.constant 0 : i32
      %gather3A_3622 = tpu.memref_slice %arg9[%gather3A_3618, %gather3A_3619, %gather3A_3620, %gather3A_3621] : memref<8x4x8x128xf32, #tpu.memory_space<vmem>> -> memref<1x4x8x128xf32, #tpu.memory_space<vmem>>
      %gather3A_3623 = tpu.memref_squeeze %gather3A_3622 : memref<1x4x8x128xf32, #tpu.memory_space<vmem>> -> memref<4x8x128xf32, #tpu.memory_space<vmem>>
      %gather3A_3624 = tpu.vector_load_idx %gather3A_3623[%shift_right_arithmetic3A_3614, %and3A_3617, %broadcast_in_dim3A_3606] : memref<4x8x128xf32, #tpu.memory_space<vmem>>[vector<16xi32>, vector<16xi32>, vector<16xi32>], vector<16xf32>,
      %add3A_3625 = vector.broadcast %mul3A_3608 : i32 to vector<16xi32>
      %add3A_3626 = arith.addi %add3A_3625, %add3A_3611 : vector<16xi32>
      tpu.vector_store_idx %arg10[%add3A_3626], %gather3A_3624 : memref<16384xf32, #tpu.memory_space<vmem>>[vector<16xi32>], vector<16xf32>,
      %add3A_3627 = arith.constant 16 : i32
      %add3A_3628 = vector.broadcast %add3A_3627 : i32 to vector<16xi32>
      %add3A_3629 = arith.addi %iota3A_3605, %add3A_3628 : vector<16xi32>
      %shift_right_arithmetic3A_3630 = arith.constant 3 : i32
      %shift_right_arithmetic3A_3631 = vector.broadcast %shift_right_arithmetic3A_3630 : i32 to vector<16xi32>
      %shift_right_arithmetic3A_3632 = arith.shrsi %add3A_3629, %shift_right_arithmetic3A_3631 : vector<16xi32>
      %and3A_3633 = arith.constant 7 : i32
      %and3A_3634 = vector.broadcast %and3A_3633 : i32 to vector<16xi32>
      %and3A_3635 = arith.andi %add3A_3629, %and3A_3634 : vector<16xi32>
      %gather3A_3636 = arith.constant 4 : i32
      %gather3A_3637 = arith.constant 0 : i32
      %gather3A_3638 = arith.constant 0 : i32
      %gather3A_3639 = arith.constant 0 : i32
      %gather3A_3640 = tpu.memref_slice %arg9[%gather3A_3636, %gather3A_3637, %gather3A_3638, %gather3A_3639] : memref<8x4x8x128xf32, #tpu.memory_space<vmem>> -> memref<1x4x8x128xf32, #tpu.memory_space<vmem>>
      %gather3A_3641 = tpu.memref_squeeze %gather3A_3640 : memref<1x4x8x128xf32, #tpu.memory_space<vmem>> -> memref<4x8x128xf32, #tpu.memory_space<vmem>>
      %gather3A_3642 = tpu.vector_load_idx %gather3A_3641[%shift_right_arithmetic3A_3632, %and3A_3635, %broadcast_in_dim3A_3606] : memref<4x8x128xf32, #tpu.memory_space<vmem>>[vector<16xi32>, vector<16xi32>, vector<16xi32>], vector<16xf32>,
      %add3A_3643 = vector.broadcast %mul3A_3608 : i32 to vector<16xi32>
      %add3A_3644 = arith.addi %add3A_3643, %add3A_3629 : vector<16xi32>
      tpu.vector_store_idx %arg10[%add3A_3644], %gather3A_3642 : memref<16384xf32, #tpu.memory_space<vmem>>[vector<16xi32>], vector<16xf32>,
      %mul3A_3645 = arith.constant 8 : i32
      %mul3A_3646 = arith.muli %add3A_3393, %mul3A_3645 : i32
      %add3A_3647 = arith.constant 5 : i32
      %add3A_3648 = arith.addi %mul3A_3646, %add3A_3647 : i32
      %and3A_3649 = arith.constant 127 : i32
      %and3A_3650 = arith.andi %squeeze3A_3410, %and3A_3649 : i32
      %iota3A_3651 = tpu.iota {dimensions = array<i32: 0>} : vector<16xi32>
      %broadcast_in_dim3A_3652 = vector.broadcast %and3A_3650 : i32 to vector<16xi32>
      %mul3A_3653 = arith.constant 32 : i32
      %mul3A_3654 = arith.muli %add3A_3648, %mul3A_3653 : i32
      %add3A_3655 = arith.constant 0 : i32
      %add3A_3656 = vector.broadcast %add3A_3655 : i32 to vector<16xi32>
      %add3A_3657 = arith.addi %iota3A_3651, %add3A_3656 : vector<16xi32>
      %shift_right_arithmetic3A_3658 = arith.constant 3 : i32
      %shift_right_arithmetic3A_3659 = vector.broadcast %shift_right_arithmetic3A_3658 : i32 to vector<16xi32>
      %shift_right_arithmetic3A_3660 = arith.shrsi %add3A_3657, %shift_right_arithmetic3A_3659 : vector<16xi32>
      %and3A_3661 = arith.constant 7 : i32
      %and3A_3662 = vector.broadcast %and3A_3661 : i32 to vector<16xi32>
      %and3A_3663 = arith.andi %add3A_3657, %and3A_3662 : vector<16xi32>
      %gather3A_3664 = arith.constant 5 : i32
      %gather3A_3665 = arith.constant 0 : i32
      %gather3A_3666 = arith.constant 0 : i32
      %gather3A_3667 = arith.constant 0 : i32
      %gather3A_3668 = tpu.memref_slice %arg9[%gather3A_3664, %gather3A_3665, %gather3A_3666, %gather3A_3667] : memref<8x4x8x128xf32, #tpu.memory_space<vmem>> -> memref<1x4x8x128xf32, #tpu.memory_space<vmem>>
      %gather3A_3669 = tpu.memref_squeeze %gather3A_3668 : memref<1x4x8x128xf32, #tpu.memory_space<vmem>> -> memref<4x8x128xf32, #tpu.memory_space<vmem>>
      %gather3A_3670 = tpu.vector_load_idx %gather3A_3669[%shift_right_arithmetic3A_3660, %and3A_3663, %broadcast_in_dim3A_3652] : memref<4x8x128xf32, #tpu.memory_space<vmem>>[vector<16xi32>, vector<16xi32>, vector<16xi32>], vector<16xf32>,
      %add3A_3671 = vector.broadcast %mul3A_3654 : i32 to vector<16xi32>
      %add3A_3672 = arith.addi %add3A_3671, %add3A_3657 : vector<16xi32>
      tpu.vector_store_idx %arg10[%add3A_3672], %gather3A_3670 : memref<16384xf32, #tpu.memory_space<vmem>>[vector<16xi32>], vector<16xf32>,
      %add3A_3673 = arith.constant 16 : i32
      %add3A_3674 = vector.broadcast %add3A_3673 : i32 to vector<16xi32>
      %add3A_3675 = arith.addi %iota3A_3651, %add3A_3674 : vector<16xi32>
      %shift_right_arithmetic3A_3676 = arith.constant 3 : i32
      %shift_right_arithmetic3A_3677 = vector.broadcast %shift_right_arithmetic3A_3676 : i32 to vector<16xi32>
      %shift_right_arithmetic3A_3678 = arith.shrsi %add3A_3675, %shift_right_arithmetic3A_3677 : vector<16xi32>
      %and3A_3679 = arith.constant 7 : i32
      %and3A_3680 = vector.broadcast %and3A_3679 : i32 to vector<16xi32>
      %and3A_3681 = arith.andi %add3A_3675, %and3A_3680 : vector<16xi32>
      %gather3A_3682 = arith.constant 5 : i32
      %gather3A_3683 = arith.constant 0 : i32
      %gather3A_3684 = arith.constant 0 : i32
      %gather3A_3685 = arith.constant 0 : i32
      %gather3A_3686 = tpu.memref_slice %arg9[%gather3A_3682, %gather3A_3683, %gather3A_3684, %gather3A_3685] : memref<8x4x8x128xf32, #tpu.memory_space<vmem>> -> memref<1x4x8x128xf32, #tpu.memory_space<vmem>>
      %gather3A_3687 = tpu.memref_squeeze %gather3A_3686 : memref<1x4x8x128xf32, #tpu.memory_space<vmem>> -> memref<4x8x128xf32, #tpu.memory_space<vmem>>
      %gather3A_3688 = tpu.vector_load_idx %gather3A_3687[%shift_right_arithmetic3A_3678, %and3A_3681, %broadcast_in_dim3A_3652] : memref<4x8x128xf32, #tpu.memory_space<vmem>>[vector<16xi32>, vector<16xi32>, vector<16xi32>], vector<16xf32>,
      %add3A_3689 = vector.broadcast %mul3A_3654 : i32 to vector<16xi32>
      %add3A_3690 = arith.addi %add3A_3689, %add3A_3675 : vector<16xi32>
      tpu.vector_store_idx %arg10[%add3A_3690], %gather3A_3688 : memref<16384xf32, #tpu.memory_space<vmem>>[vector<16xi32>], vector<16xf32>,
      %mul3A_3691 = arith.constant 8 : i32
      %mul3A_3692 = arith.muli %add3A_3393, %mul3A_3691 : i32
      %add3A_3693 = arith.constant 6 : i32
      %add3A_3694 = arith.addi %mul3A_3692, %add3A_3693 : i32
      %and3A_3695 = arith.constant 127 : i32
      %and3A_3696 = arith.andi %squeeze3A_3412, %and3A_3695 : i32
      %iota3A_3697 = tpu.iota {dimensions = array<i32: 0>} : vector<16xi32>
      %broadcast_in_dim3A_3698 = vector.broadcast %and3A_3696 : i32 to vector<16xi32>
      %mul3A_3699 = arith.constant 32 : i32
      %mul3A_3700 = arith.muli %add3A_3694, %mul3A_3699 : i32
      %add3A_3701 = arith.constant 0 : i32
      %add3A_3702 = vector.broadcast %add3A_3701 : i32 to vector<16xi32>
      %add3A_3703 = arith.addi %iota3A_3697, %add3A_3702 : vector<16xi32>
      %shift_right_arithmetic3A_3704 = arith.constant 3 : i32
      %shift_right_arithmetic3A_3705 = vector.broadcast %shift_right_arithmetic3A_3704 : i32 to vector<16xi32>
      %shift_right_arithmetic3A_3706 = arith.shrsi %add3A_3703, %shift_right_arithmetic3A_3705 : vector<16xi32>
      %and3A_3707 = arith.constant 7 : i32
      %and3A_3708 = vector.broadcast %and3A_3707 : i32 to vector<16xi32>
      %and3A_3709 = arith.andi %add3A_3703, %and3A_3708 : vector<16xi32>
      %gather3A_3710 = arith.constant 6 : i32
      %gather3A_3711 = arith.constant 0 : i32
      %gather3A_3712 = arith.constant 0 : i32
      %gather3A_3713 = arith.constant 0 : i32
      %gather3A_3714 = tpu.memref_slice %arg9[%gather3A_3710, %gather3A_3711, %gather3A_3712, %gather3A_3713] : memref<8x4x8x128xf32, #tpu.memory_space<vmem>> -> memref<1x4x8x128xf32, #tpu.memory_space<vmem>>
      %gather3A_3715 = tpu.memref_squeeze %gather3A_3714 : memref<1x4x8x128xf32, #tpu.memory_space<vmem>> -> memref<4x8x128xf32, #tpu.memory_space<vmem>>
      %gather3A_3716 = tpu.vector_load_idx %gather3A_3715[%shift_right_arithmetic3A_3706, %and3A_3709, %broadcast_in_dim3A_3698] : memref<4x8x128xf32, #tpu.memory_space<vmem>>[vector<16xi32>, vector<16xi32>, vector<16xi32>], vector<16xf32>,
      %add3A_3717 = vector.broadcast %mul3A_3700 : i32 to vector<16xi32>
      %add3A_3718 = arith.addi %add3A_3717, %add3A_3703 : vector<16xi32>
      tpu.vector_store_idx %arg10[%add3A_3718], %gather3A_3716 : memref<16384xf32, #tpu.memory_space<vmem>>[vector<16xi32>], vector<16xf32>,
      %add3A_3719 = arith.constant 16 : i32
      %add3A_3720 = vector.broadcast %add3A_3719 : i32 to vector<16xi32>
      %add3A_3721 = arith.addi %iota3A_3697, %add3A_3720 : vector<16xi32>
      %shift_right_arithmetic3A_3722 = arith.constant 3 : i32
      %shift_right_arithmetic3A_3723 = vector.broadcast %shift_right_arithmetic3A_3722 : i32 to vector<16xi32>
      %shift_right_arithmetic3A_3724 = arith.shrsi %add3A_3721, %shift_right_arithmetic3A_3723 : vector<16xi32>
      %and3A_3725 = arith.constant 7 : i32
      %and3A_3726 = vector.broadcast %and3A_3725 : i32 to vector<16xi32>
      %and3A_3727 = arith.andi %add3A_3721, %and3A_3726 : vector<16xi32>
      %gather3A_3728 = arith.constant 6 : i32
      %gather3A_3729 = arith.constant 0 : i32
      %gather3A_3730 = arith.constant 0 : i32
      %gather3A_3731 = arith.constant 0 : i32
      %gather3A_3732 = tpu.memref_slice %arg9[%gather3A_3728, %gather3A_3729, %gather3A_3730, %gather3A_3731] : memref<8x4x8x128xf32, #tpu.memory_space<vmem>> -> memref<1x4x8x128xf32, #tpu.memory_space<vmem>>
      %gather3A_3733 = tpu.memref_squeeze %gather3A_3732 : memref<1x4x8x128xf32, #tpu.memory_space<vmem>> -> memref<4x8x128xf32, #tpu.memory_space<vmem>>
      %gather3A_3734 = tpu.vector_load_idx %gather3A_3733[%shift_right_arithmetic3A_3724, %and3A_3727, %broadcast_in_dim3A_3698] : memref<4x8x128xf32, #tpu.memory_space<vmem>>[vector<16xi32>, vector<16xi32>, vector<16xi32>], vector<16xf32>,
      %add3A_3735 = vector.broadcast %mul3A_3700 : i32 to vector<16xi32>
      %add3A_3736 = arith.addi %add3A_3735, %add3A_3721 : vector<16xi32>
      tpu.vector_store_idx %arg10[%add3A_3736], %gather3A_3734 : memref<16384xf32, #tpu.memory_space<vmem>>[vector<16xi32>], vector<16xf32>,
      %mul3A_3737 = arith.constant 8 : i32
      %mul3A_3738 = arith.muli %add3A_3393, %mul3A_3737 : i32
      %add3A_3739 = arith.constant 7 : i32
      %add3A_3740 = arith.addi %mul3A_3738, %add3A_3739 : i32
      %and3A_3741 = arith.constant 127 : i32
      %and3A_3742 = arith.andi %squeeze3A_3414, %and3A_3741 : i32
      %iota3A_3743 = tpu.iota {dimensions = array<i32: 0>} : vector<16xi32>
      %broadcast_in_dim3A_3744 = vector.broadcast %and3A_3742 : i32 to vector<16xi32>
      %mul3A_3745 = arith.constant 32 : i32
      %mul3A_3746 = arith.muli %add3A_3740, %mul3A_3745 : i32
      %add3A_3747 = arith.constant 0 : i32
      %add3A_3748 = vector.broadcast %add3A_3747 : i32 to vector<16xi32>
      %add3A_3749 = arith.addi %iota3A_3743, %add3A_3748 : vector<16xi32>
      %shift_right_arithmetic3A_3750 = arith.constant 3 : i32
      %shift_right_arithmetic3A_3751 = vector.broadcast %shift_right_arithmetic3A_3750 : i32 to vector<16xi32>
      %shift_right_arithmetic3A_3752 = arith.shrsi %add3A_3749, %shift_right_arithmetic3A_3751 : vector<16xi32>
      %and3A_3753 = arith.constant 7 : i32
      %and3A_3754 = vector.broadcast %and3A_3753 : i32 to vector<16xi32>
      %and3A_3755 = arith.andi %add3A_3749, %and3A_3754 : vector<16xi32>
      %gather3A_3756 = arith.constant 7 : i32
      %gather3A_3757 = arith.constant 0 : i32
      %gather3A_3758 = arith.constant 0 : i32
      %gather3A_3759 = arith.constant 0 : i32
      %gather3A_3760 = tpu.memref_slice %arg9[%gather3A_3756, %gather3A_3757, %gather3A_3758, %gather3A_3759] : memref<8x4x8x128xf32, #tpu.memory_space<vmem>> -> memref<1x4x8x128xf32, #tpu.memory_space<vmem>>
      %gather3A_3761 = tpu.memref_squeeze %gather3A_3760 : memref<1x4x8x128xf32, #tpu.memory_space<vmem>> -> memref<4x8x128xf32, #tpu.memory_space<vmem>>
      %gather3A_3762 = tpu.vector_load_idx %gather3A_3761[%shift_right_arithmetic3A_3752, %and3A_3755, %broadcast_in_dim3A_3744] : memref<4x8x128xf32, #tpu.memory_space<vmem>>[vector<16xi32>, vector<16xi32>, vector<16xi32>], vector<16xf32>,
      %add3A_3763 = vector.broadcast %mul3A_3746 : i32 to vector<16xi32>
      %add3A_3764 = arith.addi %add3A_3763, %add3A_3749 : vector<16xi32>
      tpu.vector_store_idx %arg10[%add3A_3764], %gather3A_3762 : memref<16384xf32, #tpu.memory_space<vmem>>[vector<16xi32>], vector<16xf32>,
      %add3A_3765 = arith.constant 16 : i32
      %add3A_3766 = vector.broadcast %add3A_3765 : i32 to vector<16xi32>
      %add3A_3767 = arith.addi %iota3A_3743, %add3A_3766 : vector<16xi32>
      %shift_right_arithmetic3A_3768 = arith.constant 3 : i32
      %shift_right_arithmetic3A_3769 = vector.broadcast %shift_right_arithmetic3A_3768 : i32 to vector<16xi32>
      %shift_right_arithmetic3A_3770 = arith.shrsi %add3A_3767, %shift_right_arithmetic3A_3769 : vector<16xi32>
      %and3A_3771 = arith.constant 7 : i32
      %and3A_3772 = vector.broadcast %and3A_3771 : i32 to vector<16xi32>
      %and3A_3773 = arith.andi %add3A_3767, %and3A_3772 : vector<16xi32>
      %gather3A_3774 = arith.constant 7 : i32
      %gather3A_3775 = arith.constant 0 : i32
      %gather3A_3776 = arith.constant 0 : i32
      %gather3A_3777 = arith.constant 0 : i32
      %gather3A_3778 = tpu.memref_slice %arg9[%gather3A_3774, %gather3A_3775, %gather3A_3776, %gather3A_3777] : memref<8x4x8x128xf32, #tpu.memory_space<vmem>> -> memref<1x4x8x128xf32, #tpu.memory_space<vmem>>
      %gather3A_3779 = tpu.memref_squeeze %gather3A_3778 : memref<1x4x8x128xf32, #tpu.memory_space<vmem>> -> memref<4x8x128xf32, #tpu.memory_space<vmem>>
      %gather3A_3780 = tpu.vector_load_idx %gather3A_3779[%shift_right_arithmetic3A_3770, %and3A_3773, %broadcast_in_dim3A_3744] : memref<4x8x128xf32, #tpu.memory_space<vmem>>[vector<16xi32>, vector<16xi32>, vector<16xi32>], vector<16xf32>,
      %add3A_3781 = vector.broadcast %mul3A_3746 : i32 to vector<16xi32>
      %add3A_3782 = arith.addi %add3A_3781, %add3A_3767 : vector<16xi32>
      tpu.vector_store_idx %arg10[%add3A_3782], %gather3A_3780 : memref<16384xf32, #tpu.memory_space<vmem>>[vector<16xi32>], vector<16xf32>,
      %add3A_3783 = arith.constant 2 : i32
      %add3A_3784 = arith.addi %mul3A_2207, %add3A_3783 : i32
      %add3A_3785 = arith.constant 3 : i32
      %add3A_3786 = arith.addi %add3A_3784, %add3A_3785 : i32
      %mul3A_3787 = arith.constant 8 : i32
      %mul3A_3788 = arith.muli %add3A_3786, %mul3A_3787 : i32
      %multiple_of3A_3789 = tpu.assume_multiple %mul3A_3788, 8 : i32
      %get3A_3790 = arith.index_cast %multiple_of3A_3789 : i32 to index
      %get3A_3791 = tpu.vector_load %arg6[%get3A_3790] {strides = array<i32>} : memref<528xi32, #tpu.memory_space<vmem>>, vector<16xi32>,
      %slice3A_3792 = vector.extract_strided_slice %get3A_3791 {offsets = [0], sizes = [1], strides = [1]} : vector<16xi32> to vector<1xi32>
      %squeeze3A_3793 = vector.extract %slice3A_3792[0] : i32 from vector<1xi32>
      %slice3A_3794 = vector.extract_strided_slice %get3A_3791 {offsets = [1], sizes = [1], strides = [1]} : vector<16xi32> to vector<1xi32>
      %squeeze3A_3795 = vector.extract %slice3A_3794[0] : i32 from vector<1xi32>
      %slice3A_3796 = vector.extract_strided_slice %get3A_3791 {offsets = [2], sizes = [1], strides = [1]} : vector<16xi32> to vector<1xi32>
      %squeeze3A_3797 = vector.extract %slice3A_3796[0] : i32 from vector<1xi32>
      %slice3A_3798 = vector.extract_strided_slice %get3A_3791 {offsets = [3], sizes = [1], strides = [1]} : vector<16xi32> to vector<1xi32>
      %squeeze3A_3799 = vector.extract %slice3A_3798[0] : i32 from vector<1xi32>
      %slice3A_3800 = vector.extract_strided_slice %get3A_3791 {offsets = [4], sizes = [1], strides = [1]} : vector<16xi32> to vector<1xi32>
      %squeeze3A_3801 = vector.extract %slice3A_3800[0] : i32 from vector<1xi32>
      %slice3A_3802 = vector.extract_strided_slice %get3A_3791 {offsets = [5], sizes = [1], strides = [1]} : vector<16xi32> to vector<1xi32>
      %squeeze3A_3803 = vector.extract %slice3A_3802[0] : i32 from vector<1xi32>
      %slice3A_3804 = vector.extract_strided_slice %get3A_3791 {offsets = [6], sizes = [1], strides = [1]} : vector<16xi32> to vector<1xi32>
      %squeeze3A_3805 = vector.extract %slice3A_3804[0] : i32 from vector<1xi32>
      %slice3A_3806 = vector.extract_strided_slice %get3A_3791 {offsets = [7], sizes = [1], strides = [1]} : vector<16xi32> to vector<1xi32>
      %squeeze3A_3807 = vector.extract %slice3A_3806[0] : i32 from vector<1xi32>
      %shift_right_arithmetic3A_3808 = arith.constant 7 : i32
      %shift_right_arithmetic3A_3809 = arith.shrsi %squeeze3A_3793, %shift_right_arithmetic3A_3808 : i32
      %shift_left3A_3810 = arith.constant 7 : i32
      %shift_left3A_3811 = arith.shli %shift_right_arithmetic3A_3809, %shift_left3A_3810 : i32
      %multiple_of3A_3812 = tpu.assume_multiple %shift_left3A_3811, 128 : i32
      %dma_start3A_3813 = arith.constant 0 : i32
      %dma_start3A_3814 = arith.constant 0 : i32
      %dma_start3A_3815 = arith.constant 0 : i32
      %dma_start3A_3816 = arith.constant 0 : i32
      %dma_start3A_3817 = tpu.memref_slice %arg9[%dma_start3A_3813, %dma_start3A_3814, %dma_start3A_3815, %dma_start3A_3816] : memref<8x4x8x128xf32, #tpu.memory_space<vmem>> -> memref<1x4x8x128xf32, #tpu.memory_space<vmem>>
      %dma_start3A_3818 = tpu.memref_squeeze %dma_start3A_3817 : memref<1x4x8x128xf32, #tpu.memory_space<vmem>> -> memref<4x8x128xf32, #tpu.memory_space<vmem>>
      %dma_start3A_3819 = arith.constant 0 : i32
      %dma_start3A_3820 = arith.constant 0 : i32
      %dma_start3A_3821 = tpu.memref_slice %arg3[%dma_start3A_3819, %dma_start3A_3820, %multiple_of3A_3812] : memref<4x8x1000001xf32, #tpu.memory_space<hbm>> -> memref<4x8x128xf32, #tpu.memory_space<hbm>>
      %dma_start3A_3822 = arith.constant 0 : i32
      %dma_start3A_3823 = arith.constant 0 : i32
      %dma_start3A_3824 = arith.constant 0 : i32
      %dma_start3A_3825 = tpu.memref_slice %arg9[%dma_start3A_3813, %dma_start3A_3822, %dma_start3A_3823, %dma_start3A_3824] : memref<8x4x8x128xf32, #tpu.memory_space<vmem>> -> memref<1x4x8x128xf32, #tpu.memory_space<vmem>>
      %dma_start3A_3826 = tpu.memref_squeeze %dma_start3A_3825 : memref<1x4x8x128xf32, #tpu.memory_space<vmem>> -> memref<4x8x128xf32, #tpu.memory_space<vmem>>
      %dma_start3A_3827 = arith.constant 0 : i32
      %dma_start3A_3828 = arith.constant 0 : i32
      %dma_start3A_3829 = tpu.memref_slice %arg3[%dma_start3A_3827, %dma_start3A_3828, %multiple_of3A_3812] : memref<4x8x1000001xf32, #tpu.memory_space<hbm>> -> memref<4x8x128xf32, #tpu.memory_space<hbm>>
      tpu.enqueue_dma source(%dma_start3A_3829 : memref<4x8x128xf32, #tpu.memory_space<hbm>>) target(%dma_start3A_3826 : memref<4x8x128xf32, #tpu.memory_space<vmem>>) target_semaphore(%arg13 : memref<!tpu.dma_semaphore, #tpu.memory_space<semaphore_mem>>)
      %shift_right_arithmetic3A_3830 = arith.constant 7 : i32
      %shift_right_arithmetic3A_3831 = arith.shrsi %squeeze3A_3795, %shift_right_arithmetic3A_3830 : i32
      %shift_left3A_3832 = arith.constant 7 : i32
      %shift_left3A_3833 = arith.shli %shift_right_arithmetic3A_3831, %shift_left3A_3832 : i32
      %multiple_of3A_3834 = tpu.assume_multiple %shift_left3A_3833, 128 : i32
      %dma_start3A_3835 = arith.constant 1 : i32
      %dma_start3A_3836 = arith.constant 0 : i32
      %dma_start3A_3837 = arith.constant 0 : i32
      %dma_start3A_3838 = arith.constant 0 : i32
      %dma_start3A_3839 = tpu.memref_slice %arg9[%dma_start3A_3835, %dma_start3A_3836, %dma_start3A_3837, %dma_start3A_3838] : memref<8x4x8x128xf32, #tpu.memory_space<vmem>> -> memref<1x4x8x128xf32, #tpu.memory_space<vmem>>
      %dma_start3A_3840 = tpu.memref_squeeze %dma_start3A_3839 : memref<1x4x8x128xf32, #tpu.memory_space<vmem>> -> memref<4x8x128xf32, #tpu.memory_space<vmem>>
      %dma_start3A_3841 = arith.constant 0 : i32
      %dma_start3A_3842 = arith.constant 0 : i32
      %dma_start3A_3843 = tpu.memref_slice %arg3[%dma_start3A_3841, %dma_start3A_3842, %multiple_of3A_3834] : memref<4x8x1000001xf32, #tpu.memory_space<hbm>> -> memref<4x8x128xf32, #tpu.memory_space<hbm>>
      %dma_start3A_3844 = arith.constant 0 : i32
      %dma_start3A_3845 = arith.constant 0 : i32
      %dma_start3A_3846 = arith.constant 0 : i32
      %dma_start3A_3847 = tpu.memref_slice %arg9[%dma_start3A_3835, %dma_start3A_3844, %dma_start3A_3845, %dma_start3A_3846] : memref<8x4x8x128xf32, #tpu.memory_space<vmem>> -> memref<1x4x8x128xf32, #tpu.memory_space<vmem>>
      %dma_start3A_3848 = tpu.memref_squeeze %dma_start3A_3847 : memref<1x4x8x128xf32, #tpu.memory_space<vmem>> -> memref<4x8x128xf32, #tpu.memory_space<vmem>>
      %dma_start3A_3849 = arith.constant 0 : i32
      %dma_start3A_3850 = arith.constant 0 : i32
      %dma_start3A_3851 = tpu.memref_slice %arg3[%dma_start3A_3849, %dma_start3A_3850, %multiple_of3A_3834] : memref<4x8x1000001xf32, #tpu.memory_space<hbm>> -> memref<4x8x128xf32, #tpu.memory_space<hbm>>
      tpu.enqueue_dma source(%dma_start3A_3851 : memref<4x8x128xf32, #tpu.memory_space<hbm>>) target(%dma_start3A_3848 : memref<4x8x128xf32, #tpu.memory_space<vmem>>) target_semaphore(%arg13 : memref<!tpu.dma_semaphore, #tpu.memory_space<semaphore_mem>>)
      %shift_right_arithmetic3A_3852 = arith.constant 7 : i32
      %shift_right_arithmetic3A_3853 = arith.shrsi %squeeze3A_3797, %shift_right_arithmetic3A_3852 : i32
      %shift_left3A_3854 = arith.constant 7 : i32
      %shift_left3A_3855 = arith.shli %shift_right_arithmetic3A_3853, %shift_left3A_3854 : i32
      %multiple_of3A_3856 = tpu.assume_multiple %shift_left3A_3855, 128 : i32
      %dma_start3A_3857 = arith.constant 2 : i32
      %dma_start3A_3858 = arith.constant 0 : i32
      %dma_start3A_3859 = arith.constant 0 : i32
      %dma_start3A_3860 = arith.constant 0 : i32
      %dma_start3A_3861 = tpu.memref_slice %arg9[%dma_start3A_3857, %dma_start3A_3858, %dma_start3A_3859, %dma_start3A_3860] : memref<8x4x8x128xf32, #tpu.memory_space<vmem>> -> memref<1x4x8x128xf32, #tpu.memory_space<vmem>>
      %dma_start3A_3862 = tpu.memref_squeeze %dma_start3A_3861 : memref<1x4x8x128xf32, #tpu.memory_space<vmem>> -> memref<4x8x128xf32, #tpu.memory_space<vmem>>
      %dma_start3A_3863 = arith.constant 0 : i32
      %dma_start3A_3864 = arith.constant 0 : i32
      %dma_start3A_3865 = tpu.memref_slice %arg3[%dma_start3A_3863, %dma_start3A_3864, %multiple_of3A_3856] : memref<4x8x1000001xf32, #tpu.memory_space<hbm>> -> memref<4x8x128xf32, #tpu.memory_space<hbm>>
      %dma_start3A_3866 = arith.constant 0 : i32
      %dma_start3A_3867 = arith.constant 0 : i32
      %dma_start3A_3868 = arith.constant 0 : i32
      %dma_start3A_3869 = tpu.memref_slice %arg9[%dma_start3A_3857, %dma_start3A_3866, %dma_start3A_3867, %dma_start3A_3868] : memref<8x4x8x128xf32, #tpu.memory_space<vmem>> -> memref<1x4x8x128xf32, #tpu.memory_space<vmem>>
      %dma_start3A_3870 = tpu.memref_squeeze %dma_start3A_3869 : memref<1x4x8x128xf32, #tpu.memory_space<vmem>> -> memref<4x8x128xf32, #tpu.memory_space<vmem>>
      %dma_start3A_3871 = arith.constant 0 : i32
      %dma_start3A_3872 = arith.constant 0 : i32
      %dma_start3A_3873 = tpu.memref_slice %arg3[%dma_start3A_3871, %dma_start3A_3872, %multiple_of3A_3856] : memref<4x8x1000001xf32, #tpu.memory_space<hbm>> -> memref<4x8x128xf32, #tpu.memory_space<hbm>>
      tpu.enqueue_dma source(%dma_start3A_3873 : memref<4x8x128xf32, #tpu.memory_space<hbm>>) target(%dma_start3A_3870 : memref<4x8x128xf32, #tpu.memory_space<vmem>>) target_semaphore(%arg13 : memref<!tpu.dma_semaphore, #tpu.memory_space<semaphore_mem>>)
      %shift_right_arithmetic3A_3874 = arith.constant 7 : i32
      %shift_right_arithmetic3A_3875 = arith.shrsi %squeeze3A_3799, %shift_right_arithmetic3A_3874 : i32
      %shift_left3A_3876 = arith.constant 7 : i32
      %shift_left3A_3877 = arith.shli %shift_right_arithmetic3A_3875, %shift_left3A_3876 : i32
      %multiple_of3A_3878 = tpu.assume_multiple %shift_left3A_3877, 128 : i32
      %dma_start3A_3879 = arith.constant 3 : i32
      %dma_start3A_3880 = arith.constant 0 : i32
      %dma_start3A_3881 = arith.constant 0 : i32
      %dma_start3A_3882 = arith.constant 0 : i32
      %dma_start3A_3883 = tpu.memref_slice %arg9[%dma_start3A_3879, %dma_start3A_3880, %dma_start3A_3881, %dma_start3A_3882] : memref<8x4x8x128xf32, #tpu.memory_space<vmem>> -> memref<1x4x8x128xf32, #tpu.memory_space<vmem>>
      %dma_start3A_3884 = tpu.memref_squeeze %dma_start3A_3883 : memref<1x4x8x128xf32, #tpu.memory_space<vmem>> -> memref<4x8x128xf32, #tpu.memory_space<vmem>>
      %dma_start3A_3885 = arith.constant 0 : i32
      %dma_start3A_3886 = arith.constant 0 : i32
      %dma_start3A_3887 = tpu.memref_slice %arg3[%dma_start3A_3885, %dma_start3A_3886, %multiple_of3A_3878] : memref<4x8x1000001xf32, #tpu.memory_space<hbm>> -> memref<4x8x128xf32, #tpu.memory_space<hbm>>
      %dma_start3A_3888 = arith.constant 0 : i32
      %dma_start3A_3889 = arith.constant 0 : i32
      %dma_start3A_3890 = arith.constant 0 : i32
      %dma_start3A_3891 = tpu.memref_slice %arg9[%dma_start3A_3879, %dma_start3A_3888, %dma_start3A_3889, %dma_start3A_3890] : memref<8x4x8x128xf32, #tpu.memory_space<vmem>> -> memref<1x4x8x128xf32, #tpu.memory_space<vmem>>
      %dma_start3A_3892 = tpu.memref_squeeze %dma_start3A_3891 : memref<1x4x8x128xf32, #tpu.memory_space<vmem>> -> memref<4x8x128xf32, #tpu.memory_space<vmem>>
      %dma_start3A_3893 = arith.constant 0 : i32
      %dma_start3A_3894 = arith.constant 0 : i32
      %dma_start3A_3895 = tpu.memref_slice %arg3[%dma_start3A_3893, %dma_start3A_3894, %multiple_of3A_3878] : memref<4x8x1000001xf32, #tpu.memory_space<hbm>> -> memref<4x8x128xf32, #tpu.memory_space<hbm>>
      tpu.enqueue_dma source(%dma_start3A_3895 : memref<4x8x128xf32, #tpu.memory_space<hbm>>) target(%dma_start3A_3892 : memref<4x8x128xf32, #tpu.memory_space<vmem>>) target_semaphore(%arg13 : memref<!tpu.dma_semaphore, #tpu.memory_space<semaphore_mem>>)
      %shift_right_arithmetic3A_3896 = arith.constant 7 : i32
      %shift_right_arithmetic3A_3897 = arith.shrsi %squeeze3A_3801, %shift_right_arithmetic3A_3896 : i32
      %shift_left3A_3898 = arith.constant 7 : i32
      %shift_left3A_3899 = arith.shli %shift_right_arithmetic3A_3897, %shift_left3A_3898 : i32
      %multiple_of3A_3900 = tpu.assume_multiple %shift_left3A_3899, 128 : i32
      %dma_start3A_3901 = arith.constant 4 : i32
      %dma_start3A_3902 = arith.constant 0 : i32
      %dma_start3A_3903 = arith.constant 0 : i32
      %dma_start3A_3904 = arith.constant 0 : i32
      %dma_start3A_3905 = tpu.memref_slice %arg9[%dma_start3A_3901, %dma_start3A_3902, %dma_start3A_3903, %dma_start3A_3904] : memref<8x4x8x128xf32, #tpu.memory_space<vmem>> -> memref<1x4x8x128xf32, #tpu.memory_space<vmem>>
      %dma_start3A_3906 = tpu.memref_squeeze %dma_start3A_3905 : memref<1x4x8x128xf32, #tpu.memory_space<vmem>> -> memref<4x8x128xf32, #tpu.memory_space<vmem>>
      %dma_start3A_3907 = arith.constant 0 : i32
      %dma_start3A_3908 = arith.constant 0 : i32
      %dma_start3A_3909 = tpu.memref_slice %arg3[%dma_start3A_3907, %dma_start3A_3908, %multiple_of3A_3900] : memref<4x8x1000001xf32, #tpu.memory_space<hbm>> -> memref<4x8x128xf32, #tpu.memory_space<hbm>>
      %dma_start3A_3910 = arith.constant 0 : i32
      %dma_start3A_3911 = arith.constant 0 : i32
      %dma_start3A_3912 = arith.constant 0 : i32
      %dma_start3A_3913 = tpu.memref_slice %arg9[%dma_start3A_3901, %dma_start3A_3910, %dma_start3A_3911, %dma_start3A_3912] : memref<8x4x8x128xf32, #tpu.memory_space<vmem>> -> memref<1x4x8x128xf32, #tpu.memory_space<vmem>>
      %dma_start3A_3914 = tpu.memref_squeeze %dma_start3A_3913 : memref<1x4x8x128xf32, #tpu.memory_space<vmem>> -> memref<4x8x128xf32, #tpu.memory_space<vmem>>
      %dma_start3A_3915 = arith.constant 0 : i32
      %dma_start3A_3916 = arith.constant 0 : i32
      %dma_start3A_3917 = tpu.memref_slice %arg3[%dma_start3A_3915, %dma_start3A_3916, %multiple_of3A_3900] : memref<4x8x1000001xf32, #tpu.memory_space<hbm>> -> memref<4x8x128xf32, #tpu.memory_space<hbm>>
      tpu.enqueue_dma source(%dma_start3A_3917 : memref<4x8x128xf32, #tpu.memory_space<hbm>>) target(%dma_start3A_3914 : memref<4x8x128xf32, #tpu.memory_space<vmem>>) target_semaphore(%arg13 : memref<!tpu.dma_semaphore, #tpu.memory_space<semaphore_mem>>)
      %shift_right_arithmetic3A_3918 = arith.constant 7 : i32
      %shift_right_arithmetic3A_3919 = arith.shrsi %squeeze3A_3803, %shift_right_arithmetic3A_3918 : i32
      %shift_left3A_3920 = arith.constant 7 : i32
      %shift_left3A_3921 = arith.shli %shift_right_arithmetic3A_3919, %shift_left3A_3920 : i32
      %multiple_of3A_3922 = tpu.assume_multiple %shift_left3A_3921, 128 : i32
      %dma_start3A_3923 = arith.constant 5 : i32
      %dma_start3A_3924 = arith.constant 0 : i32
      %dma_start3A_3925 = arith.constant 0 : i32
      %dma_start3A_3926 = arith.constant 0 : i32
      %dma_start3A_3927 = tpu.memref_slice %arg9[%dma_start3A_3923, %dma_start3A_3924, %dma_start3A_3925, %dma_start3A_3926] : memref<8x4x8x128xf32, #tpu.memory_space<vmem>> -> memref<1x4x8x128xf32, #tpu.memory_space<vmem>>
      %dma_start3A_3928 = tpu.memref_squeeze %dma_start3A_3927 : memref<1x4x8x128xf32, #tpu.memory_space<vmem>> -> memref<4x8x128xf32, #tpu.memory_space<vmem>>
      %dma_start3A_3929 = arith.constant 0 : i32
      %dma_start3A_3930 = arith.constant 0 : i32
      %dma_start3A_3931 = tpu.memref_slice %arg3[%dma_start3A_3929, %dma_start3A_3930, %multiple_of3A_3922] : memref<4x8x1000001xf32, #tpu.memory_space<hbm>> -> memref<4x8x128xf32, #tpu.memory_space<hbm>>
      %dma_start3A_3932 = arith.constant 0 : i32
      %dma_start3A_3933 = arith.constant 0 : i32
      %dma_start3A_3934 = arith.constant 0 : i32
      %dma_start3A_3935 = tpu.memref_slice %arg9[%dma_start3A_3923, %dma_start3A_3932, %dma_start3A_3933, %dma_start3A_3934] : memref<8x4x8x128xf32, #tpu.memory_space<vmem>> -> memref<1x4x8x128xf32, #tpu.memory_space<vmem>>
      %dma_start3A_3936 = tpu.memref_squeeze %dma_start3A_3935 : memref<1x4x8x128xf32, #tpu.memory_space<vmem>> -> memref<4x8x128xf32, #tpu.memory_space<vmem>>
      %dma_start3A_3937 = arith.constant 0 : i32
      %dma_start3A_3938 = arith.constant 0 : i32
      %dma_start3A_3939 = tpu.memref_slice %arg3[%dma_start3A_3937, %dma_start3A_3938, %multiple_of3A_3922] : memref<4x8x1000001xf32, #tpu.memory_space<hbm>> -> memref<4x8x128xf32, #tpu.memory_space<hbm>>
      tpu.enqueue_dma source(%dma_start3A_3939 : memref<4x8x128xf32, #tpu.memory_space<hbm>>) target(%dma_start3A_3936 : memref<4x8x128xf32, #tpu.memory_space<vmem>>) target_semaphore(%arg13 : memref<!tpu.dma_semaphore, #tpu.memory_space<semaphore_mem>>)
      %shift_right_arithmetic3A_3940 = arith.constant 7 : i32
      %shift_right_arithmetic3A_3941 = arith.shrsi %squeeze3A_3805, %shift_right_arithmetic3A_3940 : i32
      %shift_left3A_3942 = arith.constant 7 : i32
      %shift_left3A_3943 = arith.shli %shift_right_arithmetic3A_3941, %shift_left3A_3942 : i32
      %multiple_of3A_3944 = tpu.assume_multiple %shift_left3A_3943, 128 : i32
      %dma_start3A_3945 = arith.constant 6 : i32
      %dma_start3A_3946 = arith.constant 0 : i32
      %dma_start3A_3947 = arith.constant 0 : i32
      %dma_start3A_3948 = arith.constant 0 : i32
      %dma_start3A_3949 = tpu.memref_slice %arg9[%dma_start3A_3945, %dma_start3A_3946, %dma_start3A_3947, %dma_start3A_3948] : memref<8x4x8x128xf32, #tpu.memory_space<vmem>> -> memref<1x4x8x128xf32, #tpu.memory_space<vmem>>
      %dma_start3A_3950 = tpu.memref_squeeze %dma_start3A_3949 : memref<1x4x8x128xf32, #tpu.memory_space<vmem>> -> memref<4x8x128xf32, #tpu.memory_space<vmem>>
      %dma_start3A_3951 = arith.constant 0 : i32
      %dma_start3A_3952 = arith.constant 0 : i32
      %dma_start3A_3953 = tpu.memref_slice %arg3[%dma_start3A_3951, %dma_start3A_3952, %multiple_of3A_3944] : memref<4x8x1000001xf32, #tpu.memory_space<hbm>> -> memref<4x8x128xf32, #tpu.memory_space<hbm>>
      %dma_start3A_3954 = arith.constant 0 : i32
      %dma_start3A_3955 = arith.constant 0 : i32
      %dma_start3A_3956 = arith.constant 0 : i32
      %dma_start3A_3957 = tpu.memref_slice %arg9[%dma_start3A_3945, %dma_start3A_3954, %dma_start3A_3955, %dma_start3A_3956] : memref<8x4x8x128xf32, #tpu.memory_space<vmem>> -> memref<1x4x8x128xf32, #tpu.memory_space<vmem>>
      %dma_start3A_3958 = tpu.memref_squeeze %dma_start3A_3957 : memref<1x4x8x128xf32, #tpu.memory_space<vmem>> -> memref<4x8x128xf32, #tpu.memory_space<vmem>>
      %dma_start3A_3959 = arith.constant 0 : i32
      %dma_start3A_3960 = arith.constant 0 : i32
      %dma_start3A_3961 = tpu.memref_slice %arg3[%dma_start3A_3959, %dma_start3A_3960, %multiple_of3A_3944] : memref<4x8x1000001xf32, #tpu.memory_space<hbm>> -> memref<4x8x128xf32, #tpu.memory_space<hbm>>
      tpu.enqueue_dma source(%dma_start3A_3961 : memref<4x8x128xf32, #tpu.memory_space<hbm>>) target(%dma_start3A_3958 : memref<4x8x128xf32, #tpu.memory_space<vmem>>) target_semaphore(%arg13 : memref<!tpu.dma_semaphore, #tpu.memory_space<semaphore_mem>>)
      %shift_right_arithmetic3A_3962 = arith.constant 7 : i32
      %shift_right_arithmetic3A_3963 = arith.shrsi %squeeze3A_3807, %shift_right_arithmetic3A_3962 : i32
      %shift_left3A_3964 = arith.constant 7 : i32
      %shift_left3A_3965 = arith.shli %shift_right_arithmetic3A_3963, %shift_left3A_3964 : i32
      %multiple_of3A_3966 = tpu.assume_multiple %shift_left3A_3965, 128 : i32
      %dma_start3A_3967 = arith.constant 7 : i32
      %dma_start3A_3968 = arith.constant 0 : i32
      %dma_start3A_3969 = arith.constant 0 : i32
      %dma_start3A_3970 = arith.constant 0 : i32
      %dma_start3A_3971 = tpu.memref_slice %arg9[%dma_start3A_3967, %dma_start3A_3968, %dma_start3A_3969, %dma_start3A_3970] : memref<8x4x8x128xf32, #tpu.memory_space<vmem>> -> memref<1x4x8x128xf32, #tpu.memory_space<vmem>>
      %dma_start3A_3972 = tpu.memref_squeeze %dma_start3A_3971 : memref<1x4x8x128xf32, #tpu.memory_space<vmem>> -> memref<4x8x128xf32, #tpu.memory_space<vmem>>
      %dma_start3A_3973 = arith.constant 0 : i32
      %dma_start3A_3974 = arith.constant 0 : i32
      %dma_start3A_3975 = tpu.memref_slice %arg3[%dma_start3A_3973, %dma_start3A_3974, %multiple_of3A_3966] : memref<4x8x1000001xf32, #tpu.memory_space<hbm>> -> memref<4x8x128xf32, #tpu.memory_space<hbm>>
      %dma_start3A_3976 = arith.constant 0 : i32
      %dma_start3A_3977 = arith.constant 0 : i32
      %dma_start3A_3978 = arith.constant 0 : i32
      %dma_start3A_3979 = tpu.memref_slice %arg9[%dma_start3A_3967, %dma_start3A_3976, %dma_start3A_3977, %dma_start3A_3978] : memref<8x4x8x128xf32, #tpu.memory_space<vmem>> -> memref<1x4x8x128xf32, #tpu.memory_space<vmem>>
      %dma_start3A_3980 = tpu.memref_squeeze %dma_start3A_3979 : memref<1x4x8x128xf32, #tpu.memory_space<vmem>> -> memref<4x8x128xf32, #tpu.memory_space<vmem>>
      %dma_start3A_3981 = arith.constant 0 : i32
      %dma_start3A_3982 = arith.constant 0 : i32
      %dma_start3A_3983 = tpu.memref_slice %arg3[%dma_start3A_3981, %dma_start3A_3982, %multiple_of3A_3966] : memref<4x8x1000001xf32, #tpu.memory_space<hbm>> -> memref<4x8x128xf32, #tpu.memory_space<hbm>>
      tpu.enqueue_dma source(%dma_start3A_3983 : memref<4x8x128xf32, #tpu.memory_space<hbm>>) target(%dma_start3A_3980 : memref<4x8x128xf32, #tpu.memory_space<vmem>>) target_semaphore(%arg13 : memref<!tpu.dma_semaphore, #tpu.memory_space<semaphore_mem>>)
    }
    %scan3A_588 = arith.constant 20 : i32
    tpu.wait_dma2 semaphore(%arg11 : memref<!tpu.dma_semaphore, #tpu.memory_space<semaphore_mem>>) src(%arg4 : memref<8x4x8x128xf32, #tpu.memory_space<hbm>>) dst(%arg7 : memref<8x4x8x128xf32, #tpu.memory_space<vmem>>)
    %multiple_of3A_589 = arith.constant 480 : i32
    %multiple_of3A_590 = tpu.assume_multiple %multiple_of3A_589, 8 : i32
    %get3A_591 = arith.index_cast %multiple_of3A_590 : i32 to index
    %get3A_592 = tpu.vector_load %arg6[%get3A_591] {strides = array<i32>} : memref<528xi32, #tpu.memory_space<vmem>>, vector<16xi32>,
    %slice3A_593 = vector.extract_strided_slice %get3A_592 {offsets = [0], sizes = [1], strides = [1]} : vector<16xi32> to vector<1xi32>
    %squeeze3A_594 = vector.extract %slice3A_593[0] : i32 from vector<1xi32>
    %slice3A_595 = vector.extract_strided_slice %get3A_592 {offsets = [1], sizes = [1], strides = [1]} : vector<16xi32> to vector<1xi32>
    %squeeze3A_596 = vector.extract %slice3A_595[0] : i32 from vector<1xi32>
    %slice3A_597 = vector.extract_strided_slice %get3A_592 {offsets = [2], sizes = [1], strides = [1]} : vector<16xi32> to vector<1xi32>
    %squeeze3A_598 = vector.extract %slice3A_597[0] : i32 from vector<1xi32>
    %slice3A_599 = vector.extract_strided_slice %get3A_592 {offsets = [3], sizes = [1], strides = [1]} : vector<16xi32> to vector<1xi32>
    %squeeze3A_600 = vector.extract %slice3A_599[0] : i32 from vector<1xi32>
    %slice3A_601 = vector.extract_strided_slice %get3A_592 {offsets = [4], sizes = [1], strides = [1]} : vector<16xi32> to vector<1xi32>
    %squeeze3A_602 = vector.extract %slice3A_601[0] : i32 from vector<1xi32>
    %slice3A_603 = vector.extract_strided_slice %get3A_592 {offsets = [5], sizes = [1], strides = [1]} : vector<16xi32> to vector<1xi32>
    %squeeze3A_604 = vector.extract %slice3A_603[0] : i32 from vector<1xi32>
    %slice3A_605 = vector.extract_strided_slice %get3A_592 {offsets = [6], sizes = [1], strides = [1]} : vector<16xi32> to vector<1xi32>
    %squeeze3A_606 = vector.extract %slice3A_605[0] : i32 from vector<1xi32>
    %slice3A_607 = vector.extract_strided_slice %get3A_592 {offsets = [7], sizes = [1], strides = [1]} : vector<16xi32> to vector<1xi32>
    %squeeze3A_608 = vector.extract %slice3A_607[0] : i32 from vector<1xi32>
    %and3A = arith.constant 127 : i32
    %and3A_609 = arith.andi %squeeze3A_594, %and3A : i32
    %iota3A = tpu.iota {dimensions = array<i32: 0>} : vector<16xi32>
    %broadcast_in_dim3A = vector.broadcast %and3A_609 : i32 to vector<16xi32>
    %add3A_610 = arith.constant 0 : i32
    %add3A_611 = vector.broadcast %add3A_610 : i32 to vector<16xi32>
    %add3A_612 = arith.addi %iota3A, %add3A_611 : vector<16xi32>
    %shift_right_arithmetic3A_613 = arith.constant 3 : i32
    %shift_right_arithmetic3A_614 = vector.broadcast %shift_right_arithmetic3A_613 : i32 to vector<16xi32>
    %shift_right_arithmetic3A_615 = arith.shrsi %add3A_612, %shift_right_arithmetic3A_614 : vector<16xi32>
    %and3A_616 = arith.constant 7 : i32
    %and3A_617 = vector.broadcast %and3A_616 : i32 to vector<16xi32>
    %and3A_618 = arith.andi %add3A_612, %and3A_617 : vector<16xi32>
    %gather3A = arith.constant 0 : i32
    %gather3A_619 = arith.constant 0 : i32
    %gather3A_620 = arith.constant 0 : i32
    %gather3A_621 = arith.constant 0 : i32
    %gather3A_622 = tpu.memref_slice %arg7[%gather3A, %gather3A_619, %gather3A_620, %gather3A_621] : memref<8x4x8x128xf32, #tpu.memory_space<vmem>> -> memref<1x4x8x128xf32, #tpu.memory_space<vmem>>
    %gather3A_623 = tpu.memref_squeeze %gather3A_622 : memref<1x4x8x128xf32, #tpu.memory_space<vmem>> -> memref<4x8x128xf32, #tpu.memory_space<vmem>>
    %gather3A_624 = tpu.vector_load_idx %gather3A_623[%shift_right_arithmetic3A_615, %and3A_618, %broadcast_in_dim3A] : memref<4x8x128xf32, #tpu.memory_space<vmem>>[vector<16xi32>, vector<16xi32>, vector<16xi32>], vector<16xf32>,
    %add3A_625 = arith.constant 15360 : i32
    %add3A_626 = vector.broadcast %add3A_625 : i32 to vector<16xi32>
    %add3A_627 = arith.addi %add3A_626, %add3A_612 : vector<16xi32>
    tpu.vector_store_idx %arg10[%add3A_627], %gather3A_624 : memref<16384xf32, #tpu.memory_space<vmem>>[vector<16xi32>], vector<16xf32>,
    %add3A_628 = arith.constant 16 : i32
    %add3A_629 = vector.broadcast %add3A_628 : i32 to vector<16xi32>
    %add3A_630 = arith.addi %iota3A, %add3A_629 : vector<16xi32>
    %shift_right_arithmetic3A_631 = arith.constant 3 : i32
    %shift_right_arithmetic3A_632 = vector.broadcast %shift_right_arithmetic3A_631 : i32 to vector<16xi32>
    %shift_right_arithmetic3A_633 = arith.shrsi %add3A_630, %shift_right_arithmetic3A_632 : vector<16xi32>
    %and3A_634 = arith.constant 7 : i32
    %and3A_635 = vector.broadcast %and3A_634 : i32 to vector<16xi32>
    %and3A_636 = arith.andi %add3A_630, %and3A_635 : vector<16xi32>
    %gather3A_637 = arith.constant 0 : i32
    %gather3A_638 = arith.constant 0 : i32
    %gather3A_639 = arith.constant 0 : i32
    %gather3A_640 = arith.constant 0 : i32
    %gather3A_641 = tpu.memref_slice %arg7[%gather3A_637, %gather3A_638, %gather3A_639, %gather3A_640] : memref<8x4x8x128xf32, #tpu.memory_space<vmem>> -> memref<1x4x8x128xf32, #tpu.memory_space<vmem>>
    %gather3A_642 = tpu.memref_squeeze %gather3A_641 : memref<1x4x8x128xf32, #tpu.memory_space<vmem>> -> memref<4x8x128xf32, #tpu.memory_space<vmem>>
    %gather3A_643 = tpu.vector_load_idx %gather3A_642[%shift_right_arithmetic3A_633, %and3A_636, %broadcast_in_dim3A] : memref<4x8x128xf32, #tpu.memory_space<vmem>>[vector<16xi32>, vector<16xi32>, vector<16xi32>], vector<16xf32>,
    %add3A_644 = arith.constant 15360 : i32
    %add3A_645 = vector.broadcast %add3A_644 : i32 to vector<16xi32>
    %add3A_646 = arith.addi %add3A_645, %add3A_630 : vector<16xi32>
    tpu.vector_store_idx %arg10[%add3A_646], %gather3A_643 : memref<16384xf32, #tpu.memory_space<vmem>>[vector<16xi32>], vector<16xf32>,
    %and3A_647 = arith.constant 127 : i32
    %and3A_648 = arith.andi %squeeze3A_596, %and3A_647 : i32
    %iota3A_649 = tpu.iota {dimensions = array<i32: 0>} : vector<16xi32>
    %broadcast_in_dim3A_650 = vector.broadcast %and3A_648 : i32 to vector<16xi32>
    %add3A_651 = arith.constant 0 : i32
    %add3A_652 = vector.broadcast %add3A_651 : i32 to vector<16xi32>
    %add3A_653 = arith.addi %iota3A_649, %add3A_652 : vector<16xi32>
    %shift_right_arithmetic3A_654 = arith.constant 3 : i32
    %shift_right_arithmetic3A_655 = vector.broadcast %shift_right_arithmetic3A_654 : i32 to vector<16xi32>
    %shift_right_arithmetic3A_656 = arith.shrsi %add3A_653, %shift_right_arithmetic3A_655 : vector<16xi32>
    %and3A_657 = arith.constant 7 : i32
    %and3A_658 = vector.broadcast %and3A_657 : i32 to vector<16xi32>
    %and3A_659 = arith.andi %add3A_653, %and3A_658 : vector<16xi32>
    %gather3A_660 = arith.constant 1 : i32
    %gather3A_661 = arith.constant 0 : i32
    %gather3A_662 = arith.constant 0 : i32
    %gather3A_663 = arith.constant 0 : i32
    %gather3A_664 = tpu.memref_slice %arg7[%gather3A_660, %gather3A_661, %gather3A_662, %gather3A_663] : memref<8x4x8x128xf32, #tpu.memory_space<vmem>> -> memref<1x4x8x128xf32, #tpu.memory_space<vmem>>
    %gather3A_665 = tpu.memref_squeeze %gather3A_664 : memref<1x4x8x128xf32, #tpu.memory_space<vmem>> -> memref<4x8x128xf32, #tpu.memory_space<vmem>>
    %gather3A_666 = tpu.vector_load_idx %gather3A_665[%shift_right_arithmetic3A_656, %and3A_659, %broadcast_in_dim3A_650] : memref<4x8x128xf32, #tpu.memory_space<vmem>>[vector<16xi32>, vector<16xi32>, vector<16xi32>], vector<16xf32>,
    %add3A_667 = arith.constant 15392 : i32
    %add3A_668 = vector.broadcast %add3A_667 : i32 to vector<16xi32>
    %add3A_669 = arith.addi %add3A_668, %add3A_653 : vector<16xi32>
    tpu.vector_store_idx %arg10[%add3A_669], %gather3A_666 : memref<16384xf32, #tpu.memory_space<vmem>>[vector<16xi32>], vector<16xf32>,
    %add3A_670 = arith.constant 16 : i32
    %add3A_671 = vector.broadcast %add3A_670 : i32 to vector<16xi32>
    %add3A_672 = arith.addi %iota3A_649, %add3A_671 : vector<16xi32>
    %shift_right_arithmetic3A_673 = arith.constant 3 : i32
    %shift_right_arithmetic3A_674 = vector.broadcast %shift_right_arithmetic3A_673 : i32 to vector<16xi32>
    %shift_right_arithmetic3A_675 = arith.shrsi %add3A_672, %shift_right_arithmetic3A_674 : vector<16xi32>
    %and3A_676 = arith.constant 7 : i32
    %and3A_677 = vector.broadcast %and3A_676 : i32 to vector<16xi32>
    %and3A_678 = arith.andi %add3A_672, %and3A_677 : vector<16xi32>
    %gather3A_679 = arith.constant 1 : i32
    %gather3A_680 = arith.constant 0 : i32
    %gather3A_681 = arith.constant 0 : i32
    %gather3A_682 = arith.constant 0 : i32
    %gather3A_683 = tpu.memref_slice %arg7[%gather3A_679, %gather3A_680, %gather3A_681, %gather3A_682] : memref<8x4x8x128xf32, #tpu.memory_space<vmem>> -> memref<1x4x8x128xf32, #tpu.memory_space<vmem>>
    %gather3A_684 = tpu.memref_squeeze %gather3A_683 : memref<1x4x8x128xf32, #tpu.memory_space<vmem>> -> memref<4x8x128xf32, #tpu.memory_space<vmem>>
    %gather3A_685 = tpu.vector_load_idx %gather3A_684[%shift_right_arithmetic3A_675, %and3A_678, %broadcast_in_dim3A_650] : memref<4x8x128xf32, #tpu.memory_space<vmem>>[vector<16xi32>, vector<16xi32>, vector<16xi32>], vector<16xf32>,
    %add3A_686 = arith.constant 15392 : i32
    %add3A_687 = vector.broadcast %add3A_686 : i32 to vector<16xi32>
    %add3A_688 = arith.addi %add3A_687, %add3A_672 : vector<16xi32>
    tpu.vector_store_idx %arg10[%add3A_688], %gather3A_685 : memref<16384xf32, #tpu.memory_space<vmem>>[vector<16xi32>], vector<16xf32>,
    %and3A_689 = arith.constant 127 : i32
    %and3A_690 = arith.andi %squeeze3A_598, %and3A_689 : i32
    %iota3A_691 = tpu.iota {dimensions = array<i32: 0>} : vector<16xi32>
    %broadcast_in_dim3A_692 = vector.broadcast %and3A_690 : i32 to vector<16xi32>
    %add3A_693 = arith.constant 0 : i32
    %add3A_694 = vector.broadcast %add3A_693 : i32 to vector<16xi32>
    %add3A_695 = arith.addi %iota3A_691, %add3A_694 : vector<16xi32>
    %shift_right_arithmetic3A_696 = arith.constant 3 : i32
    %shift_right_arithmetic3A_697 = vector.broadcast %shift_right_arithmetic3A_696 : i32 to vector<16xi32>
    %shift_right_arithmetic3A_698 = arith.shrsi %add3A_695, %shift_right_arithmetic3A_697 : vector<16xi32>
    %and3A_699 = arith.constant 7 : i32
    %and3A_700 = vector.broadcast %and3A_699 : i32 to vector<16xi32>
    %and3A_701 = arith.andi %add3A_695, %and3A_700 : vector<16xi32>
    %gather3A_702 = arith.constant 2 : i32
    %gather3A_703 = arith.constant 0 : i32
    %gather3A_704 = arith.constant 0 : i32
    %gather3A_705 = arith.constant 0 : i32
    %gather3A_706 = tpu.memref_slice %arg7[%gather3A_702, %gather3A_703, %gather3A_704, %gather3A_705] : memref<8x4x8x128xf32, #tpu.memory_space<vmem>> -> memref<1x4x8x128xf32, #tpu.memory_space<vmem>>
    %gather3A_707 = tpu.memref_squeeze %gather3A_706 : memref<1x4x8x128xf32, #tpu.memory_space<vmem>> -> memref<4x8x128xf32, #tpu.memory_space<vmem>>
    %gather3A_708 = tpu.vector_load_idx %gather3A_707[%shift_right_arithmetic3A_698, %and3A_701, %broadcast_in_dim3A_692] : memref<4x8x128xf32, #tpu.memory_space<vmem>>[vector<16xi32>, vector<16xi32>, vector<16xi32>], vector<16xf32>,
    %add3A_709 = arith.constant 15424 : i32
    %add3A_710 = vector.broadcast %add3A_709 : i32 to vector<16xi32>
    %add3A_711 = arith.addi %add3A_710, %add3A_695 : vector<16xi32>
    tpu.vector_store_idx %arg10[%add3A_711], %gather3A_708 : memref<16384xf32, #tpu.memory_space<vmem>>[vector<16xi32>], vector<16xf32>,
    %add3A_712 = arith.constant 16 : i32
    %add3A_713 = vector.broadcast %add3A_712 : i32 to vector<16xi32>
    %add3A_714 = arith.addi %iota3A_691, %add3A_713 : vector<16xi32>
    %shift_right_arithmetic3A_715 = arith.constant 3 : i32
    %shift_right_arithmetic3A_716 = vector.broadcast %shift_right_arithmetic3A_715 : i32 to vector<16xi32>
    %shift_right_arithmetic3A_717 = arith.shrsi %add3A_714, %shift_right_arithmetic3A_716 : vector<16xi32>
    %and3A_718 = arith.constant 7 : i32
    %and3A_719 = vector.broadcast %and3A_718 : i32 to vector<16xi32>
    %and3A_720 = arith.andi %add3A_714, %and3A_719 : vector<16xi32>
    %gather3A_721 = arith.constant 2 : i32
    %gather3A_722 = arith.constant 0 : i32
    %gather3A_723 = arith.constant 0 : i32
    %gather3A_724 = arith.constant 0 : i32
    %gather3A_725 = tpu.memref_slice %arg7[%gather3A_721, %gather3A_722, %gather3A_723, %gather3A_724] : memref<8x4x8x128xf32, #tpu.memory_space<vmem>> -> memref<1x4x8x128xf32, #tpu.memory_space<vmem>>
    %gather3A_726 = tpu.memref_squeeze %gather3A_725 : memref<1x4x8x128xf32, #tpu.memory_space<vmem>> -> memref<4x8x128xf32, #tpu.memory_space<vmem>>
    %gather3A_727 = tpu.vector_load_idx %gather3A_726[%shift_right_arithmetic3A_717, %and3A_720, %broadcast_in_dim3A_692] : memref<4x8x128xf32, #tpu.memory_space<vmem>>[vector<16xi32>, vector<16xi32>, vector<16xi32>], vector<16xf32>,
    %add3A_728 = arith.constant 15424 : i32
    %add3A_729 = vector.broadcast %add3A_728 : i32 to vector<16xi32>
    %add3A_730 = arith.addi %add3A_729, %add3A_714 : vector<16xi32>
    tpu.vector_store_idx %arg10[%add3A_730], %gather3A_727 : memref<16384xf32, #tpu.memory_space<vmem>>[vector<16xi32>], vector<16xf32>,
    %and3A_731 = arith.constant 127 : i32
    %and3A_732 = arith.andi %squeeze3A_600, %and3A_731 : i32
    %iota3A_733 = tpu.iota {dimensions = array<i32: 0>} : vector<16xi32>
    %broadcast_in_dim3A_734 = vector.broadcast %and3A_732 : i32 to vector<16xi32>
    %add3A_735 = arith.constant 0 : i32
    %add3A_736 = vector.broadcast %add3A_735 : i32 to vector<16xi32>
    %add3A_737 = arith.addi %iota3A_733, %add3A_736 : vector<16xi32>
    %shift_right_arithmetic3A_738 = arith.constant 3 : i32
    %shift_right_arithmetic3A_739 = vector.broadcast %shift_right_arithmetic3A_738 : i32 to vector<16xi32>
    %shift_right_arithmetic3A_740 = arith.shrsi %add3A_737, %shift_right_arithmetic3A_739 : vector<16xi32>
    %and3A_741 = arith.constant 7 : i32
    %and3A_742 = vector.broadcast %and3A_741 : i32 to vector<16xi32>
    %and3A_743 = arith.andi %add3A_737, %and3A_742 : vector<16xi32>
    %gather3A_744 = arith.constant 3 : i32
    %gather3A_745 = arith.constant 0 : i32
    %gather3A_746 = arith.constant 0 : i32
    %gather3A_747 = arith.constant 0 : i32
    %gather3A_748 = tpu.memref_slice %arg7[%gather3A_744, %gather3A_745, %gather3A_746, %gather3A_747] : memref<8x4x8x128xf32, #tpu.memory_space<vmem>> -> memref<1x4x8x128xf32, #tpu.memory_space<vmem>>
    %gather3A_749 = tpu.memref_squeeze %gather3A_748 : memref<1x4x8x128xf32, #tpu.memory_space<vmem>> -> memref<4x8x128xf32, #tpu.memory_space<vmem>>
    %gather3A_750 = tpu.vector_load_idx %gather3A_749[%shift_right_arithmetic3A_740, %and3A_743, %broadcast_in_dim3A_734] : memref<4x8x128xf32, #tpu.memory_space<vmem>>[vector<16xi32>, vector<16xi32>, vector<16xi32>], vector<16xf32>,
    %add3A_751 = arith.constant 15456 : i32
    %add3A_752 = vector.broadcast %add3A_751 : i32 to vector<16xi32>
    %add3A_753 = arith.addi %add3A_752, %add3A_737 : vector<16xi32>
    tpu.vector_store_idx %arg10[%add3A_753], %gather3A_750 : memref<16384xf32, #tpu.memory_space<vmem>>[vector<16xi32>], vector<16xf32>,
    %add3A_754 = arith.constant 16 : i32
    %add3A_755 = vector.broadcast %add3A_754 : i32 to vector<16xi32>
    %add3A_756 = arith.addi %iota3A_733, %add3A_755 : vector<16xi32>
    %shift_right_arithmetic3A_757 = arith.constant 3 : i32
    %shift_right_arithmetic3A_758 = vector.broadcast %shift_right_arithmetic3A_757 : i32 to vector<16xi32>
    %shift_right_arithmetic3A_759 = arith.shrsi %add3A_756, %shift_right_arithmetic3A_758 : vector<16xi32>
    %and3A_760 = arith.constant 7 : i32
    %and3A_761 = vector.broadcast %and3A_760 : i32 to vector<16xi32>
    %and3A_762 = arith.andi %add3A_756, %and3A_761 : vector<16xi32>
    %gather3A_763 = arith.constant 3 : i32
    %gather3A_764 = arith.constant 0 : i32
    %gather3A_765 = arith.constant 0 : i32
    %gather3A_766 = arith.constant 0 : i32
    %gather3A_767 = tpu.memref_slice %arg7[%gather3A_763, %gather3A_764, %gather3A_765, %gather3A_766] : memref<8x4x8x128xf32, #tpu.memory_space<vmem>> -> memref<1x4x8x128xf32, #tpu.memory_space<vmem>>
    %gather3A_768 = tpu.memref_squeeze %gather3A_767 : memref<1x4x8x128xf32, #tpu.memory_space<vmem>> -> memref<4x8x128xf32, #tpu.memory_space<vmem>>
    %gather3A_769 = tpu.vector_load_idx %gather3A_768[%shift_right_arithmetic3A_759, %and3A_762, %broadcast_in_dim3A_734] : memref<4x8x128xf32, #tpu.memory_space<vmem>>[vector<16xi32>, vector<16xi32>, vector<16xi32>], vector<16xf32>,
    %add3A_770 = arith.constant 15456 : i32
    %add3A_771 = vector.broadcast %add3A_770 : i32 to vector<16xi32>
    %add3A_772 = arith.addi %add3A_771, %add3A_756 : vector<16xi32>
    tpu.vector_store_idx %arg10[%add3A_772], %gather3A_769 : memref<16384xf32, #tpu.memory_space<vmem>>[vector<16xi32>], vector<16xf32>,
    %and3A_773 = arith.constant 127 : i32
    %and3A_774 = arith.andi %squeeze3A_602, %and3A_773 : i32
    %iota3A_775 = tpu.iota {dimensions = array<i32: 0>} : vector<16xi32>
    %broadcast_in_dim3A_776 = vector.broadcast %and3A_774 : i32 to vector<16xi32>
    %add3A_777 = arith.constant 0 : i32
    %add3A_778 = vector.broadcast %add3A_777 : i32 to vector<16xi32>
    %add3A_779 = arith.addi %iota3A_775, %add3A_778 : vector<16xi32>
    %shift_right_arithmetic3A_780 = arith.constant 3 : i32
    %shift_right_arithmetic3A_781 = vector.broadcast %shift_right_arithmetic3A_780 : i32 to vector<16xi32>
    %shift_right_arithmetic3A_782 = arith.shrsi %add3A_779, %shift_right_arithmetic3A_781 : vector<16xi32>
    %and3A_783 = arith.constant 7 : i32
    %and3A_784 = vector.broadcast %and3A_783 : i32 to vector<16xi32>
    %and3A_785 = arith.andi %add3A_779, %and3A_784 : vector<16xi32>
    %gather3A_786 = arith.constant 4 : i32
    %gather3A_787 = arith.constant 0 : i32
    %gather3A_788 = arith.constant 0 : i32
    %gather3A_789 = arith.constant 0 : i32
    %gather3A_790 = tpu.memref_slice %arg7[%gather3A_786, %gather3A_787, %gather3A_788, %gather3A_789] : memref<8x4x8x128xf32, #tpu.memory_space<vmem>> -> memref<1x4x8x128xf32, #tpu.memory_space<vmem>>
    %gather3A_791 = tpu.memref_squeeze %gather3A_790 : memref<1x4x8x128xf32, #tpu.memory_space<vmem>> -> memref<4x8x128xf32, #tpu.memory_space<vmem>>
    %gather3A_792 = tpu.vector_load_idx %gather3A_791[%shift_right_arithmetic3A_782, %and3A_785, %broadcast_in_dim3A_776] : memref<4x8x128xf32, #tpu.memory_space<vmem>>[vector<16xi32>, vector<16xi32>, vector<16xi32>], vector<16xf32>,
    %add3A_793 = arith.constant 15488 : i32
    %add3A_794 = vector.broadcast %add3A_793 : i32 to vector<16xi32>
    %add3A_795 = arith.addi %add3A_794, %add3A_779 : vector<16xi32>
    tpu.vector_store_idx %arg10[%add3A_795], %gather3A_792 : memref<16384xf32, #tpu.memory_space<vmem>>[vector<16xi32>], vector<16xf32>,
    %add3A_796 = arith.constant 16 : i32
    %add3A_797 = vector.broadcast %add3A_796 : i32 to vector<16xi32>
    %add3A_798 = arith.addi %iota3A_775, %add3A_797 : vector<16xi32>
    %shift_right_arithmetic3A_799 = arith.constant 3 : i32
    %shift_right_arithmetic3A_800 = vector.broadcast %shift_right_arithmetic3A_799 : i32 to vector<16xi32>
    %shift_right_arithmetic3A_801 = arith.shrsi %add3A_798, %shift_right_arithmetic3A_800 : vector<16xi32>
    %and3A_802 = arith.constant 7 : i32
    %and3A_803 = vector.broadcast %and3A_802 : i32 to vector<16xi32>
    %and3A_804 = arith.andi %add3A_798, %and3A_803 : vector<16xi32>
    %gather3A_805 = arith.constant 4 : i32
    %gather3A_806 = arith.constant 0 : i32
    %gather3A_807 = arith.constant 0 : i32
    %gather3A_808 = arith.constant 0 : i32
    %gather3A_809 = tpu.memref_slice %arg7[%gather3A_805, %gather3A_806, %gather3A_807, %gather3A_808] : memref<8x4x8x128xf32, #tpu.memory_space<vmem>> -> memref<1x4x8x128xf32, #tpu.memory_space<vmem>>
    %gather3A_810 = tpu.memref_squeeze %gather3A_809 : memref<1x4x8x128xf32, #tpu.memory_space<vmem>> -> memref<4x8x128xf32, #tpu.memory_space<vmem>>
    %gather3A_811 = tpu.vector_load_idx %gather3A_810[%shift_right_arithmetic3A_801, %and3A_804, %broadcast_in_dim3A_776] : memref<4x8x128xf32, #tpu.memory_space<vmem>>[vector<16xi32>, vector<16xi32>, vector<16xi32>], vector<16xf32>,
    %add3A_812 = arith.constant 15488 : i32
    %add3A_813 = vector.broadcast %add3A_812 : i32 to vector<16xi32>
    %add3A_814 = arith.addi %add3A_813, %add3A_798 : vector<16xi32>
    tpu.vector_store_idx %arg10[%add3A_814], %gather3A_811 : memref<16384xf32, #tpu.memory_space<vmem>>[vector<16xi32>], vector<16xf32>,
    %and3A_815 = arith.constant 127 : i32
    %and3A_816 = arith.andi %squeeze3A_604, %and3A_815 : i32
    %iota3A_817 = tpu.iota {dimensions = array<i32: 0>} : vector<16xi32>
    %broadcast_in_dim3A_818 = vector.broadcast %and3A_816 : i32 to vector<16xi32>
    %add3A_819 = arith.constant 0 : i32
    %add3A_820 = vector.broadcast %add3A_819 : i32 to vector<16xi32>
    %add3A_821 = arith.addi %iota3A_817, %add3A_820 : vector<16xi32>
    %shift_right_arithmetic3A_822 = arith.constant 3 : i32
    %shift_right_arithmetic3A_823 = vector.broadcast %shift_right_arithmetic3A_822 : i32 to vector<16xi32>
    %shift_right_arithmetic3A_824 = arith.shrsi %add3A_821, %shift_right_arithmetic3A_823 : vector<16xi32>
    %and3A_825 = arith.constant 7 : i32
    %and3A_826 = vector.broadcast %and3A_825 : i32 to vector<16xi32>
    %and3A_827 = arith.andi %add3A_821, %and3A_826 : vector<16xi32>
    %gather3A_828 = arith.constant 5 : i32
    %gather3A_829 = arith.constant 0 : i32
    %gather3A_830 = arith.constant 0 : i32
    %gather3A_831 = arith.constant 0 : i32
    %gather3A_832 = tpu.memref_slice %arg7[%gather3A_828, %gather3A_829, %gather3A_830, %gather3A_831] : memref<8x4x8x128xf32, #tpu.memory_space<vmem>> -> memref<1x4x8x128xf32, #tpu.memory_space<vmem>>
    %gather3A_833 = tpu.memref_squeeze %gather3A_832 : memref<1x4x8x128xf32, #tpu.memory_space<vmem>> -> memref<4x8x128xf32, #tpu.memory_space<vmem>>
    %gather3A_834 = tpu.vector_load_idx %gather3A_833[%shift_right_arithmetic3A_824, %and3A_827, %broadcast_in_dim3A_818] : memref<4x8x128xf32, #tpu.memory_space<vmem>>[vector<16xi32>, vector<16xi32>, vector<16xi32>], vector<16xf32>,
    %add3A_835 = arith.constant 15520 : i32
    %add3A_836 = vector.broadcast %add3A_835 : i32 to vector<16xi32>
    %add3A_837 = arith.addi %add3A_836, %add3A_821 : vector<16xi32>
    tpu.vector_store_idx %arg10[%add3A_837], %gather3A_834 : memref<16384xf32, #tpu.memory_space<vmem>>[vector<16xi32>], vector<16xf32>,
    %add3A_838 = arith.constant 16 : i32
    %add3A_839 = vector.broadcast %add3A_838 : i32 to vector<16xi32>
    %add3A_840 = arith.addi %iota3A_817, %add3A_839 : vector<16xi32>
    %shift_right_arithmetic3A_841 = arith.constant 3 : i32
    %shift_right_arithmetic3A_842 = vector.broadcast %shift_right_arithmetic3A_841 : i32 to vector<16xi32>
    %shift_right_arithmetic3A_843 = arith.shrsi %add3A_840, %shift_right_arithmetic3A_842 : vector<16xi32>
    %and3A_844 = arith.constant 7 : i32
    %and3A_845 = vector.broadcast %and3A_844 : i32 to vector<16xi32>
    %and3A_846 = arith.andi %add3A_840, %and3A_845 : vector<16xi32>
    %gather3A_847 = arith.constant 5 : i32
    %gather3A_848 = arith.constant 0 : i32
    %gather3A_849 = arith.constant 0 : i32
    %gather3A_850 = arith.constant 0 : i32
    %gather3A_851 = tpu.memref_slice %arg7[%gather3A_847, %gather3A_848, %gather3A_849, %gather3A_850] : memref<8x4x8x128xf32, #tpu.memory_space<vmem>> -> memref<1x4x8x128xf32, #tpu.memory_space<vmem>>
    %gather3A_852 = tpu.memref_squeeze %gather3A_851 : memref<1x4x8x128xf32, #tpu.memory_space<vmem>> -> memref<4x8x128xf32, #tpu.memory_space<vmem>>
    %gather3A_853 = tpu.vector_load_idx %gather3A_852[%shift_right_arithmetic3A_843, %and3A_846, %broadcast_in_dim3A_818] : memref<4x8x128xf32, #tpu.memory_space<vmem>>[vector<16xi32>, vector<16xi32>, vector<16xi32>], vector<16xf32>,
    %add3A_854 = arith.constant 15520 : i32
    %add3A_855 = vector.broadcast %add3A_854 : i32 to vector<16xi32>
    %add3A_856 = arith.addi %add3A_855, %add3A_840 : vector<16xi32>
    tpu.vector_store_idx %arg10[%add3A_856], %gather3A_853 : memref<16384xf32, #tpu.memory_space<vmem>>[vector<16xi32>], vector<16xf32>,
    %and3A_857 = arith.constant 127 : i32
    %and3A_858 = arith.andi %squeeze3A_606, %and3A_857 : i32
    %iota3A_859 = tpu.iota {dimensions = array<i32: 0>} : vector<16xi32>
    %broadcast_in_dim3A_860 = vector.broadcast %and3A_858 : i32 to vector<16xi32>
    %add3A_861 = arith.constant 0 : i32
    %add3A_862 = vector.broadcast %add3A_861 : i32 to vector<16xi32>
    %add3A_863 = arith.addi %iota3A_859, %add3A_862 : vector<16xi32>
    %shift_right_arithmetic3A_864 = arith.constant 3 : i32
    %shift_right_arithmetic3A_865 = vector.broadcast %shift_right_arithmetic3A_864 : i32 to vector<16xi32>
    %shift_right_arithmetic3A_866 = arith.shrsi %add3A_863, %shift_right_arithmetic3A_865 : vector<16xi32>
    %and3A_867 = arith.constant 7 : i32
    %and3A_868 = vector.broadcast %and3A_867 : i32 to vector<16xi32>
    %and3A_869 = arith.andi %add3A_863, %and3A_868 : vector<16xi32>
    %gather3A_870 = arith.constant 6 : i32
    %gather3A_871 = arith.constant 0 : i32
    %gather3A_872 = arith.constant 0 : i32
    %gather3A_873 = arith.constant 0 : i32
    %gather3A_874 = tpu.memref_slice %arg7[%gather3A_870, %gather3A_871, %gather3A_872, %gather3A_873] : memref<8x4x8x128xf32, #tpu.memory_space<vmem>> -> memref<1x4x8x128xf32, #tpu.memory_space<vmem>>
    %gather3A_875 = tpu.memref_squeeze %gather3A_874 : memref<1x4x8x128xf32, #tpu.memory_space<vmem>> -> memref<4x8x128xf32, #tpu.memory_space<vmem>>
    %gather3A_876 = tpu.vector_load_idx %gather3A_875[%shift_right_arithmetic3A_866, %and3A_869, %broadcast_in_dim3A_860] : memref<4x8x128xf32, #tpu.memory_space<vmem>>[vector<16xi32>, vector<16xi32>, vector<16xi32>], vector<16xf32>,
    %add3A_877 = arith.constant 15552 : i32
    %add3A_878 = vector.broadcast %add3A_877 : i32 to vector<16xi32>
    %add3A_879 = arith.addi %add3A_878, %add3A_863 : vector<16xi32>
    tpu.vector_store_idx %arg10[%add3A_879], %gather3A_876 : memref<16384xf32, #tpu.memory_space<vmem>>[vector<16xi32>], vector<16xf32>,
    %add3A_880 = arith.constant 16 : i32
    %add3A_881 = vector.broadcast %add3A_880 : i32 to vector<16xi32>
    %add3A_882 = arith.addi %iota3A_859, %add3A_881 : vector<16xi32>
    %shift_right_arithmetic3A_883 = arith.constant 3 : i32
    %shift_right_arithmetic3A_884 = vector.broadcast %shift_right_arithmetic3A_883 : i32 to vector<16xi32>
    %shift_right_arithmetic3A_885 = arith.shrsi %add3A_882, %shift_right_arithmetic3A_884 : vector<16xi32>
    %and3A_886 = arith.constant 7 : i32
    %and3A_887 = vector.broadcast %and3A_886 : i32 to vector<16xi32>
    %and3A_888 = arith.andi %add3A_882, %and3A_887 : vector<16xi32>
    %gather3A_889 = arith.constant 6 : i32
    %gather3A_890 = arith.constant 0 : i32
    %gather3A_891 = arith.constant 0 : i32
    %gather3A_892 = arith.constant 0 : i32
    %gather3A_893 = tpu.memref_slice %arg7[%gather3A_889, %gather3A_890, %gather3A_891, %gather3A_892] : memref<8x4x8x128xf32, #tpu.memory_space<vmem>> -> memref<1x4x8x128xf32, #tpu.memory_space<vmem>>
    %gather3A_894 = tpu.memref_squeeze %gather3A_893 : memref<1x4x8x128xf32, #tpu.memory_space<vmem>> -> memref<4x8x128xf32, #tpu.memory_space<vmem>>
    %gather3A_895 = tpu.vector_load_idx %gather3A_894[%shift_right_arithmetic3A_885, %and3A_888, %broadcast_in_dim3A_860] : memref<4x8x128xf32, #tpu.memory_space<vmem>>[vector<16xi32>, vector<16xi32>, vector<16xi32>], vector<16xf32>,
    %add3A_896 = arith.constant 15552 : i32
    %add3A_897 = vector.broadcast %add3A_896 : i32 to vector<16xi32>
    %add3A_898 = arith.addi %add3A_897, %add3A_882 : vector<16xi32>
    tpu.vector_store_idx %arg10[%add3A_898], %gather3A_895 : memref<16384xf32, #tpu.memory_space<vmem>>[vector<16xi32>], vector<16xf32>,
    %and3A_899 = arith.constant 127 : i32
    %and3A_900 = arith.andi %squeeze3A_608, %and3A_899 : i32
    %iota3A_901 = tpu.iota {dimensions = array<i32: 0>} : vector<16xi32>
    %broadcast_in_dim3A_902 = vector.broadcast %and3A_900 : i32 to vector<16xi32>
    %add3A_903 = arith.constant 0 : i32
    %add3A_904 = vector.broadcast %add3A_903 : i32 to vector<16xi32>
    %add3A_905 = arith.addi %iota3A_901, %add3A_904 : vector<16xi32>
    %shift_right_arithmetic3A_906 = arith.constant 3 : i32
    %shift_right_arithmetic3A_907 = vector.broadcast %shift_right_arithmetic3A_906 : i32 to vector<16xi32>
    %shift_right_arithmetic3A_908 = arith.shrsi %add3A_905, %shift_right_arithmetic3A_907 : vector<16xi32>
    %and3A_909 = arith.constant 7 : i32
    %and3A_910 = vector.broadcast %and3A_909 : i32 to vector<16xi32>
    %and3A_911 = arith.andi %add3A_905, %and3A_910 : vector<16xi32>
    %gather3A_912 = arith.constant 7 : i32
    %gather3A_913 = arith.constant 0 : i32
    %gather3A_914 = arith.constant 0 : i32
    %gather3A_915 = arith.constant 0 : i32
    %gather3A_916 = tpu.memref_slice %arg7[%gather3A_912, %gather3A_913, %gather3A_914, %gather3A_915] : memref<8x4x8x128xf32, #tpu.memory_space<vmem>> -> memref<1x4x8x128xf32, #tpu.memory_space<vmem>>
    %gather3A_917 = tpu.memref_squeeze %gather3A_916 : memref<1x4x8x128xf32, #tpu.memory_space<vmem>> -> memref<4x8x128xf32, #tpu.memory_space<vmem>>
    %gather3A_918 = tpu.vector_load_idx %gather3A_917[%shift_right_arithmetic3A_908, %and3A_911, %broadcast_in_dim3A_902] : memref<4x8x128xf32, #tpu.memory_space<vmem>>[vector<16xi32>, vector<16xi32>, vector<16xi32>], vector<16xf32>,
    %add3A_919 = arith.constant 15584 : i32
    %add3A_920 = vector.broadcast %add3A_919 : i32 to vector<16xi32>
    %add3A_921 = arith.addi %add3A_920, %add3A_905 : vector<16xi32>
    tpu.vector_store_idx %arg10[%add3A_921], %gather3A_918 : memref<16384xf32, #tpu.memory_space<vmem>>[vector<16xi32>], vector<16xf32>,
    %add3A_922 = arith.constant 16 : i32
    %add3A_923 = vector.broadcast %add3A_922 : i32 to vector<16xi32>
    %add3A_924 = arith.addi %iota3A_901, %add3A_923 : vector<16xi32>
    %shift_right_arithmetic3A_925 = arith.constant 3 : i32
    %shift_right_arithmetic3A_926 = vector.broadcast %shift_right_arithmetic3A_925 : i32 to vector<16xi32>
    %shift_right_arithmetic3A_927 = arith.shrsi %add3A_924, %shift_right_arithmetic3A_926 : vector<16xi32>
    %and3A_928 = arith.constant 7 : i32
    %and3A_929 = vector.broadcast %and3A_928 : i32 to vector<16xi32>
    %and3A_930 = arith.andi %add3A_924, %and3A_929 : vector<16xi32>
    %gather3A_931 = arith.constant 7 : i32
    %gather3A_932 = arith.constant 0 : i32
    %gather3A_933 = arith.constant 0 : i32
    %gather3A_934 = arith.constant 0 : i32
    %gather3A_935 = tpu.memref_slice %arg7[%gather3A_931, %gather3A_932, %gather3A_933, %gather3A_934] : memref<8x4x8x128xf32, #tpu.memory_space<vmem>> -> memref<1x4x8x128xf32, #tpu.memory_space<vmem>>
    %gather3A_936 = tpu.memref_squeeze %gather3A_935 : memref<1x4x8x128xf32, #tpu.memory_space<vmem>> -> memref<4x8x128xf32, #tpu.memory_space<vmem>>
    %gather3A_937 = tpu.vector_load_idx %gather3A_936[%shift_right_arithmetic3A_927, %and3A_930, %broadcast_in_dim3A_902] : memref<4x8x128xf32, #tpu.memory_space<vmem>>[vector<16xi32>, vector<16xi32>, vector<16xi32>], vector<16xf32>,
    %add3A_938 = arith.constant 15584 : i32
    %add3A_939 = vector.broadcast %add3A_938 : i32 to vector<16xi32>
    %add3A_940 = arith.addi %add3A_939, %add3A_924 : vector<16xi32>
    tpu.vector_store_idx %arg10[%add3A_940], %gather3A_937 : memref<16384xf32, #tpu.memory_space<vmem>>[vector<16xi32>], vector<16xf32>,
    tpu.wait_dma2 semaphore(%arg12 : memref<!tpu.dma_semaphore, #tpu.memory_space<semaphore_mem>>) src(%arg4 : memref<8x4x8x128xf32, #tpu.memory_space<hbm>>) dst(%arg8 : memref<8x4x8x128xf32, #tpu.memory_space<vmem>>)
    %multiple_of3A_941 = arith.constant 488 : i32
    %multiple_of3A_942 = tpu.assume_multiple %multiple_of3A_941, 8 : i32
    %get3A_943 = arith.index_cast %multiple_of3A_942 : i32 to index
    %get3A_944 = tpu.vector_load %arg6[%get3A_943] {strides = array<i32>} : memref<528xi32, #tpu.memory_space<vmem>>, vector<16xi32>,
    %slice3A_945 = vector.extract_strided_slice %get3A_944 {offsets = [0], sizes = [1], strides = [1]} : vector<16xi32> to vector<1xi32>
    %squeeze3A_946 = vector.extract %slice3A_945[0] : i32 from vector<1xi32>
    %slice3A_947 = vector.extract_strided_slice %get3A_944 {offsets = [1], sizes = [1], strides = [1]} : vector<16xi32> to vector<1xi32>
    %squeeze3A_948 = vector.extract %slice3A_947[0] : i32 from vector<1xi32>
    %slice3A_949 = vector.extract_strided_slice %get3A_944 {offsets = [2], sizes = [1], strides = [1]} : vector<16xi32> to vector<1xi32>
    %squeeze3A_950 = vector.extract %slice3A_949[0] : i32 from vector<1xi32>
    %slice3A_951 = vector.extract_strided_slice %get3A_944 {offsets = [3], sizes = [1], strides = [1]} : vector<16xi32> to vector<1xi32>
    %squeeze3A_952 = vector.extract %slice3A_951[0] : i32 from vector<1xi32>
    %slice3A_953 = vector.extract_strided_slice %get3A_944 {offsets = [4], sizes = [1], strides = [1]} : vector<16xi32> to vector<1xi32>
    %squeeze3A_954 = vector.extract %slice3A_953[0] : i32 from vector<1xi32>
    %slice3A_955 = vector.extract_strided_slice %get3A_944 {offsets = [5], sizes = [1], strides = [1]} : vector<16xi32> to vector<1xi32>
    %squeeze3A_956 = vector.extract %slice3A_955[0] : i32 from vector<1xi32>
    %slice3A_957 = vector.extract_strided_slice %get3A_944 {offsets = [6], sizes = [1], strides = [1]} : vector<16xi32> to vector<1xi32>
    %squeeze3A_958 = vector.extract %slice3A_957[0] : i32 from vector<1xi32>
    %slice3A_959 = vector.extract_strided_slice %get3A_944 {offsets = [7], sizes = [1], strides = [1]} : vector<16xi32> to vector<1xi32>
    %squeeze3A_960 = vector.extract %slice3A_959[0] : i32 from vector<1xi32>
    %and3A_961 = arith.constant 127 : i32
    %and3A_962 = arith.andi %squeeze3A_946, %and3A_961 : i32
    %iota3A_963 = tpu.iota {dimensions = array<i32: 0>} : vector<16xi32>
    %broadcast_in_dim3A_964 = vector.broadcast %and3A_962 : i32 to vector<16xi32>
    %add3A_965 = arith.constant 0 : i32
    %add3A_966 = vector.broadcast %add3A_965 : i32 to vector<16xi32>
    %add3A_967 = arith.addi %iota3A_963, %add3A_966 : vector<16xi32>
    %shift_right_arithmetic3A_968 = arith.constant 3 : i32
    %shift_right_arithmetic3A_969 = vector.broadcast %shift_right_arithmetic3A_968 : i32 to vector<16xi32>
    %shift_right_arithmetic3A_970 = arith.shrsi %add3A_967, %shift_right_arithmetic3A_969 : vector<16xi32>
    %and3A_971 = arith.constant 7 : i32
    %and3A_972 = vector.broadcast %and3A_971 : i32 to vector<16xi32>
    %and3A_973 = arith.andi %add3A_967, %and3A_972 : vector<16xi32>
    %gather3A_974 = arith.constant 0 : i32
    %gather3A_975 = arith.constant 0 : i32
    %gather3A_976 = arith.constant 0 : i32
    %gather3A_977 = arith.constant 0 : i32
    %gather3A_978 = tpu.memref_slice %arg8[%gather3A_974, %gather3A_975, %gather3A_976, %gather3A_977] : memref<8x4x8x128xf32, #tpu.memory_space<vmem>> -> memref<1x4x8x128xf32, #tpu.memory_space<vmem>>
    %gather3A_979 = tpu.memref_squeeze %gather3A_978 : memref<1x4x8x128xf32, #tpu.memory_space<vmem>> -> memref<4x8x128xf32, #tpu.memory_space<vmem>>
    %gather3A_980 = tpu.vector_load_idx %gather3A_979[%shift_right_arithmetic3A_970, %and3A_973, %broadcast_in_dim3A_964] : memref<4x8x128xf32, #tpu.memory_space<vmem>>[vector<16xi32>, vector<16xi32>, vector<16xi32>], vector<16xf32>,
    %add3A_981 = arith.constant 15616 : i32
    %add3A_982 = vector.broadcast %add3A_981 : i32 to vector<16xi32>
    %add3A_983 = arith.addi %add3A_982, %add3A_967 : vector<16xi32>
    tpu.vector_store_idx %arg10[%add3A_983], %gather3A_980 : memref<16384xf32, #tpu.memory_space<vmem>>[vector<16xi32>], vector<16xf32>,
    %add3A_984 = arith.constant 16 : i32
    %add3A_985 = vector.broadcast %add3A_984 : i32 to vector<16xi32>
    %add3A_986 = arith.addi %iota3A_963, %add3A_985 : vector<16xi32>
    %shift_right_arithmetic3A_987 = arith.constant 3 : i32
    %shift_right_arithmetic3A_988 = vector.broadcast %shift_right_arithmetic3A_987 : i32 to vector<16xi32>
    %shift_right_arithmetic3A_989 = arith.shrsi %add3A_986, %shift_right_arithmetic3A_988 : vector<16xi32>
    %and3A_990 = arith.constant 7 : i32
    %and3A_991 = vector.broadcast %and3A_990 : i32 to vector<16xi32>
    %and3A_992 = arith.andi %add3A_986, %and3A_991 : vector<16xi32>
    %gather3A_993 = arith.constant 0 : i32
    %gather3A_994 = arith.constant 0 : i32
    %gather3A_995 = arith.constant 0 : i32
    %gather3A_996 = arith.constant 0 : i32
    %gather3A_997 = tpu.memref_slice %arg8[%gather3A_993, %gather3A_994, %gather3A_995, %gather3A_996] : memref<8x4x8x128xf32, #tpu.memory_space<vmem>> -> memref<1x4x8x128xf32, #tpu.memory_space<vmem>>
    %gather3A_998 = tpu.memref_squeeze %gather3A_997 : memref<1x4x8x128xf32, #tpu.memory_space<vmem>> -> memref<4x8x128xf32, #tpu.memory_space<vmem>>
    %gather3A_999 = tpu.vector_load_idx %gather3A_998[%shift_right_arithmetic3A_989, %and3A_992, %broadcast_in_dim3A_964] : memref<4x8x128xf32, #tpu.memory_space<vmem>>[vector<16xi32>, vector<16xi32>, vector<16xi32>], vector<16xf32>,
    %add3A_1000 = arith.constant 15616 : i32
    %add3A_1001 = vector.broadcast %add3A_1000 : i32 to vector<16xi32>
    %add3A_1002 = arith.addi %add3A_1001, %add3A_986 : vector<16xi32>
    tpu.vector_store_idx %arg10[%add3A_1002], %gather3A_999 : memref<16384xf32, #tpu.memory_space<vmem>>[vector<16xi32>], vector<16xf32>,
    %and3A_1003 = arith.constant 127 : i32
    %and3A_1004 = arith.andi %squeeze3A_948, %and3A_1003 : i32
    %iota3A_1005 = tpu.iota {dimensions = array<i32: 0>} : vector<16xi32>
    %broadcast_in_dim3A_1006 = vector.broadcast %and3A_1004 : i32 to vector<16xi32>
    %add3A_1007 = arith.constant 0 : i32
    %add3A_1008 = vector.broadcast %add3A_1007 : i32 to vector<16xi32>
    %add3A_1009 = arith.addi %iota3A_1005, %add3A_1008 : vector<16xi32>
    %shift_right_arithmetic3A_1010 = arith.constant 3 : i32
    %shift_right_arithmetic3A_1011 = vector.broadcast %shift_right_arithmetic3A_1010 : i32 to vector<16xi32>
    %shift_right_arithmetic3A_1012 = arith.shrsi %add3A_1009, %shift_right_arithmetic3A_1011 : vector<16xi32>
    %and3A_1013 = arith.constant 7 : i32
    %and3A_1014 = vector.broadcast %and3A_1013 : i32 to vector<16xi32>
    %and3A_1015 = arith.andi %add3A_1009, %and3A_1014 : vector<16xi32>
    %gather3A_1016 = arith.constant 1 : i32
    %gather3A_1017 = arith.constant 0 : i32
    %gather3A_1018 = arith.constant 0 : i32
    %gather3A_1019 = arith.constant 0 : i32
    %gather3A_1020 = tpu.memref_slice %arg8[%gather3A_1016, %gather3A_1017, %gather3A_1018, %gather3A_1019] : memref<8x4x8x128xf32, #tpu.memory_space<vmem>> -> memref<1x4x8x128xf32, #tpu.memory_space<vmem>>
    %gather3A_1021 = tpu.memref_squeeze %gather3A_1020 : memref<1x4x8x128xf32, #tpu.memory_space<vmem>> -> memref<4x8x128xf32, #tpu.memory_space<vmem>>
    %gather3A_1022 = tpu.vector_load_idx %gather3A_1021[%shift_right_arithmetic3A_1012, %and3A_1015, %broadcast_in_dim3A_1006] : memref<4x8x128xf32, #tpu.memory_space<vmem>>[vector<16xi32>, vector<16xi32>, vector<16xi32>], vector<16xf32>,
    %add3A_1023 = arith.constant 15648 : i32
    %add3A_1024 = vector.broadcast %add3A_1023 : i32 to vector<16xi32>
    %add3A_1025 = arith.addi %add3A_1024, %add3A_1009 : vector<16xi32>
    tpu.vector_store_idx %arg10[%add3A_1025], %gather3A_1022 : memref<16384xf32, #tpu.memory_space<vmem>>[vector<16xi32>], vector<16xf32>,
    %add3A_1026 = arith.constant 16 : i32
    %add3A_1027 = vector.broadcast %add3A_1026 : i32 to vector<16xi32>
    %add3A_1028 = arith.addi %iota3A_1005, %add3A_1027 : vector<16xi32>
    %shift_right_arithmetic3A_1029 = arith.constant 3 : i32
    %shift_right_arithmetic3A_1030 = vector.broadcast %shift_right_arithmetic3A_1029 : i32 to vector<16xi32>
    %shift_right_arithmetic3A_1031 = arith.shrsi %add3A_1028, %shift_right_arithmetic3A_1030 : vector<16xi32>
    %and3A_1032 = arith.constant 7 : i32
    %and3A_1033 = vector.broadcast %and3A_1032 : i32 to vector<16xi32>
    %and3A_1034 = arith.andi %add3A_1028, %and3A_1033 : vector<16xi32>
    %gather3A_1035 = arith.constant 1 : i32
    %gather3A_1036 = arith.constant 0 : i32
    %gather3A_1037 = arith.constant 0 : i32
    %gather3A_1038 = arith.constant 0 : i32
    %gather3A_1039 = tpu.memref_slice %arg8[%gather3A_1035, %gather3A_1036, %gather3A_1037, %gather3A_1038] : memref<8x4x8x128xf32, #tpu.memory_space<vmem>> -> memref<1x4x8x128xf32, #tpu.memory_space<vmem>>
    %gather3A_1040 = tpu.memref_squeeze %gather3A_1039 : memref<1x4x8x128xf32, #tpu.memory_space<vmem>> -> memref<4x8x128xf32, #tpu.memory_space<vmem>>
    %gather3A_1041 = tpu.vector_load_idx %gather3A_1040[%shift_right_arithmetic3A_1031, %and3A_1034, %broadcast_in_dim3A_1006] : memref<4x8x128xf32, #tpu.memory_space<vmem>>[vector<16xi32>, vector<16xi32>, vector<16xi32>], vector<16xf32>,
    %add3A_1042 = arith.constant 15648 : i32
    %add3A_1043 = vector.broadcast %add3A_1042 : i32 to vector<16xi32>
    %add3A_1044 = arith.addi %add3A_1043, %add3A_1028 : vector<16xi32>
    tpu.vector_store_idx %arg10[%add3A_1044], %gather3A_1041 : memref<16384xf32, #tpu.memory_space<vmem>>[vector<16xi32>], vector<16xf32>,
    %and3A_1045 = arith.constant 127 : i32
    %and3A_1046 = arith.andi %squeeze3A_950, %and3A_1045 : i32
    %iota3A_1047 = tpu.iota {dimensions = array<i32: 0>} : vector<16xi32>
    %broadcast_in_dim3A_1048 = vector.broadcast %and3A_1046 : i32 to vector<16xi32>
    %add3A_1049 = arith.constant 0 : i32
    %add3A_1050 = vector.broadcast %add3A_1049 : i32 to vector<16xi32>
    %add3A_1051 = arith.addi %iota3A_1047, %add3A_1050 : vector<16xi32>
    %shift_right_arithmetic3A_1052 = arith.constant 3 : i32
    %shift_right_arithmetic3A_1053 = vector.broadcast %shift_right_arithmetic3A_1052 : i32 to vector<16xi32>
    %shift_right_arithmetic3A_1054 = arith.shrsi %add3A_1051, %shift_right_arithmetic3A_1053 : vector<16xi32>
    %and3A_1055 = arith.constant 7 : i32
    %and3A_1056 = vector.broadcast %and3A_1055 : i32 to vector<16xi32>
    %and3A_1057 = arith.andi %add3A_1051, %and3A_1056 : vector<16xi32>
    %gather3A_1058 = arith.constant 2 : i32
    %gather3A_1059 = arith.constant 0 : i32
    %gather3A_1060 = arith.constant 0 : i32
    %gather3A_1061 = arith.constant 0 : i32
    %gather3A_1062 = tpu.memref_slice %arg8[%gather3A_1058, %gather3A_1059, %gather3A_1060, %gather3A_1061] : memref<8x4x8x128xf32, #tpu.memory_space<vmem>> -> memref<1x4x8x128xf32, #tpu.memory_space<vmem>>
    %gather3A_1063 = tpu.memref_squeeze %gather3A_1062 : memref<1x4x8x128xf32, #tpu.memory_space<vmem>> -> memref<4x8x128xf32, #tpu.memory_space<vmem>>
    %gather3A_1064 = tpu.vector_load_idx %gather3A_1063[%shift_right_arithmetic3A_1054, %and3A_1057, %broadcast_in_dim3A_1048] : memref<4x8x128xf32, #tpu.memory_space<vmem>>[vector<16xi32>, vector<16xi32>, vector<16xi32>], vector<16xf32>,
    %add3A_1065 = arith.constant 15680 : i32
    %add3A_1066 = vector.broadcast %add3A_1065 : i32 to vector<16xi32>
    %add3A_1067 = arith.addi %add3A_1066, %add3A_1051 : vector<16xi32>
    tpu.vector_store_idx %arg10[%add3A_1067], %gather3A_1064 : memref<16384xf32, #tpu.memory_space<vmem>>[vector<16xi32>], vector<16xf32>,
    %add3A_1068 = arith.constant 16 : i32
    %add3A_1069 = vector.broadcast %add3A_1068 : i32 to vector<16xi32>
    %add3A_1070 = arith.addi %iota3A_1047, %add3A_1069 : vector<16xi32>
    %shift_right_arithmetic3A_1071 = arith.constant 3 : i32
    %shift_right_arithmetic3A_1072 = vector.broadcast %shift_right_arithmetic3A_1071 : i32 to vector<16xi32>
    %shift_right_arithmetic3A_1073 = arith.shrsi %add3A_1070, %shift_right_arithmetic3A_1072 : vector<16xi32>
    %and3A_1074 = arith.constant 7 : i32
    %and3A_1075 = vector.broadcast %and3A_1074 : i32 to vector<16xi32>
    %and3A_1076 = arith.andi %add3A_1070, %and3A_1075 : vector<16xi32>
    %gather3A_1077 = arith.constant 2 : i32
    %gather3A_1078 = arith.constant 0 : i32
    %gather3A_1079 = arith.constant 0 : i32
    %gather3A_1080 = arith.constant 0 : i32
    %gather3A_1081 = tpu.memref_slice %arg8[%gather3A_1077, %gather3A_1078, %gather3A_1079, %gather3A_1080] : memref<8x4x8x128xf32, #tpu.memory_space<vmem>> -> memref<1x4x8x128xf32, #tpu.memory_space<vmem>>
    %gather3A_1082 = tpu.memref_squeeze %gather3A_1081 : memref<1x4x8x128xf32, #tpu.memory_space<vmem>> -> memref<4x8x128xf32, #tpu.memory_space<vmem>>
    %gather3A_1083 = tpu.vector_load_idx %gather3A_1082[%shift_right_arithmetic3A_1073, %and3A_1076, %broadcast_in_dim3A_1048] : memref<4x8x128xf32, #tpu.memory_space<vmem>>[vector<16xi32>, vector<16xi32>, vector<16xi32>], vector<16xf32>,
    %add3A_1084 = arith.constant 15680 : i32
    %add3A_1085 = vector.broadcast %add3A_1084 : i32 to vector<16xi32>
    %add3A_1086 = arith.addi %add3A_1085, %add3A_1070 : vector<16xi32>
    tpu.vector_store_idx %arg10[%add3A_1086], %gather3A_1083 : memref<16384xf32, #tpu.memory_space<vmem>>[vector<16xi32>], vector<16xf32>,
    %and3A_1087 = arith.constant 127 : i32
    %and3A_1088 = arith.andi %squeeze3A_952, %and3A_1087 : i32
    %iota3A_1089 = tpu.iota {dimensions = array<i32: 0>} : vector<16xi32>
    %broadcast_in_dim3A_1090 = vector.broadcast %and3A_1088 : i32 to vector<16xi32>
    %add3A_1091 = arith.constant 0 : i32
    %add3A_1092 = vector.broadcast %add3A_1091 : i32 to vector<16xi32>
    %add3A_1093 = arith.addi %iota3A_1089, %add3A_1092 : vector<16xi32>
    %shift_right_arithmetic3A_1094 = arith.constant 3 : i32
    %shift_right_arithmetic3A_1095 = vector.broadcast %shift_right_arithmetic3A_1094 : i32 to vector<16xi32>
    %shift_right_arithmetic3A_1096 = arith.shrsi %add3A_1093, %shift_right_arithmetic3A_1095 : vector<16xi32>
    %and3A_1097 = arith.constant 7 : i32
    %and3A_1098 = vector.broadcast %and3A_1097 : i32 to vector<16xi32>
    %and3A_1099 = arith.andi %add3A_1093, %and3A_1098 : vector<16xi32>
    %gather3A_1100 = arith.constant 3 : i32
    %gather3A_1101 = arith.constant 0 : i32
    %gather3A_1102 = arith.constant 0 : i32
    %gather3A_1103 = arith.constant 0 : i32
    %gather3A_1104 = tpu.memref_slice %arg8[%gather3A_1100, %gather3A_1101, %gather3A_1102, %gather3A_1103] : memref<8x4x8x128xf32, #tpu.memory_space<vmem>> -> memref<1x4x8x128xf32, #tpu.memory_space<vmem>>
    %gather3A_1105 = tpu.memref_squeeze %gather3A_1104 : memref<1x4x8x128xf32, #tpu.memory_space<vmem>> -> memref<4x8x128xf32, #tpu.memory_space<vmem>>
    %gather3A_1106 = tpu.vector_load_idx %gather3A_1105[%shift_right_arithmetic3A_1096, %and3A_1099, %broadcast_in_dim3A_1090] : memref<4x8x128xf32, #tpu.memory_space<vmem>>[vector<16xi32>, vector<16xi32>, vector<16xi32>], vector<16xf32>,
    %add3A_1107 = arith.constant 15712 : i32
    %add3A_1108 = vector.broadcast %add3A_1107 : i32 to vector<16xi32>
    %add3A_1109 = arith.addi %add3A_1108, %add3A_1093 : vector<16xi32>
    tpu.vector_store_idx %arg10[%add3A_1109], %gather3A_1106 : memref<16384xf32, #tpu.memory_space<vmem>>[vector<16xi32>], vector<16xf32>,
    %add3A_1110 = arith.constant 16 : i32
    %add3A_1111 = vector.broadcast %add3A_1110 : i32 to vector<16xi32>
    %add3A_1112 = arith.addi %iota3A_1089, %add3A_1111 : vector<16xi32>
    %shift_right_arithmetic3A_1113 = arith.constant 3 : i32
    %shift_right_arithmetic3A_1114 = vector.broadcast %shift_right_arithmetic3A_1113 : i32 to vector<16xi32>
    %shift_right_arithmetic3A_1115 = arith.shrsi %add3A_1112, %shift_right_arithmetic3A_1114 : vector<16xi32>
    %and3A_1116 = arith.constant 7 : i32
    %and3A_1117 = vector.broadcast %and3A_1116 : i32 to vector<16xi32>
    %and3A_1118 = arith.andi %add3A_1112, %and3A_1117 : vector<16xi32>
    %gather3A_1119 = arith.constant 3 : i32
    %gather3A_1120 = arith.constant 0 : i32
    %gather3A_1121 = arith.constant 0 : i32
    %gather3A_1122 = arith.constant 0 : i32
    %gather3A_1123 = tpu.memref_slice %arg8[%gather3A_1119, %gather3A_1120, %gather3A_1121, %gather3A_1122] : memref<8x4x8x128xf32, #tpu.memory_space<vmem>> -> memref<1x4x8x128xf32, #tpu.memory_space<vmem>>
    %gather3A_1124 = tpu.memref_squeeze %gather3A_1123 : memref<1x4x8x128xf32, #tpu.memory_space<vmem>> -> memref<4x8x128xf32, #tpu.memory_space<vmem>>
    %gather3A_1125 = tpu.vector_load_idx %gather3A_1124[%shift_right_arithmetic3A_1115, %and3A_1118, %broadcast_in_dim3A_1090] : memref<4x8x128xf32, #tpu.memory_space<vmem>>[vector<16xi32>, vector<16xi32>, vector<16xi32>], vector<16xf32>,
    %add3A_1126 = arith.constant 15712 : i32
    %add3A_1127 = vector.broadcast %add3A_1126 : i32 to vector<16xi32>
    %add3A_1128 = arith.addi %add3A_1127, %add3A_1112 : vector<16xi32>
    tpu.vector_store_idx %arg10[%add3A_1128], %gather3A_1125 : memref<16384xf32, #tpu.memory_space<vmem>>[vector<16xi32>], vector<16xf32>,
    %and3A_1129 = arith.constant 127 : i32
    %and3A_1130 = arith.andi %squeeze3A_954, %and3A_1129 : i32
    %iota3A_1131 = tpu.iota {dimensions = array<i32: 0>} : vector<16xi32>
    %broadcast_in_dim3A_1132 = vector.broadcast %and3A_1130 : i32 to vector<16xi32>
    %add3A_1133 = arith.constant 0 : i32
    %add3A_1134 = vector.broadcast %add3A_1133 : i32 to vector<16xi32>
    %add3A_1135 = arith.addi %iota3A_1131, %add3A_1134 : vector<16xi32>
    %shift_right_arithmetic3A_1136 = arith.constant 3 : i32
    %shift_right_arithmetic3A_1137 = vector.broadcast %shift_right_arithmetic3A_1136 : i32 to vector<16xi32>
    %shift_right_arithmetic3A_1138 = arith.shrsi %add3A_1135, %shift_right_arithmetic3A_1137 : vector<16xi32>
    %and3A_1139 = arith.constant 7 : i32
    %and3A_1140 = vector.broadcast %and3A_1139 : i32 to vector<16xi32>
    %and3A_1141 = arith.andi %add3A_1135, %and3A_1140 : vector<16xi32>
    %gather3A_1142 = arith.constant 4 : i32
    %gather3A_1143 = arith.constant 0 : i32
    %gather3A_1144 = arith.constant 0 : i32
    %gather3A_1145 = arith.constant 0 : i32
    %gather3A_1146 = tpu.memref_slice %arg8[%gather3A_1142, %gather3A_1143, %gather3A_1144, %gather3A_1145] : memref<8x4x8x128xf32, #tpu.memory_space<vmem>> -> memref<1x4x8x128xf32, #tpu.memory_space<vmem>>
    %gather3A_1147 = tpu.memref_squeeze %gather3A_1146 : memref<1x4x8x128xf32, #tpu.memory_space<vmem>> -> memref<4x8x128xf32, #tpu.memory_space<vmem>>
    %gather3A_1148 = tpu.vector_load_idx %gather3A_1147[%shift_right_arithmetic3A_1138, %and3A_1141, %broadcast_in_dim3A_1132] : memref<4x8x128xf32, #tpu.memory_space<vmem>>[vector<16xi32>, vector<16xi32>, vector<16xi32>], vector<16xf32>,
    %add3A_1149 = arith.constant 15744 : i32
    %add3A_1150 = vector.broadcast %add3A_1149 : i32 to vector<16xi32>
    %add3A_1151 = arith.addi %add3A_1150, %add3A_1135 : vector<16xi32>
    tpu.vector_store_idx %arg10[%add3A_1151], %gather3A_1148 : memref<16384xf32, #tpu.memory_space<vmem>>[vector<16xi32>], vector<16xf32>,
    %add3A_1152 = arith.constant 16 : i32
    %add3A_1153 = vector.broadcast %add3A_1152 : i32 to vector<16xi32>
    %add3A_1154 = arith.addi %iota3A_1131, %add3A_1153 : vector<16xi32>
    %shift_right_arithmetic3A_1155 = arith.constant 3 : i32
    %shift_right_arithmetic3A_1156 = vector.broadcast %shift_right_arithmetic3A_1155 : i32 to vector<16xi32>
    %shift_right_arithmetic3A_1157 = arith.shrsi %add3A_1154, %shift_right_arithmetic3A_1156 : vector<16xi32>
    %and3A_1158 = arith.constant 7 : i32
    %and3A_1159 = vector.broadcast %and3A_1158 : i32 to vector<16xi32>
    %and3A_1160 = arith.andi %add3A_1154, %and3A_1159 : vector<16xi32>
    %gather3A_1161 = arith.constant 4 : i32
    %gather3A_1162 = arith.constant 0 : i32
    %gather3A_1163 = arith.constant 0 : i32
    %gather3A_1164 = arith.constant 0 : i32
    %gather3A_1165 = tpu.memref_slice %arg8[%gather3A_1161, %gather3A_1162, %gather3A_1163, %gather3A_1164] : memref<8x4x8x128xf32, #tpu.memory_space<vmem>> -> memref<1x4x8x128xf32, #tpu.memory_space<vmem>>
    %gather3A_1166 = tpu.memref_squeeze %gather3A_1165 : memref<1x4x8x128xf32, #tpu.memory_space<vmem>> -> memref<4x8x128xf32, #tpu.memory_space<vmem>>
    %gather3A_1167 = tpu.vector_load_idx %gather3A_1166[%shift_right_arithmetic3A_1157, %and3A_1160, %broadcast_in_dim3A_1132] : memref<4x8x128xf32, #tpu.memory_space<vmem>>[vector<16xi32>, vector<16xi32>, vector<16xi32>], vector<16xf32>,
    %add3A_1168 = arith.constant 15744 : i32
    %add3A_1169 = vector.broadcast %add3A_1168 : i32 to vector<16xi32>
    %add3A_1170 = arith.addi %add3A_1169, %add3A_1154 : vector<16xi32>
    tpu.vector_store_idx %arg10[%add3A_1170], %gather3A_1167 : memref<16384xf32, #tpu.memory_space<vmem>>[vector<16xi32>], vector<16xf32>,
    %and3A_1171 = arith.constant 127 : i32
    %and3A_1172 = arith.andi %squeeze3A_956, %and3A_1171 : i32
    %iota3A_1173 = tpu.iota {dimensions = array<i32: 0>} : vector<16xi32>
    %broadcast_in_dim3A_1174 = vector.broadcast %and3A_1172 : i32 to vector<16xi32>
    %add3A_1175 = arith.constant 0 : i32
    %add3A_1176 = vector.broadcast %add3A_1175 : i32 to vector<16xi32>
    %add3A_1177 = arith.addi %iota3A_1173, %add3A_1176 : vector<16xi32>
    %shift_right_arithmetic3A_1178 = arith.constant 3 : i32
    %shift_right_arithmetic3A_1179 = vector.broadcast %shift_right_arithmetic3A_1178 : i32 to vector<16xi32>
    %shift_right_arithmetic3A_1180 = arith.shrsi %add3A_1177, %shift_right_arithmetic3A_1179 : vector<16xi32>
    %and3A_1181 = arith.constant 7 : i32
    %and3A_1182 = vector.broadcast %and3A_1181 : i32 to vector<16xi32>
    %and3A_1183 = arith.andi %add3A_1177, %and3A_1182 : vector<16xi32>
    %gather3A_1184 = arith.constant 5 : i32
    %gather3A_1185 = arith.constant 0 : i32
    %gather3A_1186 = arith.constant 0 : i32
    %gather3A_1187 = arith.constant 0 : i32
    %gather3A_1188 = tpu.memref_slice %arg8[%gather3A_1184, %gather3A_1185, %gather3A_1186, %gather3A_1187] : memref<8x4x8x128xf32, #tpu.memory_space<vmem>> -> memref<1x4x8x128xf32, #tpu.memory_space<vmem>>
    %gather3A_1189 = tpu.memref_squeeze %gather3A_1188 : memref<1x4x8x128xf32, #tpu.memory_space<vmem>> -> memref<4x8x128xf32, #tpu.memory_space<vmem>>
    %gather3A_1190 = tpu.vector_load_idx %gather3A_1189[%shift_right_arithmetic3A_1180, %and3A_1183, %broadcast_in_dim3A_1174] : memref<4x8x128xf32, #tpu.memory_space<vmem>>[vector<16xi32>, vector<16xi32>, vector<16xi32>], vector<16xf32>,
    %add3A_1191 = arith.constant 15776 : i32
    %add3A_1192 = vector.broadcast %add3A_1191 : i32 to vector<16xi32>
    %add3A_1193 = arith.addi %add3A_1192, %add3A_1177 : vector<16xi32>
    tpu.vector_store_idx %arg10[%add3A_1193], %gather3A_1190 : memref<16384xf32, #tpu.memory_space<vmem>>[vector<16xi32>], vector<16xf32>,
    %add3A_1194 = arith.constant 16 : i32
    %add3A_1195 = vector.broadcast %add3A_1194 : i32 to vector<16xi32>
    %add3A_1196 = arith.addi %iota3A_1173, %add3A_1195 : vector<16xi32>
    %shift_right_arithmetic3A_1197 = arith.constant 3 : i32
    %shift_right_arithmetic3A_1198 = vector.broadcast %shift_right_arithmetic3A_1197 : i32 to vector<16xi32>
    %shift_right_arithmetic3A_1199 = arith.shrsi %add3A_1196, %shift_right_arithmetic3A_1198 : vector<16xi32>
    %and3A_1200 = arith.constant 7 : i32
    %and3A_1201 = vector.broadcast %and3A_1200 : i32 to vector<16xi32>
    %and3A_1202 = arith.andi %add3A_1196, %and3A_1201 : vector<16xi32>
    %gather3A_1203 = arith.constant 5 : i32
    %gather3A_1204 = arith.constant 0 : i32
    %gather3A_1205 = arith.constant 0 : i32
    %gather3A_1206 = arith.constant 0 : i32
    %gather3A_1207 = tpu.memref_slice %arg8[%gather3A_1203, %gather3A_1204, %gather3A_1205, %gather3A_1206] : memref<8x4x8x128xf32, #tpu.memory_space<vmem>> -> memref<1x4x8x128xf32, #tpu.memory_space<vmem>>
    %gather3A_1208 = tpu.memref_squeeze %gather3A_1207 : memref<1x4x8x128xf32, #tpu.memory_space<vmem>> -> memref<4x8x128xf32, #tpu.memory_space<vmem>>
    %gather3A_1209 = tpu.vector_load_idx %gather3A_1208[%shift_right_arithmetic3A_1199, %and3A_1202, %broadcast_in_dim3A_1174] : memref<4x8x128xf32, #tpu.memory_space<vmem>>[vector<16xi32>, vector<16xi32>, vector<16xi32>], vector<16xf32>,
    %add3A_1210 = arith.constant 15776 : i32
    %add3A_1211 = vector.broadcast %add3A_1210 : i32 to vector<16xi32>
    %add3A_1212 = arith.addi %add3A_1211, %add3A_1196 : vector<16xi32>
    tpu.vector_store_idx %arg10[%add3A_1212], %gather3A_1209 : memref<16384xf32, #tpu.memory_space<vmem>>[vector<16xi32>], vector<16xf32>,
    %and3A_1213 = arith.constant 127 : i32
    %and3A_1214 = arith.andi %squeeze3A_958, %and3A_1213 : i32
    %iota3A_1215 = tpu.iota {dimensions = array<i32: 0>} : vector<16xi32>
    %broadcast_in_dim3A_1216 = vector.broadcast %and3A_1214 : i32 to vector<16xi32>
    %add3A_1217 = arith.constant 0 : i32
    %add3A_1218 = vector.broadcast %add3A_1217 : i32 to vector<16xi32>
    %add3A_1219 = arith.addi %iota3A_1215, %add3A_1218 : vector<16xi32>
    %shift_right_arithmetic3A_1220 = arith.constant 3 : i32
    %shift_right_arithmetic3A_1221 = vector.broadcast %shift_right_arithmetic3A_1220 : i32 to vector<16xi32>
    %shift_right_arithmetic3A_1222 = arith.shrsi %add3A_1219, %shift_right_arithmetic3A_1221 : vector<16xi32>
    %and3A_1223 = arith.constant 7 : i32
    %and3A_1224 = vector.broadcast %and3A_1223 : i32 to vector<16xi32>
    %and3A_1225 = arith.andi %add3A_1219, %and3A_1224 : vector<16xi32>
    %gather3A_1226 = arith.constant 6 : i32
    %gather3A_1227 = arith.constant 0 : i32
    %gather3A_1228 = arith.constant 0 : i32
    %gather3A_1229 = arith.constant 0 : i32
    %gather3A_1230 = tpu.memref_slice %arg8[%gather3A_1226, %gather3A_1227, %gather3A_1228, %gather3A_1229] : memref<8x4x8x128xf32, #tpu.memory_space<vmem>> -> memref<1x4x8x128xf32, #tpu.memory_space<vmem>>
    %gather3A_1231 = tpu.memref_squeeze %gather3A_1230 : memref<1x4x8x128xf32, #tpu.memory_space<vmem>> -> memref<4x8x128xf32, #tpu.memory_space<vmem>>
    %gather3A_1232 = tpu.vector_load_idx %gather3A_1231[%shift_right_arithmetic3A_1222, %and3A_1225, %broadcast_in_dim3A_1216] : memref<4x8x128xf32, #tpu.memory_space<vmem>>[vector<16xi32>, vector<16xi32>, vector<16xi32>], vector<16xf32>,
    %add3A_1233 = arith.constant 15808 : i32
    %add3A_1234 = vector.broadcast %add3A_1233 : i32 to vector<16xi32>
    %add3A_1235 = arith.addi %add3A_1234, %add3A_1219 : vector<16xi32>
    tpu.vector_store_idx %arg10[%add3A_1235], %gather3A_1232 : memref<16384xf32, #tpu.memory_space<vmem>>[vector<16xi32>], vector<16xf32>,
    %add3A_1236 = arith.constant 16 : i32
    %add3A_1237 = vector.broadcast %add3A_1236 : i32 to vector<16xi32>
    %add3A_1238 = arith.addi %iota3A_1215, %add3A_1237 : vector<16xi32>
    %shift_right_arithmetic3A_1239 = arith.constant 3 : i32
    %shift_right_arithmetic3A_1240 = vector.broadcast %shift_right_arithmetic3A_1239 : i32 to vector<16xi32>
    %shift_right_arithmetic3A_1241 = arith.shrsi %add3A_1238, %shift_right_arithmetic3A_1240 : vector<16xi32>
    %and3A_1242 = arith.constant 7 : i32
    %and3A_1243 = vector.broadcast %and3A_1242 : i32 to vector<16xi32>
    %and3A_1244 = arith.andi %add3A_1238, %and3A_1243 : vector<16xi32>
    %gather3A_1245 = arith.constant 6 : i32
    %gather3A_1246 = arith.constant 0 : i32
    %gather3A_1247 = arith.constant 0 : i32
    %gather3A_1248 = arith.constant 0 : i32
    %gather3A_1249 = tpu.memref_slice %arg8[%gather3A_1245, %gather3A_1246, %gather3A_1247, %gather3A_1248] : memref<8x4x8x128xf32, #tpu.memory_space<vmem>> -> memref<1x4x8x128xf32, #tpu.memory_space<vmem>>
    %gather3A_1250 = tpu.memref_squeeze %gather3A_1249 : memref<1x4x8x128xf32, #tpu.memory_space<vmem>> -> memref<4x8x128xf32, #tpu.memory_space<vmem>>
    %gather3A_1251 = tpu.vector_load_idx %gather3A_1250[%shift_right_arithmetic3A_1241, %and3A_1244, %broadcast_in_dim3A_1216] : memref<4x8x128xf32, #tpu.memory_space<vmem>>[vector<16xi32>, vector<16xi32>, vector<16xi32>], vector<16xf32>,
    %add3A_1252 = arith.constant 15808 : i32
    %add3A_1253 = vector.broadcast %add3A_1252 : i32 to vector<16xi32>
    %add3A_1254 = arith.addi %add3A_1253, %add3A_1238 : vector<16xi32>
    tpu.vector_store_idx %arg10[%add3A_1254], %gather3A_1251 : memref<16384xf32, #tpu.memory_space<vmem>>[vector<16xi32>], vector<16xf32>,
    %and3A_1255 = arith.constant 127 : i32
    %and3A_1256 = arith.andi %squeeze3A_960, %and3A_1255 : i32
    %iota3A_1257 = tpu.iota {dimensions = array<i32: 0>} : vector<16xi32>
    %broadcast_in_dim3A_1258 = vector.broadcast %and3A_1256 : i32 to vector<16xi32>
    %add3A_1259 = arith.constant 0 : i32
    %add3A_1260 = vector.broadcast %add3A_1259 : i32 to vector<16xi32>
    %add3A_1261 = arith.addi %iota3A_1257, %add3A_1260 : vector<16xi32>
    %shift_right_arithmetic3A_1262 = arith.constant 3 : i32
    %shift_right_arithmetic3A_1263 = vector.broadcast %shift_right_arithmetic3A_1262 : i32 to vector<16xi32>
    %shift_right_arithmetic3A_1264 = arith.shrsi %add3A_1261, %shift_right_arithmetic3A_1263 : vector<16xi32>
    %and3A_1265 = arith.constant 7 : i32
    %and3A_1266 = vector.broadcast %and3A_1265 : i32 to vector<16xi32>
    %and3A_1267 = arith.andi %add3A_1261, %and3A_1266 : vector<16xi32>
    %gather3A_1268 = arith.constant 7 : i32
    %gather3A_1269 = arith.constant 0 : i32
    %gather3A_1270 = arith.constant 0 : i32
    %gather3A_1271 = arith.constant 0 : i32
    %gather3A_1272 = tpu.memref_slice %arg8[%gather3A_1268, %gather3A_1269, %gather3A_1270, %gather3A_1271] : memref<8x4x8x128xf32, #tpu.memory_space<vmem>> -> memref<1x4x8x128xf32, #tpu.memory_space<vmem>>
    %gather3A_1273 = tpu.memref_squeeze %gather3A_1272 : memref<1x4x8x128xf32, #tpu.memory_space<vmem>> -> memref<4x8x128xf32, #tpu.memory_space<vmem>>
    %gather3A_1274 = tpu.vector_load_idx %gather3A_1273[%shift_right_arithmetic3A_1264, %and3A_1267, %broadcast_in_dim3A_1258] : memref<4x8x128xf32, #tpu.memory_space<vmem>>[vector<16xi32>, vector<16xi32>, vector<16xi32>], vector<16xf32>,
    %add3A_1275 = arith.constant 15840 : i32
    %add3A_1276 = vector.broadcast %add3A_1275 : i32 to vector<16xi32>
    %add3A_1277 = arith.addi %add3A_1276, %add3A_1261 : vector<16xi32>
    tpu.vector_store_idx %arg10[%add3A_1277], %gather3A_1274 : memref<16384xf32, #tpu.memory_space<vmem>>[vector<16xi32>], vector<16xf32>,
    %add3A_1278 = arith.constant 16 : i32
    %add3A_1279 = vector.broadcast %add3A_1278 : i32 to vector<16xi32>
    %add3A_1280 = arith.addi %iota3A_1257, %add3A_1279 : vector<16xi32>
    %shift_right_arithmetic3A_1281 = arith.constant 3 : i32
    %shift_right_arithmetic3A_1282 = vector.broadcast %shift_right_arithmetic3A_1281 : i32 to vector<16xi32>
    %shift_right_arithmetic3A_1283 = arith.shrsi %add3A_1280, %shift_right_arithmetic3A_1282 : vector<16xi32>
    %and3A_1284 = arith.constant 7 : i32
    %and3A_1285 = vector.broadcast %and3A_1284 : i32 to vector<16xi32>
    %and3A_1286 = arith.andi %add3A_1280, %and3A_1285 : vector<16xi32>
    %gather3A_1287 = arith.constant 7 : i32
    %gather3A_1288 = arith.constant 0 : i32
    %gather3A_1289 = arith.constant 0 : i32
    %gather3A_1290 = arith.constant 0 : i32
    %gather3A_1291 = tpu.memref_slice %arg8[%gather3A_1287, %gather3A_1288, %gather3A_1289, %gather3A_1290] : memref<8x4x8x128xf32, #tpu.memory_space<vmem>> -> memref<1x4x8x128xf32, #tpu.memory_space<vmem>>
    %gather3A_1292 = tpu.memref_squeeze %gather3A_1291 : memref<1x4x8x128xf32, #tpu.memory_space<vmem>> -> memref<4x8x128xf32, #tpu.memory_space<vmem>>
    %gather3A_1293 = tpu.vector_load_idx %gather3A_1292[%shift_right_arithmetic3A_1283, %and3A_1286, %broadcast_in_dim3A_1258] : memref<4x8x128xf32, #tpu.memory_space<vmem>>[vector<16xi32>, vector<16xi32>, vector<16xi32>], vector<16xf32>,
    %add3A_1294 = arith.constant 15840 : i32
    %add3A_1295 = vector.broadcast %add3A_1294 : i32 to vector<16xi32>
    %add3A_1296 = arith.addi %add3A_1295, %add3A_1280 : vector<16xi32>
    tpu.vector_store_idx %arg10[%add3A_1296], %gather3A_1293 : memref<16384xf32, #tpu.memory_space<vmem>>[vector<16xi32>], vector<16xf32>,
    tpu.wait_dma2 semaphore(%arg13 : memref<!tpu.dma_semaphore, #tpu.memory_space<semaphore_mem>>) src(%arg4 : memref<8x4x8x128xf32, #tpu.memory_space<hbm>>) dst(%arg9 : memref<8x4x8x128xf32, #tpu.memory_space<vmem>>)
    %multiple_of3A_1297 = arith.constant 496 : i32
    %multiple_of3A_1298 = tpu.assume_multiple %multiple_of3A_1297, 8 : i32
    %get3A_1299 = arith.index_cast %multiple_of3A_1298 : i32 to index
    %get3A_1300 = tpu.vector_load %arg6[%get3A_1299] {strides = array<i32>} : memref<528xi32, #tpu.memory_space<vmem>>, vector<16xi32>,
    %slice3A_1301 = vector.extract_strided_slice %get3A_1300 {offsets = [0], sizes = [1], strides = [1]} : vector<16xi32> to vector<1xi32>
    %squeeze3A_1302 = vector.extract %slice3A_1301[0] : i32 from vector<1xi32>
    %slice3A_1303 = vector.extract_strided_slice %get3A_1300 {offsets = [1], sizes = [1], strides = [1]} : vector<16xi32> to vector<1xi32>
    %squeeze3A_1304 = vector.extract %slice3A_1303[0] : i32 from vector<1xi32>
    %slice3A_1305 = vector.extract_strided_slice %get3A_1300 {offsets = [2], sizes = [1], strides = [1]} : vector<16xi32> to vector<1xi32>
    %squeeze3A_1306 = vector.extract %slice3A_1305[0] : i32 from vector<1xi32>
    %slice3A_1307 = vector.extract_strided_slice %get3A_1300 {offsets = [3], sizes = [1], strides = [1]} : vector<16xi32> to vector<1xi32>
    %squeeze3A_1308 = vector.extract %slice3A_1307[0] : i32 from vector<1xi32>
    %slice3A_1309 = vector.extract_strided_slice %get3A_1300 {offsets = [4], sizes = [1], strides = [1]} : vector<16xi32> to vector<1xi32>
    %squeeze3A_1310 = vector.extract %slice3A_1309[0] : i32 from vector<1xi32>
    %slice3A_1311 = vector.extract_strided_slice %get3A_1300 {offsets = [5], sizes = [1], strides = [1]} : vector<16xi32> to vector<1xi32>
    %squeeze3A_1312 = vector.extract %slice3A_1311[0] : i32 from vector<1xi32>
    %slice3A_1313 = vector.extract_strided_slice %get3A_1300 {offsets = [6], sizes = [1], strides = [1]} : vector<16xi32> to vector<1xi32>
    %squeeze3A_1314 = vector.extract %slice3A_1313[0] : i32 from vector<1xi32>
    %slice3A_1315 = vector.extract_strided_slice %get3A_1300 {offsets = [7], sizes = [1], strides = [1]} : vector<16xi32> to vector<1xi32>
    %squeeze3A_1316 = vector.extract %slice3A_1315[0] : i32 from vector<1xi32>
    %and3A_1317 = arith.constant 127 : i32
    %and3A_1318 = arith.andi %squeeze3A_1302, %and3A_1317 : i32
    %iota3A_1319 = tpu.iota {dimensions = array<i32: 0>} : vector<16xi32>
    %broadcast_in_dim3A_1320 = vector.broadcast %and3A_1318 : i32 to vector<16xi32>
    %add3A_1321 = arith.constant 0 : i32
    %add3A_1322 = vector.broadcast %add3A_1321 : i32 to vector<16xi32>
    %add3A_1323 = arith.addi %iota3A_1319, %add3A_1322 : vector<16xi32>
    %shift_right_arithmetic3A_1324 = arith.constant 3 : i32
    %shift_right_arithmetic3A_1325 = vector.broadcast %shift_right_arithmetic3A_1324 : i32 to vector<16xi32>
    %shift_right_arithmetic3A_1326 = arith.shrsi %add3A_1323, %shift_right_arithmetic3A_1325 : vector<16xi32>
    %and3A_1327 = arith.constant 7 : i32
    %and3A_1328 = vector.broadcast %and3A_1327 : i32 to vector<16xi32>
    %and3A_1329 = arith.andi %add3A_1323, %and3A_1328 : vector<16xi32>
    %gather3A_1330 = arith.constant 0 : i32
    %gather3A_1331 = arith.constant 0 : i32
    %gather3A_1332 = arith.constant 0 : i32
    %gather3A_1333 = arith.constant 0 : i32
    %gather3A_1334 = tpu.memref_slice %arg9[%gather3A_1330, %gather3A_1331, %gather3A_1332, %gather3A_1333] : memref<8x4x8x128xf32, #tpu.memory_space<vmem>> -> memref<1x4x8x128xf32, #tpu.memory_space<vmem>>
    %gather3A_1335 = tpu.memref_squeeze %gather3A_1334 : memref<1x4x8x128xf32, #tpu.memory_space<vmem>> -> memref<4x8x128xf32, #tpu.memory_space<vmem>>
    %gather3A_1336 = tpu.vector_load_idx %gather3A_1335[%shift_right_arithmetic3A_1326, %and3A_1329, %broadcast_in_dim3A_1320] : memref<4x8x128xf32, #tpu.memory_space<vmem>>[vector<16xi32>, vector<16xi32>, vector<16xi32>], vector<16xf32>,
    %add3A_1337 = arith.constant 15872 : i32
    %add3A_1338 = vector.broadcast %add3A_1337 : i32 to vector<16xi32>
    %add3A_1339 = arith.addi %add3A_1338, %add3A_1323 : vector<16xi32>
    tpu.vector_store_idx %arg10[%add3A_1339], %gather3A_1336 : memref<16384xf32, #tpu.memory_space<vmem>>[vector<16xi32>], vector<16xf32>,
    %add3A_1340 = arith.constant 16 : i32
    %add3A_1341 = vector.broadcast %add3A_1340 : i32 to vector<16xi32>
    %add3A_1342 = arith.addi %iota3A_1319, %add3A_1341 : vector<16xi32>
    %shift_right_arithmetic3A_1343 = arith.constant 3 : i32
    %shift_right_arithmetic3A_1344 = vector.broadcast %shift_right_arithmetic3A_1343 : i32 to vector<16xi32>
    %shift_right_arithmetic3A_1345 = arith.shrsi %add3A_1342, %shift_right_arithmetic3A_1344 : vector<16xi32>
    %and3A_1346 = arith.constant 7 : i32
    %and3A_1347 = vector.broadcast %and3A_1346 : i32 to vector<16xi32>
    %and3A_1348 = arith.andi %add3A_1342, %and3A_1347 : vector<16xi32>
    %gather3A_1349 = arith.constant 0 : i32
    %gather3A_1350 = arith.constant 0 : i32
    %gather3A_1351 = arith.constant 0 : i32
    %gather3A_1352 = arith.constant 0 : i32
    %gather3A_1353 = tpu.memref_slice %arg9[%gather3A_1349, %gather3A_1350, %gather3A_1351, %gather3A_1352] : memref<8x4x8x128xf32, #tpu.memory_space<vmem>> -> memref<1x4x8x128xf32, #tpu.memory_space<vmem>>
    %gather3A_1354 = tpu.memref_squeeze %gather3A_1353 : memref<1x4x8x128xf32, #tpu.memory_space<vmem>> -> memref<4x8x128xf32, #tpu.memory_space<vmem>>
    %gather3A_1355 = tpu.vector_load_idx %gather3A_1354[%shift_right_arithmetic3A_1345, %and3A_1348, %broadcast_in_dim3A_1320] : memref<4x8x128xf32, #tpu.memory_space<vmem>>[vector<16xi32>, vector<16xi32>, vector<16xi32>], vector<16xf32>,
    %add3A_1356 = arith.constant 15872 : i32
    %add3A_1357 = vector.broadcast %add3A_1356 : i32 to vector<16xi32>
    %add3A_1358 = arith.addi %add3A_1357, %add3A_1342 : vector<16xi32>
    tpu.vector_store_idx %arg10[%add3A_1358], %gather3A_1355 : memref<16384xf32, #tpu.memory_space<vmem>>[vector<16xi32>], vector<16xf32>,
    %and3A_1359 = arith.constant 127 : i32
    %and3A_1360 = arith.andi %squeeze3A_1304, %and3A_1359 : i32
    %iota3A_1361 = tpu.iota {dimensions = array<i32: 0>} : vector<16xi32>
    %broadcast_in_dim3A_1362 = vector.broadcast %and3A_1360 : i32 to vector<16xi32>
    %add3A_1363 = arith.constant 0 : i32
    %add3A_1364 = vector.broadcast %add3A_1363 : i32 to vector<16xi32>
    %add3A_1365 = arith.addi %iota3A_1361, %add3A_1364 : vector<16xi32>
    %shift_right_arithmetic3A_1366 = arith.constant 3 : i32
    %shift_right_arithmetic3A_1367 = vector.broadcast %shift_right_arithmetic3A_1366 : i32 to vector<16xi32>
    %shift_right_arithmetic3A_1368 = arith.shrsi %add3A_1365, %shift_right_arithmetic3A_1367 : vector<16xi32>
    %and3A_1369 = arith.constant 7 : i32
    %and3A_1370 = vector.broadcast %and3A_1369 : i32 to vector<16xi32>
    %and3A_1371 = arith.andi %add3A_1365, %and3A_1370 : vector<16xi32>
    %gather3A_1372 = arith.constant 1 : i32
    %gather3A_1373 = arith.constant 0 : i32
    %gather3A_1374 = arith.constant 0 : i32
    %gather3A_1375 = arith.constant 0 : i32
    %gather3A_1376 = tpu.memref_slice %arg9[%gather3A_1372, %gather3A_1373, %gather3A_1374, %gather3A_1375] : memref<8x4x8x128xf32, #tpu.memory_space<vmem>> -> memref<1x4x8x128xf32, #tpu.memory_space<vmem>>
    %gather3A_1377 = tpu.memref_squeeze %gather3A_1376 : memref<1x4x8x128xf32, #tpu.memory_space<vmem>> -> memref<4x8x128xf32, #tpu.memory_space<vmem>>
    %gather3A_1378 = tpu.vector_load_idx %gather3A_1377[%shift_right_arithmetic3A_1368, %and3A_1371, %broadcast_in_dim3A_1362] : memref<4x8x128xf32, #tpu.memory_space<vmem>>[vector<16xi32>, vector<16xi32>, vector<16xi32>], vector<16xf32>,
    %add3A_1379 = arith.constant 15904 : i32
    %add3A_1380 = vector.broadcast %add3A_1379 : i32 to vector<16xi32>
    %add3A_1381 = arith.addi %add3A_1380, %add3A_1365 : vector<16xi32>
    tpu.vector_store_idx %arg10[%add3A_1381], %gather3A_1378 : memref<16384xf32, #tpu.memory_space<vmem>>[vector<16xi32>], vector<16xf32>,
    %add3A_1382 = arith.constant 16 : i32
    %add3A_1383 = vector.broadcast %add3A_1382 : i32 to vector<16xi32>
    %add3A_1384 = arith.addi %iota3A_1361, %add3A_1383 : vector<16xi32>
    %shift_right_arithmetic3A_1385 = arith.constant 3 : i32
    %shift_right_arithmetic3A_1386 = vector.broadcast %shift_right_arithmetic3A_1385 : i32 to vector<16xi32>
    %shift_right_arithmetic3A_1387 = arith.shrsi %add3A_1384, %shift_right_arithmetic3A_1386 : vector<16xi32>
    %and3A_1388 = arith.constant 7 : i32
    %and3A_1389 = vector.broadcast %and3A_1388 : i32 to vector<16xi32>
    %and3A_1390 = arith.andi %add3A_1384, %and3A_1389 : vector<16xi32>
    %gather3A_1391 = arith.constant 1 : i32
    %gather3A_1392 = arith.constant 0 : i32
    %gather3A_1393 = arith.constant 0 : i32
    %gather3A_1394 = arith.constant 0 : i32
    %gather3A_1395 = tpu.memref_slice %arg9[%gather3A_1391, %gather3A_1392, %gather3A_1393, %gather3A_1394] : memref<8x4x8x128xf32, #tpu.memory_space<vmem>> -> memref<1x4x8x128xf32, #tpu.memory_space<vmem>>
    %gather3A_1396 = tpu.memref_squeeze %gather3A_1395 : memref<1x4x8x128xf32, #tpu.memory_space<vmem>> -> memref<4x8x128xf32, #tpu.memory_space<vmem>>
    %gather3A_1397 = tpu.vector_load_idx %gather3A_1396[%shift_right_arithmetic3A_1387, %and3A_1390, %broadcast_in_dim3A_1362] : memref<4x8x128xf32, #tpu.memory_space<vmem>>[vector<16xi32>, vector<16xi32>, vector<16xi32>], vector<16xf32>,
    %add3A_1398 = arith.constant 15904 : i32
    %add3A_1399 = vector.broadcast %add3A_1398 : i32 to vector<16xi32>
    %add3A_1400 = arith.addi %add3A_1399, %add3A_1384 : vector<16xi32>
    tpu.vector_store_idx %arg10[%add3A_1400], %gather3A_1397 : memref<16384xf32, #tpu.memory_space<vmem>>[vector<16xi32>], vector<16xf32>,
    %and3A_1401 = arith.constant 127 : i32
    %and3A_1402 = arith.andi %squeeze3A_1306, %and3A_1401 : i32
    %iota3A_1403 = tpu.iota {dimensions = array<i32: 0>} : vector<16xi32>
    %broadcast_in_dim3A_1404 = vector.broadcast %and3A_1402 : i32 to vector<16xi32>
    %add3A_1405 = arith.constant 0 : i32
    %add3A_1406 = vector.broadcast %add3A_1405 : i32 to vector<16xi32>
    %add3A_1407 = arith.addi %iota3A_1403, %add3A_1406 : vector<16xi32>
    %shift_right_arithmetic3A_1408 = arith.constant 3 : i32
    %shift_right_arithmetic3A_1409 = vector.broadcast %shift_right_arithmetic3A_1408 : i32 to vector<16xi32>
    %shift_right_arithmetic3A_1410 = arith.shrsi %add3A_1407, %shift_right_arithmetic3A_1409 : vector<16xi32>
    %and3A_1411 = arith.constant 7 : i32
    %and3A_1412 = vector.broadcast %and3A_1411 : i32 to vector<16xi32>
    %and3A_1413 = arith.andi %add3A_1407, %and3A_1412 : vector<16xi32>
    %gather3A_1414 = arith.constant 2 : i32
    %gather3A_1415 = arith.constant 0 : i32
    %gather3A_1416 = arith.constant 0 : i32
    %gather3A_1417 = arith.constant 0 : i32
    %gather3A_1418 = tpu.memref_slice %arg9[%gather3A_1414, %gather3A_1415, %gather3A_1416, %gather3A_1417] : memref<8x4x8x128xf32, #tpu.memory_space<vmem>> -> memref<1x4x8x128xf32, #tpu.memory_space<vmem>>
    %gather3A_1419 = tpu.memref_squeeze %gather3A_1418 : memref<1x4x8x128xf32, #tpu.memory_space<vmem>> -> memref<4x8x128xf32, #tpu.memory_space<vmem>>
    %gather3A_1420 = tpu.vector_load_idx %gather3A_1419[%shift_right_arithmetic3A_1410, %and3A_1413, %broadcast_in_dim3A_1404] : memref<4x8x128xf32, #tpu.memory_space<vmem>>[vector<16xi32>, vector<16xi32>, vector<16xi32>], vector<16xf32>,
    %add3A_1421 = arith.constant 15936 : i32
    %add3A_1422 = vector.broadcast %add3A_1421 : i32 to vector<16xi32>
    %add3A_1423 = arith.addi %add3A_1422, %add3A_1407 : vector<16xi32>
    tpu.vector_store_idx %arg10[%add3A_1423], %gather3A_1420 : memref<16384xf32, #tpu.memory_space<vmem>>[vector<16xi32>], vector<16xf32>,
    %add3A_1424 = arith.constant 16 : i32
    %add3A_1425 = vector.broadcast %add3A_1424 : i32 to vector<16xi32>
    %add3A_1426 = arith.addi %iota3A_1403, %add3A_1425 : vector<16xi32>
    %shift_right_arithmetic3A_1427 = arith.constant 3 : i32
    %shift_right_arithmetic3A_1428 = vector.broadcast %shift_right_arithmetic3A_1427 : i32 to vector<16xi32>
    %shift_right_arithmetic3A_1429 = arith.shrsi %add3A_1426, %shift_right_arithmetic3A_1428 : vector<16xi32>
    %and3A_1430 = arith.constant 7 : i32
    %and3A_1431 = vector.broadcast %and3A_1430 : i32 to vector<16xi32>
    %and3A_1432 = arith.andi %add3A_1426, %and3A_1431 : vector<16xi32>
    %gather3A_1433 = arith.constant 2 : i32
    %gather3A_1434 = arith.constant 0 : i32
    %gather3A_1435 = arith.constant 0 : i32
    %gather3A_1436 = arith.constant 0 : i32
    %gather3A_1437 = tpu.memref_slice %arg9[%gather3A_1433, %gather3A_1434, %gather3A_1435, %gather3A_1436] : memref<8x4x8x128xf32, #tpu.memory_space<vmem>> -> memref<1x4x8x128xf32, #tpu.memory_space<vmem>>
    %gather3A_1438 = tpu.memref_squeeze %gather3A_1437 : memref<1x4x8x128xf32, #tpu.memory_space<vmem>> -> memref<4x8x128xf32, #tpu.memory_space<vmem>>
    %gather3A_1439 = tpu.vector_load_idx %gather3A_1438[%shift_right_arithmetic3A_1429, %and3A_1432, %broadcast_in_dim3A_1404] : memref<4x8x128xf32, #tpu.memory_space<vmem>>[vector<16xi32>, vector<16xi32>, vector<16xi32>], vector<16xf32>,
    %add3A_1440 = arith.constant 15936 : i32
    %add3A_1441 = vector.broadcast %add3A_1440 : i32 to vector<16xi32>
    %add3A_1442 = arith.addi %add3A_1441, %add3A_1426 : vector<16xi32>
    tpu.vector_store_idx %arg10[%add3A_1442], %gather3A_1439 : memref<16384xf32, #tpu.memory_space<vmem>>[vector<16xi32>], vector<16xf32>,
    %and3A_1443 = arith.constant 127 : i32
    %and3A_1444 = arith.andi %squeeze3A_1308, %and3A_1443 : i32
    %iota3A_1445 = tpu.iota {dimensions = array<i32: 0>} : vector<16xi32>
    %broadcast_in_dim3A_1446 = vector.broadcast %and3A_1444 : i32 to vector<16xi32>
    %add3A_1447 = arith.constant 0 : i32
    %add3A_1448 = vector.broadcast %add3A_1447 : i32 to vector<16xi32>
    %add3A_1449 = arith.addi %iota3A_1445, %add3A_1448 : vector<16xi32>
    %shift_right_arithmetic3A_1450 = arith.constant 3 : i32
    %shift_right_arithmetic3A_1451 = vector.broadcast %shift_right_arithmetic3A_1450 : i32 to vector<16xi32>
    %shift_right_arithmetic3A_1452 = arith.shrsi %add3A_1449, %shift_right_arithmetic3A_1451 : vector<16xi32>
    %and3A_1453 = arith.constant 7 : i32
    %and3A_1454 = vector.broadcast %and3A_1453 : i32 to vector<16xi32>
    %and3A_1455 = arith.andi %add3A_1449, %and3A_1454 : vector<16xi32>
    %gather3A_1456 = arith.constant 3 : i32
    %gather3A_1457 = arith.constant 0 : i32
    %gather3A_1458 = arith.constant 0 : i32
    %gather3A_1459 = arith.constant 0 : i32
    %gather3A_1460 = tpu.memref_slice %arg9[%gather3A_1456, %gather3A_1457, %gather3A_1458, %gather3A_1459] : memref<8x4x8x128xf32, #tpu.memory_space<vmem>> -> memref<1x4x8x128xf32, #tpu.memory_space<vmem>>
    %gather3A_1461 = tpu.memref_squeeze %gather3A_1460 : memref<1x4x8x128xf32, #tpu.memory_space<vmem>> -> memref<4x8x128xf32, #tpu.memory_space<vmem>>
    %gather3A_1462 = tpu.vector_load_idx %gather3A_1461[%shift_right_arithmetic3A_1452, %and3A_1455, %broadcast_in_dim3A_1446] : memref<4x8x128xf32, #tpu.memory_space<vmem>>[vector<16xi32>, vector<16xi32>, vector<16xi32>], vector<16xf32>,
    %add3A_1463 = arith.constant 15968 : i32
    %add3A_1464 = vector.broadcast %add3A_1463 : i32 to vector<16xi32>
    %add3A_1465 = arith.addi %add3A_1464, %add3A_1449 : vector<16xi32>
    tpu.vector_store_idx %arg10[%add3A_1465], %gather3A_1462 : memref<16384xf32, #tpu.memory_space<vmem>>[vector<16xi32>], vector<16xf32>,
    %add3A_1466 = arith.constant 16 : i32
    %add3A_1467 = vector.broadcast %add3A_1466 : i32 to vector<16xi32>
    %add3A_1468 = arith.addi %iota3A_1445, %add3A_1467 : vector<16xi32>
    %shift_right_arithmetic3A_1469 = arith.constant 3 : i32
    %shift_right_arithmetic3A_1470 = vector.broadcast %shift_right_arithmetic3A_1469 : i32 to vector<16xi32>
    %shift_right_arithmetic3A_1471 = arith.shrsi %add3A_1468, %shift_right_arithmetic3A_1470 : vector<16xi32>
    %and3A_1472 = arith.constant 7 : i32
    %and3A_1473 = vector.broadcast %and3A_1472 : i32 to vector<16xi32>
    %and3A_1474 = arith.andi %add3A_1468, %and3A_1473 : vector<16xi32>
    %gather3A_1475 = arith.constant 3 : i32
    %gather3A_1476 = arith.constant 0 : i32
    %gather3A_1477 = arith.constant 0 : i32
    %gather3A_1478 = arith.constant 0 : i32
    %gather3A_1479 = tpu.memref_slice %arg9[%gather3A_1475, %gather3A_1476, %gather3A_1477, %gather3A_1478] : memref<8x4x8x128xf32, #tpu.memory_space<vmem>> -> memref<1x4x8x128xf32, #tpu.memory_space<vmem>>
    %gather3A_1480 = tpu.memref_squeeze %gather3A_1479 : memref<1x4x8x128xf32, #tpu.memory_space<vmem>> -> memref<4x8x128xf32, #tpu.memory_space<vmem>>
    %gather3A_1481 = tpu.vector_load_idx %gather3A_1480[%shift_right_arithmetic3A_1471, %and3A_1474, %broadcast_in_dim3A_1446] : memref<4x8x128xf32, #tpu.memory_space<vmem>>[vector<16xi32>, vector<16xi32>, vector<16xi32>], vector<16xf32>,
    %add3A_1482 = arith.constant 15968 : i32
    %add3A_1483 = vector.broadcast %add3A_1482 : i32 to vector<16xi32>
    %add3A_1484 = arith.addi %add3A_1483, %add3A_1468 : vector<16xi32>
    tpu.vector_store_idx %arg10[%add3A_1484], %gather3A_1481 : memref<16384xf32, #tpu.memory_space<vmem>>[vector<16xi32>], vector<16xf32>,
    %and3A_1485 = arith.constant 127 : i32
    %and3A_1486 = arith.andi %squeeze3A_1310, %and3A_1485 : i32
    %iota3A_1487 = tpu.iota {dimensions = array<i32: 0>} : vector<16xi32>
    %broadcast_in_dim3A_1488 = vector.broadcast %and3A_1486 : i32 to vector<16xi32>
    %add3A_1489 = arith.constant 0 : i32
    %add3A_1490 = vector.broadcast %add3A_1489 : i32 to vector<16xi32>
    %add3A_1491 = arith.addi %iota3A_1487, %add3A_1490 : vector<16xi32>
    %shift_right_arithmetic3A_1492 = arith.constant 3 : i32
    %shift_right_arithmetic3A_1493 = vector.broadcast %shift_right_arithmetic3A_1492 : i32 to vector<16xi32>
    %shift_right_arithmetic3A_1494 = arith.shrsi %add3A_1491, %shift_right_arithmetic3A_1493 : vector<16xi32>
    %and3A_1495 = arith.constant 7 : i32
    %and3A_1496 = vector.broadcast %and3A_1495 : i32 to vector<16xi32>
    %and3A_1497 = arith.andi %add3A_1491, %and3A_1496 : vector<16xi32>
    %gather3A_1498 = arith.constant 4 : i32
    %gather3A_1499 = arith.constant 0 : i32
    %gather3A_1500 = arith.constant 0 : i32
    %gather3A_1501 = arith.constant 0 : i32
    %gather3A_1502 = tpu.memref_slice %arg9[%gather3A_1498, %gather3A_1499, %gather3A_1500, %gather3A_1501] : memref<8x4x8x128xf32, #tpu.memory_space<vmem>> -> memref<1x4x8x128xf32, #tpu.memory_space<vmem>>
    %gather3A_1503 = tpu.memref_squeeze %gather3A_1502 : memref<1x4x8x128xf32, #tpu.memory_space<vmem>> -> memref<4x8x128xf32, #tpu.memory_space<vmem>>
    %gather3A_1504 = tpu.vector_load_idx %gather3A_1503[%shift_right_arithmetic3A_1494, %and3A_1497, %broadcast_in_dim3A_1488] : memref<4x8x128xf32, #tpu.memory_space<vmem>>[vector<16xi32>, vector<16xi32>, vector<16xi32>], vector<16xf32>,
    %add3A_1505 = arith.constant 16000 : i32
    %add3A_1506 = vector.broadcast %add3A_1505 : i32 to vector<16xi32>
    %add3A_1507 = arith.addi %add3A_1506, %add3A_1491 : vector<16xi32>
    tpu.vector_store_idx %arg10[%add3A_1507], %gather3A_1504 : memref<16384xf32, #tpu.memory_space<vmem>>[vector<16xi32>], vector<16xf32>,
    %add3A_1508 = arith.constant 16 : i32
    %add3A_1509 = vector.broadcast %add3A_1508 : i32 to vector<16xi32>
    %add3A_1510 = arith.addi %iota3A_1487, %add3A_1509 : vector<16xi32>
    %shift_right_arithmetic3A_1511 = arith.constant 3 : i32
    %shift_right_arithmetic3A_1512 = vector.broadcast %shift_right_arithmetic3A_1511 : i32 to vector<16xi32>
    %shift_right_arithmetic3A_1513 = arith.shrsi %add3A_1510, %shift_right_arithmetic3A_1512 : vector<16xi32>
    %and3A_1514 = arith.constant 7 : i32
    %and3A_1515 = vector.broadcast %and3A_1514 : i32 to vector<16xi32>
    %and3A_1516 = arith.andi %add3A_1510, %and3A_1515 : vector<16xi32>
    %gather3A_1517 = arith.constant 4 : i32
    %gather3A_1518 = arith.constant 0 : i32
    %gather3A_1519 = arith.constant 0 : i32
    %gather3A_1520 = arith.constant 0 : i32
    %gather3A_1521 = tpu.memref_slice %arg9[%gather3A_1517, %gather3A_1518, %gather3A_1519, %gather3A_1520] : memref<8x4x8x128xf32, #tpu.memory_space<vmem>> -> memref<1x4x8x128xf32, #tpu.memory_space<vmem>>
    %gather3A_1522 = tpu.memref_squeeze %gather3A_1521 : memref<1x4x8x128xf32, #tpu.memory_space<vmem>> -> memref<4x8x128xf32, #tpu.memory_space<vmem>>
    %gather3A_1523 = tpu.vector_load_idx %gather3A_1522[%shift_right_arithmetic3A_1513, %and3A_1516, %broadcast_in_dim3A_1488] : memref<4x8x128xf32, #tpu.memory_space<vmem>>[vector<16xi32>, vector<16xi32>, vector<16xi32>], vector<16xf32>,
    %add3A_1524 = arith.constant 16000 : i32
    %add3A_1525 = vector.broadcast %add3A_1524 : i32 to vector<16xi32>
    %add3A_1526 = arith.addi %add3A_1525, %add3A_1510 : vector<16xi32>
    tpu.vector_store_idx %arg10[%add3A_1526], %gather3A_1523 : memref<16384xf32, #tpu.memory_space<vmem>>[vector<16xi32>], vector<16xf32>,
    %and3A_1527 = arith.constant 127 : i32
    %and3A_1528 = arith.andi %squeeze3A_1312, %and3A_1527 : i32
    %iota3A_1529 = tpu.iota {dimensions = array<i32: 0>} : vector<16xi32>
    %broadcast_in_dim3A_1530 = vector.broadcast %and3A_1528 : i32 to vector<16xi32>
    %add3A_1531 = arith.constant 0 : i32
    %add3A_1532 = vector.broadcast %add3A_1531 : i32 to vector<16xi32>
    %add3A_1533 = arith.addi %iota3A_1529, %add3A_1532 : vector<16xi32>
    %shift_right_arithmetic3A_1534 = arith.constant 3 : i32
    %shift_right_arithmetic3A_1535 = vector.broadcast %shift_right_arithmetic3A_1534 : i32 to vector<16xi32>
    %shift_right_arithmetic3A_1536 = arith.shrsi %add3A_1533, %shift_right_arithmetic3A_1535 : vector<16xi32>
    %and3A_1537 = arith.constant 7 : i32
    %and3A_1538 = vector.broadcast %and3A_1537 : i32 to vector<16xi32>
    %and3A_1539 = arith.andi %add3A_1533, %and3A_1538 : vector<16xi32>
    %gather3A_1540 = arith.constant 5 : i32
    %gather3A_1541 = arith.constant 0 : i32
    %gather3A_1542 = arith.constant 0 : i32
    %gather3A_1543 = arith.constant 0 : i32
    %gather3A_1544 = tpu.memref_slice %arg9[%gather3A_1540, %gather3A_1541, %gather3A_1542, %gather3A_1543] : memref<8x4x8x128xf32, #tpu.memory_space<vmem>> -> memref<1x4x8x128xf32, #tpu.memory_space<vmem>>
    %gather3A_1545 = tpu.memref_squeeze %gather3A_1544 : memref<1x4x8x128xf32, #tpu.memory_space<vmem>> -> memref<4x8x128xf32, #tpu.memory_space<vmem>>
    %gather3A_1546 = tpu.vector_load_idx %gather3A_1545[%shift_right_arithmetic3A_1536, %and3A_1539, %broadcast_in_dim3A_1530] : memref<4x8x128xf32, #tpu.memory_space<vmem>>[vector<16xi32>, vector<16xi32>, vector<16xi32>], vector<16xf32>,
    %add3A_1547 = arith.constant 16032 : i32
    %add3A_1548 = vector.broadcast %add3A_1547 : i32 to vector<16xi32>
    %add3A_1549 = arith.addi %add3A_1548, %add3A_1533 : vector<16xi32>
    tpu.vector_store_idx %arg10[%add3A_1549], %gather3A_1546 : memref<16384xf32, #tpu.memory_space<vmem>>[vector<16xi32>], vector<16xf32>,
    %add3A_1550 = arith.constant 16 : i32
    %add3A_1551 = vector.broadcast %add3A_1550 : i32 to vector<16xi32>
    %add3A_1552 = arith.addi %iota3A_1529, %add3A_1551 : vector<16xi32>
    %shift_right_arithmetic3A_1553 = arith.constant 3 : i32
    %shift_right_arithmetic3A_1554 = vector.broadcast %shift_right_arithmetic3A_1553 : i32 to vector<16xi32>
    %shift_right_arithmetic3A_1555 = arith.shrsi %add3A_1552, %shift_right_arithmetic3A_1554 : vector<16xi32>
    %and3A_1556 = arith.constant 7 : i32
    %and3A_1557 = vector.broadcast %and3A_1556 : i32 to vector<16xi32>
    %and3A_1558 = arith.andi %add3A_1552, %and3A_1557 : vector<16xi32>
    %gather3A_1559 = arith.constant 5 : i32
    %gather3A_1560 = arith.constant 0 : i32
    %gather3A_1561 = arith.constant 0 : i32
    %gather3A_1562 = arith.constant 0 : i32
    %gather3A_1563 = tpu.memref_slice %arg9[%gather3A_1559, %gather3A_1560, %gather3A_1561, %gather3A_1562] : memref<8x4x8x128xf32, #tpu.memory_space<vmem>> -> memref<1x4x8x128xf32, #tpu.memory_space<vmem>>
    %gather3A_1564 = tpu.memref_squeeze %gather3A_1563 : memref<1x4x8x128xf32, #tpu.memory_space<vmem>> -> memref<4x8x128xf32, #tpu.memory_space<vmem>>
    %gather3A_1565 = tpu.vector_load_idx %gather3A_1564[%shift_right_arithmetic3A_1555, %and3A_1558, %broadcast_in_dim3A_1530] : memref<4x8x128xf32, #tpu.memory_space<vmem>>[vector<16xi32>, vector<16xi32>, vector<16xi32>], vector<16xf32>,
    %add3A_1566 = arith.constant 16032 : i32
    %add3A_1567 = vector.broadcast %add3A_1566 : i32 to vector<16xi32>
    %add3A_1568 = arith.addi %add3A_1567, %add3A_1552 : vector<16xi32>
    tpu.vector_store_idx %arg10[%add3A_1568], %gather3A_1565 : memref<16384xf32, #tpu.memory_space<vmem>>[vector<16xi32>], vector<16xf32>,
    %and3A_1569 = arith.constant 127 : i32
    %and3A_1570 = arith.andi %squeeze3A_1314, %and3A_1569 : i32
    %iota3A_1571 = tpu.iota {dimensions = array<i32: 0>} : vector<16xi32>
    %broadcast_in_dim3A_1572 = vector.broadcast %and3A_1570 : i32 to vector<16xi32>
    %add3A_1573 = arith.constant 0 : i32
    %add3A_1574 = vector.broadcast %add3A_1573 : i32 to vector<16xi32>
    %add3A_1575 = arith.addi %iota3A_1571, %add3A_1574 : vector<16xi32>
    %shift_right_arithmetic3A_1576 = arith.constant 3 : i32
    %shift_right_arithmetic3A_1577 = vector.broadcast %shift_right_arithmetic3A_1576 : i32 to vector<16xi32>
    %shift_right_arithmetic3A_1578 = arith.shrsi %add3A_1575, %shift_right_arithmetic3A_1577 : vector<16xi32>
    %and3A_1579 = arith.constant 7 : i32
    %and3A_1580 = vector.broadcast %and3A_1579 : i32 to vector<16xi32>
    %and3A_1581 = arith.andi %add3A_1575, %and3A_1580 : vector<16xi32>
    %gather3A_1582 = arith.constant 6 : i32
    %gather3A_1583 = arith.constant 0 : i32
    %gather3A_1584 = arith.constant 0 : i32
    %gather3A_1585 = arith.constant 0 : i32
    %gather3A_1586 = tpu.memref_slice %arg9[%gather3A_1582, %gather3A_1583, %gather3A_1584, %gather3A_1585] : memref<8x4x8x128xf32, #tpu.memory_space<vmem>> -> memref<1x4x8x128xf32, #tpu.memory_space<vmem>>
    %gather3A_1587 = tpu.memref_squeeze %gather3A_1586 : memref<1x4x8x128xf32, #tpu.memory_space<vmem>> -> memref<4x8x128xf32, #tpu.memory_space<vmem>>
    %gather3A_1588 = tpu.vector_load_idx %gather3A_1587[%shift_right_arithmetic3A_1578, %and3A_1581, %broadcast_in_dim3A_1572] : memref<4x8x128xf32, #tpu.memory_space<vmem>>[vector<16xi32>, vector<16xi32>, vector<16xi32>], vector<16xf32>,
    %add3A_1589 = arith.constant 16064 : i32
    %add3A_1590 = vector.broadcast %add3A_1589 : i32 to vector<16xi32>
    %add3A_1591 = arith.addi %add3A_1590, %add3A_1575 : vector<16xi32>
    tpu.vector_store_idx %arg10[%add3A_1591], %gather3A_1588 : memref<16384xf32, #tpu.memory_space<vmem>>[vector<16xi32>], vector<16xf32>,
    %add3A_1592 = arith.constant 16 : i32
    %add3A_1593 = vector.broadcast %add3A_1592 : i32 to vector<16xi32>
    %add3A_1594 = arith.addi %iota3A_1571, %add3A_1593 : vector<16xi32>
    %shift_right_arithmetic3A_1595 = arith.constant 3 : i32
    %shift_right_arithmetic3A_1596 = vector.broadcast %shift_right_arithmetic3A_1595 : i32 to vector<16xi32>
    %shift_right_arithmetic3A_1597 = arith.shrsi %add3A_1594, %shift_right_arithmetic3A_1596 : vector<16xi32>
    %and3A_1598 = arith.constant 7 : i32
    %and3A_1599 = vector.broadcast %and3A_1598 : i32 to vector<16xi32>
    %and3A_1600 = arith.andi %add3A_1594, %and3A_1599 : vector<16xi32>
    %gather3A_1601 = arith.constant 6 : i32
    %gather3A_1602 = arith.constant 0 : i32
    %gather3A_1603 = arith.constant 0 : i32
    %gather3A_1604 = arith.constant 0 : i32
    %gather3A_1605 = tpu.memref_slice %arg9[%gather3A_1601, %gather3A_1602, %gather3A_1603, %gather3A_1604] : memref<8x4x8x128xf32, #tpu.memory_space<vmem>> -> memref<1x4x8x128xf32, #tpu.memory_space<vmem>>
    %gather3A_1606 = tpu.memref_squeeze %gather3A_1605 : memref<1x4x8x128xf32, #tpu.memory_space<vmem>> -> memref<4x8x128xf32, #tpu.memory_space<vmem>>
    %gather3A_1607 = tpu.vector_load_idx %gather3A_1606[%shift_right_arithmetic3A_1597, %and3A_1600, %broadcast_in_dim3A_1572] : memref<4x8x128xf32, #tpu.memory_space<vmem>>[vector<16xi32>, vector<16xi32>, vector<16xi32>], vector<16xf32>,
    %add3A_1608 = arith.constant 16064 : i32
    %add3A_1609 = vector.broadcast %add3A_1608 : i32 to vector<16xi32>
    %add3A_1610 = arith.addi %add3A_1609, %add3A_1594 : vector<16xi32>
    tpu.vector_store_idx %arg10[%add3A_1610], %gather3A_1607 : memref<16384xf32, #tpu.memory_space<vmem>>[vector<16xi32>], vector<16xf32>,
    %and3A_1611 = arith.constant 127 : i32
    %and3A_1612 = arith.andi %squeeze3A_1316, %and3A_1611 : i32
    %iota3A_1613 = tpu.iota {dimensions = array<i32: 0>} : vector<16xi32>
    %broadcast_in_dim3A_1614 = vector.broadcast %and3A_1612 : i32 to vector<16xi32>
    %add3A_1615 = arith.constant 0 : i32
    %add3A_1616 = vector.broadcast %add3A_1615 : i32 to vector<16xi32>
    %add3A_1617 = arith.addi %iota3A_1613, %add3A_1616 : vector<16xi32>
    %shift_right_arithmetic3A_1618 = arith.constant 3 : i32
    %shift_right_arithmetic3A_1619 = vector.broadcast %shift_right_arithmetic3A_1618 : i32 to vector<16xi32>
    %shift_right_arithmetic3A_1620 = arith.shrsi %add3A_1617, %shift_right_arithmetic3A_1619 : vector<16xi32>
    %and3A_1621 = arith.constant 7 : i32
    %and3A_1622 = vector.broadcast %and3A_1621 : i32 to vector<16xi32>
    %and3A_1623 = arith.andi %add3A_1617, %and3A_1622 : vector<16xi32>
    %gather3A_1624 = arith.constant 7 : i32
    %gather3A_1625 = arith.constant 0 : i32
    %gather3A_1626 = arith.constant 0 : i32
    %gather3A_1627 = arith.constant 0 : i32
    %gather3A_1628 = tpu.memref_slice %arg9[%gather3A_1624, %gather3A_1625, %gather3A_1626, %gather3A_1627] : memref<8x4x8x128xf32, #tpu.memory_space<vmem>> -> memref<1x4x8x128xf32, #tpu.memory_space<vmem>>
    %gather3A_1629 = tpu.memref_squeeze %gather3A_1628 : memref<1x4x8x128xf32, #tpu.memory_space<vmem>> -> memref<4x8x128xf32, #tpu.memory_space<vmem>>
    %gather3A_1630 = tpu.vector_load_idx %gather3A_1629[%shift_right_arithmetic3A_1620, %and3A_1623, %broadcast_in_dim3A_1614] : memref<4x8x128xf32, #tpu.memory_space<vmem>>[vector<16xi32>, vector<16xi32>, vector<16xi32>], vector<16xf32>,
    %add3A_1631 = arith.constant 16096 : i32
    %add3A_1632 = vector.broadcast %add3A_1631 : i32 to vector<16xi32>
    %add3A_1633 = arith.addi %add3A_1632, %add3A_1617 : vector<16xi32>
    tpu.vector_store_idx %arg10[%add3A_1633], %gather3A_1630 : memref<16384xf32, #tpu.memory_space<vmem>>[vector<16xi32>], vector<16xf32>,
    %add3A_1634 = arith.constant 16 : i32
    %add3A_1635 = vector.broadcast %add3A_1634 : i32 to vector<16xi32>
    %add3A_1636 = arith.addi %iota3A_1613, %add3A_1635 : vector<16xi32>
    %shift_right_arithmetic3A_1637 = arith.constant 3 : i32
    %shift_right_arithmetic3A_1638 = vector.broadcast %shift_right_arithmetic3A_1637 : i32 to vector<16xi32>
    %shift_right_arithmetic3A_1639 = arith.shrsi %add3A_1636, %shift_right_arithmetic3A_1638 : vector<16xi32>
    %and3A_1640 = arith.constant 7 : i32
    %and3A_1641 = vector.broadcast %and3A_1640 : i32 to vector<16xi32>
    %and3A_1642 = arith.andi %add3A_1636, %and3A_1641 : vector<16xi32>
    %gather3A_1643 = arith.constant 7 : i32
    %gather3A_1644 = arith.constant 0 : i32
    %gather3A_1645 = arith.constant 0 : i32
    %gather3A_1646 = arith.constant 0 : i32
    %gather3A_1647 = tpu.memref_slice %arg9[%gather3A_1643, %gather3A_1644, %gather3A_1645, %gather3A_1646] : memref<8x4x8x128xf32, #tpu.memory_space<vmem>> -> memref<1x4x8x128xf32, #tpu.memory_space<vmem>>
    %gather3A_1648 = tpu.memref_squeeze %gather3A_1647 : memref<1x4x8x128xf32, #tpu.memory_space<vmem>> -> memref<4x8x128xf32, #tpu.memory_space<vmem>>
    %gather3A_1649 = tpu.vector_load_idx %gather3A_1648[%shift_right_arithmetic3A_1639, %and3A_1642, %broadcast_in_dim3A_1614] : memref<4x8x128xf32, #tpu.memory_space<vmem>>[vector<16xi32>, vector<16xi32>, vector<16xi32>], vector<16xf32>,
    %add3A_1650 = arith.constant 16096 : i32
    %add3A_1651 = vector.broadcast %add3A_1650 : i32 to vector<16xi32>
    %add3A_1652 = arith.addi %add3A_1651, %add3A_1636 : vector<16xi32>
    tpu.vector_store_idx %arg10[%add3A_1652], %gather3A_1649 : memref<16384xf32, #tpu.memory_space<vmem>>[vector<16xi32>], vector<16xf32>,
    %multiple_of3A_1653 = arith.constant 504 : i32
    %multiple_of3A_1654 = tpu.assume_multiple %multiple_of3A_1653, 8 : i32
    %get3A_1655 = arith.index_cast %multiple_of3A_1654 : i32 to index
    %get3A_1656 = tpu.vector_load %arg6[%get3A_1655] {strides = array<i32>} : memref<528xi32, #tpu.memory_space<vmem>>, vector<16xi32>,
    %slice3A_1657 = vector.extract_strided_slice %get3A_1656 {offsets = [0], sizes = [1], strides = [1]} : vector<16xi32> to vector<1xi32>
    %squeeze3A_1658 = vector.extract %slice3A_1657[0] : i32 from vector<1xi32>
    %slice3A_1659 = vector.extract_strided_slice %get3A_1656 {offsets = [1], sizes = [1], strides = [1]} : vector<16xi32> to vector<1xi32>
    %squeeze3A_1660 = vector.extract %slice3A_1659[0] : i32 from vector<1xi32>
    %slice3A_1661 = vector.extract_strided_slice %get3A_1656 {offsets = [2], sizes = [1], strides = [1]} : vector<16xi32> to vector<1xi32>
    %squeeze3A_1662 = vector.extract %slice3A_1661[0] : i32 from vector<1xi32>
    %slice3A_1663 = vector.extract_strided_slice %get3A_1656 {offsets = [3], sizes = [1], strides = [1]} : vector<16xi32> to vector<1xi32>
    %squeeze3A_1664 = vector.extract %slice3A_1663[0] : i32 from vector<1xi32>
    %slice3A_1665 = vector.extract_strided_slice %get3A_1656 {offsets = [4], sizes = [1], strides = [1]} : vector<16xi32> to vector<1xi32>
    %squeeze3A_1666 = vector.extract %slice3A_1665[0] : i32 from vector<1xi32>
    %slice3A_1667 = vector.extract_strided_slice %get3A_1656 {offsets = [5], sizes = [1], strides = [1]} : vector<16xi32> to vector<1xi32>
    %squeeze3A_1668 = vector.extract %slice3A_1667[0] : i32 from vector<1xi32>
    %slice3A_1669 = vector.extract_strided_slice %get3A_1656 {offsets = [6], sizes = [1], strides = [1]} : vector<16xi32> to vector<1xi32>
    %squeeze3A_1670 = vector.extract %slice3A_1669[0] : i32 from vector<1xi32>
    %slice3A_1671 = vector.extract_strided_slice %get3A_1656 {offsets = [7], sizes = [1], strides = [1]} : vector<16xi32> to vector<1xi32>
    %squeeze3A_1672 = vector.extract %slice3A_1671[0] : i32 from vector<1xi32>
    %shift_right_arithmetic3A_1673 = arith.constant 7 : i32
    %shift_right_arithmetic3A_1674 = arith.shrsi %squeeze3A_1658, %shift_right_arithmetic3A_1673 : i32
    %shift_left3A_1675 = arith.constant 7 : i32
    %shift_left3A_1676 = arith.shli %shift_right_arithmetic3A_1674, %shift_left3A_1675 : i32
    %multiple_of3A_1677 = tpu.assume_multiple %shift_left3A_1676, 128 : i32
    %dma_start3A_1678 = arith.constant 0 : i32
    %dma_start3A_1679 = arith.constant 0 : i32
    %dma_start3A_1680 = arith.constant 0 : i32
    %dma_start3A_1681 = arith.constant 0 : i32
    %dma_start3A_1682 = tpu.memref_slice %arg7[%dma_start3A_1678, %dma_start3A_1679, %dma_start3A_1680, %dma_start3A_1681] : memref<8x4x8x128xf32, #tpu.memory_space<vmem>> -> memref<1x4x8x128xf32, #tpu.memory_space<vmem>>
    %dma_start3A_1683 = tpu.memref_squeeze %dma_start3A_1682 : memref<1x4x8x128xf32, #tpu.memory_space<vmem>> -> memref<4x8x128xf32, #tpu.memory_space<vmem>>
    %dma_start3A_1684 = arith.constant 0 : i32
    %dma_start3A_1685 = arith.constant 0 : i32
    %dma_start3A_1686 = tpu.memref_slice %arg3[%dma_start3A_1684, %dma_start3A_1685, %multiple_of3A_1677] : memref<4x8x1000001xf32, #tpu.memory_space<hbm>> -> memref<4x8x128xf32, #tpu.memory_space<hbm>>
    %dma_start3A_1687 = arith.constant 0 : i32
    %dma_start3A_1688 = arith.constant 0 : i32
    %dma_start3A_1689 = arith.constant 0 : i32
    %dma_start3A_1690 = tpu.memref_slice %arg7[%dma_start3A_1678, %dma_start3A_1687, %dma_start3A_1688, %dma_start3A_1689] : memref<8x4x8x128xf32, #tpu.memory_space<vmem>> -> memref<1x4x8x128xf32, #tpu.memory_space<vmem>>
    %dma_start3A_1691 = tpu.memref_squeeze %dma_start3A_1690 : memref<1x4x8x128xf32, #tpu.memory_space<vmem>> -> memref<4x8x128xf32, #tpu.memory_space<vmem>>
    %dma_start3A_1692 = arith.constant 0 : i32
    %dma_start3A_1693 = arith.constant 0 : i32
    %dma_start3A_1694 = tpu.memref_slice %arg3[%dma_start3A_1692, %dma_start3A_1693, %multiple_of3A_1677] : memref<4x8x1000001xf32, #tpu.memory_space<hbm>> -> memref<4x8x128xf32, #tpu.memory_space<hbm>>
    tpu.enqueue_dma source(%dma_start3A_1694 : memref<4x8x128xf32, #tpu.memory_space<hbm>>) target(%dma_start3A_1691 : memref<4x8x128xf32, #tpu.memory_space<vmem>>) target_semaphore(%arg11 : memref<!tpu.dma_semaphore, #tpu.memory_space<semaphore_mem>>)
    %shift_right_arithmetic3A_1695 = arith.constant 7 : i32
    %shift_right_arithmetic3A_1696 = arith.shrsi %squeeze3A_1660, %shift_right_arithmetic3A_1695 : i32
    %shift_left3A_1697 = arith.constant 7 : i32
    %shift_left3A_1698 = arith.shli %shift_right_arithmetic3A_1696, %shift_left3A_1697 : i32
    %multiple_of3A_1699 = tpu.assume_multiple %shift_left3A_1698, 128 : i32
    %dma_start3A_1700 = arith.constant 1 : i32
    %dma_start3A_1701 = arith.constant 0 : i32
    %dma_start3A_1702 = arith.constant 0 : i32
    %dma_start3A_1703 = arith.constant 0 : i32
    %dma_start3A_1704 = tpu.memref_slice %arg7[%dma_start3A_1700, %dma_start3A_1701, %dma_start3A_1702, %dma_start3A_1703] : memref<8x4x8x128xf32, #tpu.memory_space<vmem>> -> memref<1x4x8x128xf32, #tpu.memory_space<vmem>>
    %dma_start3A_1705 = tpu.memref_squeeze %dma_start3A_1704 : memref<1x4x8x128xf32, #tpu.memory_space<vmem>> -> memref<4x8x128xf32, #tpu.memory_space<vmem>>
    %dma_start3A_1706 = arith.constant 0 : i32
    %dma_start3A_1707 = arith.constant 0 : i32
    %dma_start3A_1708 = tpu.memref_slice %arg3[%dma_start3A_1706, %dma_start3A_1707, %multiple_of3A_1699] : memref<4x8x1000001xf32, #tpu.memory_space<hbm>> -> memref<4x8x128xf32, #tpu.memory_space<hbm>>
    %dma_start3A_1709 = arith.constant 0 : i32
    %dma_start3A_1710 = arith.constant 0 : i32
    %dma_start3A_1711 = arith.constant 0 : i32
    %dma_start3A_1712 = tpu.memref_slice %arg7[%dma_start3A_1700, %dma_start3A_1709, %dma_start3A_1710, %dma_start3A_1711] : memref<8x4x8x128xf32, #tpu.memory_space<vmem>> -> memref<1x4x8x128xf32, #tpu.memory_space<vmem>>
    %dma_start3A_1713 = tpu.memref_squeeze %dma_start3A_1712 : memref<1x4x8x128xf32, #tpu.memory_space<vmem>> -> memref<4x8x128xf32, #tpu.memory_space<vmem>>
    %dma_start3A_1714 = arith.constant 0 : i32
    %dma_start3A_1715 = arith.constant 0 : i32
    %dma_start3A_1716 = tpu.memref_slice %arg3[%dma_start3A_1714, %dma_start3A_1715, %multiple_of3A_1699] : memref<4x8x1000001xf32, #tpu.memory_space<hbm>> -> memref<4x8x128xf32, #tpu.memory_space<hbm>>
    tpu.enqueue_dma source(%dma_start3A_1716 : memref<4x8x128xf32, #tpu.memory_space<hbm>>) target(%dma_start3A_1713 : memref<4x8x128xf32, #tpu.memory_space<vmem>>) target_semaphore(%arg11 : memref<!tpu.dma_semaphore, #tpu.memory_space<semaphore_mem>>)
    %shift_right_arithmetic3A_1717 = arith.constant 7 : i32
    %shift_right_arithmetic3A_1718 = arith.shrsi %squeeze3A_1662, %shift_right_arithmetic3A_1717 : i32
    %shift_left3A_1719 = arith.constant 7 : i32
    %shift_left3A_1720 = arith.shli %shift_right_arithmetic3A_1718, %shift_left3A_1719 : i32
    %multiple_of3A_1721 = tpu.assume_multiple %shift_left3A_1720, 128 : i32
    %dma_start3A_1722 = arith.constant 2 : i32
    %dma_start3A_1723 = arith.constant 0 : i32
    %dma_start3A_1724 = arith.constant 0 : i32
    %dma_start3A_1725 = arith.constant 0 : i32
    %dma_start3A_1726 = tpu.memref_slice %arg7[%dma_start3A_1722, %dma_start3A_1723, %dma_start3A_1724, %dma_start3A_1725] : memref<8x4x8x128xf32, #tpu.memory_space<vmem>> -> memref<1x4x8x128xf32, #tpu.memory_space<vmem>>
    %dma_start3A_1727 = tpu.memref_squeeze %dma_start3A_1726 : memref<1x4x8x128xf32, #tpu.memory_space<vmem>> -> memref<4x8x128xf32, #tpu.memory_space<vmem>>
    %dma_start3A_1728 = arith.constant 0 : i32
    %dma_start3A_1729 = arith.constant 0 : i32
    %dma_start3A_1730 = tpu.memref_slice %arg3[%dma_start3A_1728, %dma_start3A_1729, %multiple_of3A_1721] : memref<4x8x1000001xf32, #tpu.memory_space<hbm>> -> memref<4x8x128xf32, #tpu.memory_space<hbm>>
    %dma_start3A_1731 = arith.constant 0 : i32
    %dma_start3A_1732 = arith.constant 0 : i32
    %dma_start3A_1733 = arith.constant 0 : i32
    %dma_start3A_1734 = tpu.memref_slice %arg7[%dma_start3A_1722, %dma_start3A_1731, %dma_start3A_1732, %dma_start3A_1733] : memref<8x4x8x128xf32, #tpu.memory_space<vmem>> -> memref<1x4x8x128xf32, #tpu.memory_space<vmem>>
    %dma_start3A_1735 = tpu.memref_squeeze %dma_start3A_1734 : memref<1x4x8x128xf32, #tpu.memory_space<vmem>> -> memref<4x8x128xf32, #tpu.memory_space<vmem>>
    %dma_start3A_1736 = arith.constant 0 : i32
    %dma_start3A_1737 = arith.constant 0 : i32
    %dma_start3A_1738 = tpu.memref_slice %arg3[%dma_start3A_1736, %dma_start3A_1737, %multiple_of3A_1721] : memref<4x8x1000001xf32, #tpu.memory_space<hbm>> -> memref<4x8x128xf32, #tpu.memory_space<hbm>>
    tpu.enqueue_dma source(%dma_start3A_1738 : memref<4x8x128xf32, #tpu.memory_space<hbm>>) target(%dma_start3A_1735 : memref<4x8x128xf32, #tpu.memory_space<vmem>>) target_semaphore(%arg11 : memref<!tpu.dma_semaphore, #tpu.memory_space<semaphore_mem>>)
    %shift_right_arithmetic3A_1739 = arith.constant 7 : i32
    %shift_right_arithmetic3A_1740 = arith.shrsi %squeeze3A_1664, %shift_right_arithmetic3A_1739 : i32
    %shift_left3A_1741 = arith.constant 7 : i32
    %shift_left3A_1742 = arith.shli %shift_right_arithmetic3A_1740, %shift_left3A_1741 : i32
    %multiple_of3A_1743 = tpu.assume_multiple %shift_left3A_1742, 128 : i32
    %dma_start3A_1744 = arith.constant 3 : i32
    %dma_start3A_1745 = arith.constant 0 : i32
    %dma_start3A_1746 = arith.constant 0 : i32
    %dma_start3A_1747 = arith.constant 0 : i32
    %dma_start3A_1748 = tpu.memref_slice %arg7[%dma_start3A_1744, %dma_start3A_1745, %dma_start3A_1746, %dma_start3A_1747] : memref<8x4x8x128xf32, #tpu.memory_space<vmem>> -> memref<1x4x8x128xf32, #tpu.memory_space<vmem>>
    %dma_start3A_1749 = tpu.memref_squeeze %dma_start3A_1748 : memref<1x4x8x128xf32, #tpu.memory_space<vmem>> -> memref<4x8x128xf32, #tpu.memory_space<vmem>>
    %dma_start3A_1750 = arith.constant 0 : i32
    %dma_start3A_1751 = arith.constant 0 : i32
    %dma_start3A_1752 = tpu.memref_slice %arg3[%dma_start3A_1750, %dma_start3A_1751, %multiple_of3A_1743] : memref<4x8x1000001xf32, #tpu.memory_space<hbm>> -> memref<4x8x128xf32, #tpu.memory_space<hbm>>
    %dma_start3A_1753 = arith.constant 0 : i32
    %dma_start3A_1754 = arith.constant 0 : i32
    %dma_start3A_1755 = arith.constant 0 : i32
    %dma_start3A_1756 = tpu.memref_slice %arg7[%dma_start3A_1744, %dma_start3A_1753, %dma_start3A_1754, %dma_start3A_1755] : memref<8x4x8x128xf32, #tpu.memory_space<vmem>> -> memref<1x4x8x128xf32, #tpu.memory_space<vmem>>
    %dma_start3A_1757 = tpu.memref_squeeze %dma_start3A_1756 : memref<1x4x8x128xf32, #tpu.memory_space<vmem>> -> memref<4x8x128xf32, #tpu.memory_space<vmem>>
    %dma_start3A_1758 = arith.constant 0 : i32
    %dma_start3A_1759 = arith.constant 0 : i32
    %dma_start3A_1760 = tpu.memref_slice %arg3[%dma_start3A_1758, %dma_start3A_1759, %multiple_of3A_1743] : memref<4x8x1000001xf32, #tpu.memory_space<hbm>> -> memref<4x8x128xf32, #tpu.memory_space<hbm>>
    tpu.enqueue_dma source(%dma_start3A_1760 : memref<4x8x128xf32, #tpu.memory_space<hbm>>) target(%dma_start3A_1757 : memref<4x8x128xf32, #tpu.memory_space<vmem>>) target_semaphore(%arg11 : memref<!tpu.dma_semaphore, #tpu.memory_space<semaphore_mem>>)
    %shift_right_arithmetic3A_1761 = arith.constant 7 : i32
    %shift_right_arithmetic3A_1762 = arith.shrsi %squeeze3A_1666, %shift_right_arithmetic3A_1761 : i32
    %shift_left3A_1763 = arith.constant 7 : i32
    %shift_left3A_1764 = arith.shli %shift_right_arithmetic3A_1762, %shift_left3A_1763 : i32
    %multiple_of3A_1765 = tpu.assume_multiple %shift_left3A_1764, 128 : i32
    %dma_start3A_1766 = arith.constant 4 : i32
    %dma_start3A_1767 = arith.constant 0 : i32
    %dma_start3A_1768 = arith.constant 0 : i32
    %dma_start3A_1769 = arith.constant 0 : i32
    %dma_start3A_1770 = tpu.memref_slice %arg7[%dma_start3A_1766, %dma_start3A_1767, %dma_start3A_1768, %dma_start3A_1769] : memref<8x4x8x128xf32, #tpu.memory_space<vmem>> -> memref<1x4x8x128xf32, #tpu.memory_space<vmem>>
    %dma_start3A_1771 = tpu.memref_squeeze %dma_start3A_1770 : memref<1x4x8x128xf32, #tpu.memory_space<vmem>> -> memref<4x8x128xf32, #tpu.memory_space<vmem>>
    %dma_start3A_1772 = arith.constant 0 : i32
    %dma_start3A_1773 = arith.constant 0 : i32
    %dma_start3A_1774 = tpu.memref_slice %arg3[%dma_start3A_1772, %dma_start3A_1773, %multiple_of3A_1765] : memref<4x8x1000001xf32, #tpu.memory_space<hbm>> -> memref<4x8x128xf32, #tpu.memory_space<hbm>>
    %dma_start3A_1775 = arith.constant 0 : i32
    %dma_start3A_1776 = arith.constant 0 : i32
    %dma_start3A_1777 = arith.constant 0 : i32
    %dma_start3A_1778 = tpu.memref_slice %arg7[%dma_start3A_1766, %dma_start3A_1775, %dma_start3A_1776, %dma_start3A_1777] : memref<8x4x8x128xf32, #tpu.memory_space<vmem>> -> memref<1x4x8x128xf32, #tpu.memory_space<vmem>>
    %dma_start3A_1779 = tpu.memref_squeeze %dma_start3A_1778 : memref<1x4x8x128xf32, #tpu.memory_space<vmem>> -> memref<4x8x128xf32, #tpu.memory_space<vmem>>
    %dma_start3A_1780 = arith.constant 0 : i32
    %dma_start3A_1781 = arith.constant 0 : i32
    %dma_start3A_1782 = tpu.memref_slice %arg3[%dma_start3A_1780, %dma_start3A_1781, %multiple_of3A_1765] : memref<4x8x1000001xf32, #tpu.memory_space<hbm>> -> memref<4x8x128xf32, #tpu.memory_space<hbm>>
    tpu.enqueue_dma source(%dma_start3A_1782 : memref<4x8x128xf32, #tpu.memory_space<hbm>>) target(%dma_start3A_1779 : memref<4x8x128xf32, #tpu.memory_space<vmem>>) target_semaphore(%arg11 : memref<!tpu.dma_semaphore, #tpu.memory_space<semaphore_mem>>)
    %shift_right_arithmetic3A_1783 = arith.constant 7 : i32
    %shift_right_arithmetic3A_1784 = arith.shrsi %squeeze3A_1668, %shift_right_arithmetic3A_1783 : i32
    %shift_left3A_1785 = arith.constant 7 : i32
    %shift_left3A_1786 = arith.shli %shift_right_arithmetic3A_1784, %shift_left3A_1785 : i32
    %multiple_of3A_1787 = tpu.assume_multiple %shift_left3A_1786, 128 : i32
    %dma_start3A_1788 = arith.constant 5 : i32
    %dma_start3A_1789 = arith.constant 0 : i32
    %dma_start3A_1790 = arith.constant 0 : i32
    %dma_start3A_1791 = arith.constant 0 : i32
    %dma_start3A_1792 = tpu.memref_slice %arg7[%dma_start3A_1788, %dma_start3A_1789, %dma_start3A_1790, %dma_start3A_1791] : memref<8x4x8x128xf32, #tpu.memory_space<vmem>> -> memref<1x4x8x128xf32, #tpu.memory_space<vmem>>
    %dma_start3A_1793 = tpu.memref_squeeze %dma_start3A_1792 : memref<1x4x8x128xf32, #tpu.memory_space<vmem>> -> memref<4x8x128xf32, #tpu.memory_space<vmem>>
    %dma_start3A_1794 = arith.constant 0 : i32
    %dma_start3A_1795 = arith.constant 0 : i32
    %dma_start3A_1796 = tpu.memref_slice %arg3[%dma_start3A_1794, %dma_start3A_1795, %multiple_of3A_1787] : memref<4x8x1000001xf32, #tpu.memory_space<hbm>> -> memref<4x8x128xf32, #tpu.memory_space<hbm>>
    %dma_start3A_1797 = arith.constant 0 : i32
    %dma_start3A_1798 = arith.constant 0 : i32
    %dma_start3A_1799 = arith.constant 0 : i32
    %dma_start3A_1800 = tpu.memref_slice %arg7[%dma_start3A_1788, %dma_start3A_1797, %dma_start3A_1798, %dma_start3A_1799] : memref<8x4x8x128xf32, #tpu.memory_space<vmem>> -> memref<1x4x8x128xf32, #tpu.memory_space<vmem>>
    %dma_start3A_1801 = tpu.memref_squeeze %dma_start3A_1800 : memref<1x4x8x128xf32, #tpu.memory_space<vmem>> -> memref<4x8x128xf32, #tpu.memory_space<vmem>>
    %dma_start3A_1802 = arith.constant 0 : i32
    %dma_start3A_1803 = arith.constant 0 : i32
    %dma_start3A_1804 = tpu.memref_slice %arg3[%dma_start3A_1802, %dma_start3A_1803, %multiple_of3A_1787] : memref<4x8x1000001xf32, #tpu.memory_space<hbm>> -> memref<4x8x128xf32, #tpu.memory_space<hbm>>
    tpu.enqueue_dma source(%dma_start3A_1804 : memref<4x8x128xf32, #tpu.memory_space<hbm>>) target(%dma_start3A_1801 : memref<4x8x128xf32, #tpu.memory_space<vmem>>) target_semaphore(%arg11 : memref<!tpu.dma_semaphore, #tpu.memory_space<semaphore_mem>>)
    %shift_right_arithmetic3A_1805 = arith.constant 7 : i32
    %shift_right_arithmetic3A_1806 = arith.shrsi %squeeze3A_1670, %shift_right_arithmetic3A_1805 : i32
    %shift_left3A_1807 = arith.constant 7 : i32
    %shift_left3A_1808 = arith.shli %shift_right_arithmetic3A_1806, %shift_left3A_1807 : i32
    %multiple_of3A_1809 = tpu.assume_multiple %shift_left3A_1808, 128 : i32
    %dma_start3A_1810 = arith.constant 6 : i32
    %dma_start3A_1811 = arith.constant 0 : i32
    %dma_start3A_1812 = arith.constant 0 : i32
    %dma_start3A_1813 = arith.constant 0 : i32
    %dma_start3A_1814 = tpu.memref_slice %arg7[%dma_start3A_1810, %dma_start3A_1811, %dma_start3A_1812, %dma_start3A_1813] : memref<8x4x8x128xf32, #tpu.memory_space<vmem>> -> memref<1x4x8x128xf32, #tpu.memory_space<vmem>>
    %dma_start3A_1815 = tpu.memref_squeeze %dma_start3A_1814 : memref<1x4x8x128xf32, #tpu.memory_space<vmem>> -> memref<4x8x128xf32, #tpu.memory_space<vmem>>
    %dma_start3A_1816 = arith.constant 0 : i32
    %dma_start3A_1817 = arith.constant 0 : i32
    %dma_start3A_1818 = tpu.memref_slice %arg3[%dma_start3A_1816, %dma_start3A_1817, %multiple_of3A_1809] : memref<4x8x1000001xf32, #tpu.memory_space<hbm>> -> memref<4x8x128xf32, #tpu.memory_space<hbm>>
    %dma_start3A_1819 = arith.constant 0 : i32
    %dma_start3A_1820 = arith.constant 0 : i32
    %dma_start3A_1821 = arith.constant 0 : i32
    %dma_start3A_1822 = tpu.memref_slice %arg7[%dma_start3A_1810, %dma_start3A_1819, %dma_start3A_1820, %dma_start3A_1821] : memref<8x4x8x128xf32, #tpu.memory_space<vmem>> -> memref<1x4x8x128xf32, #tpu.memory_space<vmem>>
    %dma_start3A_1823 = tpu.memref_squeeze %dma_start3A_1822 : memref<1x4x8x128xf32, #tpu.memory_space<vmem>> -> memref<4x8x128xf32, #tpu.memory_space<vmem>>
    %dma_start3A_1824 = arith.constant 0 : i32
    %dma_start3A_1825 = arith.constant 0 : i32
    %dma_start3A_1826 = tpu.memref_slice %arg3[%dma_start3A_1824, %dma_start3A_1825, %multiple_of3A_1809] : memref<4x8x1000001xf32, #tpu.memory_space<hbm>> -> memref<4x8x128xf32, #tpu.memory_space<hbm>>
    tpu.enqueue_dma source(%dma_start3A_1826 : memref<4x8x128xf32, #tpu.memory_space<hbm>>) target(%dma_start3A_1823 : memref<4x8x128xf32, #tpu.memory_space<vmem>>) target_semaphore(%arg11 : memref<!tpu.dma_semaphore, #tpu.memory_space<semaphore_mem>>)
    %shift_right_arithmetic3A_1827 = arith.constant 7 : i32
    %shift_right_arithmetic3A_1828 = arith.shrsi %squeeze3A_1672, %shift_right_arithmetic3A_1827 : i32
    %shift_left3A_1829 = arith.constant 7 : i32
    %shift_left3A_1830 = arith.shli %shift_right_arithmetic3A_1828, %shift_left3A_1829 : i32
    %multiple_of3A_1831 = tpu.assume_multiple %shift_left3A_1830, 128 : i32
    %dma_start3A_1832 = arith.constant 7 : i32
    %dma_start3A_1833 = arith.constant 0 : i32
    %dma_start3A_1834 = arith.constant 0 : i32
    %dma_start3A_1835 = arith.constant 0 : i32
    %dma_start3A_1836 = tpu.memref_slice %arg7[%dma_start3A_1832, %dma_start3A_1833, %dma_start3A_1834, %dma_start3A_1835] : memref<8x4x8x128xf32, #tpu.memory_space<vmem>> -> memref<1x4x8x128xf32, #tpu.memory_space<vmem>>
    %dma_start3A_1837 = tpu.memref_squeeze %dma_start3A_1836 : memref<1x4x8x128xf32, #tpu.memory_space<vmem>> -> memref<4x8x128xf32, #tpu.memory_space<vmem>>
    %dma_start3A_1838 = arith.constant 0 : i32
    %dma_start3A_1839 = arith.constant 0 : i32
    %dma_start3A_1840 = tpu.memref_slice %arg3[%dma_start3A_1838, %dma_start3A_1839, %multiple_of3A_1831] : memref<4x8x1000001xf32, #tpu.memory_space<hbm>> -> memref<4x8x128xf32, #tpu.memory_space<hbm>>
    %dma_start3A_1841 = arith.constant 0 : i32
    %dma_start3A_1842 = arith.constant 0 : i32
    %dma_start3A_1843 = arith.constant 0 : i32
    %dma_start3A_1844 = tpu.memref_slice %arg7[%dma_start3A_1832, %dma_start3A_1841, %dma_start3A_1842, %dma_start3A_1843] : memref<8x4x8x128xf32, #tpu.memory_space<vmem>> -> memref<1x4x8x128xf32, #tpu.memory_space<vmem>>
    %dma_start3A_1845 = tpu.memref_squeeze %dma_start3A_1844 : memref<1x4x8x128xf32, #tpu.memory_space<vmem>> -> memref<4x8x128xf32, #tpu.memory_space<vmem>>
    %dma_start3A_1846 = arith.constant 0 : i32
    %dma_start3A_1847 = arith.constant 0 : i32
    %dma_start3A_1848 = tpu.memref_slice %arg3[%dma_start3A_1846, %dma_start3A_1847, %multiple_of3A_1831] : memref<4x8x1000001xf32, #tpu.memory_space<hbm>> -> memref<4x8x128xf32, #tpu.memory_space<hbm>>
    tpu.enqueue_dma source(%dma_start3A_1848 : memref<4x8x128xf32, #tpu.memory_space<hbm>>) target(%dma_start3A_1845 : memref<4x8x128xf32, #tpu.memory_space<vmem>>) target_semaphore(%arg11 : memref<!tpu.dma_semaphore, #tpu.memory_space<semaphore_mem>>)
    tpu.wait_dma2 semaphore(%arg11 : memref<!tpu.dma_semaphore, #tpu.memory_space<semaphore_mem>>) src(%arg4 : memref<8x4x8x128xf32, #tpu.memory_space<hbm>>) dst(%arg7 : memref<8x4x8x128xf32, #tpu.memory_space<vmem>>)
    %multiple_of3A_1849 = arith.constant 504 : i32
    %multiple_of3A_1850 = tpu.assume_multiple %multiple_of3A_1849, 8 : i32
    %get3A_1851 = arith.index_cast %multiple_of3A_1850 : i32 to index
    %get3A_1852 = tpu.vector_load %arg6[%get3A_1851] {strides = array<i32>} : memref<528xi32, #tpu.memory_space<vmem>>, vector<16xi32>,
    %slice3A_1853 = vector.extract_strided_slice %get3A_1852 {offsets = [0], sizes = [1], strides = [1]} : vector<16xi32> to vector<1xi32>
    %squeeze3A_1854 = vector.extract %slice3A_1853[0] : i32 from vector<1xi32>
    %slice3A_1855 = vector.extract_strided_slice %get3A_1852 {offsets = [1], sizes = [1], strides = [1]} : vector<16xi32> to vector<1xi32>
    %squeeze3A_1856 = vector.extract %slice3A_1855[0] : i32 from vector<1xi32>
    %slice3A_1857 = vector.extract_strided_slice %get3A_1852 {offsets = [2], sizes = [1], strides = [1]} : vector<16xi32> to vector<1xi32>
    %squeeze3A_1858 = vector.extract %slice3A_1857[0] : i32 from vector<1xi32>
    %slice3A_1859 = vector.extract_strided_slice %get3A_1852 {offsets = [3], sizes = [1], strides = [1]} : vector<16xi32> to vector<1xi32>
    %squeeze3A_1860 = vector.extract %slice3A_1859[0] : i32 from vector<1xi32>
    %slice3A_1861 = vector.extract_strided_slice %get3A_1852 {offsets = [4], sizes = [1], strides = [1]} : vector<16xi32> to vector<1xi32>
    %squeeze3A_1862 = vector.extract %slice3A_1861[0] : i32 from vector<1xi32>
    %slice3A_1863 = vector.extract_strided_slice %get3A_1852 {offsets = [5], sizes = [1], strides = [1]} : vector<16xi32> to vector<1xi32>
    %squeeze3A_1864 = vector.extract %slice3A_1863[0] : i32 from vector<1xi32>
    %slice3A_1865 = vector.extract_strided_slice %get3A_1852 {offsets = [6], sizes = [1], strides = [1]} : vector<16xi32> to vector<1xi32>
    %squeeze3A_1866 = vector.extract %slice3A_1865[0] : i32 from vector<1xi32>
    %slice3A_1867 = vector.extract_strided_slice %get3A_1852 {offsets = [7], sizes = [1], strides = [1]} : vector<16xi32> to vector<1xi32>
    %squeeze3A_1868 = vector.extract %slice3A_1867[0] : i32 from vector<1xi32>
    %and3A_1869 = arith.constant 127 : i32
    %and3A_1870 = arith.andi %squeeze3A_1854, %and3A_1869 : i32
    %iota3A_1871 = tpu.iota {dimensions = array<i32: 0>} : vector<16xi32>
    %broadcast_in_dim3A_1872 = vector.broadcast %and3A_1870 : i32 to vector<16xi32>
    %add3A_1873 = arith.constant 0 : i32
    %add3A_1874 = vector.broadcast %add3A_1873 : i32 to vector<16xi32>
    %add3A_1875 = arith.addi %iota3A_1871, %add3A_1874 : vector<16xi32>
    %shift_right_arithmetic3A_1876 = arith.constant 3 : i32
    %shift_right_arithmetic3A_1877 = vector.broadcast %shift_right_arithmetic3A_1876 : i32 to vector<16xi32>
    %shift_right_arithmetic3A_1878 = arith.shrsi %add3A_1875, %shift_right_arithmetic3A_1877 : vector<16xi32>
    %and3A_1879 = arith.constant 7 : i32
    %and3A_1880 = vector.broadcast %and3A_1879 : i32 to vector<16xi32>
    %and3A_1881 = arith.andi %add3A_1875, %and3A_1880 : vector<16xi32>
    %gather3A_1882 = arith.constant 0 : i32
    %gather3A_1883 = arith.constant 0 : i32
    %gather3A_1884 = arith.constant 0 : i32
    %gather3A_1885 = arith.constant 0 : i32
    %gather3A_1886 = tpu.memref_slice %arg7[%gather3A_1882, %gather3A_1883, %gather3A_1884, %gather3A_1885] : memref<8x4x8x128xf32, #tpu.memory_space<vmem>> -> memref<1x4x8x128xf32, #tpu.memory_space<vmem>>
    %gather3A_1887 = tpu.memref_squeeze %gather3A_1886 : memref<1x4x8x128xf32, #tpu.memory_space<vmem>> -> memref<4x8x128xf32, #tpu.memory_space<vmem>>
    %gather3A_1888 = tpu.vector_load_idx %gather3A_1887[%shift_right_arithmetic3A_1878, %and3A_1881, %broadcast_in_dim3A_1872] : memref<4x8x128xf32, #tpu.memory_space<vmem>>[vector<16xi32>, vector<16xi32>, vector<16xi32>], vector<16xf32>,
    %add3A_1889 = arith.constant 16128 : i32
    %add3A_1890 = vector.broadcast %add3A_1889 : i32 to vector<16xi32>
    %add3A_1891 = arith.addi %add3A_1890, %add3A_1875 : vector<16xi32>
    tpu.vector_store_idx %arg10[%add3A_1891], %gather3A_1888 : memref<16384xf32, #tpu.memory_space<vmem>>[vector<16xi32>], vector<16xf32>,
    %add3A_1892 = arith.constant 16 : i32
    %add3A_1893 = vector.broadcast %add3A_1892 : i32 to vector<16xi32>
    %add3A_1894 = arith.addi %iota3A_1871, %add3A_1893 : vector<16xi32>
    %shift_right_arithmetic3A_1895 = arith.constant 3 : i32
    %shift_right_arithmetic3A_1896 = vector.broadcast %shift_right_arithmetic3A_1895 : i32 to vector<16xi32>
    %shift_right_arithmetic3A_1897 = arith.shrsi %add3A_1894, %shift_right_arithmetic3A_1896 : vector<16xi32>
    %and3A_1898 = arith.constant 7 : i32
    %and3A_1899 = vector.broadcast %and3A_1898 : i32 to vector<16xi32>
    %and3A_1900 = arith.andi %add3A_1894, %and3A_1899 : vector<16xi32>
    %gather3A_1901 = arith.constant 0 : i32
    %gather3A_1902 = arith.constant 0 : i32
    %gather3A_1903 = arith.constant 0 : i32
    %gather3A_1904 = arith.constant 0 : i32
    %gather3A_1905 = tpu.memref_slice %arg7[%gather3A_1901, %gather3A_1902, %gather3A_1903, %gather3A_1904] : memref<8x4x8x128xf32, #tpu.memory_space<vmem>> -> memref<1x4x8x128xf32, #tpu.memory_space<vmem>>
    %gather3A_1906 = tpu.memref_squeeze %gather3A_1905 : memref<1x4x8x128xf32, #tpu.memory_space<vmem>> -> memref<4x8x128xf32, #tpu.memory_space<vmem>>
    %gather3A_1907 = tpu.vector_load_idx %gather3A_1906[%shift_right_arithmetic3A_1897, %and3A_1900, %broadcast_in_dim3A_1872] : memref<4x8x128xf32, #tpu.memory_space<vmem>>[vector<16xi32>, vector<16xi32>, vector<16xi32>], vector<16xf32>,
    %add3A_1908 = arith.constant 16128 : i32
    %add3A_1909 = vector.broadcast %add3A_1908 : i32 to vector<16xi32>
    %add3A_1910 = arith.addi %add3A_1909, %add3A_1894 : vector<16xi32>
    tpu.vector_store_idx %arg10[%add3A_1910], %gather3A_1907 : memref<16384xf32, #tpu.memory_space<vmem>>[vector<16xi32>], vector<16xf32>,
    %and3A_1911 = arith.constant 127 : i32
    %and3A_1912 = arith.andi %squeeze3A_1856, %and3A_1911 : i32
    %iota3A_1913 = tpu.iota {dimensions = array<i32: 0>} : vector<16xi32>
    %broadcast_in_dim3A_1914 = vector.broadcast %and3A_1912 : i32 to vector<16xi32>
    %add3A_1915 = arith.constant 0 : i32
    %add3A_1916 = vector.broadcast %add3A_1915 : i32 to vector<16xi32>
    %add3A_1917 = arith.addi %iota3A_1913, %add3A_1916 : vector<16xi32>
    %shift_right_arithmetic3A_1918 = arith.constant 3 : i32
    %shift_right_arithmetic3A_1919 = vector.broadcast %shift_right_arithmetic3A_1918 : i32 to vector<16xi32>
    %shift_right_arithmetic3A_1920 = arith.shrsi %add3A_1917, %shift_right_arithmetic3A_1919 : vector<16xi32>
    %and3A_1921 = arith.constant 7 : i32
    %and3A_1922 = vector.broadcast %and3A_1921 : i32 to vector<16xi32>
    %and3A_1923 = arith.andi %add3A_1917, %and3A_1922 : vector<16xi32>
    %gather3A_1924 = arith.constant 1 : i32
    %gather3A_1925 = arith.constant 0 : i32
    %gather3A_1926 = arith.constant 0 : i32
    %gather3A_1927 = arith.constant 0 : i32
    %gather3A_1928 = tpu.memref_slice %arg7[%gather3A_1924, %gather3A_1925, %gather3A_1926, %gather3A_1927] : memref<8x4x8x128xf32, #tpu.memory_space<vmem>> -> memref<1x4x8x128xf32, #tpu.memory_space<vmem>>
    %gather3A_1929 = tpu.memref_squeeze %gather3A_1928 : memref<1x4x8x128xf32, #tpu.memory_space<vmem>> -> memref<4x8x128xf32, #tpu.memory_space<vmem>>
    %gather3A_1930 = tpu.vector_load_idx %gather3A_1929[%shift_right_arithmetic3A_1920, %and3A_1923, %broadcast_in_dim3A_1914] : memref<4x8x128xf32, #tpu.memory_space<vmem>>[vector<16xi32>, vector<16xi32>, vector<16xi32>], vector<16xf32>,
    %add3A_1931 = arith.constant 16160 : i32
    %add3A_1932 = vector.broadcast %add3A_1931 : i32 to vector<16xi32>
    %add3A_1933 = arith.addi %add3A_1932, %add3A_1917 : vector<16xi32>
    tpu.vector_store_idx %arg10[%add3A_1933], %gather3A_1930 : memref<16384xf32, #tpu.memory_space<vmem>>[vector<16xi32>], vector<16xf32>,
    %add3A_1934 = arith.constant 16 : i32
    %add3A_1935 = vector.broadcast %add3A_1934 : i32 to vector<16xi32>
    %add3A_1936 = arith.addi %iota3A_1913, %add3A_1935 : vector<16xi32>
    %shift_right_arithmetic3A_1937 = arith.constant 3 : i32
    %shift_right_arithmetic3A_1938 = vector.broadcast %shift_right_arithmetic3A_1937 : i32 to vector<16xi32>
    %shift_right_arithmetic3A_1939 = arith.shrsi %add3A_1936, %shift_right_arithmetic3A_1938 : vector<16xi32>
    %and3A_1940 = arith.constant 7 : i32
    %and3A_1941 = vector.broadcast %and3A_1940 : i32 to vector<16xi32>
    %and3A_1942 = arith.andi %add3A_1936, %and3A_1941 : vector<16xi32>
    %gather3A_1943 = arith.constant 1 : i32
    %gather3A_1944 = arith.constant 0 : i32
    %gather3A_1945 = arith.constant 0 : i32
    %gather3A_1946 = arith.constant 0 : i32
    %gather3A_1947 = tpu.memref_slice %arg7[%gather3A_1943, %gather3A_1944, %gather3A_1945, %gather3A_1946] : memref<8x4x8x128xf32, #tpu.memory_space<vmem>> -> memref<1x4x8x128xf32, #tpu.memory_space<vmem>>
    %gather3A_1948 = tpu.memref_squeeze %gather3A_1947 : memref<1x4x8x128xf32, #tpu.memory_space<vmem>> -> memref<4x8x128xf32, #tpu.memory_space<vmem>>
    %gather3A_1949 = tpu.vector_load_idx %gather3A_1948[%shift_right_arithmetic3A_1939, %and3A_1942, %broadcast_in_dim3A_1914] : memref<4x8x128xf32, #tpu.memory_space<vmem>>[vector<16xi32>, vector<16xi32>, vector<16xi32>], vector<16xf32>,
    %add3A_1950 = arith.constant 16160 : i32
    %add3A_1951 = vector.broadcast %add3A_1950 : i32 to vector<16xi32>
    %add3A_1952 = arith.addi %add3A_1951, %add3A_1936 : vector<16xi32>
    tpu.vector_store_idx %arg10[%add3A_1952], %gather3A_1949 : memref<16384xf32, #tpu.memory_space<vmem>>[vector<16xi32>], vector<16xf32>,
    %and3A_1953 = arith.constant 127 : i32
    %and3A_1954 = arith.andi %squeeze3A_1858, %and3A_1953 : i32
    %iota3A_1955 = tpu.iota {dimensions = array<i32: 0>} : vector<16xi32>
    %broadcast_in_dim3A_1956 = vector.broadcast %and3A_1954 : i32 to vector<16xi32>
    %add3A_1957 = arith.constant 0 : i32
    %add3A_1958 = vector.broadcast %add3A_1957 : i32 to vector<16xi32>
    %add3A_1959 = arith.addi %iota3A_1955, %add3A_1958 : vector<16xi32>
    %shift_right_arithmetic3A_1960 = arith.constant 3 : i32
    %shift_right_arithmetic3A_1961 = vector.broadcast %shift_right_arithmetic3A_1960 : i32 to vector<16xi32>
    %shift_right_arithmetic3A_1962 = arith.shrsi %add3A_1959, %shift_right_arithmetic3A_1961 : vector<16xi32>
    %and3A_1963 = arith.constant 7 : i32
    %and3A_1964 = vector.broadcast %and3A_1963 : i32 to vector<16xi32>
    %and3A_1965 = arith.andi %add3A_1959, %and3A_1964 : vector<16xi32>
    %gather3A_1966 = arith.constant 2 : i32
    %gather3A_1967 = arith.constant 0 : i32
    %gather3A_1968 = arith.constant 0 : i32
    %gather3A_1969 = arith.constant 0 : i32
    %gather3A_1970 = tpu.memref_slice %arg7[%gather3A_1966, %gather3A_1967, %gather3A_1968, %gather3A_1969] : memref<8x4x8x128xf32, #tpu.memory_space<vmem>> -> memref<1x4x8x128xf32, #tpu.memory_space<vmem>>
    %gather3A_1971 = tpu.memref_squeeze %gather3A_1970 : memref<1x4x8x128xf32, #tpu.memory_space<vmem>> -> memref<4x8x128xf32, #tpu.memory_space<vmem>>
    %gather3A_1972 = tpu.vector_load_idx %gather3A_1971[%shift_right_arithmetic3A_1962, %and3A_1965, %broadcast_in_dim3A_1956] : memref<4x8x128xf32, #tpu.memory_space<vmem>>[vector<16xi32>, vector<16xi32>, vector<16xi32>], vector<16xf32>,
    %add3A_1973 = arith.constant 16192 : i32
    %add3A_1974 = vector.broadcast %add3A_1973 : i32 to vector<16xi32>
    %add3A_1975 = arith.addi %add3A_1974, %add3A_1959 : vector<16xi32>
    tpu.vector_store_idx %arg10[%add3A_1975], %gather3A_1972 : memref<16384xf32, #tpu.memory_space<vmem>>[vector<16xi32>], vector<16xf32>,
    %add3A_1976 = arith.constant 16 : i32
    %add3A_1977 = vector.broadcast %add3A_1976 : i32 to vector<16xi32>
    %add3A_1978 = arith.addi %iota3A_1955, %add3A_1977 : vector<16xi32>
    %shift_right_arithmetic3A_1979 = arith.constant 3 : i32
    %shift_right_arithmetic3A_1980 = vector.broadcast %shift_right_arithmetic3A_1979 : i32 to vector<16xi32>
    %shift_right_arithmetic3A_1981 = arith.shrsi %add3A_1978, %shift_right_arithmetic3A_1980 : vector<16xi32>
    %and3A_1982 = arith.constant 7 : i32
    %and3A_1983 = vector.broadcast %and3A_1982 : i32 to vector<16xi32>
    %and3A_1984 = arith.andi %add3A_1978, %and3A_1983 : vector<16xi32>
    %gather3A_1985 = arith.constant 2 : i32
    %gather3A_1986 = arith.constant 0 : i32
    %gather3A_1987 = arith.constant 0 : i32
    %gather3A_1988 = arith.constant 0 : i32
    %gather3A_1989 = tpu.memref_slice %arg7[%gather3A_1985, %gather3A_1986, %gather3A_1987, %gather3A_1988] : memref<8x4x8x128xf32, #tpu.memory_space<vmem>> -> memref<1x4x8x128xf32, #tpu.memory_space<vmem>>
    %gather3A_1990 = tpu.memref_squeeze %gather3A_1989 : memref<1x4x8x128xf32, #tpu.memory_space<vmem>> -> memref<4x8x128xf32, #tpu.memory_space<vmem>>
    %gather3A_1991 = tpu.vector_load_idx %gather3A_1990[%shift_right_arithmetic3A_1981, %and3A_1984, %broadcast_in_dim3A_1956] : memref<4x8x128xf32, #tpu.memory_space<vmem>>[vector<16xi32>, vector<16xi32>, vector<16xi32>], vector<16xf32>,
    %add3A_1992 = arith.constant 16192 : i32
    %add3A_1993 = vector.broadcast %add3A_1992 : i32 to vector<16xi32>
    %add3A_1994 = arith.addi %add3A_1993, %add3A_1978 : vector<16xi32>
    tpu.vector_store_idx %arg10[%add3A_1994], %gather3A_1991 : memref<16384xf32, #tpu.memory_space<vmem>>[vector<16xi32>], vector<16xf32>,
    %and3A_1995 = arith.constant 127 : i32
    %and3A_1996 = arith.andi %squeeze3A_1860, %and3A_1995 : i32
    %iota3A_1997 = tpu.iota {dimensions = array<i32: 0>} : vector<16xi32>
    %broadcast_in_dim3A_1998 = vector.broadcast %and3A_1996 : i32 to vector<16xi32>
    %add3A_1999 = arith.constant 0 : i32
    %add3A_2000 = vector.broadcast %add3A_1999 : i32 to vector<16xi32>
    %add3A_2001 = arith.addi %iota3A_1997, %add3A_2000 : vector<16xi32>
    %shift_right_arithmetic3A_2002 = arith.constant 3 : i32
    %shift_right_arithmetic3A_2003 = vector.broadcast %shift_right_arithmetic3A_2002 : i32 to vector<16xi32>
    %shift_right_arithmetic3A_2004 = arith.shrsi %add3A_2001, %shift_right_arithmetic3A_2003 : vector<16xi32>
    %and3A_2005 = arith.constant 7 : i32
    %and3A_2006 = vector.broadcast %and3A_2005 : i32 to vector<16xi32>
    %and3A_2007 = arith.andi %add3A_2001, %and3A_2006 : vector<16xi32>
    %gather3A_2008 = arith.constant 3 : i32
    %gather3A_2009 = arith.constant 0 : i32
    %gather3A_2010 = arith.constant 0 : i32
    %gather3A_2011 = arith.constant 0 : i32
    %gather3A_2012 = tpu.memref_slice %arg7[%gather3A_2008, %gather3A_2009, %gather3A_2010, %gather3A_2011] : memref<8x4x8x128xf32, #tpu.memory_space<vmem>> -> memref<1x4x8x128xf32, #tpu.memory_space<vmem>>
    %gather3A_2013 = tpu.memref_squeeze %gather3A_2012 : memref<1x4x8x128xf32, #tpu.memory_space<vmem>> -> memref<4x8x128xf32, #tpu.memory_space<vmem>>
    %gather3A_2014 = tpu.vector_load_idx %gather3A_2013[%shift_right_arithmetic3A_2004, %and3A_2007, %broadcast_in_dim3A_1998] : memref<4x8x128xf32, #tpu.memory_space<vmem>>[vector<16xi32>, vector<16xi32>, vector<16xi32>], vector<16xf32>,
    %add3A_2015 = arith.constant 16224 : i32
    %add3A_2016 = vector.broadcast %add3A_2015 : i32 to vector<16xi32>
    %add3A_2017 = arith.addi %add3A_2016, %add3A_2001 : vector<16xi32>
    tpu.vector_store_idx %arg10[%add3A_2017], %gather3A_2014 : memref<16384xf32, #tpu.memory_space<vmem>>[vector<16xi32>], vector<16xf32>,
    %add3A_2018 = arith.constant 16 : i32
    %add3A_2019 = vector.broadcast %add3A_2018 : i32 to vector<16xi32>
    %add3A_2020 = arith.addi %iota3A_1997, %add3A_2019 : vector<16xi32>
    %shift_right_arithmetic3A_2021 = arith.constant 3 : i32
    %shift_right_arithmetic3A_2022 = vector.broadcast %shift_right_arithmetic3A_2021 : i32 to vector<16xi32>
    %shift_right_arithmetic3A_2023 = arith.shrsi %add3A_2020, %shift_right_arithmetic3A_2022 : vector<16xi32>
    %and3A_2024 = arith.constant 7 : i32
    %and3A_2025 = vector.broadcast %and3A_2024 : i32 to vector<16xi32>
    %and3A_2026 = arith.andi %add3A_2020, %and3A_2025 : vector<16xi32>
    %gather3A_2027 = arith.constant 3 : i32
    %gather3A_2028 = arith.constant 0 : i32
    %gather3A_2029 = arith.constant 0 : i32
    %gather3A_2030 = arith.constant 0 : i32
    %gather3A_2031 = tpu.memref_slice %arg7[%gather3A_2027, %gather3A_2028, %gather3A_2029, %gather3A_2030] : memref<8x4x8x128xf32, #tpu.memory_space<vmem>> -> memref<1x4x8x128xf32, #tpu.memory_space<vmem>>
    %gather3A_2032 = tpu.memref_squeeze %gather3A_2031 : memref<1x4x8x128xf32, #tpu.memory_space<vmem>> -> memref<4x8x128xf32, #tpu.memory_space<vmem>>
    %gather3A_2033 = tpu.vector_load_idx %gather3A_2032[%shift_right_arithmetic3A_2023, %and3A_2026, %broadcast_in_dim3A_1998] : memref<4x8x128xf32, #tpu.memory_space<vmem>>[vector<16xi32>, vector<16xi32>, vector<16xi32>], vector<16xf32>,
    %add3A_2034 = arith.constant 16224 : i32
    %add3A_2035 = vector.broadcast %add3A_2034 : i32 to vector<16xi32>
    %add3A_2036 = arith.addi %add3A_2035, %add3A_2020 : vector<16xi32>
    tpu.vector_store_idx %arg10[%add3A_2036], %gather3A_2033 : memref<16384xf32, #tpu.memory_space<vmem>>[vector<16xi32>], vector<16xf32>,
    %and3A_2037 = arith.constant 127 : i32
    %and3A_2038 = arith.andi %squeeze3A_1862, %and3A_2037 : i32
    %iota3A_2039 = tpu.iota {dimensions = array<i32: 0>} : vector<16xi32>
    %broadcast_in_dim3A_2040 = vector.broadcast %and3A_2038 : i32 to vector<16xi32>
    %add3A_2041 = arith.constant 0 : i32
    %add3A_2042 = vector.broadcast %add3A_2041 : i32 to vector<16xi32>
    %add3A_2043 = arith.addi %iota3A_2039, %add3A_2042 : vector<16xi32>
    %shift_right_arithmetic3A_2044 = arith.constant 3 : i32
    %shift_right_arithmetic3A_2045 = vector.broadcast %shift_right_arithmetic3A_2044 : i32 to vector<16xi32>
    %shift_right_arithmetic3A_2046 = arith.shrsi %add3A_2043, %shift_right_arithmetic3A_2045 : vector<16xi32>
    %and3A_2047 = arith.constant 7 : i32
    %and3A_2048 = vector.broadcast %and3A_2047 : i32 to vector<16xi32>
    %and3A_2049 = arith.andi %add3A_2043, %and3A_2048 : vector<16xi32>
    %gather3A_2050 = arith.constant 4 : i32
    %gather3A_2051 = arith.constant 0 : i32
    %gather3A_2052 = arith.constant 0 : i32
    %gather3A_2053 = arith.constant 0 : i32
    %gather3A_2054 = tpu.memref_slice %arg7[%gather3A_2050, %gather3A_2051, %gather3A_2052, %gather3A_2053] : memref<8x4x8x128xf32, #tpu.memory_space<vmem>> -> memref<1x4x8x128xf32, #tpu.memory_space<vmem>>
    %gather3A_2055 = tpu.memref_squeeze %gather3A_2054 : memref<1x4x8x128xf32, #tpu.memory_space<vmem>> -> memref<4x8x128xf32, #tpu.memory_space<vmem>>
    %gather3A_2056 = tpu.vector_load_idx %gather3A_2055[%shift_right_arithmetic3A_2046, %and3A_2049, %broadcast_in_dim3A_2040] : memref<4x8x128xf32, #tpu.memory_space<vmem>>[vector<16xi32>, vector<16xi32>, vector<16xi32>], vector<16xf32>,
    %add3A_2057 = arith.constant 16256 : i32
    %add3A_2058 = vector.broadcast %add3A_2057 : i32 to vector<16xi32>
    %add3A_2059 = arith.addi %add3A_2058, %add3A_2043 : vector<16xi32>
    tpu.vector_store_idx %arg10[%add3A_2059], %gather3A_2056 : memref<16384xf32, #tpu.memory_space<vmem>>[vector<16xi32>], vector<16xf32>,
    %add3A_2060 = arith.constant 16 : i32
    %add3A_2061 = vector.broadcast %add3A_2060 : i32 to vector<16xi32>
    %add3A_2062 = arith.addi %iota3A_2039, %add3A_2061 : vector<16xi32>
    %shift_right_arithmetic3A_2063 = arith.constant 3 : i32
    %shift_right_arithmetic3A_2064 = vector.broadcast %shift_right_arithmetic3A_2063 : i32 to vector<16xi32>
    %shift_right_arithmetic3A_2065 = arith.shrsi %add3A_2062, %shift_right_arithmetic3A_2064 : vector<16xi32>
    %and3A_2066 = arith.constant 7 : i32
    %and3A_2067 = vector.broadcast %and3A_2066 : i32 to vector<16xi32>
    %and3A_2068 = arith.andi %add3A_2062, %and3A_2067 : vector<16xi32>
    %gather3A_2069 = arith.constant 4 : i32
    %gather3A_2070 = arith.constant 0 : i32
    %gather3A_2071 = arith.constant 0 : i32
    %gather3A_2072 = arith.constant 0 : i32
    %gather3A_2073 = tpu.memref_slice %arg7[%gather3A_2069, %gather3A_2070, %gather3A_2071, %gather3A_2072] : memref<8x4x8x128xf32, #tpu.memory_space<vmem>> -> memref<1x4x8x128xf32, #tpu.memory_space<vmem>>
    %gather3A_2074 = tpu.memref_squeeze %gather3A_2073 : memref<1x4x8x128xf32, #tpu.memory_space<vmem>> -> memref<4x8x128xf32, #tpu.memory_space<vmem>>
    %gather3A_2075 = tpu.vector_load_idx %gather3A_2074[%shift_right_arithmetic3A_2065, %and3A_2068, %broadcast_in_dim3A_2040] : memref<4x8x128xf32, #tpu.memory_space<vmem>>[vector<16xi32>, vector<16xi32>, vector<16xi32>], vector<16xf32>,
    %add3A_2076 = arith.constant 16256 : i32
    %add3A_2077 = vector.broadcast %add3A_2076 : i32 to vector<16xi32>
    %add3A_2078 = arith.addi %add3A_2077, %add3A_2062 : vector<16xi32>
    tpu.vector_store_idx %arg10[%add3A_2078], %gather3A_2075 : memref<16384xf32, #tpu.memory_space<vmem>>[vector<16xi32>], vector<16xf32>,
    %and3A_2079 = arith.constant 127 : i32
    %and3A_2080 = arith.andi %squeeze3A_1864, %and3A_2079 : i32
    %iota3A_2081 = tpu.iota {dimensions = array<i32: 0>} : vector<16xi32>
    %broadcast_in_dim3A_2082 = vector.broadcast %and3A_2080 : i32 to vector<16xi32>
    %add3A_2083 = arith.constant 0 : i32
    %add3A_2084 = vector.broadcast %add3A_2083 : i32 to vector<16xi32>
    %add3A_2085 = arith.addi %iota3A_2081, %add3A_2084 : vector<16xi32>
    %shift_right_arithmetic3A_2086 = arith.constant 3 : i32
    %shift_right_arithmetic3A_2087 = vector.broadcast %shift_right_arithmetic3A_2086 : i32 to vector<16xi32>
    %shift_right_arithmetic3A_2088 = arith.shrsi %add3A_2085, %shift_right_arithmetic3A_2087 : vector<16xi32>
    %and3A_2089 = arith.constant 7 : i32
    %and3A_2090 = vector.broadcast %and3A_2089 : i32 to vector<16xi32>
    %and3A_2091 = arith.andi %add3A_2085, %and3A_2090 : vector<16xi32>
    %gather3A_2092 = arith.constant 5 : i32
    %gather3A_2093 = arith.constant 0 : i32
    %gather3A_2094 = arith.constant 0 : i32
    %gather3A_2095 = arith.constant 0 : i32
    %gather3A_2096 = tpu.memref_slice %arg7[%gather3A_2092, %gather3A_2093, %gather3A_2094, %gather3A_2095] : memref<8x4x8x128xf32, #tpu.memory_space<vmem>> -> memref<1x4x8x128xf32, #tpu.memory_space<vmem>>
    %gather3A_2097 = tpu.memref_squeeze %gather3A_2096 : memref<1x4x8x128xf32, #tpu.memory_space<vmem>> -> memref<4x8x128xf32, #tpu.memory_space<vmem>>
    %gather3A_2098 = tpu.vector_load_idx %gather3A_2097[%shift_right_arithmetic3A_2088, %and3A_2091, %broadcast_in_dim3A_2082] : memref<4x8x128xf32, #tpu.memory_space<vmem>>[vector<16xi32>, vector<16xi32>, vector<16xi32>], vector<16xf32>,
    %add3A_2099 = arith.constant 16288 : i32
    %add3A_2100 = vector.broadcast %add3A_2099 : i32 to vector<16xi32>
    %add3A_2101 = arith.addi %add3A_2100, %add3A_2085 : vector<16xi32>
    tpu.vector_store_idx %arg10[%add3A_2101], %gather3A_2098 : memref<16384xf32, #tpu.memory_space<vmem>>[vector<16xi32>], vector<16xf32>,
    %add3A_2102 = arith.constant 16 : i32
    %add3A_2103 = vector.broadcast %add3A_2102 : i32 to vector<16xi32>
    %add3A_2104 = arith.addi %iota3A_2081, %add3A_2103 : vector<16xi32>
    %shift_right_arithmetic3A_2105 = arith.constant 3 : i32
    %shift_right_arithmetic3A_2106 = vector.broadcast %shift_right_arithmetic3A_2105 : i32 to vector<16xi32>
    %shift_right_arithmetic3A_2107 = arith.shrsi %add3A_2104, %shift_right_arithmetic3A_2106 : vector<16xi32>
    %and3A_2108 = arith.constant 7 : i32
    %and3A_2109 = vector.broadcast %and3A_2108 : i32 to vector<16xi32>
    %and3A_2110 = arith.andi %add3A_2104, %and3A_2109 : vector<16xi32>
    %gather3A_2111 = arith.constant 5 : i32
    %gather3A_2112 = arith.constant 0 : i32
    %gather3A_2113 = arith.constant 0 : i32
    %gather3A_2114 = arith.constant 0 : i32
    %gather3A_2115 = tpu.memref_slice %arg7[%gather3A_2111, %gather3A_2112, %gather3A_2113, %gather3A_2114] : memref<8x4x8x128xf32, #tpu.memory_space<vmem>> -> memref<1x4x8x128xf32, #tpu.memory_space<vmem>>
    %gather3A_2116 = tpu.memref_squeeze %gather3A_2115 : memref<1x4x8x128xf32, #tpu.memory_space<vmem>> -> memref<4x8x128xf32, #tpu.memory_space<vmem>>
    %gather3A_2117 = tpu.vector_load_idx %gather3A_2116[%shift_right_arithmetic3A_2107, %and3A_2110, %broadcast_in_dim3A_2082] : memref<4x8x128xf32, #tpu.memory_space<vmem>>[vector<16xi32>, vector<16xi32>, vector<16xi32>], vector<16xf32>,
    %add3A_2118 = arith.constant 16288 : i32
    %add3A_2119 = vector.broadcast %add3A_2118 : i32 to vector<16xi32>
    %add3A_2120 = arith.addi %add3A_2119, %add3A_2104 : vector<16xi32>
    tpu.vector_store_idx %arg10[%add3A_2120], %gather3A_2117 : memref<16384xf32, #tpu.memory_space<vmem>>[vector<16xi32>], vector<16xf32>,
    %and3A_2121 = arith.constant 127 : i32
    %and3A_2122 = arith.andi %squeeze3A_1866, %and3A_2121 : i32
    %iota3A_2123 = tpu.iota {dimensions = array<i32: 0>} : vector<16xi32>
    %broadcast_in_dim3A_2124 = vector.broadcast %and3A_2122 : i32 to vector<16xi32>
    %add3A_2125 = arith.constant 0 : i32
    %add3A_2126 = vector.broadcast %add3A_2125 : i32 to vector<16xi32>
    %add3A_2127 = arith.addi %iota3A_2123, %add3A_2126 : vector<16xi32>
    %shift_right_arithmetic3A_2128 = arith.constant 3 : i32
    %shift_right_arithmetic3A_2129 = vector.broadcast %shift_right_arithmetic3A_2128 : i32 to vector<16xi32>
    %shift_right_arithmetic3A_2130 = arith.shrsi %add3A_2127, %shift_right_arithmetic3A_2129 : vector<16xi32>
    %and3A_2131 = arith.constant 7 : i32
    %and3A_2132 = vector.broadcast %and3A_2131 : i32 to vector<16xi32>
    %and3A_2133 = arith.andi %add3A_2127, %and3A_2132 : vector<16xi32>
    %gather3A_2134 = arith.constant 6 : i32
    %gather3A_2135 = arith.constant 0 : i32
    %gather3A_2136 = arith.constant 0 : i32
    %gather3A_2137 = arith.constant 0 : i32
    %gather3A_2138 = tpu.memref_slice %arg7[%gather3A_2134, %gather3A_2135, %gather3A_2136, %gather3A_2137] : memref<8x4x8x128xf32, #tpu.memory_space<vmem>> -> memref<1x4x8x128xf32, #tpu.memory_space<vmem>>
    %gather3A_2139 = tpu.memref_squeeze %gather3A_2138 : memref<1x4x8x128xf32, #tpu.memory_space<vmem>> -> memref<4x8x128xf32, #tpu.memory_space<vmem>>
    %gather3A_2140 = tpu.vector_load_idx %gather3A_2139[%shift_right_arithmetic3A_2130, %and3A_2133, %broadcast_in_dim3A_2124] : memref<4x8x128xf32, #tpu.memory_space<vmem>>[vector<16xi32>, vector<16xi32>, vector<16xi32>], vector<16xf32>,
    %add3A_2141 = arith.constant 16320 : i32
    %add3A_2142 = vector.broadcast %add3A_2141 : i32 to vector<16xi32>
    %add3A_2143 = arith.addi %add3A_2142, %add3A_2127 : vector<16xi32>
    tpu.vector_store_idx %arg10[%add3A_2143], %gather3A_2140 : memref<16384xf32, #tpu.memory_space<vmem>>[vector<16xi32>], vector<16xf32>,
    %add3A_2144 = arith.constant 16 : i32
    %add3A_2145 = vector.broadcast %add3A_2144 : i32 to vector<16xi32>
    %add3A_2146 = arith.addi %iota3A_2123, %add3A_2145 : vector<16xi32>
    %shift_right_arithmetic3A_2147 = arith.constant 3 : i32
    %shift_right_arithmetic3A_2148 = vector.broadcast %shift_right_arithmetic3A_2147 : i32 to vector<16xi32>
    %shift_right_arithmetic3A_2149 = arith.shrsi %add3A_2146, %shift_right_arithmetic3A_2148 : vector<16xi32>
    %and3A_2150 = arith.constant 7 : i32
    %and3A_2151 = vector.broadcast %and3A_2150 : i32 to vector<16xi32>
    %and3A_2152 = arith.andi %add3A_2146, %and3A_2151 : vector<16xi32>
    %gather3A_2153 = arith.constant 6 : i32
    %gather3A_2154 = arith.constant 0 : i32
    %gather3A_2155 = arith.constant 0 : i32
    %gather3A_2156 = arith.constant 0 : i32
    %gather3A_2157 = tpu.memref_slice %arg7[%gather3A_2153, %gather3A_2154, %gather3A_2155, %gather3A_2156] : memref<8x4x8x128xf32, #tpu.memory_space<vmem>> -> memref<1x4x8x128xf32, #tpu.memory_space<vmem>>
    %gather3A_2158 = tpu.memref_squeeze %gather3A_2157 : memref<1x4x8x128xf32, #tpu.memory_space<vmem>> -> memref<4x8x128xf32, #tpu.memory_space<vmem>>
    %gather3A_2159 = tpu.vector_load_idx %gather3A_2158[%shift_right_arithmetic3A_2149, %and3A_2152, %broadcast_in_dim3A_2124] : memref<4x8x128xf32, #tpu.memory_space<vmem>>[vector<16xi32>, vector<16xi32>, vector<16xi32>], vector<16xf32>,
    %add3A_2160 = arith.constant 16320 : i32
    %add3A_2161 = vector.broadcast %add3A_2160 : i32 to vector<16xi32>
    %add3A_2162 = arith.addi %add3A_2161, %add3A_2146 : vector<16xi32>
    tpu.vector_store_idx %arg10[%add3A_2162], %gather3A_2159 : memref<16384xf32, #tpu.memory_space<vmem>>[vector<16xi32>], vector<16xf32>,
    %and3A_2163 = arith.constant 127 : i32
    %and3A_2164 = arith.andi %squeeze3A_1868, %and3A_2163 : i32
    %iota3A_2165 = tpu.iota {dimensions = array<i32: 0>} : vector<16xi32>
    %broadcast_in_dim3A_2166 = vector.broadcast %and3A_2164 : i32 to vector<16xi32>
    %add3A_2167 = arith.constant 0 : i32
    %add3A_2168 = vector.broadcast %add3A_2167 : i32 to vector<16xi32>
    %add3A_2169 = arith.addi %iota3A_2165, %add3A_2168 : vector<16xi32>
    %shift_right_arithmetic3A_2170 = arith.constant 3 : i32
    %shift_right_arithmetic3A_2171 = vector.broadcast %shift_right_arithmetic3A_2170 : i32 to vector<16xi32>
    %shift_right_arithmetic3A_2172 = arith.shrsi %add3A_2169, %shift_right_arithmetic3A_2171 : vector<16xi32>
    %and3A_2173 = arith.constant 7 : i32
    %and3A_2174 = vector.broadcast %and3A_2173 : i32 to vector<16xi32>
    %and3A_2175 = arith.andi %add3A_2169, %and3A_2174 : vector<16xi32>
    %gather3A_2176 = arith.constant 7 : i32
    %gather3A_2177 = arith.constant 0 : i32
    %gather3A_2178 = arith.constant 0 : i32
    %gather3A_2179 = arith.constant 0 : i32
    %gather3A_2180 = tpu.memref_slice %arg7[%gather3A_2176, %gather3A_2177, %gather3A_2178, %gather3A_2179] : memref<8x4x8x128xf32, #tpu.memory_space<vmem>> -> memref<1x4x8x128xf32, #tpu.memory_space<vmem>>
    %gather3A_2181 = tpu.memref_squeeze %gather3A_2180 : memref<1x4x8x128xf32, #tpu.memory_space<vmem>> -> memref<4x8x128xf32, #tpu.memory_space<vmem>>
    %gather3A_2182 = tpu.vector_load_idx %gather3A_2181[%shift_right_arithmetic3A_2172, %and3A_2175, %broadcast_in_dim3A_2166] : memref<4x8x128xf32, #tpu.memory_space<vmem>>[vector<16xi32>, vector<16xi32>, vector<16xi32>], vector<16xf32>,
    %add3A_2183 = arith.constant 16352 : i32
    %add3A_2184 = vector.broadcast %add3A_2183 : i32 to vector<16xi32>
    %add3A_2185 = arith.addi %add3A_2184, %add3A_2169 : vector<16xi32>
    tpu.vector_store_idx %arg10[%add3A_2185], %gather3A_2182 : memref<16384xf32, #tpu.memory_space<vmem>>[vector<16xi32>], vector<16xf32>,
    %add3A_2186 = arith.constant 16 : i32
    %add3A_2187 = vector.broadcast %add3A_2186 : i32 to vector<16xi32>
    %add3A_2188 = arith.addi %iota3A_2165, %add3A_2187 : vector<16xi32>
    %shift_right_arithmetic3A_2189 = arith.constant 3 : i32
    %shift_right_arithmetic3A_2190 = vector.broadcast %shift_right_arithmetic3A_2189 : i32 to vector<16xi32>
    %shift_right_arithmetic3A_2191 = arith.shrsi %add3A_2188, %shift_right_arithmetic3A_2190 : vector<16xi32>
    %and3A_2192 = arith.constant 7 : i32
    %and3A_2193 = vector.broadcast %and3A_2192 : i32 to vector<16xi32>
    %and3A_2194 = arith.andi %add3A_2188, %and3A_2193 : vector<16xi32>
    %gather3A_2195 = arith.constant 7 : i32
    %gather3A_2196 = arith.constant 0 : i32
    %gather3A_2197 = arith.constant 0 : i32
    %gather3A_2198 = arith.constant 0 : i32
    %gather3A_2199 = tpu.memref_slice %arg7[%gather3A_2195, %gather3A_2196, %gather3A_2197, %gather3A_2198] : memref<8x4x8x128xf32, #tpu.memory_space<vmem>> -> memref<1x4x8x128xf32, #tpu.memory_space<vmem>>
    %gather3A_2200 = tpu.memref_squeeze %gather3A_2199 : memref<1x4x8x128xf32, #tpu.memory_space<vmem>> -> memref<4x8x128xf32, #tpu.memory_space<vmem>>
    %gather3A_2201 = tpu.vector_load_idx %gather3A_2200[%shift_right_arithmetic3A_2191, %and3A_2194, %broadcast_in_dim3A_2166] : memref<4x8x128xf32, #tpu.memory_space<vmem>>[vector<16xi32>, vector<16xi32>, vector<16xi32>], vector<16xf32>,
    %add3A_2202 = arith.constant 16352 : i32
    %add3A_2203 = vector.broadcast %add3A_2202 : i32 to vector<16xi32>
    %add3A_2204 = arith.addi %add3A_2203, %add3A_2188 : vector<16xi32>
    tpu.vector_store_idx %arg10[%add3A_2204], %gather3A_2201 : memref<16384xf32, #tpu.memory_space<vmem>>[vector<16xi32>], vector<16xf32>,
    "tpu.region"() ({
      %run_scoped3A = tpu.sem_alloc : memref<!tpu.dma_semaphore, #tpu.memory_space<semaphore_mem>>
      %dma_start3A_2205 = arith.constant 0 : i32
      %dma_start3A_2206 = tpu.memref_slice %arg5[%add3A, %dma_start3A_2205] : memref<32x16384xf32, #tpu.memory_space<hbm>> -> memref<1x16384xf32, #tpu.memory_space<hbm>>
      %dma_start3A_2207 = tpu.memref_squeeze %dma_start3A_2206 : memref<1x16384xf32, #tpu.memory_space<hbm>> -> memref<16384xf32, #tpu.memory_space<hbm>>
      %dma_start3A_2208 = arith.constant 0 : i32
      %dma_start3A_2209 = tpu.memref_slice %arg5[%add3A, %dma_start3A_2208] : memref<32x16384xf32, #tpu.memory_space<hbm>> -> memref<1x16384xf32, #tpu.memory_space<hbm>>
      %dma_start3A_2210 = tpu.memref_squeeze %dma_start3A_2209 : memref<1x16384xf32, #tpu.memory_space<hbm>> -> memref<16384xf32, #tpu.memory_space<hbm>>
      tpu.enqueue_dma source(%arg10 : memref<16384xf32, #tpu.memory_space<vmem>>) target(%dma_start3A_2210 : memref<16384xf32, #tpu.memory_space<hbm>>) target_semaphore(%run_scoped3A : memref<!tpu.dma_semaphore, #tpu.memory_space<semaphore_mem>>)
      %dma_wait3A = arith.constant 0 : i32
      %dma_wait3A_2211 = tpu.memref_slice %arg5[%add3A, %dma_wait3A] : memref<32x16384xf32, #tpu.memory_space<hbm>> -> memref<1x16384xf32, #tpu.memory_space<hbm>>
      %dma_wait3A_2212 = tpu.memref_squeeze %dma_wait3A_2211 : memref<1x16384xf32, #tpu.memory_space<hbm>> -> memref<16384xf32, #tpu.memory_space<hbm>>
      %dma_wait3A_2213 = arith.constant 0 : i32
      %dma_wait3A_2214 = tpu.memref_slice %arg5[%add3A, %dma_wait3A_2213] : memref<32x16384xf32, #tpu.memory_space<hbm>> -> memref<1x16384xf32, #tpu.memory_space<hbm>>
      %dma_wait3A_2215 = tpu.memref_squeeze %dma_wait3A_2214 : memref<1x16384xf32, #tpu.memory_space<hbm>> -> memref<16384xf32, #tpu.memory_space<hbm>>
      tpu.wait_dma2 semaphore(%run_scoped3A : memref<!tpu.dma_semaphore, #tpu.memory_space<semaphore_mem>>) src(%arg10 : memref<16384xf32, #tpu.memory_space<vmem>>) dst(%dma_wait3A_2215 : memref<16384xf32, #tpu.memory_space<hbm>>)
      tpu.yield
    }) : () -> ()
    return
  }
}

#map = affine_map<(d0, d1) -> (0, 0, 0)>
#map1 = affine_map<(d0, d1) -> (0, 0)>
#map2 = affine_map<(d0, d1) -> (0, 0, 0, 0)>
module attributes {stable_mosaic.version = 14 : i64} {
  func.func @_book_gather_body(%arg0: i32, %arg1: i32, %arg2: memref<32x4x128xi32, #tpu.memory_space<hbm>>, %arg3: memref<100001x32xf32, #tpu.memory_space<hbm>>, %arg4: memref<32x4x128x32xf32, #tpu.memory_space<hbm>>, %arg5: memref<4x128xi32, #tpu.memory_space<vmem>>, %arg6: memref<4x128x32xf32, #tpu.memory_space<vmem>>, %arg7: memref<!tpu.dma_semaphore, #tpu.memory_space<semaphore_mem>>) attributes {dimension_semantics = [#tpu.dimension_semantics<core_parallel>, #tpu.dimension_semantics<subcore_parallel>], iteration_bounds = array<i64: 2, 16>, scalar_prefetch = 0 : i64, scratch_operands = 3 : i64, tpu.core_type = #tpu.core_type<sc_vector_subcore>, window_params = [{transform_indices = #map}, {transform_indices = #map1}, {transform_indices = #map2}]} {
    %mul3A = arith.constant 2 : i32
    %mul3A_0 = arith.muli %arg1, %mul3A : i32
    %add3A = arith.addi %mul3A_0, %arg0 : i32
    "tpu.region"() ({
      %run_scoped3A = tpu.sem_alloc : memref<!tpu.dma_semaphore, #tpu.memory_space<semaphore_mem>>
      %dma_start3A_95 = arith.constant 0 : i32
      %dma_start3A_96 = arith.constant 0 : i32
      %dma_start3A_97 = tpu.memref_slice %arg2[%add3A, %dma_start3A_95, %dma_start3A_96] : memref<32x4x128xi32, #tpu.memory_space<hbm>> -> memref<1x4x128xi32, #tpu.memory_space<hbm>>
      %dma_start3A_98 = tpu.memref_squeeze %dma_start3A_97 : memref<1x4x128xi32, #tpu.memory_space<hbm>> -> memref<4x128xi32, #tpu.memory_space<hbm>>
      %dma_start3A_99 = arith.constant 0 : i32
      %dma_start3A_100 = arith.constant 0 : i32
      %dma_start3A_101 = tpu.memref_slice %arg2[%add3A, %dma_start3A_99, %dma_start3A_100] : memref<32x4x128xi32, #tpu.memory_space<hbm>> -> memref<1x4x128xi32, #tpu.memory_space<hbm>>
      %dma_start3A_102 = tpu.memref_squeeze %dma_start3A_101 : memref<1x4x128xi32, #tpu.memory_space<hbm>> -> memref<4x128xi32, #tpu.memory_space<hbm>>
      tpu.enqueue_dma source(%dma_start3A_102 : memref<4x128xi32, #tpu.memory_space<hbm>>) target(%arg5 : memref<4x128xi32, #tpu.memory_space<vmem>>) target_semaphore(%run_scoped3A : memref<!tpu.dma_semaphore, #tpu.memory_space<semaphore_mem>>)
      %dma_wait3A_103 = arith.constant 0 : i32
      %dma_wait3A_104 = arith.constant 0 : i32
      %dma_wait3A_105 = tpu.memref_slice %arg2[%add3A, %dma_wait3A_103, %dma_wait3A_104] : memref<32x4x128xi32, #tpu.memory_space<hbm>> -> memref<1x4x128xi32, #tpu.memory_space<hbm>>
      %dma_wait3A_106 = tpu.memref_squeeze %dma_wait3A_105 : memref<1x4x128xi32, #tpu.memory_space<hbm>> -> memref<4x128xi32, #tpu.memory_space<hbm>>
      %dma_wait3A_107 = arith.constant 0 : i32
      %dma_wait3A_108 = arith.constant 0 : i32
      %dma_wait3A_109 = tpu.memref_slice %arg2[%add3A, %dma_wait3A_107, %dma_wait3A_108] : memref<32x4x128xi32, #tpu.memory_space<hbm>> -> memref<1x4x128xi32, #tpu.memory_space<hbm>>
      %dma_wait3A_110 = tpu.memref_squeeze %dma_wait3A_109 : memref<1x4x128xi32, #tpu.memory_space<hbm>> -> memref<4x128xi32, #tpu.memory_space<hbm>>
      tpu.wait_dma2 semaphore(%run_scoped3A : memref<!tpu.dma_semaphore, #tpu.memory_space<semaphore_mem>>) src(%dma_wait3A_110 : memref<4x128xi32, #tpu.memory_space<hbm>>) dst(%arg5 : memref<4x128xi32, #tpu.memory_space<vmem>>)
      tpu.yield
    }) : () -> ()
    %dma_start3A = arith.constant 0 : i32
    %dma_start3A_1 = arith.constant 0 : i32
    %dma_start3A_2 = arith.constant 0 : i32
    %dma_start3A_3 = arith.constant 0 : i32
    %dma_start3A_4 = tpu.memref_slice %arg6[%dma_start3A_1, %dma_start3A_2, %dma_start3A_3] : memref<4x128x32xf32, #tpu.memory_space<vmem>> -> memref<1x128x32xf32, #tpu.memory_space<vmem>>
    %dma_start3A_5 = tpu.memref_squeeze %dma_start3A_4 : memref<1x128x32xf32, #tpu.memory_space<vmem>> -> memref<128x32xf32, #tpu.memory_space<vmem>>
    %dma_start3A_6 = arith.constant 0 : i32
    %dma_start3A_7 = tpu.memref_slice %arg5[%dma_start3A, %dma_start3A_6] : memref<4x128xi32, #tpu.memory_space<vmem>> -> memref<1x128xi32, #tpu.memory_space<vmem>>
    %dma_start3A_8 = tpu.memref_squeeze %dma_start3A_7 : memref<1x128xi32, #tpu.memory_space<vmem>> -> memref<128xi32, #tpu.memory_space<vmem>>
    %dma_start3A_9 = arith.constant 0 : i32
    %dma_start3A_10 = arith.constant 0 : i32
    %dma_start3A_11 = tpu.memref_slice %arg3[%dma_start3A_9, %dma_start3A_10] : memref<100001x32xf32, #tpu.memory_space<hbm>> -> memref<100001x32xf32, #tpu.memory_space<hbm>>
    tpu.enqueue_indirect_dma source(%dma_start3A_11 : memref<100001x32xf32, #tpu.memory_space<hbm>>) target(%dma_start3A_5 : memref<128x32xf32, #tpu.memory_space<vmem>>) offsets(%dma_start3A_8 : memref<128xi32, #tpu.memory_space<vmem>>) semaphore(%arg7 : memref<!tpu.dma_semaphore, #tpu.memory_space<semaphore_mem>>)
    %dma_start3A_12 = arith.constant 1 : i32
    %dma_start3A_13 = arith.constant 1 : i32
    %dma_start3A_14 = arith.constant 0 : i32
    %dma_start3A_15 = arith.constant 0 : i32
    %dma_start3A_16 = tpu.memref_slice %arg6[%dma_start3A_13, %dma_start3A_14, %dma_start3A_15] : memref<4x128x32xf32, #tpu.memory_space<vmem>> -> memref<1x128x32xf32, #tpu.memory_space<vmem>>
    %dma_start3A_17 = tpu.memref_squeeze %dma_start3A_16 : memref<1x128x32xf32, #tpu.memory_space<vmem>> -> memref<128x32xf32, #tpu.memory_space<vmem>>
    %dma_start3A_18 = arith.constant 0 : i32
    %dma_start3A_19 = tpu.memref_slice %arg5[%dma_start3A_12, %dma_start3A_18] : memref<4x128xi32, #tpu.memory_space<vmem>> -> memref<1x128xi32, #tpu.memory_space<vmem>>
    %dma_start3A_20 = tpu.memref_squeeze %dma_start3A_19 : memref<1x128xi32, #tpu.memory_space<vmem>> -> memref<128xi32, #tpu.memory_space<vmem>>
    %dma_start3A_21 = arith.constant 0 : i32
    %dma_start3A_22 = arith.constant 0 : i32
    %dma_start3A_23 = tpu.memref_slice %arg3[%dma_start3A_21, %dma_start3A_22] : memref<100001x32xf32, #tpu.memory_space<hbm>> -> memref<100001x32xf32, #tpu.memory_space<hbm>>
    tpu.enqueue_indirect_dma source(%dma_start3A_23 : memref<100001x32xf32, #tpu.memory_space<hbm>>) target(%dma_start3A_17 : memref<128x32xf32, #tpu.memory_space<vmem>>) offsets(%dma_start3A_20 : memref<128xi32, #tpu.memory_space<vmem>>) semaphore(%arg7 : memref<!tpu.dma_semaphore, #tpu.memory_space<semaphore_mem>>)
    %dma_start3A_24 = arith.constant 2 : i32
    %dma_start3A_25 = arith.constant 2 : i32
    %dma_start3A_26 = arith.constant 0 : i32
    %dma_start3A_27 = arith.constant 0 : i32
    %dma_start3A_28 = tpu.memref_slice %arg6[%dma_start3A_25, %dma_start3A_26, %dma_start3A_27] : memref<4x128x32xf32, #tpu.memory_space<vmem>> -> memref<1x128x32xf32, #tpu.memory_space<vmem>>
    %dma_start3A_29 = tpu.memref_squeeze %dma_start3A_28 : memref<1x128x32xf32, #tpu.memory_space<vmem>> -> memref<128x32xf32, #tpu.memory_space<vmem>>
    %dma_start3A_30 = arith.constant 0 : i32
    %dma_start3A_31 = tpu.memref_slice %arg5[%dma_start3A_24, %dma_start3A_30] : memref<4x128xi32, #tpu.memory_space<vmem>> -> memref<1x128xi32, #tpu.memory_space<vmem>>
    %dma_start3A_32 = tpu.memref_squeeze %dma_start3A_31 : memref<1x128xi32, #tpu.memory_space<vmem>> -> memref<128xi32, #tpu.memory_space<vmem>>
    %dma_start3A_33 = arith.constant 0 : i32
    %dma_start3A_34 = arith.constant 0 : i32
    %dma_start3A_35 = tpu.memref_slice %arg3[%dma_start3A_33, %dma_start3A_34] : memref<100001x32xf32, #tpu.memory_space<hbm>> -> memref<100001x32xf32, #tpu.memory_space<hbm>>
    tpu.enqueue_indirect_dma source(%dma_start3A_35 : memref<100001x32xf32, #tpu.memory_space<hbm>>) target(%dma_start3A_29 : memref<128x32xf32, #tpu.memory_space<vmem>>) offsets(%dma_start3A_32 : memref<128xi32, #tpu.memory_space<vmem>>) semaphore(%arg7 : memref<!tpu.dma_semaphore, #tpu.memory_space<semaphore_mem>>)
    %dma_start3A_36 = arith.constant 3 : i32
    %dma_start3A_37 = arith.constant 3 : i32
    %dma_start3A_38 = arith.constant 0 : i32
    %dma_start3A_39 = arith.constant 0 : i32
    %dma_start3A_40 = tpu.memref_slice %arg6[%dma_start3A_37, %dma_start3A_38, %dma_start3A_39] : memref<4x128x32xf32, #tpu.memory_space<vmem>> -> memref<1x128x32xf32, #tpu.memory_space<vmem>>
    %dma_start3A_41 = tpu.memref_squeeze %dma_start3A_40 : memref<1x128x32xf32, #tpu.memory_space<vmem>> -> memref<128x32xf32, #tpu.memory_space<vmem>>
    %dma_start3A_42 = arith.constant 0 : i32
    %dma_start3A_43 = tpu.memref_slice %arg5[%dma_start3A_36, %dma_start3A_42] : memref<4x128xi32, #tpu.memory_space<vmem>> -> memref<1x128xi32, #tpu.memory_space<vmem>>
    %dma_start3A_44 = tpu.memref_squeeze %dma_start3A_43 : memref<1x128xi32, #tpu.memory_space<vmem>> -> memref<128xi32, #tpu.memory_space<vmem>>
    %dma_start3A_45 = arith.constant 0 : i32
    %dma_start3A_46 = arith.constant 0 : i32
    %dma_start3A_47 = tpu.memref_slice %arg3[%dma_start3A_45, %dma_start3A_46] : memref<100001x32xf32, #tpu.memory_space<hbm>> -> memref<100001x32xf32, #tpu.memory_space<hbm>>
    tpu.enqueue_indirect_dma source(%dma_start3A_47 : memref<100001x32xf32, #tpu.memory_space<hbm>>) target(%dma_start3A_41 : memref<128x32xf32, #tpu.memory_space<vmem>>) offsets(%dma_start3A_44 : memref<128xi32, #tpu.memory_space<vmem>>) semaphore(%arg7 : memref<!tpu.dma_semaphore, #tpu.memory_space<semaphore_mem>>)
    %dma_wait3A = arith.constant 0 : i32
    %dma_wait3A_48 = arith.constant 0 : i32
    %dma_wait3A_49 = arith.constant 0 : i32
    %dma_wait3A_50 = arith.constant 0 : i32
    %dma_wait3A_51 = tpu.memref_slice %arg6[%dma_wait3A_48, %dma_wait3A_49, %dma_wait3A_50] : memref<4x128x32xf32, #tpu.memory_space<vmem>> -> memref<1x128x32xf32, #tpu.memory_space<vmem>>
    %dma_wait3A_52 = tpu.memref_squeeze %dma_wait3A_51 : memref<1x128x32xf32, #tpu.memory_space<vmem>> -> memref<128x32xf32, #tpu.memory_space<vmem>>
    %dma_wait3A_53 = arith.constant 0 : i32
    %dma_wait3A_54 = tpu.memref_slice %arg5[%dma_wait3A, %dma_wait3A_53] : memref<4x128xi32, #tpu.memory_space<vmem>> -> memref<1x128xi32, #tpu.memory_space<vmem>>
    %dma_wait3A_55 = tpu.memref_squeeze %dma_wait3A_54 : memref<1x128xi32, #tpu.memory_space<vmem>> -> memref<128xi32, #tpu.memory_space<vmem>>
    %dma_wait3A_56 = arith.constant 0 : i32
    %dma_wait3A_57 = arith.constant 0 : i32
    %dma_wait3A_58 = tpu.memref_slice %arg3[%dma_wait3A_56, %dma_wait3A_57] : memref<100001x32xf32, #tpu.memory_space<hbm>> -> memref<100001x32xf32, #tpu.memory_space<hbm>>
    tpu.wait_indirect_dma semaphore(%arg7 : memref<!tpu.dma_semaphore, #tpu.memory_space<semaphore_mem>>) src(%dma_wait3A_58 : memref<100001x32xf32, #tpu.memory_space<hbm>>) dst(%dma_wait3A_52 : memref<128x32xf32, #tpu.memory_space<vmem>>)
    %dma_wait3A_59 = arith.constant 1 : i32
    %dma_wait3A_60 = arith.constant 1 : i32
    %dma_wait3A_61 = arith.constant 0 : i32
    %dma_wait3A_62 = arith.constant 0 : i32
    %dma_wait3A_63 = tpu.memref_slice %arg6[%dma_wait3A_60, %dma_wait3A_61, %dma_wait3A_62] : memref<4x128x32xf32, #tpu.memory_space<vmem>> -> memref<1x128x32xf32, #tpu.memory_space<vmem>>
    %dma_wait3A_64 = tpu.memref_squeeze %dma_wait3A_63 : memref<1x128x32xf32, #tpu.memory_space<vmem>> -> memref<128x32xf32, #tpu.memory_space<vmem>>
    %dma_wait3A_65 = arith.constant 0 : i32
    %dma_wait3A_66 = tpu.memref_slice %arg5[%dma_wait3A_59, %dma_wait3A_65] : memref<4x128xi32, #tpu.memory_space<vmem>> -> memref<1x128xi32, #tpu.memory_space<vmem>>
    %dma_wait3A_67 = tpu.memref_squeeze %dma_wait3A_66 : memref<1x128xi32, #tpu.memory_space<vmem>> -> memref<128xi32, #tpu.memory_space<vmem>>
    %dma_wait3A_68 = arith.constant 0 : i32
    %dma_wait3A_69 = arith.constant 0 : i32
    %dma_wait3A_70 = tpu.memref_slice %arg3[%dma_wait3A_68, %dma_wait3A_69] : memref<100001x32xf32, #tpu.memory_space<hbm>> -> memref<100001x32xf32, #tpu.memory_space<hbm>>
    tpu.wait_indirect_dma semaphore(%arg7 : memref<!tpu.dma_semaphore, #tpu.memory_space<semaphore_mem>>) src(%dma_wait3A_70 : memref<100001x32xf32, #tpu.memory_space<hbm>>) dst(%dma_wait3A_64 : memref<128x32xf32, #tpu.memory_space<vmem>>)
    %dma_wait3A_71 = arith.constant 2 : i32
    %dma_wait3A_72 = arith.constant 2 : i32
    %dma_wait3A_73 = arith.constant 0 : i32
    %dma_wait3A_74 = arith.constant 0 : i32
    %dma_wait3A_75 = tpu.memref_slice %arg6[%dma_wait3A_72, %dma_wait3A_73, %dma_wait3A_74] : memref<4x128x32xf32, #tpu.memory_space<vmem>> -> memref<1x128x32xf32, #tpu.memory_space<vmem>>
    %dma_wait3A_76 = tpu.memref_squeeze %dma_wait3A_75 : memref<1x128x32xf32, #tpu.memory_space<vmem>> -> memref<128x32xf32, #tpu.memory_space<vmem>>
    %dma_wait3A_77 = arith.constant 0 : i32
    %dma_wait3A_78 = tpu.memref_slice %arg5[%dma_wait3A_71, %dma_wait3A_77] : memref<4x128xi32, #tpu.memory_space<vmem>> -> memref<1x128xi32, #tpu.memory_space<vmem>>
    %dma_wait3A_79 = tpu.memref_squeeze %dma_wait3A_78 : memref<1x128xi32, #tpu.memory_space<vmem>> -> memref<128xi32, #tpu.memory_space<vmem>>
    %dma_wait3A_80 = arith.constant 0 : i32
    %dma_wait3A_81 = arith.constant 0 : i32
    %dma_wait3A_82 = tpu.memref_slice %arg3[%dma_wait3A_80, %dma_wait3A_81] : memref<100001x32xf32, #tpu.memory_space<hbm>> -> memref<100001x32xf32, #tpu.memory_space<hbm>>
    tpu.wait_indirect_dma semaphore(%arg7 : memref<!tpu.dma_semaphore, #tpu.memory_space<semaphore_mem>>) src(%dma_wait3A_82 : memref<100001x32xf32, #tpu.memory_space<hbm>>) dst(%dma_wait3A_76 : memref<128x32xf32, #tpu.memory_space<vmem>>)
    %dma_wait3A_83 = arith.constant 3 : i32
    %dma_wait3A_84 = arith.constant 3 : i32
    %dma_wait3A_85 = arith.constant 0 : i32
    %dma_wait3A_86 = arith.constant 0 : i32
    %dma_wait3A_87 = tpu.memref_slice %arg6[%dma_wait3A_84, %dma_wait3A_85, %dma_wait3A_86] : memref<4x128x32xf32, #tpu.memory_space<vmem>> -> memref<1x128x32xf32, #tpu.memory_space<vmem>>
    %dma_wait3A_88 = tpu.memref_squeeze %dma_wait3A_87 : memref<1x128x32xf32, #tpu.memory_space<vmem>> -> memref<128x32xf32, #tpu.memory_space<vmem>>
    %dma_wait3A_89 = arith.constant 0 : i32
    %dma_wait3A_90 = tpu.memref_slice %arg5[%dma_wait3A_83, %dma_wait3A_89] : memref<4x128xi32, #tpu.memory_space<vmem>> -> memref<1x128xi32, #tpu.memory_space<vmem>>
    %dma_wait3A_91 = tpu.memref_squeeze %dma_wait3A_90 : memref<1x128xi32, #tpu.memory_space<vmem>> -> memref<128xi32, #tpu.memory_space<vmem>>
    %dma_wait3A_92 = arith.constant 0 : i32
    %dma_wait3A_93 = arith.constant 0 : i32
    %dma_wait3A_94 = tpu.memref_slice %arg3[%dma_wait3A_92, %dma_wait3A_93] : memref<100001x32xf32, #tpu.memory_space<hbm>> -> memref<100001x32xf32, #tpu.memory_space<hbm>>
    tpu.wait_indirect_dma semaphore(%arg7 : memref<!tpu.dma_semaphore, #tpu.memory_space<semaphore_mem>>) src(%dma_wait3A_94 : memref<100001x32xf32, #tpu.memory_space<hbm>>) dst(%dma_wait3A_88 : memref<128x32xf32, #tpu.memory_space<vmem>>)
    "tpu.region"() ({
      %run_scoped3A = tpu.sem_alloc : memref<!tpu.dma_semaphore, #tpu.memory_space<semaphore_mem>>
      %dma_start3A_95 = arith.constant 0 : i32
      %dma_start3A_96 = arith.constant 0 : i32
      %dma_start3A_97 = arith.constant 0 : i32
      %dma_start3A_98 = tpu.memref_slice %arg4[%add3A, %dma_start3A_95, %dma_start3A_96, %dma_start3A_97] : memref<32x4x128x32xf32, #tpu.memory_space<hbm>> -> memref<1x4x128x32xf32, #tpu.memory_space<hbm>>
      %dma_start3A_99 = tpu.memref_squeeze %dma_start3A_98 : memref<1x4x128x32xf32, #tpu.memory_space<hbm>> -> memref<4x128x32xf32, #tpu.memory_space<hbm>>
      %dma_start3A_100 = arith.constant 0 : i32
      %dma_start3A_101 = arith.constant 0 : i32
      %dma_start3A_102 = arith.constant 0 : i32
      %dma_start3A_103 = tpu.memref_slice %arg4[%add3A, %dma_start3A_100, %dma_start3A_101, %dma_start3A_102] : memref<32x4x128x32xf32, #tpu.memory_space<hbm>> -> memref<1x4x128x32xf32, #tpu.memory_space<hbm>>
      %dma_start3A_104 = tpu.memref_squeeze %dma_start3A_103 : memref<1x4x128x32xf32, #tpu.memory_space<hbm>> -> memref<4x128x32xf32, #tpu.memory_space<hbm>>
      tpu.enqueue_dma source(%arg6 : memref<4x128x32xf32, #tpu.memory_space<vmem>>) target(%dma_start3A_104 : memref<4x128x32xf32, #tpu.memory_space<hbm>>) target_semaphore(%run_scoped3A : memref<!tpu.dma_semaphore, #tpu.memory_space<semaphore_mem>>)
      %dma_wait3A_105 = arith.constant 0 : i32
      %dma_wait3A_106 = arith.constant 0 : i32
      %dma_wait3A_107 = arith.constant 0 : i32
      %dma_wait3A_108 = tpu.memref_slice %arg4[%add3A, %dma_wait3A_105, %dma_wait3A_106, %dma_wait3A_107] : memref<32x4x128x32xf32, #tpu.memory_space<hbm>> -> memref<1x4x128x32xf32, #tpu.memory_space<hbm>>
      %dma_wait3A_109 = tpu.memref_squeeze %dma_wait3A_108 : memref<1x4x128x32xf32, #tpu.memory_space<hbm>> -> memref<4x128x32xf32, #tpu.memory_space<hbm>>
      %dma_wait3A_110 = arith.constant 0 : i32
      %dma_wait3A_111 = arith.constant 0 : i32
      %dma_wait3A_112 = arith.constant 0 : i32
      %dma_wait3A_113 = tpu.memref_slice %arg4[%add3A, %dma_wait3A_110, %dma_wait3A_111, %dma_wait3A_112] : memref<32x4x128x32xf32, #tpu.memory_space<hbm>> -> memref<1x4x128x32xf32, #tpu.memory_space<hbm>>
      %dma_wait3A_114 = tpu.memref_squeeze %dma_wait3A_113 : memref<1x4x128x32xf32, #tpu.memory_space<hbm>> -> memref<4x128x32xf32, #tpu.memory_space<hbm>>
      tpu.wait_dma2 semaphore(%run_scoped3A : memref<!tpu.dma_semaphore, #tpu.memory_space<semaphore_mem>>) src(%arg6 : memref<4x128x32xf32, #tpu.memory_space<vmem>>) dst(%dma_wait3A_114 : memref<4x128x32xf32, #tpu.memory_space<hbm>>)
      tpu.yield
    }) : () -> ()
    return
  }
}

module attributes {stable_mosaic.version = 14 : i64} {
  func.func @_mlp_body(%arg0: i32, %arg1: memref<16384x32xf32, #tpu.memory_space<vmem>>, %arg2: memref<16384x32xf32, #tpu.memory_space<vmem>>, %arg3: memref<32x32xf32, #tpu.memory_space<vmem>>, %arg4: memref<32x32xf32, #tpu.memory_space<vmem>>, %arg5: memref<1x32xf32, #tpu.memory_space<vmem>>, %arg6: memref<32x16xf32, #tpu.memory_space<vmem>>, %arg7: memref<1x16xf32, #tpu.memory_space<vmem>>, %arg8: memref<16x8xf32, #tpu.memory_space<vmem>>, %arg9: memref<1x8xf32, #tpu.memory_space<vmem>>, %arg10: memref<8x1xf32, #tpu.memory_space<vmem>>, %arg11: memref<1x1xf32, #tpu.memory_space<vmem>>, %arg12: memref<16384x1xf32, #tpu.memory_space<vmem>>) attributes {dimension_semantics = [#tpu.dimension_semantics<arbitrary>], iteration_bounds = array<i64: 1>, scalar_prefetch = 0 : i64, scratch_operands = 0 : i64, tpu.core_type = #tpu.core_type<tc>, window_params = [{transform_indices = @transform_0, window_bounds = array<i64: 16384, 32>}, {transform_indices = @transform_1, window_bounds = array<i64: 16384, 32>}, {pipeline_mode = #tpu.pipeline_mode<synchronous>, transform_indices = @transform_2, window_bounds = array<i64: 32, 32>}, {pipeline_mode = #tpu.pipeline_mode<synchronous>, transform_indices = @transform_3, window_bounds = array<i64: 32, 32>}, {pipeline_mode = #tpu.pipeline_mode<synchronous>, transform_indices = @transform_4, window_bounds = array<i64: 1, 32>}, {pipeline_mode = #tpu.pipeline_mode<synchronous>, transform_indices = @transform_5, window_bounds = array<i64: 32, 16>}, {pipeline_mode = #tpu.pipeline_mode<synchronous>, transform_indices = @transform_6, window_bounds = array<i64: 1, 16>}, {pipeline_mode = #tpu.pipeline_mode<synchronous>, transform_indices = @transform_7, window_bounds = array<i64: 16, 8>}, {pipeline_mode = #tpu.pipeline_mode<synchronous>, transform_indices = @transform_8, window_bounds = array<i64: 1, 8>}, {pipeline_mode = #tpu.pipeline_mode<synchronous>, transform_indices = @transform_9, window_bounds = array<i64: 8, 1>}, {pipeline_mode = #tpu.pipeline_mode<synchronous>, transform_indices = @transform_10, window_bounds = array<i64: 1, 1>}, {transform_indices = @transform_11, window_bounds = array<i64: 16384, 1>}]} {
    %get3A = arith.constant 0 : index
    %get3A_0 = arith.constant 0 : index
    %get3A_1 = vector.load %arg1[%get3A, %get3A_0] : memref<16384x32xf32, #tpu.memory_space<vmem>>, vector<16384x32xf32>
    %get3A_2 = arith.constant 0 : index
    %get3A_3 = arith.constant 0 : index
    %get3A_4 = vector.load %arg3[%get3A_2, %get3A_3] : memref<32x32xf32, #tpu.memory_space<vmem>>, vector<32x32xf32>
    %dot_general3A = arith.constant dense<0.000000e+00> : vector<16384x32xf32>
    %dot_general3A_5 = tpu.matmul %get3A_1, %get3A_4, %dot_general3A {dimension_numbers = #tpu.dot_dimension_numbers<[1], [0], [0], [1], [0, 0, 1, 1], [], []>, transpose_lhs_hint = false} : vector<16384x32xf32>, vector<32x32xf32>, vector<16384x32xf32> -> vector<16384x32xf32>
    %get3A_6 = arith.constant 0 : index
    %get3A_7 = arith.constant 0 : index
    %get3A_8 = vector.load %arg2[%get3A_6, %get3A_7] : memref<16384x32xf32, #tpu.memory_space<vmem>>, vector<16384x32xf32>
    %get3A_9 = arith.constant 0 : index
    %get3A_10 = arith.constant 0 : index
    %get3A_11 = vector.load %arg4[%get3A_9, %get3A_10] : memref<32x32xf32, #tpu.memory_space<vmem>>, vector<32x32xf32>
    %dot_general3A_12 = arith.constant dense<0.000000e+00> : vector<16384x32xf32>
    %dot_general3A_13 = tpu.matmul %get3A_8, %get3A_11, %dot_general3A_12 {dimension_numbers = #tpu.dot_dimension_numbers<[1], [0], [0], [1], [0, 0, 1, 1], [], []>, transpose_lhs_hint = false} : vector<16384x32xf32>, vector<32x32xf32>, vector<16384x32xf32> -> vector<16384x32xf32>
    %add3A = arith.addf %dot_general3A_5, %dot_general3A_13 : vector<16384x32xf32>
    %get3A_14 = arith.constant 0 : index
    %get3A_15 = arith.constant 0 : index
    %get3A_16 = vector.load %arg5[%get3A_14, %get3A_15] : memref<1x32xf32, #tpu.memory_space<vmem>>, vector<1x32xf32>
    %add3A_17 = vector.broadcast %get3A_16 : vector<1x32xf32> to vector<16384x32xf32>
    %add3A_18 = arith.addf %add3A, %add3A_17 : vector<16384x32xf32>
    %max3A = arith.constant 0.000000e+00 : f32
    %max3A_19 = vector.broadcast %max3A : f32 to vector<16384x32xf32>
    %max3A_20 = arith.maximumf %add3A_18, %max3A_19 : vector<16384x32xf32>
    %get3A_21 = arith.constant 0 : index
    %get3A_22 = arith.constant 0 : index
    %get3A_23 = vector.load %arg6[%get3A_21, %get3A_22] : memref<32x16xf32, #tpu.memory_space<vmem>>, vector<32x16xf32>
    %dot_general3A_24 = arith.constant dense<0.000000e+00> : vector<16384x16xf32>
    %dot_general3A_25 = tpu.matmul %max3A_20, %get3A_23, %dot_general3A_24 {dimension_numbers = #tpu.dot_dimension_numbers<[1], [0], [0], [1], [0, 0, 1, 1], [], []>, transpose_lhs_hint = false} : vector<16384x32xf32>, vector<32x16xf32>, vector<16384x16xf32> -> vector<16384x16xf32>
    %get3A_26 = arith.constant 0 : index
    %get3A_27 = arith.constant 0 : index
    %get3A_28 = vector.load %arg7[%get3A_26, %get3A_27] : memref<1x16xf32, #tpu.memory_space<vmem>>, vector<1x16xf32>
    %add3A_29 = vector.broadcast %get3A_28 : vector<1x16xf32> to vector<16384x16xf32>
    %add3A_30 = arith.addf %dot_general3A_25, %add3A_29 : vector<16384x16xf32>
    %max3A_31 = arith.constant 0.000000e+00 : f32
    %max3A_32 = vector.broadcast %max3A_31 : f32 to vector<16384x16xf32>
    %max3A_33 = arith.maximumf %add3A_30, %max3A_32 : vector<16384x16xf32>
    %get3A_34 = arith.constant 0 : index
    %get3A_35 = arith.constant 0 : index
    %get3A_36 = vector.load %arg8[%get3A_34, %get3A_35] : memref<16x8xf32, #tpu.memory_space<vmem>>, vector<16x8xf32>
    %dot_general3A_37 = arith.constant dense<0.000000e+00> : vector<16384x8xf32>
    %dot_general3A_38 = tpu.matmul %max3A_33, %get3A_36, %dot_general3A_37 {dimension_numbers = #tpu.dot_dimension_numbers<[1], [0], [0], [1], [0, 0, 1, 1], [], []>, transpose_lhs_hint = false} : vector<16384x16xf32>, vector<16x8xf32>, vector<16384x8xf32> -> vector<16384x8xf32>
    %get3A_39 = arith.constant 0 : index
    %get3A_40 = arith.constant 0 : index
    %get3A_41 = vector.load %arg9[%get3A_39, %get3A_40] : memref<1x8xf32, #tpu.memory_space<vmem>>, vector<1x8xf32>
    %add3A_42 = vector.broadcast %get3A_41 : vector<1x8xf32> to vector<16384x8xf32>
    %add3A_43 = arith.addf %dot_general3A_38, %add3A_42 : vector<16384x8xf32>
    %max3A_44 = arith.constant 0.000000e+00 : f32
    %max3A_45 = vector.broadcast %max3A_44 : f32 to vector<16384x8xf32>
    %max3A_46 = arith.maximumf %add3A_43, %max3A_45 : vector<16384x8xf32>
    %get3A_47 = arith.constant 0 : index
    %get3A_48 = arith.constant 0 : index
    %get3A_49 = vector.load %arg10[%get3A_47, %get3A_48] : memref<8x1xf32, #tpu.memory_space<vmem>>, vector<8x1xf32>
    %dot_general3A_50 = arith.constant dense<0.000000e+00> : vector<16384x1xf32>
    %dot_general3A_51 = tpu.matmul %max3A_46, %get3A_49, %dot_general3A_50 {dimension_numbers = #tpu.dot_dimension_numbers<[1], [0], [0], [1], [0, 0, 1, 1], [], []>, transpose_lhs_hint = false} : vector<16384x8xf32>, vector<8x1xf32>, vector<16384x1xf32> -> vector<16384x1xf32>
    %get3A_52 = arith.constant 0 : index
    %get3A_53 = arith.constant 0 : index
    %get3A_54 = vector.load %arg11[%get3A_52, %get3A_53] : memref<1x1xf32, #tpu.memory_space<vmem>>, vector<1x1xf32>
    %add3A_55 = vector.broadcast %get3A_54 : vector<1x1xf32> to vector<16384x1xf32>
    %add3A_56 = arith.addf %dot_general3A_51, %add3A_55 : vector<16384x1xf32>
    %swap3A = arith.constant 0 : index
    %swap3A_57 = arith.constant 0 : index
    %swap3A_58 = vector.load %arg12[%swap3A, %swap3A_57] : memref<16384x1xf32, #tpu.memory_space<vmem>>, vector<16384x1xf32>
    tpu.vector_store %arg12[%swap3A, %swap3A_57], %add3A_56 {strides = array<i32>} : memref<16384x1xf32, #tpu.memory_space<vmem>>, vector<16384x1xf32>,
    return
  }
  func.func @transform_0(%arg0: i32) -> (i32, i32) {
    %c0_i32 = arith.constant 0 : i32
    %c0_i32_0 = arith.constant 0 : i32
    return %arg0, %c0_i32 : i32, i32
  }
  func.func @transform_1(%arg0: i32) -> (i32, i32) {
    %c0_i32 = arith.constant 0 : i32
    %c0_i32_0 = arith.constant 0 : i32
    return %arg0, %c0_i32 : i32, i32
  }
  func.func @transform_2(%arg0: i32) -> (i32, i32) {
    %c0_i32 = arith.constant 0 : i32
    %c0_i32_0 = arith.constant 0 : i32
    %c0_i32_1 = arith.constant 0 : i32
    return %c0_i32, %c0_i32_0 : i32, i32
  }
  func.func @transform_3(%arg0: i32) -> (i32, i32) {
    %c0_i32 = arith.constant 0 : i32
    %c0_i32_0 = arith.constant 0 : i32
    %c0_i32_1 = arith.constant 0 : i32
    return %c0_i32, %c0_i32_0 : i32, i32
  }
  func.func @transform_4(%arg0: i32) -> (i32, i32) {
    %c0_i32 = arith.constant 0 : i32
    %c0_i32_0 = arith.constant 0 : i32
    %c0_i32_1 = arith.constant 0 : i32
    return %c0_i32, %c0_i32_0 : i32, i32
  }
  func.func @transform_5(%arg0: i32) -> (i32, i32) {
    %c0_i32 = arith.constant 0 : i32
    %c0_i32_0 = arith.constant 0 : i32
    %c0_i32_1 = arith.constant 0 : i32
    return %c0_i32, %c0_i32_0 : i32, i32
  }
  func.func @transform_6(%arg0: i32) -> (i32, i32) {
    %c0_i32 = arith.constant 0 : i32
    %c0_i32_0 = arith.constant 0 : i32
    %c0_i32_1 = arith.constant 0 : i32
    return %c0_i32, %c0_i32_0 : i32, i32
  }
  func.func @transform_7(%arg0: i32) -> (i32, i32) {
    %c0_i32 = arith.constant 0 : i32
    %c0_i32_0 = arith.constant 0 : i32
    %c0_i32_1 = arith.constant 0 : i32
    return %c0_i32, %c0_i32_0 : i32, i32
  }
  func.func @transform_8(%arg0: i32) -> (i32, i32) {
    %c0_i32 = arith.constant 0 : i32
    %c0_i32_0 = arith.constant 0 : i32
    %c0_i32_1 = arith.constant 0 : i32
    return %c0_i32, %c0_i32_0 : i32, i32
  }
  func.func @transform_9(%arg0: i32) -> (i32, i32) {
    %c0_i32 = arith.constant 0 : i32
    %c0_i32_0 = arith.constant 0 : i32
    %c0_i32_1 = arith.constant 0 : i32
    return %c0_i32, %c0_i32_0 : i32, i32
  }
  func.func @transform_10(%arg0: i32) -> (i32, i32) {
    %c0_i32 = arith.constant 0 : i32
    %c0_i32_0 = arith.constant 0 : i32
    %c0_i32_1 = arith.constant 0 : i32
    return %c0_i32, %c0_i32_0 : i32, i32
  }
  func.func @transform_11(%arg0: i32) -> (i32, i32) {
    %c0_i32 = arith.constant 0 : i32
    %c0_i32_0 = arith.constant 0 : i32
    return %arg0, %c0_i32 : i32, i32
  }
}

</mosaic_0001>

<sc_bundles>
// kernel: kernel.5.cloned.1.call-start
scs
__scs_entry_jumppad:
0x0: {  	(pc) =	sbr.rel $0x88, $3  }
0x1: {  	(tag) =	ssettag $0x0;
	lr =	simm.s32 $0x1  }
0x2: {  	[smem:$0x3F95] =	sst lr;
	_ =	strace $0xD0000000  }
0x3: {  	_ = 	snop  }
0x4: {  	_ = 	snop  }
0x5: {  	_ = 	snop  }
0x6: {  	_ = 	snop  }
0x7: {  	_ = 	snop  }
__scs_overlays_trampoline_lowered:
0x8: {  	[smem:$0x3FA4] =	sst s0  }
0x9: {  	[smem:$0x3FA5] =	sst s1  }
0xa: {  	[smem:$0x3FA6] =	sst s2  }
0xb: {  	[smem:$0x3FA7] =	sst s3  }
0xc: {  	[smem:$0x3FA8] =	sst s4  }
0xd: {  	[smem:$0x3FA9] =	sst s5  }
0xe: {  	[smem:$0x3FAA] =	sst s6  }
0xf: {  	[smem:$0x3FAB] =	sst s7  }
0x10: {  	[smem:$0x3FAC] =	sst s8  }
0x11: {  	[smem:$0x3FAD] =	sst s9;
	s0 =	simm.s32 @!p0 $0x0  }
0x12: {  	s1 =	sld [smem:$0x3F93];
	s0 =	simm.s32 @p0 $0x1  }
0x13: {  	[smem:$0x3FAE] =	sst s0;
	s0 =	simm.s32 @!p1 $0x0  }
0x14: {  	s2 =	sld [smem:$0x3F92];
	s0 =	simm.s32 @p1 $0x1  }
0x15: {  	[smem:$0x3FAF] =	sst s0;
	s0 =	simm.s32 @!p2 $0x0  }
0x16: {  	s3 =	sld [smem:$0x3FDB];
	s0 =	simm.s32 @p2 $0x1  }
0x17: {  	s4 =	simm.s32 $0x1BF5;
	[smem:$0x3FB1] =	sst s0  }
0x18: {  	s0 =	sld [smem:$0x3F94];
	_ =	swait.ge [sflag:s4], $0x0  }
0x19: {  	s7 =	sld [smem:$0x3F95]  }
0x1a: {  	s8 =	sadd.s32 $0xFFFFE003, lr  }
0x1b: {  	s9 =	sadd.s32 $0xFFFFFEF7, lr;
	s5 =	simm.s32 $0xFFFFFFFF;
	p2 =	slt.u32 s8, $0xFFFFF086  }
0x1c: {  	p1 =	slt.u32 s9, $0xF7A;
	s5 =	simm.s32 @!p2 $0x0  }
0x1d: {  	s5 =	simm.s32 @p1 $0x1;
	p0 =	seq.s32 s7, s2  }
0x1e: {  	s7 =	smul.u32 @!p0 $0xF7A, s2;
	p2 =	seq.s32 @!p0 s5, $0x0  }
0x1f: {  	s9 =	smul.u32 $0xF7A, s1;
	s8 =	simm.s32 @!p0 $0x1BF5;
	p2 =	por !p2, p0  }
0x20: {  	[sflag:s8] =	ssyncset.s32 @!p0 $0xFFFFF086;
	s6 =	sadd.s32 @!p0 s3, s7;
	s7 =	simm.s32 @!p0 $0x108  }
0x21: {  	s3 =	sadd.s32 s3, s9;
	s6 =	sadd.s32 @!p0 $0x88, s6;
	s7 =	simm.s32 @p2 $0x1082  }
0x22: {  	[simem:s7], [sflag:s8] =	dma.local @!p0 [hbm:s6], $0xF7A  }
0x23: {  	s9 =	sor.u32 $0xD0000000, s2;
	s6 =	simm.s32 $0x108;
	_ =	swait.ge @!p0 [sflag:s8], $0x0  }
0x24: {  	s3 =	sadd.s32 $0x88, s3;
	s6 =	simm.s32 @!p1 $0x1082;
	[sflag:s4] =	ssyncset.s32 $0xFFFFF086  }
0x25: {  	[simem:s6], [sflag:s4] =	dma.local [hbm:s3], $0xF7A  }
0x26: {  	[smem:$0x3F95] =	sst s1;
	(tag) =	ssettag s2;
	_ =	strace s9  }
0x27: {  	s1 =	sld [smem:$0x3FA5]  }
0x28: {  	s2 =	sld [smem:$0x3FA6]  }
0x29: {  	s4 =	sld [smem:$0x3FA8]  }
0x2a: {  	p0 =	seq.s32 s5, $0x0;
	s5 =	sld [smem:$0x3FA9]  }
0x2b: {  	s6 =	sld [smem:$0x3FAA]  }
0x2c: {  	s7 =	sld [smem:$0x3FAB]  }
0x2d: {  	s3 =	simm.s32 $0x108;
	s8 =	sld [smem:$0x3FAC]  }
0x2e: {  	s3 =	simm.s32 @!p0 $0x1082;
	s9 =	sld [smem:$0x3FAD]  }
0x2f: {  	lr =	sadd.s32 s0, s3;
	s0 =	sld [smem:$0x3FA4]  }
0x30: {  	s3 =	sld [smem:$0x3FA7]  }
0x31: {  	[smem:$0x3FB0] =	sst s10  }
0x32: {  	s10 =	sld [smem:$0x3FAE];
	_ =	sdelay $0x3  }
0x33: {  	p0 =	seq.s32 s10, $0x1;
	s10 =	sld [smem:$0x3FB0];
	_ =	sdelay $0x3  }
0x34: {  	[smem:$0x3FB0] =	sst s10  }
0x35: {  	s10 =	sld [smem:$0x3FAF];
	_ =	sdelay $0x3  }
0x36: {  	p1 =	seq.s32 s10, $0x1;
	s10 =	sld [smem:$0x3FB0];
	_ =	sdelay $0x3  }
0x37: {  	[smem:$0x3FB0] =	sst s10  }
0x38: {  	s10 =	sld [smem:$0x3FB1]  }
0x39: {  	_ = 	snop;
	(pc) =	sbr.ind lr, $3  }
0x3a: {  	_ = 	snop  }
0x3b: {  	_ = 	snop  }
0x3c: {  	p2 =	seq.s32 s10, $0x1;
	s10 =	sld [smem:$0x3FB0]  }
0x3d: {  	_ =	shalt  }
0x3e: {  	_ =	shalt  }
0x3f: {  	_ =	shalt  }
0x40: {  	_ =	shalt  }
0x41: {  	_ =	shalt  }
0x42: {  	_ =	shalt  }
0x43: {  	_ =	shalt  }
0x44: {  	_ =	shalt  }
0x45: {  	_ =	shalt  }
0x46: {  	_ =	shalt  }
0x47: {  	_ =	shalt  }
0x48: {  	_ =	shalt  }
0x49: {  	_ =	shalt  }
0x4a: {  	_ =	shalt  }
0x4b: {  	_ =	shalt  }
0x4c: {  	_ =	shalt  }
0x4d: {  	_ =	shalt  }
0x4e: {  	_ =	shalt  }
0x4f: {  	_ =	shalt  }
0x50: {  	_ =	shalt  }
0x51: {  	_ =	shalt  }
0x52: {  	_ =	shalt  }
0x53: {  	_ =	shalt  }
0x54: {  	_ =	shalt  }
0x55: {  	_ =	shalt  }
0x56: {  	_ =	shalt  }
0x57: {  	_ =	shalt  }
0x58: {  	_ =	shalt  }
0x59: {  	_ =	shalt  }
0x5a: {  	_ =	shalt  }
0x5b: {  	_ =	shalt  }
0x5c: {  	_ =	shalt  }
0x5d: {  	_ =	shalt  }
0x5e: {  	_ =	shalt  }
0x5f: {  	_ =	shalt  }
0x60: {  	_ =	shalt  }
0x61: {  	_ =	shalt  }
0x62: {  	_ =	shalt  }
0x63: {  	_ =	shalt  }
0x64: {  	_ =	shalt  }
0x65: {  	_ =	shalt  }
0x66: {  	_ =	shalt  }
0x67: {  	_ =	shalt  }
0x68: {  	_ =	shalt  }
0x69: {  	_ =	shalt  }
0x6a: {  	_ =	shalt  }
0x6b: {  	_ =	shalt  }
0x6c: {  	_ =	shalt  }
0x6d: {  	_ =	shalt  }
0x6e: {  	_ =	shalt  }
0x6f: {  	_ =	shalt  }
0x70: {  	_ =	shalt  }
0x71: {  	_ =	shalt  }
0x72: {  	_ =	shalt  }
0x73: {  	_ =	shalt  }
0x74: {  	_ =	shalt  }
0x75: {  	_ =	shalt  }
0x76: {  	_ =	shalt  }
0x77: {  	_ =	shalt  }
0x78: {  	_ =	shalt  }
0x79: {  	_ =	shalt  }
0x7a: {  	_ =	shalt  }
0x7b: {  	_ =	shalt  }
0x7c: {  	_ =	shalt  }
0x7d: {  	_ =	shalt  }
0x7e: {  	_ =	shalt  }
0x7f: {  	_ =	shalt  }
0x80: {  	_ =	shalt  }
0x81: {  	_ =	shalt  }
0x82: {  	_ =	shalt  }
0x83: {  	_ =	shalt  }
0x84: {  	_ =	shalt  }
0x85: {  	_ =	shalt  }
0x86: {  	_ =	shalt  }
0x87: {  	_ =	shalt  }
.Lfunc_end0:
.L_simem_size_0:
called_computation_lowered:
.L_overlay_start_0:
0x88: {  	s2 =	sld [smem:$0x3FD9]  }
0x89: {  	s3 =	sld [smem:$0x3FFE];
	_ =	sdelay $0x1  }
0x8a: {  	s1 =	srdreg.scid  }
0x8b: {  	s0 =	sand.u32 $0x1, s1  }
0x8c: {  	s17 =	sshll.u32 s0, $0xA;
	s2 =	sadd.s32 s3, s2  }
0x8d: {  	s2 =	sadd.s32 s2, s17  }
0x8e: {  	[smem:$0x3FBC] =	sst s2  }
0x8f: {  	_ = 	snop  }
0x90: {  	s18 =	sld [smem:$0x3FC9]  }
0x91: {  	s4 =	sld [smem:$0x3FC7];
	(tm) =	ssettm $0x1  }
0x92: {  	s19 =	sld [smem:$0x3FFB];
	_ =	sdelay $0x3  }
0x93: {  	_ =	strace s19  }
0x94: {  	s2 =	sld [smem:$0x3FFC];
	_ =	sdelay $0x3  }
0x95: {  	_ =	strace s2  }
0x96: {  	s2 =	sld [smem:$0x3FFD];
	_ =	sdelay $0x3  }
0x97: {  	_ =	strace s2  }
0x98: {  	_ =	strace $0x8FFFFFFF  }
0x99: {  	s20 =	sld [smem:$0x3FDB];
	_ =	sdelay $0x1  }
0x9a: {  	s5 =	simm.s32 $_scs_section_size  }
0x9b: {  	s6 =	simm.s32 $_size__tile_overlayer_lowered;
	s7 =	simm.s32 $_tile_overlayer_lowered  }
0x9c: {  	s8 =	simm.s32 $0x1BFF;
	s21 =	sshll.u32 s7, $0x1;
	s5 =	sadd.s32 s5, s20  }
0x9d: {  	s22 =	simm.s32 $0x0;
	s6 =	sshll.u32 s6, $0x1;
	s7 =	sadd.s32 s21, s5  }
0x9e: {  	[timem:s22], [sflag:s8] =	dma.local [hbm:s7], s6  }
0x9f: {  	_ =	swait.ge [sflag:s8], s6  }
0xa0: {  	s6 =	ssub.s32 $0x0, s6;
	[sflag:s8] =	ssyncset.done $0x0  }
0xa1: {  	[sflag:s8] =	ssyncadd.s32 s6;
	_ =	sdelay $0x1  }
0xa2: {  	s23 =	simm.s32 $0x1B8B  }
0xa3: {  	_ =	swait.ge [sflag:s23], $0x1  }
0xa4: {  	[sflag:s23] =	ssyncset.done $0x0  }
0xa5: {  	[sflag:s23] =	ssyncadd.s32 $0xFFFFFFFF  }
0xa6: {  	s6 =	sld [smem:$0x0]  }
0xa7: {  	s7 =	sand.u32 $0xFFFFFFFE, s1  }
0xa8: {  	p0 =	sne.s32 s1, s7  }
0xa9: {  	s7 =	sshll.u32 @p0 s7, $0xE  }
0xaa: {  	s7 =	sadd.s32 @p0 $0x11B8D, s7;
	s8 =	sshll.u32 @p0 s6, $0x11  }
0xab: {  	s7 =	sor.u32 @p0 s8, s7  }
0xac: {  	[sflag:s7] =	ssyncadd.remote.s32 @p0 $0x1;
	_ =	sdelay $0x1  }
0xad: {  	s7 =	simm.s32 @p0 $0x1B8D  }
0xae: {  	_ =	swait.eq @p0 [sflag:s7], $0x1  }
0xaf: {  	[sflag:s7] =	ssyncadd.s32 @p0 $0xFFFFFFFF  }
0xb0: {  	s8 =	sshll.u32 @!p0 s1, $0xE  }
0xb1: {  	s8 =	sor.u32 @!p0 $0x4000, s8;
	s7 =	simm.s32 @!p0 $0x1B8D  }
0xb2: {  	s6 =	sshll.u32 @!p0 s6, $0x11;
	s8 =	sadd.s32 @!p0 $0x11B8D, s8;
	_ =	swait.eq @!p0 [sflag:s7], $0x1  }
0xb3: {  	s6 =	sor.u32 @!p0 s6, s8;
	[sflag:s7] =	ssyncadd.s32 @!p0 $0xFFFFFFFF  }
0xb4: {  	s25 =	simm.s32 $0x1B8E;
	s24 =	sld [smem:$0x3FFE];
	[sflag:s6] =	ssyncadd.remote.s32 @!p0 $0x1  }
0xb5: {  	s26 =	simm.s32 $execute0_lowered;
	[smem:$0x3FD2] =	sst s25  }
0xb6: {  	s7 =	sshll.u32 s26, $0x1;
	_ =	strace $0x80000049;
	[dreg:$0x1] =	wrdreg $0xFFFFFFFF  }
0xb7: {  	s28 =	simm.s32 $_size_execute0_lowered;
	s5 =	sadd.s32 s5, s7;
	[dreg:$0x0] =	wrdreg $0x0  }
0xb8: {  	s7 =	sshll.u32 s28, $0x1;
	[dreg:$0x2] =	wrdreg s5  }
0xb9: {  	[dreg:$0x3] =	wrdreg s7  }
0xba: {  	[dreg:$0x4] =	wrdreg $0xC0  }
0xbb: {  	_ =	task [dreg:s22], $0x5FFFF  }
0xbc: {  	[dreg:$0x1] =	wrdreg $0xFFFFFFFF  }
0xbd: {  	[dreg:$0x0] =	wrdreg $0x60  }
0xbe: {  	[dreg:$0x2] =	wrdreg s18  }
0xbf: {  	[dreg:$0x3] =	wrdreg s4  }
0xc0: {  	[dreg:$0x4] =	wrdreg s24  }
0xc1: {  	[dreg:$0x5] =	wrdreg $0x9  }
0xc2: {  	_ =	task.clear_ibuf [dreg:s22], $0x6FFFF;
	_ =	strace $0x90000049  }
0xc3: {  	s29 =	simm.s32 $0x9;
	_ =	strace $0x8000004B  }
0xc4: {  	_ =	swait.ge [sflag:s29], $0x1  }
0xc5: {  	[sflag:s29] =	ssyncadd.s32 $0xFFFFFFFF  }
0xc6: {  	_ =	strace $0x9000004B  }
0xc7: {  	_ =	sfence  }
0xc8: {  	s30 =	sld [smem:$0x0];
	_ =	sdelay $0x2  }
0xc9: {  	s31 =	sshll.u32 s1, $0xD;
	s1 =	sshrl.u32 s1, $0x2  }
0xca: {  	s4 =	sand.u32 $0x4000, s31;
	s1 =	sadd.s32 s1, s30  }
0xcb: {  	s0 =	sor.u32 s4, s0;
	s1 =	sshll.u32 s1, $0x11  }
0xcc: {  	s0 =	sor.u32 s1, s0  }
0xcd: {  	s0 =	sadd.s32 $0x8F2B, s0  }
0xce: {  	[sflag:s0] =	ssyncadd.remote.s32 $0x1  }
0xcf: {  	_ =	sfence.sel $0xFFFF  }
0xd0: {  	[dreg:$0x0] =	wrdreg $0xFFFFFFFF;
	(pc) =	sbr.abs _section_cstart, $3  }
0xd1: {  	[dreg:$0x1] =	wrdreg $0xFFFFFFFF  }
0xd2: {  	_ =	task.clear_ibuf [dreg:s22], $0x2FFFF;
	_ =	strace $0x9FFFFFFF  }
0xd3: {  	(tm) =	ssettm $0x7FFFFFFF  }
tec
execute0_lowered:
.L_overlay_start_1:
0x0: {  	(tag) =	ssettag $0x1  }
0x1: {  	s0 =	rddreg [dreg:$0x0]  }
0x2: {  	s1 =	rddreg [dreg:$0x1];
	v0 =	vlaneseq.u32  }
0x3: {  	s2 =	rddreg [dreg:$0x2];
	s4 =	simm.s32 $0x0;
	s5 =	stileid.u32;
	v1 =	vmul.u32 $0x80, v0;
	v3 =	vor.u32 $0x10, v0;
	v4 =	vor.u32 $0x20, v0  }
0x4: {  	s3 =	srdreg.scid;
	s19 =	simm.s32 $0x4;
	s9 =	simm.s32 $0x7A1400;
	v5 =	vor.u32 $0x30, v0;
	v6 =	vor.u32 $0x40, v0;
	v7 =	vor.u32 $0x50, v0  }
0x5: {  	s8 =	simm.s32 $0x400;
	s20 =	simm.s32 $0x280;
	s21 =	simm.s32 $0x1280;
	v8 =	vor.u32 $0x60, v0;
	v9 =	vor.u32 $0x70, v0;
	v10 =	vor.u32 $0x3C00, v0  }
0x6: {  	s11 =	simm.s32 $0x2280;
	s13 =	simm.s32 $0x3280;
	s22 =	simm.s32 $0x4280;
	v11 =	vor.u32 $0x3C10, v0;
	v12 =	vor.u32 $0x3C20, v0;
	v13 =	vor.u32 $0x3C30, v0  }
0x7: {  	s16 =	simm.s32 $0x6280;
	s17 =	simm.s32 $0x7280;
	s12 =	simm.s32 $0xB280;
	v14 =	vor.u32 $0x3C40, v0;
	v15 =	vor.u32 $0x3C50, v0;
	v16 =	vor.u32 $0x3C60, v0  }
0x8: {  	s28 =	simm.s32 $0xC280;
	s14 =	simm.s32 $0xE280;
	s15 =	simm.s32 $0xF280;
	v17 =	vor.u32 $0x3C70, v0;
	v18 =	vor.u32 $0x3C80, v0;
	v19 =	vor.u32 $0x3C90, v0  }
0x9: {  	s29 =	simm.s32 $0x10280;
	s30 =	simm.s32 $0x13280;
	s31 =	simm.s32 $0x14280;
	v20 =	vor.u32 $0x3CA0, v0;
	v21 =	vor.u32 $0x3CB0, v0;
	v22 =	vor.u32 $0x3CC0, v0  }
0xa: {  	s7 =	simm.s32 $0x3;
	s18 =	simm.s32 $0x0;
	[smem:$0x7FF] =	sst s4;
	v23 =	vor.u32 $0x3CD0, v0;
	v24 =	vor.u32 $0x3CE0, v0;
	v25 =	vor.u32 $0x3CF0, v0  }
0xb: {  	s3 =	sand.u32 $0x1, s3;
	s23 =	sshll.u32 s5, $0x1;
	s5 =	sshll.u32 s5, $0xC;
	v26 =	vor.u32 $0x3D00, v0;
	v27 =	vor.u32 $0x3D10, v0;
	v28 =	vor.u32 $0x3D20, v0  }
0xc: {  	v29 =	vor.u32 $0x3D30, v0;
	v30 =	vor.u32 $0x3D40, v0;
	v31 =	vor.u32 $0x3D50, v0;
	_ =	strace $0x8000004A;
	s4 =	sor.u32 s3, s23;
	s5 =	sand.u32 $0xC000, s5  }
0xd: {  	v32 =	vor.u32 $0x3D60, v0;
	v33 =	vor.u32 $0x3D70, v0;
	v34 =	vor.u32 $0x3D80, v0;
	s3 =	ssub.s32 $0x2, s3;
	s23 =	simm.s32 $0x5280;
	s6 =	sshll.u32 s4, $0x4  }
0xe: {  	v35 =	vor.u32 $0x3D90, v0;
	v36 =	vor.u32 $0x3DA0, v0;
	v37 =	vor.u32 $0x3DB0, v0;
	s2 =	sadd.s32 s5, s2;
	s24 =	sshrl.u32 s3, $0x1;
	s4 =	sshll.u32 s4, $0x6  }
0xf: {  	v38 =	vor.u32 $0x3DC0, v0;
	v39 =	vor.u32 $0x3DD0, v0;
	v40 =	vor.u32 $0x3DE0, v0;
	s5 =	simm.s32 $0x18280;
	s6 =	sand.u32 $0x70, s6;
	s3 =	ssub.s32 s3, s24  }
0x10: {  	v41 =	vor.u32 $0x3DF0, v0;
	v42 =	vor.u32 $0x3E00, v0;
	v43 =	vor.u32 $0x3E10, v0;
	s0 =	sadd.s32 s0, s4;
	s24 =	simm.s32 $0x11280;
	s4 =	simm.s32 $0x1  }
0x11: {  	v44 =	vor.u32 $0x3E20, v0;
	v45 =	vor.u32 $0x3E30, v0;
	v46 =	vor.u32 $0x3E40, v0;
	s2 =	sadd.s32 s6, s2;
	[dreg:$0x4] =	wrdreg s0;
	s26 =	smax.u32 s3, $0x1  }
0x12: {  	v47 =	vor.u32 $0x3E50, v0;
	v48 =	vor.u32 $0x3E60, v0;
	v49 =	vor.u32 $0x3E70, v0;
	s0 =	simm.s32 $0x15280;
	s3 =	simm.s32 $0x17280;
	s6 =	simm.s32 $0x2  }
0x13: {  	v50 =	vor.u32 $0x3E80, v0;
	v51 =	vor.u32 $0x3E90, v0;
	v52 =	vor.u32 $0x3EA0, v0;
	s25 =	sadd.s32 $0x12800, s2;
	[dreg:$0x6] =	wrdreg s26;
	s26 =	simm.s32 $0xD280  }
0x14: {  	v53 =	vor.u32 $0x3EB0, v0;
	v54 =	vor.u32 $0x3EC0, v0;
	v2 =	vor.u32 $0x800, v1;
	s2 =	simm.s32 $0x16280;
	[dreg:$0x5] =	wrdreg s25;
	s25 =	simm.s32 $0x12280  }
.LBB2_1:
0x15: {  	[dreg:$0x7] =	wrdreg s18  }
0x16: {  	s10 =	simm.s32 $0x0;
	s18 =	rddreg [dreg:$0x4]  }
0x17: {  	[tilespmem:s10], [sflag:$0x4] =	stream.linear.gather [hbm4b:s18+s10], $0x200, $0x38;
	[tilespmem:$0x1C280] =	vst v63  }
0x18: {  	_ =	swait.ge [sflag:s19], $0x200  }
0x19: {  	[sflag:s19] =	ssyncset.done $0x0  }
0x1a: {  	[sflag:s19] =	ssyncadd.s32 $0xFFFFFE00  }
0x1b: {  	v55 =	vld [tilespmem:$0x0];
	_ =	sdelay $0x4  }
0x1c: {  	(v2sf) =	vpush v55, $0x2  }
0x1d: {  	(v2sf) =	vpush v55, $0x3  }
0x1e: {  	(v2sf) =	vpush v55, $0x4  }
0x1f: {  	(v2sf) =	vpush v55, $0x5  }
0x20: {  	(v2sf) =	vpush v55, $0x6  }
0x21: {  	(v2sf) =	vpush v55, $0x7  }
0x22: {  	(v2sf) =	vpush v55, $0x0;
	_ =	sdelay $0x3  }
0x23: {  	(v2sf) =	vpush v55, $0x1;
	_ =	sdelay $0x4  }
0x24: {  	s18 =	spop (v2sf)  }
0x25: {  	s19 =	spop (v2sf)  }
0x26: {  	[dreg:$0xb] =	wrdreg s19;
	s19 =	spop (v2sf)  }
0x27: {  	[dreg:$0xa] =	wrdreg s19;
	s19 =	spop (v2sf)  }
0x28: {  	[dreg:$0x9] =	wrdreg s19;
	s19 =	spop (v2sf)  }
0x29: {  	s10 =	spop (v2sf)  }
0x2a: {  	[dreg:$0x8] =	wrdreg s19;
	s19 =	spop (v2sf)  }
0x2b: {  	s19 =	sand.u32 $0xFFFFF80, s19  }
0x2c: {  	s19 =	sadd.s32 s1, s19  }
0x2d: {  	[tilespmem:s20], [sflag:$0x1] =	stream.strided.gather [hbm4b:s19+s8], $0x1000, s9, s8, $0x38;
	[tilespmem:$0x1C280] =	vst v63  }
0x2e: {  	s20 =	spop (v2sf)  }
0x2f: {  	s19 =	sand.u32 $0xFFFFF80, s20  }
0x30: {  	s19 =	sadd.s32 s1, s19  }
0x31: {  	[tilespmem:s21], [sflag:$0x1] =	stream.strided.gather [hbm4b:s19+s8], $0x1000, s9, s8, $0x38;
	[tilespmem:$0x1C280] =	vst v63  }
0x32: {  	s18 =	sand.u32 $0xFFFFF80, s18;
	s19 =	rddreg [dreg:$0xb]  }
0x33: {  	s18 =	sadd.s32 s1, s18;
	s20 =	sand.u32 $0xFFFFF80, s19  }
0x34: {  	[tilespmem:s11], [sflag:$0x1] =	stream.strided.gather [hbm4b:s18+s8], $0x1000, s9, s8, $0x38;
	[tilespmem:$0x1C280] =	vst v63  }
0x35: {  	s21 =	rddreg [dreg:$0xa];
	s18 =	sadd.s32 s1, s20  }
0x36: {  	[tilespmem:s13], [sflag:$0x1] =	stream.strided.gather [hbm4b:s18+s8], $0x1000, s9, s8, $0x38;
	[tilespmem:$0x1C280] =	vst v63  }
0x37: {  	s19 =	rddreg [dreg:$0x9];
	s13 =	sand.u32 $0xFFFFF80, s21  }
0x38: {  	s20 =	sand.u32 $0xFFFFF80, s19;
	s21 =	rddreg [dreg:$0x8];
	s18 =	sadd.s32 s1, s13  }
0x39: {  	[tilespmem:s22], [sflag:$0x1] =	stream.strided.gather [hbm4b:s18+s8], $0x1000, s9, s8, $0x38;
	[tilespmem:$0x1C280] =	vst v63  }
0x3a: {  	s18 =	sadd.s32 s1, s20;
	s22 =	sand.u32 $0xFFFFF80, s21  }
0x3b: {  	[tilespmem:s23], [sflag:$0x1] =	stream.strided.gather [hbm4b:s18+s8], $0x1000, s9, s8, $0x38;
	[tilespmem:$0x1C280] =	vst v63  }
0x3c: {  	s18 =	sadd.s32 s1, s22;
	s23 =	sand.u32 $0xFFFFF80, s10  }
0x3d: {  	[tilespmem:s16], [sflag:$0x1] =	stream.strided.gather [hbm4b:s18+s8], $0x1000, s9, s8, $0x38;
	[tilespmem:$0x1C280] =	vst v63  }
0x3e: {  	s18 =	sadd.s32 s1, s23  }
0x3f: {  	[tilespmem:s17], [sflag:$0x1] =	stream.strided.gather [hbm4b:s18+s8], $0x1000, s9, s8, $0x38;
	[tilespmem:$0x1C280] =	vst v63  }
0x40: {  	v62 =	vld [tilespmem:$0x8];
	_ =	sdelay $0x4  }
0x41: {  	(v2sf) =	vpush v62, $0x2  }
0x42: {  	(v2sf) =	vpush v62, $0x3  }
0x43: {  	(v2sf) =	vpush v62, $0x4  }
0x44: {  	(v2sf) =	vpush v62, $0x5  }
0x45: {  	(v2sf) =	vpush v62, $0x6  }
0x46: {  	(v2sf) =	vpush v62, $0x7  }
0x47: {  	(v2sf) =	vpush v62, $0x0;
	_ =	sdelay $0x1  }
0x48: {  	(v2sf) =	vpush v62, $0x1;
	_ =	sdelay $0x6  }
0x49: {  	s18 =	spop (v2sf)  }
0x4a: {  	s22 =	spop (v2sf)  }
0x4b: {  	s21 =	spop (v2sf)  }
0x4c: {  	s20 =	spop (v2sf)  }
0x4d: {  	s13 =	spop (v2sf)  }
0x4e: {  	s11 =	spop (v2sf)  }
0x4f: {  	s10 =	spop (v2sf)  }
0x50: {  	s19 =	sand.u32 $0xFFFFF80, s10  }
0x51: {  	s23 =	simm.s32 $0x8280;
	s10 =	spop (v2sf);
	s19 =	sadd.s32 s1, s19  }
0x52: {  	[tilespmem:s23], [sflag:$0x2] =	stream.strided.gather [hbm4b:s19+s8], $0x1000, s9, s8, $0x38;
	[tilespmem:$0x1C280] =	vst v63  }
0x53: {  	s19 =	sand.u32 $0xFFFFF80, s10  }
0x54: {  	s18 =	sand.u32 $0xFFFFF80, s18;
	s23 =	simm.s32 $0x9280;
	s19 =	sadd.s32 s1, s19  }
0x55: {  	[tilespmem:s23], [sflag:$0x2] =	stream.strided.gather [hbm4b:s19+s8], $0x1000, s9, s8, $0x38;
	[tilespmem:$0x1C280] =	vst v63  }
0x56: {  	s18 =	sadd.s32 s1, s18;
	s23 =	simm.s32 $0xA280;
	s19 =	sand.u32 $0xFFFFF80, s22  }
0x57: {  	[tilespmem:s23], [sflag:$0x2] =	stream.strided.gather [hbm4b:s18+s8], $0x1000, s9, s8, $0x38;
	[tilespmem:$0x1C280] =	vst v63  }
0x58: {  	s22 =	sand.u32 $0xFFFFF80, s21;
	s18 =	sadd.s32 s1, s19  }
0x59: {  	[tilespmem:s12], [sflag:$0x2] =	stream.strided.gather [hbm4b:s18+s8], $0x1000, s9, s8, $0x38;
	[tilespmem:$0x1C280] =	vst v63  }
0x5a: {  	s23 =	sand.u32 $0xFFFFF80, s20;
	s18 =	sadd.s32 s1, s22  }
0x5b: {  	[tilespmem:s28], [sflag:$0x2] =	stream.strided.gather [hbm4b:s18+s8], $0x1000, s9, s8, $0x38;
	[tilespmem:$0x1C280] =	vst v63  }
0x5c: {  	s18 =	sadd.s32 s1, s23  }
0x5d: {  	[tilespmem:s26], [sflag:$0x2] =	stream.strided.gather [hbm4b:s18+s8], $0x1000, s9, s8, $0x38;
	[tilespmem:$0x1C280] =	vst v63  }
0x5e: {  	s26 =	sand.u32 $0xFFFFF80, s13  }
0x5f: {  	s28 =	sand.u32 $0xFFFFF80, s11;
	s18 =	sadd.s32 s1, s26  }
0x60: {  	[tilespmem:s14], [sflag:$0x2] =	stream.strided.gather [hbm4b:s18+s8], $0x1000, s9, s8, $0x38;
	[tilespmem:$0x1C280] =	vst v63  }
0x61: {  	s18 =	sadd.s32 s1, s28  }
0x62: {  	[tilespmem:s15], [sflag:$0x2] =	stream.strided.gather [hbm4b:s18+s8], $0x1000, s9, s8, $0x38;
	[tilespmem:$0x1C280] =	vst v63  }
0x63: {  	v63 =	vld [tilespmem:$0x10];
	_ =	sdelay $0x4  }
0x64: {  	(v2sf) =	vpush v63, $0x2  }
0x65: {  	(v2sf) =	vpush v63, $0x3  }
0x66: {  	(v2sf) =	vpush v63, $0x4  }
0x67: {  	(v2sf) =	vpush v63, $0x5  }
0x68: {  	(v2sf) =	vpush v63, $0x6  }
0x69: {  	(v2sf) =	vpush v63, $0x7  }
0x6a: {  	(v2sf) =	vpush v63, $0x0;
	_ =	sdelay $0x1  }
0x6b: {  	(v2sf) =	vpush v63, $0x1;
	_ =	sdelay $0x6  }
0x6c: {  	s10 =	spop (v2sf)  }
0x6d: {  	s11 =	spop (v2sf)  }
0x6e: {  	s12 =	spop (v2sf)  }
0x6f: {  	s15 =	spop (v2sf)  }
0x70: {  	s20 =	spop (v2sf)  }
0x71: {  	s21 =	spop (v2sf)  }
0x72: {  	s22 =	spop (v2sf)  }
0x73: {  	s19 =	sand.u32 $0xFFFFF80, s22  }
0x74: {  	s23 =	spop (v2sf);
	s19 =	sadd.s32 s1, s19  }
0x75: {  	[tilespmem:s29], [sflag:$0x3] =	stream.strided.gather [hbm4b:s19+s8], $0x1000, s9, s8, $0x38;
	[tilespmem:$0x1C280] =	vst v63  }
0x76: {  	s19 =	sand.u32 $0xFFFFF80, s23  }
0x77: {  	s18 =	sand.u32 $0xFFFFF80, s10;
	s19 =	sadd.s32 s1, s19  }
0x78: {  	[tilespmem:s24], [sflag:$0x3] =	stream.strided.gather [hbm4b:s19+s8], $0x1000, s9, s8, $0x38;
	[tilespmem:$0x1C280] =	vst v63  }
0x79: {  	s18 =	sadd.s32 s1, s18;
	s24 =	sand.u32 $0xFFFFF80, s11  }
0x7a: {  	[tilespmem:s25], [sflag:$0x3] =	stream.strided.gather [hbm4b:s18+s8], $0x1000, s9, s8, $0x38;
	[tilespmem:$0x1C280] =	vst v63  }
0x7b: {  	s18 =	sadd.s32 s1, s24;
	s25 =	sand.u32 $0xFFFFF80, s12  }
0x7c: {  	[tilespmem:s30], [sflag:$0x3] =	stream.strided.gather [hbm4b:s18+s8], $0x1000, s9, s8, $0x38;
	[tilespmem:$0x1C280] =	vst v63  }
0x7d: {  	s26 =	sand.u32 $0xFFFFF80, s15;
	s18 =	sadd.s32 s1, s25  }
0x7e: {  	[tilespmem:s31], [sflag:$0x3] =	stream.strided.gather [hbm4b:s18+s8], $0x1000, s9, s8, $0x38;
	[tilespmem:$0x1C280] =	vst v63  }
0x7f: {  	s28 =	sand.u32 $0xFFFFF80, s20;
	s18 =	sadd.s32 s1, s26  }
0x80: {  	[tilespmem:s0], [sflag:$0x3] =	stream.strided.gather [hbm4b:s18+s8], $0x1000, s9, s8, $0x38;
	[tilespmem:$0x1C280] =	vst v63  }
0x81: {  	s29 =	sand.u32 $0xFFFFF80, s21;
	s18 =	sadd.s32 s1, s28  }
0x82: {  	[tilespmem:s2], [sflag:$0x3] =	stream.strided.gather [hbm4b:s18+s8], $0x1000, s9, s8, $0x38;
	[tilespmem:$0x1C280] =	vst v63  }
0x83: {  	s18 =	sadd.s32 s1, s29  }
0x84: {  	[tilespmem:s3], [sflag:$0x3] =	stream.strided.gather [hbm4b:s18+s8], $0x1000, s9, s8, $0x38;
	[tilespmem:$0x1C280] =	vst v63  }
0x85: {  	s19 =	simm.s32 $0x0;
	s18 =	simm.s32 $0x18  }
.LBB2_2:
0x86: {  	_ =	swait.ge [sflag:s4], $0x8000  }
0x87: {  	[sflag:s4] =	ssyncset.done $0x0  }
0x88: {  	[sflag:s4] =	ssyncadd.s32 $0xFFFF8000  }
0x89: {  	v55 =	vld [tilespmem:s18+$0xFFFFFFE8];
	_ =	sdelay $0x4  }
0x8a: {  	(v2sf) =	vpush v55, $0x0;
	_ =	sdelay $0xb  }
0x8b: {  	(v2sf) =	vpush v55, $0x1;
	_ =	sdelay $0x2  }
0x8c: {  	s20 =	spop (v2sf)  }
0x8d: {  	s20 =	sand.u32 $0x7F, s20  }
0x8e: {  	v56 =	vor.u32 s20, v1;
	_ =	sdelay $0x3  }
0x8f: {  	s11 =	simm.s32 $0x280  }
0x90: {  	v57 =	vor.u32 s19, v0;
	v56 =	vld.idx.msk [tilespmem:v56+s11+$0x0], $0xffff  }
0x91: {  	v58 =	vor.u32 s20, v2  }
0x92: {  	(v2sf) =	vpush v55, $0x2;
	_ =	sdelay $0x2  }
0x93: {  	s23 =	spop (v2sf);
	[tilespmem:v57+s5+$0x0] =	vst.idx.msk $0xffff, v56  }
0x94: {  	v60 =	vor.u32 s19, v3;
	s20 =	sand.u32 $0x7F, s23;
	v56 =	vld.idx.msk [tilespmem:v58+s11+$0x0], $0xffff  }
0x95: {  	v61 =	vor.u32 s20, v1;
	_ =	sdelay $0x3  }
0x96: {  	s12 =	simm.s32 $0x1280;
	[tilespmem:v60+s5+$0x0] =	vst.idx.msk $0xffff, v56  }
0x97: {  	v62 =	vor.u32 s19, v4;
	v56 =	vld.idx.msk [tilespmem:v61+s12+$0x0], $0xffff  }
0x98: {  	v63 =	vor.u32 s20, v2  }
0x99: {  	(v2sf) =	vpush v55, $0x3;
	_ =	sdelay $0x2  }
0x9a: {  	s24 =	spop (v2sf);
	[tilespmem:v62+s5+$0x0] =	vst.idx.msk $0xffff, v56  }
0x9b: {  	s20 =	sand.u32 $0x7F, s24;
	v60 =	vor.u32 s19, v5;
	v56 =	vld.idx.msk [tilespmem:v63+s12+$0x0], $0xffff  }
0x9c: {  	v61 =	vor.u32 s20, v1;
	_ =	sdelay $0x3  }
0x9d: {  	s26 =	simm.s32 $0x2280;
	[tilespmem:v60+s5+$0x0] =	vst.idx.msk $0xffff, v56  }
0x9e: {  	v62 =	vor.u32 s19, v6;
	v56 =	vld.idx.msk [tilespmem:v61+s26+$0x0], $0xffff  }
0x9f: {  	v63 =	vor.u32 s20, v2  }
0xa0: {  	(v2sf) =	vpush v55, $0x4;
	_ =	sdelay $0x2  }
0xa1: {  	s25 =	spop (v2sf);
	[tilespmem:v62+s5+$0x0] =	vst.idx.msk $0xffff, v56  }
0xa2: {  	s20 =	sand.u32 $0x7F, s25;
	v60 =	vor.u32 s19, v7;
	v56 =	vld.idx.msk [tilespmem:v63+s26+$0x0], $0xffff  }
0xa3: {  	v61 =	vor.u32 s20, v1;
	_ =	sdelay $0x3  }
0xa4: {  	s13 =	simm.s32 $0x3280;
	[tilespmem:v60+s5+$0x0] =	vst.idx.msk $0xffff, v56  }
0xa5: {  	v62 =	vor.u32 s19, v8;
	v56 =	vld.idx.msk [tilespmem:v61+s13+$0x0], $0xffff  }
0xa6: {  	v63 =	vor.u32 s20, v2  }
0xa7: {  	(v2sf) =	vpush v55, $0x5;
	_ =	sdelay $0x2  }
0xa8: {  	s28 =	spop (v2sf);
	[tilespmem:v62+s5+$0x0] =	vst.idx.msk $0xffff, v56  }
0xa9: {  	s20 =	sand.u32 $0x7F, s28;
	v60 =	vor.u32 s19, v9;
	v56 =	vld.idx.msk [tilespmem:v63+s13+$0x0], $0xffff  }
0xaa: {  	v61 =	vor.u32 s20, v1;
	_ =	sdelay $0x3  }
0xab: {  	s21 =	sadd.s32 $0x80, s19;
	s14 =	simm.s32 $0x4280;
	[tilespmem:v60+s5+$0x0] =	vst.idx.msk $0xffff, v56  }
0xac: {  	v62 =	vor.u32 s21, v0;
	v56 =	vld.idx.msk [tilespmem:v61+s14+$0x0], $0xffff  }
0xad: {  	v63 =	vor.u32 s20, v2  }
0xae: {  	(v2sf) =	vpush v55, $0x6;
	_ =	sdelay $0x2  }
0xaf: {  	s29 =	spop (v2sf);
	[tilespmem:v62+s5+$0x0] =	vst.idx.msk $0xffff, v56  }
0xb0: {  	s20 =	sand.u32 $0x7F, s29;
	v60 =	vor.u32 s21, v3;
	v56 =	vld.idx.msk [tilespmem:v63+s14+$0x0], $0xffff  }
0xb1: {  	v61 =	vor.u32 s20, v1;
	_ =	sdelay $0x3  }
0xb2: {  	s10 =	sadd.s32 $0xA0, s19;
	s15 =	simm.s32 $0x5280;
	[tilespmem:v60+s5+$0x0] =	vst.idx.msk $0xffff, v56  }
0xb3: {  	v62 =	vor.u32 s10, v4;
	v56 =	vld.idx.msk [tilespmem:v61+s15+$0x0], $0xffff  }
0xb4: {  	v63 =	vor.u32 s20, v2  }
0xb5: {  	(v2sf) =	vpush v55, $0x7;
	_ =	sdelay $0x2  }
0xb6: {  	s22 =	spop (v2sf);
	[tilespmem:v62+s5+$0x0] =	vst.idx.msk $0xffff, v56  }
0xb7: {  	s20 =	sand.u32 $0x7F, s22;
	v61 =	vor.u32 s10, v5;
	v60 =	vld.idx.msk [tilespmem:v63+s15+$0x0], $0xffff  }
0xb8: {  	v62 =	vor.u32 s20, v1;
	_ =	sdelay $0x3  }
0xb9: {  	s23 =	sadd.s32 $0xC0, s19;
	[tilespmem:v61+s5+$0x0] =	vst.idx.msk $0xffff, v60  }
0xba: {  	v63 =	vor.u32 s23, v6;
	v55 =	vld.idx.msk [tilespmem:v62+s16+$0x0], $0xffff  }
0xbb: {  	v60 =	vor.u32 s20, v2;
	_ =	sdelay $0x3  }
0xbc: {  	s24 =	spop (v2sf);
	[tilespmem:v63+s5+$0x0] =	vst.idx.msk $0xffff, v55  }
0xbd: {  	v61 =	vor.u32 s23, v7;
	s20 =	sand.u32 $0x7F, s24;
	v55 =	vld.idx.msk [tilespmem:v60+s16+$0x0], $0xffff  }
0xbe: {  	v62 =	vor.u32 s20, v1;
	_ =	sdelay $0x3  }
0xbf: {  	s25 =	sadd.s32 $0xE0, s19;
	[tilespmem:v61+s5+$0x0] =	vst.idx.msk $0xffff, v55  }
0xc0: {  	v63 =	vor.u32 s25, v8;
	v55 =	vld.idx.msk [tilespmem:v62+s17+$0x0], $0xffff  }
0xc1: {  	v60 =	vor.u32 s20, v2;
	_ =	sdelay $0x3  }
0xc2: {  	[tilespmem:v63+s5+$0x0] =	vst.idx.msk $0xffff, v55  }
0xc3: {  	v61 =	vor.u32 s25, v9;
	v55 =	vld.idx.msk [tilespmem:v60+s17+$0x0], $0xffff;
	_ =	sdelay $0x4  }
0xc4: {  	[tilespmem:v61+s5+$0x0] =	vst.idx.msk $0xffff, v55  }
0xc5: {  	v55 =	vld [tilespmem:s18+$0x0];
	_ =	sdelay $0x4  }
0xc6: {  	(v2sf) =	vpush v55, $0x2  }
0xc7: {  	(v2sf) =	vpush v55, $0x3  }
0xc8: {  	(v2sf) =	vpush v55, $0x4  }
0xc9: {  	(v2sf) =	vpush v55, $0x5  }
0xca: {  	(v2sf) =	vpush v55, $0x6  }
0xcb: {  	(v2sf) =	vpush v55, $0x7  }
0xcc: {  	(v2sf) =	vpush v55, $0x0;
	_ =	sdelay $0x3  }
0xcd: {  	(v2sf) =	vpush v55, $0x1;
	_ =	sdelay $0x4  }
0xce: {  	s28 =	spop (v2sf)  }
0xcf: {  	s29 =	spop (v2sf)  }
0xd0: {  	s22 =	spop (v2sf)  }
0xd1: {  	s23 =	spop (v2sf)  }
0xd2: {  	s24 =	spop (v2sf)  }
0xd3: {  	s10 =	spop (v2sf)  }
0xd4: {  	s25 =	spop (v2sf)  }
0xd5: {  	s25 =	sand.u32 $0xFFFFF80, s25  }
0xd6: {  	s25 =	sadd.s32 s1, s25  }
0xd7: {  	[tilespmem:s11], [sflag:$0x1] =	stream.strided.gather [hbm4b:s25+s8], $0x1000, s9, s8, $0x38;
	[tilespmem:$0x1C280] =	vst v63  }
0xd8: {  	s11 =	spop (v2sf)  }
0xd9: {  	s25 =	sand.u32 $0xFFFFF80, s11  }
0xda: {  	s20 =	sand.u32 $0xFFFFF80, s28;
	s25 =	sadd.s32 s1, s25  }
0xdb: {  	[tilespmem:s12], [sflag:$0x1] =	stream.strided.gather [hbm4b:s25+s8], $0x1000, s9, s8, $0x38;
	[tilespmem:$0x1C280] =	vst v63  }
0xdc: {  	s20 =	sadd.s32 s1, s20;
	s12 =	sand.u32 $0xFFFFF80, s29  }
0xdd: {  	[tilespmem:s26], [sflag:$0x1] =	stream.strided.gather [hbm4b:s20+s8], $0x1000, s9, s8, $0x38;
	[tilespmem:$0x1C280] =	vst v63  }
0xde: {  	s21 =	sand.u32 $0xFFFFF80, s22;
	s20 =	sadd.s32 s1, s12  }
0xdf: {  	[tilespmem:s13], [sflag:$0x1] =	stream.strided.gather [hbm4b:s20+s8], $0x1000, s9, s8, $0x38;
	[tilespmem:$0x1C280] =	vst v63  }
0xe0: {  	s22 =	sand.u32 $0xFFFFF80, s23;
	s20 =	sadd.s32 s1, s21  }
0xe1: {  	[tilespmem:s14], [sflag:$0x1] =	stream.strided.gather [hbm4b:s20+s8], $0x1000, s9, s8, $0x38;
	[tilespmem:$0x1C280] =	vst v63  }
0xe2: {  	s23 =	sand.u32 $0xFFFFF80, s24;
	s20 =	sadd.s32 s1, s22  }
0xe3: {  	[tilespmem:s15], [sflag:$0x1] =	stream.strided.gather [hbm4b:s20+s8], $0x1000, s9, s8, $0x38;
	[tilespmem:$0x1C280] =	vst v63  }
0xe4: {  	s10 =	sand.u32 $0xFFFFF80, s10;
	s20 =	sadd.s32 s1, s23  }
0xe5: {  	[tilespmem:s16], [sflag:$0x1] =	stream.strided.gather [hbm4b:s20+s8], $0x1000, s9, s8, $0x38;
	[tilespmem:$0x1C280] =	vst v63  }
0xe6: {  	s10 =	sadd.s32 s1, s10  }
0xe7: {  	[tilespmem:s17], [sflag:$0x1] =	stream.strided.gather [hbm4b:s10+s8], $0x1000, s9, s8, $0x38;
	[tilespmem:$0x1C280] =	vst v63  }
0xe8: {  	_ =	swait.ge [sflag:s6], $0x8000  }
0xe9: {  	[sflag:s6] =	ssyncset.done $0x0  }
0xea: {  	[sflag:s6] =	ssyncadd.s32 $0xFFFF8000  }
0xeb: {  	v55 =	vld [tilespmem:s18+$0xFFFFFFF0];
	_ =	sdelay $0x4  }
0xec: {  	(v2sf) =	vpush v55, $0x0;
	_ =	sdelay $0xb  }
0xed: {  	(v2sf) =	vpush v55, $0x1;
	_ =	sdelay $0x2  }
0xee: {  	s24 =	spop (v2sf)  }
0xef: {  	s10 =	sand.u32 $0x7F, s24  }
0xf0: {  	v62 =	vor.u32 s10, v1;
	_ =	sdelay $0x3  }
0xf1: {  	s11 =	simm.s32 $0x8280;
	s25 =	sadd.s32 $0x100, s19  }
0xf2: {  	v63 =	vor.u32 s25, v0;
	v56 =	vld.idx.msk [tilespmem:v62+s11+$0x0], $0xffff  }
0xf3: {  	v60 =	vor.u32 s10, v2  }
0xf4: {  	(v2sf) =	vpush v55, $0x2;
	_ =	sdelay $0x2  }
0xf5: {  	s26 =	spop (v2sf);
	[tilespmem:v63+s5+$0x0] =	vst.idx.msk $0xffff, v56  }
0xf6: {  	v61 =	vor.u32 s25, v3;
	s10 =	sand.u32 $0x7F, s26;
	v56 =	vld.idx.msk [tilespmem:v60+s11+$0x0], $0xffff  }
0xf7: {  	v62 =	vor.u32 s10, v1;
	_ =	sdelay $0x3  }
0xf8: {  	s12 =	simm.s32 $0x9280;
	[tilespmem:v61+s5+$0x0] =	vst.idx.msk $0xffff, v56  }
0xf9: {  	v63 =	vor.u32 s25, v4;
	v56 =	vld.idx.msk [tilespmem:v62+s12+$0x0], $0xffff  }
0xfa: {  	v60 =	vor.u32 s10, v2  }
0xfb: {  	(v2sf) =	vpush v55, $0x3;
	_ =	sdelay $0x2  }
0xfc: {  	s28 =	spop (v2sf);
	[tilespmem:v63+s5+$0x0] =	vst.idx.msk $0xffff, v56  }
0xfd: {  	s10 =	sand.u32 $0x7F, s28;
	v61 =	vor.u32 s25, v5;
	v56 =	vld.idx.msk [tilespmem:v60+s12+$0x0], $0xffff  }
0xfe: {  	v62 =	vor.u32 s10, v1;
	_ =	sdelay $0x3  }
0xff: {  	s26 =	simm.s32 $0xA280;
	[tilespmem:v61+s5+$0x0] =	vst.idx.msk $0xffff, v56  }
0x100: {  	v63 =	vor.u32 s25, v6;
	v56 =	vld.idx.msk [tilespmem:v62+s26+$0x0], $0xffff  }
0x101: {  	v60 =	vor.u32 s10, v2  }
0x102: {  	(v2sf) =	vpush v55, $0x4;
	_ =	sdelay $0x2  }
0x103: {  	s29 =	spop (v2sf);
	[tilespmem:v63+s5+$0x0] =	vst.idx.msk $0xffff, v56  }
0x104: {  	s10 =	sand.u32 $0x7F, s29;
	v61 =	vor.u32 s25, v7;
	v56 =	vld.idx.msk [tilespmem:v60+s26+$0x0], $0xffff  }
0x105: {  	v62 =	vor.u32 s10, v1;
	_ =	sdelay $0x3  }
0x106: {  	s28 =	simm.s32 $0xB280;
	[tilespmem:v61+s5+$0x0] =	vst.idx.msk $0xffff, v56  }
0x107: {  	v63 =	vor.u32 s25, v8;
	v56 =	vld.idx.msk [tilespmem:v62+s28+$0x0], $0xffff  }
0x108: {  	v60 =	vor.u32 s10, v2  }
0x109: {  	(v2sf) =	vpush v55, $0x5;
	_ =	sdelay $0x2  }
0x10a: {  	s13 =	spop (v2sf);
	[tilespmem:v63+s5+$0x0] =	vst.idx.msk $0xffff, v56  }
0x10b: {  	s10 =	sand.u32 $0x7F, s13;
	v61 =	vor.u32 s25, v9;
	v56 =	vld.idx.msk [tilespmem:v60+s28+$0x0], $0xffff  }
0x10c: {  	v62 =	vor.u32 s10, v1;
	_ =	sdelay $0x3  }
0x10d: {  	s14 =	sadd.s32 $0x180, s19;
	s13 =	simm.s32 $0xC280;
	[tilespmem:v61+s5+$0x0] =	vst.idx.msk $0xffff, v56  }
0x10e: {  	v63 =	vor.u32 s14, v0;
	v56 =	vld.idx.msk [tilespmem:v62+s13+$0x0], $0xffff  }
0x10f: {  	v60 =	vor.u32 s10, v2  }
0x110: {  	(v2sf) =	vpush v55, $0x6;
	_ =	sdelay $0x2  }
0x111: {  	s15 =	spop (v2sf);
	[tilespmem:v63+s5+$0x0] =	vst.idx.msk $0xffff, v56  }
0x112: {  	s10 =	sand.u32 $0x7F, s15;
	v61 =	vor.u32 s14, v3;
	v56 =	vld.idx.msk [tilespmem:v60+s13+$0x0], $0xffff  }
0x113: {  	v62 =	vor.u32 s10, v1;
	_ =	sdelay $0x3  }
0x114: {  	s21 =	sadd.s32 $0x1A0, s19;
	s14 =	simm.s32 $0xD280;
	[tilespmem:v61+s5+$0x0] =	vst.idx.msk $0xffff, v56  }
0x115: {  	v63 =	vor.u32 s21, v4;
	v56 =	vld.idx.msk [tilespmem:v62+s14+$0x0], $0xffff  }
0x116: {  	v60 =	vor.u32 s10, v2  }
0x117: {  	(v2sf) =	vpush v55, $0x7;
	_ =	sdelay $0x2  }
0x118: {  	s22 =	spop (v2sf);
	[tilespmem:v63+s5+$0x0] =	vst.idx.msk $0xffff, v56  }
0x119: {  	s10 =	sand.u32 $0x7F, s22;
	v62 =	vor.u32 s21, v5;
	v61 =	vld.idx.msk [tilespmem:v60+s14+$0x0], $0xffff  }
0x11a: {  	v63 =	vor.u32 s10, v1;
	_ =	sdelay $0x3  }
0x11b: {  	s23 =	sadd.s32 $0x1C0, s19;
	s15 =	simm.s32 $0xE280;
	[tilespmem:v62+s5+$0x0] =	vst.idx.msk $0xffff, v61  }
0x11c: {  	v60 =	vor.u32 s23, v6;
	v55 =	vld.idx.msk [tilespmem:v63+s15+$0x0], $0xffff  }
0x11d: {  	v61 =	vor.u32 s10, v2;
	_ =	sdelay $0x3  }
0x11e: {  	s24 =	spop (v2sf);
	[tilespmem:v60+s5+$0x0] =	vst.idx.msk $0xffff, v55  }
0x11f: {  	v62 =	vor.u32 s23, v7;
	s10 =	sand.u32 $0x7F, s24;
	v55 =	vld.idx.msk [tilespmem:v61+s15+$0x0], $0xffff  }
0x120: {  	v63 =	vor.u32 s10, v1;
	_ =	sdelay $0x3  }
0x121: {  	s29 =	simm.s32 $0xF280;
	s25 =	sadd.s32 $0x1E0, s19;
	[tilespmem:v62+s5+$0x0] =	vst.idx.msk $0xffff, v55  }
0x122: {  	v60 =	vor.u32 s25, v8;
	v55 =	vld.idx.msk [tilespmem:v63+s29+$0x0], $0xffff  }
0x123: {  	v61 =	vor.u32 s10, v2;
	_ =	sdelay $0x3  }
0x124: {  	[tilespmem:v60+s5+$0x0] =	vst.idx.msk $0xffff, v55  }
0x125: {  	v62 =	vor.u32 s25, v9;
	v55 =	vld.idx.msk [tilespmem:v61+s29+$0x0], $0xffff;
	_ =	sdelay $0x4  }
0x126: {  	[tilespmem:v62+s5+$0x0] =	vst.idx.msk $0xffff, v55  }
0x127: {  	v55 =	vld [tilespmem:s18+$0x8];
	_ =	sdelay $0x4  }
0x128: {  	(v2sf) =	vpush v55, $0x2  }
0x129: {  	(v2sf) =	vpush v55, $0x3  }
0x12a: {  	(v2sf) =	vpush v55, $0x4  }
0x12b: {  	(v2sf) =	vpush v55, $0x5  }
0x12c: {  	(v2sf) =	vpush v55, $0x6  }
0x12d: {  	(v2sf) =	vpush v55, $0x7  }
0x12e: {  	(v2sf) =	vpush v55, $0x0;
	_ =	sdelay $0x3  }
0x12f: {  	(v2sf) =	vpush v55, $0x1;
	_ =	sdelay $0x4  }
0x130: {  	s10 =	spop (v2sf)  }
0x131: {  	s20 =	spop (v2sf)  }
0x132: {  	s21 =	spop (v2sf)  }
0x133: {  	s22 =	spop (v2sf)  }
0x134: {  	s23 =	spop (v2sf)  }
0x135: {  	s24 =	spop (v2sf)  }
0x136: {  	s25 =	spop (v2sf)  }
0x137: {  	s25 =	sand.u32 $0xFFFFF80, s25  }
0x138: {  	s25 =	sadd.s32 s1, s25  }
0x139: {  	[tilespmem:s11], [sflag:$0x2] =	stream.strided.gather [hbm4b:s25+s8], $0x1000, s9, s8, $0x38;
	[tilespmem:$0x1C280] =	vst v63  }
0x13a: {  	s11 =	spop (v2sf)  }
0x13b: {  	s25 =	sand.u32 $0xFFFFF80, s11  }
0x13c: {  	s10 =	sand.u32 $0xFFFFF80, s10;
	s25 =	sadd.s32 s1, s25  }
0x13d: {  	[tilespmem:s12], [sflag:$0x2] =	stream.strided.gather [hbm4b:s25+s8], $0x1000, s9, s8, $0x38;
	[tilespmem:$0x1C280] =	vst v63  }
0x13e: {  	s10 =	sadd.s32 s1, s10  }
0x13f: {  	[tilespmem:s26], [sflag:$0x2] =	stream.strided.gather [hbm4b:s10+s8], $0x1000, s9, s8, $0x38;
	[tilespmem:$0x1C280] =	vst v63  }
0x140: {  	s26 =	sand.u32 $0xFFFFF80, s20  }
0x141: {  	s10 =	sadd.s32 s1, s26  }
0x142: {  	[tilespmem:s28], [sflag:$0x2] =	stream.strided.gather [hbm4b:s10+s8], $0x1000, s9, s8, $0x38;
	[tilespmem:$0x1C280] =	vst v63  }
0x143: {  	s28 =	sand.u32 $0xFFFFF80, s21  }
0x144: {  	s11 =	sand.u32 $0xFFFFF80, s22;
	s10 =	sadd.s32 s1, s28  }
0x145: {  	[tilespmem:s13], [sflag:$0x2] =	stream.strided.gather [hbm4b:s10+s8], $0x1000, s9, s8, $0x38;
	[tilespmem:$0x1C280] =	vst v63  }
0x146: {  	s12 =	sand.u32 $0xFFFFF80, s23;
	s10 =	sadd.s32 s1, s11  }
0x147: {  	[tilespmem:s14], [sflag:$0x2] =	stream.strided.gather [hbm4b:s10+s8], $0x1000, s9, s8, $0x38;
	[tilespmem:$0x1C280] =	vst v63  }
0x148: {  	s13 =	sand.u32 $0xFFFFF80, s24;
	s10 =	sadd.s32 s1, s12  }
0x149: {  	[tilespmem:s15], [sflag:$0x2] =	stream.strided.gather [hbm4b:s10+s8], $0x1000, s9, s8, $0x38;
	[tilespmem:$0x1C280] =	vst v63  }
0x14a: {  	s10 =	sadd.s32 s1, s13  }
0x14b: {  	[tilespmem:s29], [sflag:$0x2] =	stream.strided.gather [hbm4b:s10+s8], $0x1000, s9, s8, $0x38;
	[tilespmem:$0x1C280] =	vst v63  }
0x14c: {  	_ =	swait.ge [sflag:s7], $0x8000  }
0x14d: {  	[sflag:s7] =	ssyncset.done $0x0  }
0x14e: {  	[sflag:s7] =	ssyncadd.s32 $0xFFFF8000  }
0x14f: {  	v55 =	vld [tilespmem:s18+$0xFFFFFFF8];
	_ =	sdelay $0x4  }
0x150: {  	(v2sf) =	vpush v55, $0x0;
	_ =	sdelay $0xb  }
0x151: {  	(v2sf) =	vpush v55, $0x1;
	_ =	sdelay $0x2  }
0x152: {  	s14 =	spop (v2sf)  }
0x153: {  	s10 =	sand.u32 $0x7F, s14  }
0x154: {  	v63 =	vor.u32 s10, v1;
	_ =	sdelay $0x3  }
0x155: {  	s11 =	simm.s32 $0x10280;
	s15 =	sadd.s32 $0x200, s19  }
0x156: {  	v60 =	vor.u32 s15, v0;
	v56 =	vld.idx.msk [tilespmem:v63+s11+$0x0], $0xffff  }
0x157: {  	v61 =	vor.u32 s10, v2  }
0x158: {  	(v2sf) =	vpush v55, $0x2;
	_ =	sdelay $0x2  }
0x159: {  	s21 =	spop (v2sf);
	[tilespmem:v60+s5+$0x0] =	vst.idx.msk $0xffff, v56  }
0x15a: {  	v62 =	vor.u32 s15, v3;
	s10 =	sand.u32 $0x7F, s21;
	v56 =	vld.idx.msk [tilespmem:v61+s11+$0x0], $0xffff  }
0x15b: {  	v63 =	vor.u32 s10, v1;
	_ =	sdelay $0x3  }
0x15c: {  	s12 =	simm.s32 $0x11280;
	[tilespmem:v62+s5+$0x0] =	vst.idx.msk $0xffff, v56  }
0x15d: {  	v60 =	vor.u32 s15, v4;
	v56 =	vld.idx.msk [tilespmem:v63+s12+$0x0], $0xffff  }
0x15e: {  	v61 =	vor.u32 s10, v2  }
0x15f: {  	(v2sf) =	vpush v55, $0x3;
	_ =	sdelay $0x2  }
0x160: {  	s22 =	spop (v2sf);
	[tilespmem:v60+s5+$0x0] =	vst.idx.msk $0xffff, v56  }
0x161: {  	s10 =	sand.u32 $0x7F, s22;
	v62 =	vor.u32 s15, v5;
	v56 =	vld.idx.msk [tilespmem:v61+s12+$0x0], $0xffff  }
0x162: {  	v63 =	vor.u32 s10, v1;
	_ =	sdelay $0x3  }
0x163: {  	s13 =	simm.s32 $0x12280;
	[tilespmem:v62+s5+$0x0] =	vst.idx.msk $0xffff, v56  }
0x164: {  	v60 =	vor.u32 s15, v6;
	v56 =	vld.idx.msk [tilespmem:v63+s13+$0x0], $0xffff  }
0x165: {  	v61 =	vor.u32 s10, v2  }
0x166: {  	(v2sf) =	vpush v55, $0x4;
	_ =	sdelay $0x2  }
0x167: {  	s23 =	spop (v2sf);
	[tilespmem:v60+s5+$0x0] =	vst.idx.msk $0xffff, v56  }
0x168: {  	s10 =	sand.u32 $0x7F, s23;
	v62 =	vor.u32 s15, v7;
	v56 =	vld.idx.msk [tilespmem:v61+s13+$0x0], $0xffff  }
0x169: {  	v63 =	vor.u32 s10, v1;
	_ =	sdelay $0x3  }
0x16a: {  	[tilespmem:v62+s5+$0x0] =	vst.idx.msk $0xffff, v56  }
0x16b: {  	v60 =	vor.u32 s15, v8;
	v56 =	vld.idx.msk [tilespmem:v63+s30+$0x0], $0xffff  }
0x16c: {  	v61 =	vor.u32 s10, v2  }
0x16d: {  	(v2sf) =	vpush v55, $0x5;
	_ =	sdelay $0x2  }
0x16e: {  	s24 =	spop (v2sf);
	[tilespmem:v60+s5+$0x0] =	vst.idx.msk $0xffff, v56  }
0x16f: {  	s10 =	sand.u32 $0x7F, s24;
	v62 =	vor.u32 s15, v9;
	v56 =	vld.idx.msk [tilespmem:v61+s30+$0x0], $0xffff  }
0x170: {  	v63 =	vor.u32 s10, v1;
	_ =	sdelay $0x3  }
0x171: {  	s25 =	sadd.s32 $0x280, s19;
	[tilespmem:v62+s5+$0x0] =	vst.idx.msk $0xffff, v56  }
0x172: {  	v60 =	vor.u32 s25, v0;
	v56 =	vld.idx.msk [tilespmem:v63+s31+$0x0], $0xffff  }
0x173: {  	v61 =	vor.u32 s10, v2  }
0x174: {  	(v2sf) =	vpush v55, $0x6;
	_ =	sdelay $0x2  }
0x175: {  	s26 =	spop (v2sf);
	[tilespmem:v60+s5+$0x0] =	vst.idx.msk $0xffff, v56  }
0x176: {  	s10 =	sand.u32 $0x7F, s26;
	v62 =	vor.u32 s25, v3;
	v56 =	vld.idx.msk [tilespmem:v61+s31+$0x0], $0xffff  }
0x177: {  	v63 =	vor.u32 s10, v1;
	_ =	sdelay $0x3  }
0x178: {  	s28 =	sadd.s32 $0x2A0, s19;
	[tilespmem:v62+s5+$0x0] =	vst.idx.msk $0xffff, v56  }
0x179: {  	v60 =	vor.u32 s28, v4;
	v56 =	vld.idx.msk [tilespmem:v63+s0+$0x0], $0xffff  }
0x17a: {  	v61 =	vor.u32 s10, v2  }
0x17b: {  	(v2sf) =	vpush v55, $0x7;
	_ =	sdelay $0x2  }
0x17c: {  	s29 =	spop (v2sf);
	[tilespmem:v60+s5+$0x0] =	vst.idx.msk $0xffff, v56  }
0x17d: {  	s10 =	sand.u32 $0x7F, s29;
	v63 =	vor.u32 s28, v5;
	v62 =	vld.idx.msk [tilespmem:v61+s0+$0x0], $0xffff  }
0x17e: {  	v60 =	vor.u32 s10, v1;
	_ =	sdelay $0x3  }
0x17f: {  	s14 =	sadd.s32 $0x2C0, s19;
	[tilespmem:v63+s5+$0x0] =	vst.idx.msk $0xffff, v62  }
0x180: {  	v61 =	vor.u32 s14, v6;
	v55 =	vld.idx.msk [tilespmem:v60+s2+$0x0], $0xffff  }
0x181: {  	v62 =	vor.u32 s10, v2;
	_ =	sdelay $0x3  }
0x182: {  	s15 =	spop (v2sf);
	[tilespmem:v61+s5+$0x0] =	vst.idx.msk $0xffff, v55  }
0x183: {  	v63 =	vor.u32 s14, v7;
	s10 =	sand.u32 $0x7F, s15;
	v55 =	vld.idx.msk [tilespmem:v62+s2+$0x0], $0xffff  }
0x184: {  	v60 =	vor.u32 s10, v1;
	_ =	sdelay $0x3  }
0x185: {  	s21 =	sadd.s32 $0x2E0, s19;
	[tilespmem:v63+s5+$0x0] =	vst.idx.msk $0xffff, v55  }
0x186: {  	v61 =	vor.u32 s21, v8;
	v55 =	vld.idx.msk [tilespmem:v60+s3+$0x0], $0xffff  }
0x187: {  	v62 =	vor.u32 s10, v2;
	_ =	sdelay $0x3  }
0x188: {  	[tilespmem:v61+s5+$0x0] =	vst.idx.msk $0xffff, v55  }
0x189: {  	v63 =	vor.u32 s21, v9;
	v55 =	vld.idx.msk [tilespmem:v62+s3+$0x0], $0xffff;
	_ =	sdelay $0x4  }
0x18a: {  	[tilespmem:v63+s5+$0x0] =	vst.idx.msk $0xffff, v55  }
0x18b: {  	v55 =	vld [tilespmem:s18+$0x10];
	_ =	sdelay $0x4  }
0x18c: {  	(v2sf) =	vpush v55, $0x2  }
0x18d: {  	(v2sf) =	vpush v55, $0x3  }
0x18e: {  	(v2sf) =	vpush v55, $0x4  }
0x18f: {  	(v2sf) =	vpush v55, $0x5  }
0x190: {  	(v2sf) =	vpush v55, $0x6  }
0x191: {  	(v2sf) =	vpush v55, $0x7  }
0x192: {  	(v2sf) =	vpush v55, $0x0;
	_ =	sdelay $0x1  }
0x193: {  	(v2sf) =	vpush v55, $0x1;
	_ =	sdelay $0x6  }
0x194: {  	s22 =	spop (v2sf)  }
0x195: {  	s23 =	spop (v2sf)  }
0x196: {  	s24 =	spop (v2sf)  }
0x197: {  	s26 =	spop (v2sf)  }
0x198: {  	s28 =	spop (v2sf)  }
0x199: {  	s29 =	spop (v2sf)  }
0x19a: {  	s14 =	spop (v2sf)  }
0x19b: {  	s25 =	sand.u32 $0xFFFFF80, s14  }
0x19c: {  	s15 =	spop (v2sf);
	s25 =	sadd.s32 s1, s25  }
0x19d: {  	[tilespmem:s11], [sflag:$0x3] =	stream.strided.gather [hbm4b:s25+s8], $0x1000, s9, s8, $0x38;
	[tilespmem:$0x1C280] =	vst v63  }
0x19e: {  	s25 =	sand.u32 $0xFFFFF80, s15  }
0x19f: {  	s10 =	sand.u32 $0xFFFFF80, s22;
	s25 =	sadd.s32 s1, s25  }
0x1a0: {  	[tilespmem:s12], [sflag:$0x3] =	stream.strided.gather [hbm4b:s25+s8], $0x1000, s9, s8, $0x38;
	[tilespmem:$0x1C280] =	vst v63  }
0x1a1: {  	s10 =	sadd.s32 s1, s10;
	s20 =	sand.u32 $0xFFFFF80, s23  }
0x1a2: {  	[tilespmem:s13], [sflag:$0x3] =	stream.strided.gather [hbm4b:s10+s8], $0x1000, s9, s8, $0x38;
	[tilespmem:$0x1C280] =	vst v63  }
0x1a3: {  	s25 =	sand.u32 $0xFFFFF80, s24;
	s10 =	sadd.s32 s1, s20  }
0x1a4: {  	[tilespmem:s30], [sflag:$0x3] =	stream.strided.gather [hbm4b:s10+s8], $0x1000, s9, s8, $0x38;
	[tilespmem:$0x1C280] =	vst v63  }
0x1a5: {  	s26 =	sand.u32 $0xFFFFF80, s26;
	s10 =	sadd.s32 s1, s25  }
0x1a6: {  	[tilespmem:s31], [sflag:$0x3] =	stream.strided.gather [hbm4b:s10+s8], $0x1000, s9, s8, $0x38;
	[tilespmem:$0x1C280] =	vst v63  }
0x1a7: {  	p0 =	sne.s32 s19, $0x3900;
	s10 =	sadd.s32 s1, s26  }
0x1a8: {  	[tilespmem:s0], [sflag:$0x3] =	stream.strided.gather [hbm4b:s10+s8], $0x1000, s9, s8, $0x38;
	[tilespmem:$0x1C280] =	vst v63  }
.Ltmp0:
0x1a9: {  	s28 =	sand.u32 $0xFFFFF80, s28;
	(pc) =	sbr.rel @p0 .LBB2_2-.Ltmp0, $4  }
0x1aa: {  	s29 =	sand.u32 $0xFFFFF80, s29;
	s10 =	sadd.s32 s1, s28  }
0x1ab: {  	[tilespmem:s2], [sflag:$0x3] =	stream.strided.gather [hbm4b:s10+s8], $0x1000, s9, s8, $0x38;
	[tilespmem:$0x1C280] =	vst v63  }
0x1ac: {  	s19 =	sadd.s32 $0x300, s19;
	s18 =	sadd.s32 $0x18, s18;
	s10 =	sadd.s32 s1, s29  }
0x1ad: {  	[tilespmem:s3], [sflag:$0x3] =	stream.strided.gather [hbm4b:s10+s8], $0x1000, s9, s8, $0x38;
	[tilespmem:$0x1C280] =	vst v63  }
0x1ae: {  	_ =	swait.ge [sflag:s4], $0x8000  }
0x1af: {  	[sflag:s4] =	ssyncset.done $0x0  }
0x1b0: {  	[sflag:s4] =	ssyncadd.s32 $0xFFFF8000  }
0x1b1: {  	v55 =	vld [tilespmem:$0x1E0];
	_ =	sdelay $0x4  }
0x1b2: {  	(v2sf) =	vpush v55, $0x0;
	_ =	sdelay $0xb  }
0x1b3: {  	(v2sf) =	vpush v55, $0x1;
	_ =	sdelay $0x2  }
0x1b4: {  	s10 =	spop (v2sf)  }
0x1b5: {  	s10 =	sand.u32 $0x7F, s10  }
0x1b6: {  	v56 =	vor.u32 s10, v1;
	_ =	sdelay $0x3  }
0x1b7: {  	s11 =	simm.s32 $0x280  }
0x1b8: {  	v56 =	vld.idx.msk [tilespmem:v56+s11+$0x0], $0xffff  }
0x1b9: {  	v57 =	vor.u32 s10, v2  }
0x1ba: {  	(v2sf) =	vpush v55, $0x2;
	_ =	sdelay $0x2  }
0x1bb: {  	s15 =	spop (v2sf);
	[tilespmem:v10+s5+$0x0] =	vst.idx.msk $0xffff, v56  }
0x1bc: {  	s10 =	sand.u32 $0x7F, s15;
	v56 =	vld.idx.msk [tilespmem:v57+s11+$0x0], $0xffff  }
0x1bd: {  	v60 =	vor.u32 s10, v1;
	_ =	sdelay $0x3  }
0x1be: {  	s12 =	simm.s32 $0x1280;
	[tilespmem:v11+s5+$0x0] =	vst.idx.msk $0xffff, v56  }
0x1bf: {  	v56 =	vld.idx.msk [tilespmem:v60+s12+$0x0], $0xffff  }
0x1c0: {  	v61 =	vor.u32 s10, v2  }
0x1c1: {  	(v2sf) =	vpush v55, $0x3;
	_ =	sdelay $0x2  }
0x1c2: {  	s18 =	spop (v2sf);
	[tilespmem:v12+s5+$0x0] =	vst.idx.msk $0xffff, v56  }
0x1c3: {  	s10 =	sand.u32 $0x7F, s18;
	v56 =	vld.idx.msk [tilespmem:v61+s12+$0x0], $0xffff  }
0x1c4: {  	v62 =	vor.u32 s10, v1;
	_ =	sdelay $0x3  }
0x1c5: {  	s19 =	simm.s32 $0x2280;
	[tilespmem:v13+s5+$0x0] =	vst.idx.msk $0xffff, v56  }
0x1c6: {  	v56 =	vld.idx.msk [tilespmem:v62+s19+$0x0], $0xffff  }
0x1c7: {  	v63 =	vor.u32 s10, v2  }
0x1c8: {  	(v2sf) =	vpush v55, $0x4;
	_ =	sdelay $0x2  }
0x1c9: {  	s20 =	spop (v2sf);
	[tilespmem:v14+s5+$0x0] =	vst.idx.msk $0xffff, v56  }
0x1ca: {  	s10 =	sand.u32 $0x7F, s20;
	v56 =	vld.idx.msk [tilespmem:v63+s19+$0x0], $0xffff  }
0x1cb: {  	v60 =	vor.u32 s10, v1;
	_ =	sdelay $0x3  }
0x1cc: {  	s21 =	simm.s32 $0x3280;
	[tilespmem:v15+s5+$0x0] =	vst.idx.msk $0xffff, v56  }
0x1cd: {  	v56 =	vld.idx.msk [tilespmem:v60+s21+$0x0], $0xffff  }
0x1ce: {  	v61 =	vor.u32 s10, v2  }
0x1cf: {  	(v2sf) =	vpush v55, $0x5;
	_ =	sdelay $0x2  }
0x1d0: {  	s22 =	spop (v2sf);
	[tilespmem:v16+s5+$0x0] =	vst.idx.msk $0xffff, v56  }
0x1d1: {  	s10 =	sand.u32 $0x7F, s22;
	v56 =	vld.idx.msk [tilespmem:v61+s21+$0x0], $0xffff  }
0x1d2: {  	v62 =	vor.u32 s10, v1;
	_ =	sdelay $0x3  }
0x1d3: {  	s23 =	simm.s32 $0x4280;
	[tilespmem:v17+s5+$0x0] =	vst.idx.msk $0xffff, v56  }
0x1d4: {  	v56 =	vld.idx.msk [tilespmem:v62+s23+$0x0], $0xffff  }
0x1d5: {  	v63 =	vor.u32 s10, v2  }
0x1d6: {  	(v2sf) =	vpush v55, $0x6;
	_ =	sdelay $0x2  }
0x1d7: {  	s24 =	spop (v2sf);
	[tilespmem:v18+s5+$0x0] =	vst.idx.msk $0xffff, v56  }
0x1d8: {  	s10 =	sand.u32 $0x7F, s24;
	v56 =	vld.idx.msk [tilespmem:v63+s23+$0x0], $0xffff  }
0x1d9: {  	v60 =	vor.u32 s10, v1;
	_ =	sdelay $0x3  }
0x1da: {  	s25 =	simm.s32 $0x5280;
	[tilespmem:v19+s5+$0x0] =	vst.idx.msk $0xffff, v56  }
0x1db: {  	v56 =	vld.idx.msk [tilespmem:v60+s25+$0x0], $0xffff  }
0x1dc: {  	v61 =	vor.u32 s10, v2  }
0x1dd: {  	(v2sf) =	vpush v55, $0x7;
	_ =	sdelay $0x2  }
0x1de: {  	s26 =	spop (v2sf);
	[tilespmem:v20+s5+$0x0] =	vst.idx.msk $0xffff, v56  }
0x1df: {  	s10 =	sand.u32 $0x7F, s26;
	v62 =	vld.idx.msk [tilespmem:v61+s25+$0x0], $0xffff  }
0x1e0: {  	v63 =	vor.u32 s10, v1;
	_ =	sdelay $0x3  }
0x1e1: {  	[tilespmem:v21+s5+$0x0] =	vst.idx.msk $0xffff, v62  }
0x1e2: {  	v55 =	vld.idx.msk [tilespmem:v63+s16+$0x0], $0xffff  }
0x1e3: {  	v60 =	vor.u32 s10, v2;
	_ =	sdelay $0x3  }
0x1e4: {  	s12 =	spop (v2sf);
	[tilespmem:v22+s5+$0x0] =	vst.idx.msk $0xffff, v55  }
0x1e5: {  	s10 =	sand.u32 $0x7F, s12;
	v55 =	vld.idx.msk [tilespmem:v60+s16+$0x0], $0xffff  }
0x1e6: {  	v61 =	vor.u32 s10, v1;
	_ =	sdelay $0x3  }
0x1e7: {  	[tilespmem:v23+s5+$0x0] =	vst.idx.msk $0xffff, v55  }
0x1e8: {  	v55 =	vld.idx.msk [tilespmem:v61+s17+$0x0], $0xffff  }
0x1e9: {  	v62 =	vor.u32 s10, v2;
	_ =	sdelay $0x3  }
0x1ea: {  	[tilespmem:v24+s5+$0x0] =	vst.idx.msk $0xffff, v55  }
0x1eb: {  	v55 =	vld.idx.msk [tilespmem:v62+s17+$0x0], $0xffff;
	_ =	sdelay $0x4  }
0x1ec: {  	[tilespmem:v25+s5+$0x0] =	vst.idx.msk $0xffff, v55  }
0x1ed: {  	_ =	swait.ge [sflag:s6], $0x8000  }
0x1ee: {  	[sflag:s6] =	ssyncset.done $0x0  }
0x1ef: {  	[sflag:s6] =	ssyncadd.s32 $0xFFFF8000  }
0x1f0: {  	v55 =	vld [tilespmem:$0x1E8];
	_ =	sdelay $0x4  }
0x1f1: {  	(v2sf) =	vpush v55, $0x0;
	_ =	sdelay $0xb  }
0x1f2: {  	(v2sf) =	vpush v55, $0x1;
	_ =	sdelay $0x2  }
0x1f3: {  	s13 =	spop (v2sf)  }
0x1f4: {  	s10 =	sand.u32 $0x7F, s13  }
0x1f5: {  	v63 =	vor.u32 s10, v1;
	_ =	sdelay $0x3  }
0x1f6: {  	s18 =	simm.s32 $0x8280  }
0x1f7: {  	v56 =	vld.idx.msk [tilespmem:v63+s18+$0x0], $0xffff  }
0x1f8: {  	v60 =	vor.u32 s10, v2  }
0x1f9: {  	(v2sf) =	vpush v55, $0x2;
	_ =	sdelay $0x2  }
0x1fa: {  	s14 =	spop (v2sf);
	[tilespmem:v26+s5+$0x0] =	vst.idx.msk $0xffff, v56  }
0x1fb: {  	s10 =	sand.u32 $0x7F, s14;
	v56 =	vld.idx.msk [tilespmem:v60+s18+$0x0], $0xffff  }
0x1fc: {  	v61 =	vor.u32 s10, v1;
	_ =	sdelay $0x3  }
0x1fd: {  	s15 =	simm.s32 $0x9280;
	[tilespmem:v27+s5+$0x0] =	vst.idx.msk $0xffff, v56  }
0x1fe: {  	v56 =	vld.idx.msk [tilespmem:v61+s15+$0x0], $0xffff  }
0x1ff: {  	v62 =	vor.u32 s10, v2  }
0x200: {  	(v2sf) =	vpush v55, $0x3;
	_ =	sdelay $0x2  }
0x201: {  	s19 =	spop (v2sf);
	[tilespmem:v28+s5+$0x0] =	vst.idx.msk $0xffff, v56  }
0x202: {  	s10 =	sand.u32 $0x7F, s19;
	v56 =	vld.idx.msk [tilespmem:v62+s15+$0x0], $0xffff  }
0x203: {  	v63 =	vor.u32 s10, v1;
	_ =	sdelay $0x3  }
0x204: {  	s20 =	simm.s32 $0xA280;
	[tilespmem:v29+s5+$0x0] =	vst.idx.msk $0xffff, v56  }
0x205: {  	v56 =	vld.idx.msk [tilespmem:v63+s20+$0x0], $0xffff  }
0x206: {  	v60 =	vor.u32 s10, v2  }
0x207: {  	(v2sf) =	vpush v55, $0x4;
	_ =	sdelay $0x2  }
0x208: {  	s21 =	spop (v2sf);
	[tilespmem:v30+s5+$0x0] =	vst.idx.msk $0xffff, v56  }
0x209: {  	s10 =	sand.u32 $0x7F, s21;
	v56 =	vld.idx.msk [tilespmem:v60+s20+$0x0], $0xffff  }
0x20a: {  	v61 =	vor.u32 s10, v1;
	_ =	sdelay $0x3  }
0x20b: {  	s22 =	simm.s32 $0xB280;
	[tilespmem:v31+s5+$0x0] =	vst.idx.msk $0xffff, v56  }
0x20c: {  	v56 =	vld.idx.msk [tilespmem:v61+s22+$0x0], $0xffff  }
0x20d: {  	v62 =	vor.u32 s10, v2  }
0x20e: {  	(v2sf) =	vpush v55, $0x5;
	_ =	sdelay $0x2  }
0x20f: {  	s23 =	spop (v2sf);
	[tilespmem:v32+s5+$0x0] =	vst.idx.msk $0xffff, v56  }
0x210: {  	s10 =	sand.u32 $0x7F, s23;
	v56 =	vld.idx.msk [tilespmem:v62+s22+$0x0], $0xffff  }
0x211: {  	v63 =	vor.u32 s10, v1;
	_ =	sdelay $0x3  }
0x212: {  	s13 =	simm.s32 $0xC280;
	[tilespmem:v33+s5+$0x0] =	vst.idx.msk $0xffff, v56  }
0x213: {  	v56 =	vld.idx.msk [tilespmem:v63+s13+$0x0], $0xffff  }
0x214: {  	v60 =	vor.u32 s10, v2  }
0x215: {  	(v2sf) =	vpush v55, $0x6;
	_ =	sdelay $0x2  }
0x216: {  	s24 =	spop (v2sf);
	[tilespmem:v34+s5+$0x0] =	vst.idx.msk $0xffff, v56  }
0x217: {  	s10 =	sand.u32 $0x7F, s24;
	v56 =	vld.idx.msk [tilespmem:v60+s13+$0x0], $0xffff  }
0x218: {  	v61 =	vor.u32 s10, v1;
	_ =	sdelay $0x3  }
0x219: {  	s25 =	simm.s32 $0xD280;
	[tilespmem:v35+s5+$0x0] =	vst.idx.msk $0xffff, v56  }
0x21a: {  	v56 =	vld.idx.msk [tilespmem:v61+s25+$0x0], $0xffff  }
0x21b: {  	v62 =	vor.u32 s10, v2  }
0x21c: {  	(v2sf) =	vpush v55, $0x7;
	_ =	sdelay $0x2  }
0x21d: {  	s14 =	spop (v2sf);
	[tilespmem:v36+s5+$0x0] =	vst.idx.msk $0xffff, v56  }
0x21e: {  	s10 =	sand.u32 $0x7F, s14;
	v63 =	vld.idx.msk [tilespmem:v62+s25+$0x0], $0xffff  }
0x21f: {  	v60 =	vor.u32 s10, v1;
	_ =	sdelay $0x3  }
0x220: {  	s15 =	simm.s32 $0xE280;
	[tilespmem:v37+s5+$0x0] =	vst.idx.msk $0xffff, v63  }
0x221: {  	v55 =	vld.idx.msk [tilespmem:v60+s15+$0x0], $0xffff  }
0x222: {  	v61 =	vor.u32 s10, v2;
	_ =	sdelay $0x3  }
0x223: {  	s18 =	spop (v2sf);
	[tilespmem:v38+s5+$0x0] =	vst.idx.msk $0xffff, v55  }
0x224: {  	s10 =	sand.u32 $0x7F, s18;
	v55 =	vld.idx.msk [tilespmem:v61+s15+$0x0], $0xffff  }
0x225: {  	v62 =	vor.u32 s10, v1;
	_ =	sdelay $0x3  }
0x226: {  	s19 =	simm.s32 $0xF280;
	[tilespmem:v39+s5+$0x0] =	vst.idx.msk $0xffff, v55  }
0x227: {  	v55 =	vld.idx.msk [tilespmem:v62+s19+$0x0], $0xffff  }
0x228: {  	v63 =	vor.u32 s10, v2;
	_ =	sdelay $0x3  }
0x229: {  	[tilespmem:v40+s5+$0x0] =	vst.idx.msk $0xffff, v55  }
0x22a: {  	v55 =	vld.idx.msk [tilespmem:v63+s19+$0x0], $0xffff;
	_ =	sdelay $0x4  }
0x22b: {  	[tilespmem:v41+s5+$0x0] =	vst.idx.msk $0xffff, v55  }
0x22c: {  	_ =	swait.ge [sflag:s7], $0x8000  }
0x22d: {  	[sflag:s7] =	ssyncset.done $0x0  }
0x22e: {  	[sflag:s7] =	ssyncadd.s32 $0xFFFF8000  }
0x22f: {  	v55 =	vld [tilespmem:$0x1F0];
	_ =	sdelay $0x4  }
0x230: {  	(v2sf) =	vpush v55, $0x0;
	_ =	sdelay $0xb  }
0x231: {  	(v2sf) =	vpush v55, $0x1;
	_ =	sdelay $0x2  }
0x232: {  	s20 =	spop (v2sf)  }
0x233: {  	s10 =	sand.u32 $0x7F, s20  }
0x234: {  	v60 =	vor.u32 s10, v1;
	_ =	sdelay $0x3  }
0x235: {  	s21 =	simm.s32 $0x10280  }
0x236: {  	v56 =	vld.idx.msk [tilespmem:v60+s21+$0x0], $0xffff  }
0x237: {  	v61 =	vor.u32 s10, v2  }
0x238: {  	(v2sf) =	vpush v55, $0x2;
	_ =	sdelay $0x2  }
0x239: {  	s22 =	spop (v2sf);
	[tilespmem:v42+s5+$0x0] =	vst.idx.msk $0xffff, v56  }
0x23a: {  	s10 =	sand.u32 $0x7F, s22;
	v56 =	vld.idx.msk [tilespmem:v61+s21+$0x0], $0xffff  }
0x23b: {  	v62 =	vor.u32 s10, v1;
	_ =	sdelay $0x3  }
0x23c: {  	s23 =	simm.s32 $0x11280;
	[tilespmem:v43+s5+$0x0] =	vst.idx.msk $0xffff, v56  }
0x23d: {  	v56 =	vld.idx.msk [tilespmem:v62+s23+$0x0], $0xffff  }
0x23e: {  	v63 =	vor.u32 s10, v2  }
0x23f: {  	(v2sf) =	vpush v55, $0x3;
	_ =	sdelay $0x2  }
0x240: {  	s25 =	spop (v2sf);
	[tilespmem:v44+s5+$0x0] =	vst.idx.msk $0xffff, v56  }
0x241: {  	s10 =	sand.u32 $0x7F, s25;
	v56 =	vld.idx.msk [tilespmem:v63+s23+$0x0], $0xffff  }
0x242: {  	v60 =	vor.u32 s10, v1;
	_ =	sdelay $0x3  }
0x243: {  	s18 =	simm.s32 $0x12280;
	[tilespmem:v45+s5+$0x0] =	vst.idx.msk $0xffff, v56  }
0x244: {  	v56 =	vld.idx.msk [tilespmem:v60+s18+$0x0], $0xffff  }
0x245: {  	v61 =	vor.u32 s10, v2  }
0x246: {  	(v2sf) =	vpush v55, $0x4;
	_ =	sdelay $0x2  }
0x247: {  	s19 =	spop (v2sf);
	[tilespmem:v46+s5+$0x0] =	vst.idx.msk $0xffff, v56  }
0x248: {  	s10 =	sand.u32 $0x7F, s19;
	v56 =	vld.idx.msk [tilespmem:v61+s18+$0x0], $0xffff  }
0x249: {  	v62 =	vor.u32 s10, v1;
	_ =	sdelay $0x3  }
0x24a: {  	[tilespmem:v47+s5+$0x0] =	vst.idx.msk $0xffff, v56  }
0x24b: {  	v56 =	vld.idx.msk [tilespmem:v62+s30+$0x0], $0xffff  }
0x24c: {  	v63 =	vor.u32 s10, v2  }
0x24d: {  	(v2sf) =	vpush v55, $0x5;
	_ =	sdelay $0x2  }
0x24e: {  	s20 =	spop (v2sf);
	[tilespmem:v48+s5+$0x0] =	vst.idx.msk $0xffff, v56  }
0x24f: {  	s10 =	sand.u32 $0x7F, s20;
	v56 =	vld.idx.msk [tilespmem:v63+s30+$0x0], $0xffff  }
0x250: {  	v60 =	vor.u32 s10, v1;
	_ =	sdelay $0x3  }
0x251: {  	[tilespmem:v49+s5+$0x0] =	vst.idx.msk $0xffff, v56  }
0x252: {  	v56 =	vld.idx.msk [tilespmem:v60+s31+$0x0], $0xffff  }
0x253: {  	v61 =	vor.u32 s10, v2  }
0x254: {  	(v2sf) =	vpush v55, $0x6;
	_ =	sdelay $0x2  }
0x255: {  	s21 =	spop (v2sf);
	[tilespmem:v50+s5+$0x0] =	vst.idx.msk $0xffff, v56  }
0x256: {  	s10 =	sand.u32 $0x7F, s21;
	v56 =	vld.idx.msk [tilespmem:v61+s31+$0x0], $0xffff  }
0x257: {  	v62 =	vor.u32 s10, v1;
	_ =	sdelay $0x3  }
0x258: {  	[tilespmem:v51+s5+$0x0] =	vst.idx.msk $0xffff, v56  }
0x259: {  	v56 =	vld.idx.msk [tilespmem:v62+s0+$0x0], $0xffff  }
0x25a: {  	v63 =	vor.u32 s10, v2  }
0x25b: {  	(v2sf) =	vpush v55, $0x7;
	_ =	sdelay $0x2  }
0x25c: {  	s22 =	spop (v2sf);
	[tilespmem:v52+s5+$0x0] =	vst.idx.msk $0xffff, v56  }
0x25d: {  	s10 =	sand.u32 $0x7F, s22;
	v60 =	vld.idx.msk [tilespmem:v63+s0+$0x0], $0xffff  }
0x25e: {  	v61 =	vor.u32 s10, v1;
	_ =	sdelay $0x3  }
0x25f: {  	[tilespmem:v53+s5+$0x0] =	vst.idx.msk $0xffff, v60  }
0x260: {  	v55 =	vld.idx.msk [tilespmem:v61+s2+$0x0], $0xffff  }
0x261: {  	v62 =	vor.u32 s10, v2;
	_ =	sdelay $0x3  }
0x262: {  	s23 =	spop (v2sf);
	[tilespmem:v54+s5+$0x0] =	vst.idx.msk $0xffff, v55  }
0x263: {  	s10 =	sand.u32 $0x7F, s23;
	v63 =	vor.u32 $0x3ED0, v0;
	v55 =	vld.idx.msk [tilespmem:v62+s2+$0x0], $0xffff  }
0x264: {  	v60 =	vor.u32 s10, v1;
	_ =	sdelay $0x3  }
0x265: {  	[tilespmem:v63+s5+$0x0] =	vst.idx.msk $0xffff, v55  }
0x266: {  	v61 =	vor.u32 $0x3EE0, v0;
	v55 =	vld.idx.msk [tilespmem:v60+s3+$0x0], $0xffff  }
0x267: {  	v62 =	vor.u32 s10, v2;
	_ =	sdelay $0x3  }
0x268: {  	[tilespmem:v61+s5+$0x0] =	vst.idx.msk $0xffff, v55  }
0x269: {  	v63 =	vor.u32 $0x3EF0, v0;
	v55 =	vld.idx.msk [tilespmem:v62+s3+$0x0], $0xffff;
	_ =	sdelay $0x4  }
0x26a: {  	[tilespmem:v63+s5+$0x0] =	vst.idx.msk $0xffff, v55  }
0x26b: {  	v55 =	vld [tilespmem:$0x1F8];
	_ =	sdelay $0x4  }
0x26c: {  	(v2sf) =	vpush v55, $0x2  }
0x26d: {  	(v2sf) =	vpush v55, $0x3  }
0x26e: {  	(v2sf) =	vpush v55, $0x4  }
0x26f: {  	(v2sf) =	vpush v55, $0x5  }
0x270: {  	(v2sf) =	vpush v55, $0x6  }
0x271: {  	(v2sf) =	vpush v55, $0x7  }
0x272: {  	(v2sf) =	vpush v55, $0x0;
	_ =	sdelay $0x1  }
0x273: {  	(v2sf) =	vpush v55, $0x1;
	_ =	sdelay $0x6  }
0x274: {  	s10 =	spop (v2sf)  }
0x275: {  	s18 =	spop (v2sf)  }
0x276: {  	s19 =	spop (v2sf)  }
0x277: {  	s20 =	spop (v2sf)  }
0x278: {  	s21 =	spop (v2sf)  }
0x279: {  	s22 =	spop (v2sf)  }
0x27a: {  	s23 =	spop (v2sf)  }
0x27b: {  	s23 =	sand.u32 $0xFFFFF80, s23  }
0x27c: {  	s13 =	spop (v2sf);
	s23 =	sadd.s32 s1, s23  }
0x27d: {  	[tilespmem:s11], [sflag:$0x1] =	stream.strided.gather [hbm4b:s23+s8], $0x1000, s9, s8, $0x38;
	[tilespmem:$0x1C280] =	vst v63  }
0x27e: {  	s23 =	sand.u32 $0xFFFFF80, s13  }
0x27f: {  	s10 =	sand.u32 $0xFFFFF80, s10;
	s13 =	simm.s32 $0x1280;
	s23 =	sadd.s32 s1, s23  }
0x280: {  	[tilespmem:s13], [sflag:$0x1] =	stream.strided.gather [hbm4b:s23+s8], $0x1000, s9, s8, $0x38;
	[tilespmem:$0x1C280] =	vst v63  }
0x281: {  	s10 =	sadd.s32 s1, s10;
	s18 =	sand.u32 $0xFFFFF80, s18;
	s13 =	simm.s32 $0x2280  }
0x282: {  	[tilespmem:s13], [sflag:$0x1] =	stream.strided.gather [hbm4b:s10+s8], $0x1000, s9, s8, $0x38;
	[tilespmem:$0x1C280] =	vst v63  }
0x283: {  	s23 =	simm.s32 $0x3280;
	s10 =	sadd.s32 s1, s18;
	s18 =	sand.u32 $0xFFFFF80, s19  }
0x284: {  	[tilespmem:s23], [sflag:$0x1] =	stream.strided.gather [hbm4b:s10+s8], $0x1000, s9, s8, $0x38;
	[tilespmem:$0x1C280] =	vst v63  }
0x285: {  	s20 =	sand.u32 $0xFFFFF80, s20;
	s19 =	simm.s32 $0x4280;
	s10 =	sadd.s32 s1, s18  }
0x286: {  	[tilespmem:s19], [sflag:$0x1] =	stream.strided.gather [hbm4b:s10+s8], $0x1000, s9, s8, $0x38;
	[tilespmem:$0x1C280] =	vst v63  }
0x287: {  	s23 =	simm.s32 $0x5280;
	s18 =	sand.u32 $0xFFFFF80, s21;
	s10 =	sadd.s32 s1, s20  }
0x288: {  	[tilespmem:s23], [sflag:$0x1] =	stream.strided.gather [hbm4b:s10+s8], $0x1000, s9, s8, $0x38;
	[tilespmem:$0x1C280] =	vst v63  }
0x289: {  	s19 =	sand.u32 $0xFFFFF80, s22;
	s10 =	sadd.s32 s1, s18  }
0x28a: {  	[tilespmem:s16], [sflag:$0x1] =	stream.strided.gather [hbm4b:s10+s8], $0x1000, s9, s8, $0x38;
	[tilespmem:$0x1C280] =	vst v63  }
0x28b: {  	s10 =	sadd.s32 s1, s19  }
0x28c: {  	[tilespmem:s17], [sflag:$0x1] =	stream.strided.gather [hbm4b:s10+s8], $0x1000, s9, s8, $0x38;
	[tilespmem:$0x1C280] =	vst v63  }
0x28d: {  	_ =	swait.ge [sflag:s4], $0x8000  }
0x28e: {  	[sflag:s4] =	ssyncset.done $0x0  }
0x28f: {  	[sflag:s4] =	ssyncadd.s32 $0xFFFF8000  }
0x290: {  	v55 =	vld [tilespmem:$0x1F8];
	_ =	sdelay $0x4  }
0x291: {  	(v2sf) =	vpush v55, $0x0;
	_ =	sdelay $0xb  }
0x292: {  	(v2sf) =	vpush v55, $0x1;
	_ =	sdelay $0x2  }
0x293: {  	s20 =	spop (v2sf)  }
0x294: {  	s10 =	sand.u32 $0x7F, s20  }
0x295: {  	v60 =	vor.u32 s10, v1;
	_ =	sdelay $0x4  }
0x296: {  	v61 =	vor.u32 $0x3F00, v0;
	v56 =	vld.idx.msk [tilespmem:v60+s11+$0x0], $0xffff  }
0x297: {  	v58 =	vor.u32 s10, v2  }
0x298: {  	(v2sf) =	vpush v55, $0x2;
	_ =	sdelay $0x2  }
0x299: {  	s21 =	spop (v2sf);
	[tilespmem:v61+s5+$0x0] =	vst.idx.msk $0xffff, v56  }
0x29a: {  	v62 =	vor.u32 $0x3F10, v0;
	s10 =	sand.u32 $0x7F, s21;
	v56 =	vld.idx.msk [tilespmem:v58+s11+$0x0], $0xffff  }
0x29b: {  	v63 =	vor.u32 s10, v1;
	_ =	sdelay $0x3  }
0x29c: {  	s22 =	simm.s32 $0x1280;
	[tilespmem:v62+s5+$0x0] =	vst.idx.msk $0xffff, v56  }
0x29d: {  	v60 =	vor.u32 $0x3F20, v0;
	v56 =	vld.idx.msk [tilespmem:v63+s22+$0x0], $0xffff  }
0x29e: {  	v61 =	vor.u32 s10, v2  }
0x29f: {  	(v2sf) =	vpush v55, $0x3;
	_ =	sdelay $0x2  }
0x2a0: {  	s23 =	spop (v2sf);
	[tilespmem:v60+s5+$0x0] =	vst.idx.msk $0xffff, v56  }
0x2a1: {  	s10 =	sand.u32 $0x7F, s23;
	v62 =	vor.u32 $0x3F30, v0;
	v56 =	vld.idx.msk [tilespmem:v61+s22+$0x0], $0xffff  }
0x2a2: {  	v63 =	vor.u32 s10, v1;
	_ =	sdelay $0x3  }
0x2a3: {  	[tilespmem:v62+s5+$0x0] =	vst.idx.msk $0xffff, v56  }
0x2a4: {  	v60 =	vor.u32 $0x3F40, v0;
	v56 =	vld.idx.msk [tilespmem:v63+s13+$0x0], $0xffff  }
0x2a5: {  	v61 =	vor.u32 s10, v2  }
0x2a6: {  	(v2sf) =	vpush v55, $0x4;
	_ =	sdelay $0x2  }
0x2a7: {  	s18 =	simm.s32 $0x2280;
	s19 =	spop (v2sf);
	[tilespmem:v60+s5+$0x0] =	vst.idx.msk $0xffff, v56  }
0x2a8: {  	s10 =	sand.u32 $0x7F, s19;
	v62 =	vor.u32 $0x3F50, v0;
	v56 =	vld.idx.msk [tilespmem:v61+s18+$0x0], $0xffff  }
0x2a9: {  	v63 =	vor.u32 s10, v1;
	_ =	sdelay $0x3  }
0x2aa: {  	s22 =	simm.s32 $0x3280;
	[tilespmem:v62+s5+$0x0] =	vst.idx.msk $0xffff, v56  }
0x2ab: {  	v60 =	vor.u32 $0x3F60, v0;
	v56 =	vld.idx.msk [tilespmem:v63+s22+$0x0], $0xffff  }
0x2ac: {  	v61 =	vor.u32 s10, v2  }
0x2ad: {  	(v2sf) =	vpush v55, $0x5;
	_ =	sdelay $0x2  }
0x2ae: {  	s23 =	spop (v2sf);
	[tilespmem:v60+s5+$0x0] =	vst.idx.msk $0xffff, v56  }
0x2af: {  	s10 =	sand.u32 $0x7F, s23;
	v62 =	vor.u32 $0x3F70, v0;
	v56 =	vld.idx.msk [tilespmem:v61+s22+$0x0], $0xffff  }
0x2b0: {  	v63 =	vor.u32 s10, v1;
	_ =	sdelay $0x3  }
0x2b1: {  	s19 =	simm.s32 $0x4280;
	[tilespmem:v62+s5+$0x0] =	vst.idx.msk $0xffff, v56  }
0x2b2: {  	v60 =	vor.u32 $0x3F80, v0;
	v56 =	vld.idx.msk [tilespmem:v63+s19+$0x0], $0xffff  }
0x2b3: {  	v61 =	vor.u32 s10, v2  }
0x2b4: {  	(v2sf) =	vpush v55, $0x6;
	_ =	sdelay $0x2  }
0x2b5: {  	s23 =	spop (v2sf);
	[tilespmem:v60+s5+$0x0] =	vst.idx.msk $0xffff, v56  }
0x2b6: {  	s10 =	sand.u32 $0x7F, s23;
	v62 =	vor.u32 $0x3F90, v0;
	v56 =	vld.idx.msk [tilespmem:v61+s19+$0x0], $0xffff  }
0x2b7: {  	v63 =	vor.u32 s10, v1;
	_ =	sdelay $0x3  }
0x2b8: {  	s18 =	simm.s32 $0x5280;
	[tilespmem:v62+s5+$0x0] =	vst.idx.msk $0xffff, v56  }
0x2b9: {  	v60 =	vor.u32 $0x3FA0, v0;
	v56 =	vld.idx.msk [tilespmem:v63+s18+$0x0], $0xffff  }
0x2ba: {  	v61 =	vor.u32 s10, v2  }
0x2bb: {  	(v2sf) =	vpush v55, $0x7;
	_ =	sdelay $0x2  }
0x2bc: {  	s19 =	spop (v2sf);
	[tilespmem:v60+s5+$0x0] =	vst.idx.msk $0xffff, v56  }
0x2bd: {  	s10 =	sand.u32 $0x7F, s19;
	v63 =	vor.u32 $0x3FB0, v0;
	v62 =	vld.idx.msk [tilespmem:v61+s18+$0x0], $0xffff  }
0x2be: {  	v60 =	vor.u32 s10, v1;
	_ =	sdelay $0x3  }
0x2bf: {  	[tilespmem:v63+s5+$0x0] =	vst.idx.msk $0xffff, v62  }
0x2c0: {  	v61 =	vor.u32 $0x3FC0, v0;
	v55 =	vld.idx.msk [tilespmem:v60+s16+$0x0], $0xffff  }
0x2c1: {  	v62 =	vor.u32 s10, v2;
	_ =	sdelay $0x3  }
0x2c2: {  	s19 =	spop (v2sf);
	[tilespmem:v61+s5+$0x0] =	vst.idx.msk $0xffff, v55  }
0x2c3: {  	v63 =	vor.u32 $0x3FD0, v0;
	s10 =	sand.u32 $0x7F, s19;
	v55 =	vld.idx.msk [tilespmem:v62+s16+$0x0], $0xffff  }
0x2c4: {  	v60 =	vor.u32 s10, v1;
	_ =	sdelay $0x3  }
0x2c5: {  	[tilespmem:v63+s5+$0x0] =	vst.idx.msk $0xffff, v55  }
0x2c6: {  	v61 =	vor.u32 $0x3FE0, v0;
	v55 =	vld.idx.msk [tilespmem:v60+s17+$0x0], $0xffff  }
0x2c7: {  	v62 =	vor.u32 s10, v2;
	_ =	sdelay $0x3  }
0x2c8: {  	[tilespmem:v61+s5+$0x0] =	vst.idx.msk $0xffff, v55  }
0x2c9: {  	v63 =	vor.u32 $0x3FF0, v0;
	v55 =	vld.idx.msk [tilespmem:v62+s17+$0x0], $0xffff;
	_ =	sdelay $0x4  }
0x2ca: {  	s18 =	rddreg [dreg:$0x5];
	s19 =	simm.s32 $0x80;
	[tilespmem:v63+s5+$0x0] =	vst.idx.msk $0xffff, v55  }
0x2cb: {  	[hbm4b:s18+s19] =	stream.strided.scatter [tilespmem:s5], [sflag:$0x4], $0x4000, s8, s19, $0x38;
	[tilespmem:$0x1C280] =	vst v63  }
0x2cc: {  	s19 =	simm.s32 $0x4  }
0x2cd: {  	_ =	swait.ge [sflag:s19], $0x4000  }
0x2ce: {  	s10 =	rddreg [dreg:$0x7]  }
0x2cf: {  	s18 =	sadd.s32 $0x1, s10;
	s10 =	rddreg [dreg:$0x6]  }
0x2d0: {  	s28 =	simm.s32 $0xC280;
	s29 =	simm.s32 $0x10280;
	p0 =	sne.s32 s18, s10  }
.Ltmp1:
0x2d1: {  	s26 =	simm.s32 $0xD280;
	s12 =	simm.s32 $0xB280;
	(pc) =	sbr.rel @p0 .LBB2_1-.Ltmp1, $4  }
0x2d2: {  	s24 =	simm.s32 $0x11280;
	s14 =	simm.s32 $0xE280;
	s15 =	simm.s32 $0xF280  }
0x2d3: {  	s25 =	simm.s32 $0x12280;
	s20 =	simm.s32 $0x280;
	s21 =	simm.s32 $0x1280  }
0x2d4: {  	s11 =	simm.s32 $0x2280;
	s13 =	simm.s32 $0x3280;
	[sflag:s19] =	ssyncset.done $0x0  }
0x2d5: {  	s22 =	simm.s32 $0x4280;
	s23 =	simm.s32 $0x5280;
	[sflag:s19] =	ssyncadd.s32 $0xFFFFC000  }
0x2d6: {  	_ =	sfence.sel $0x180000  }
0x2d7: {  	[bflag:$0x0] =	sbarrier.arrive $0xFFFF  }
0x2d8: {  	_ =	strace $0x9000004A  }
0x2d9: {  	s0 =	stileid.u32;
	[bflag:$0x2] =	sbarrier.arrive $0xFFFF  }
0x2da: {  	p0 =	sne.s32 s0, $0x0;
	s0 =	rddreg [dreg:$0x3]  }
0x2db: {  	s0 =	sadd.s32 @!p0 $0x100000, s0  }
0x2dc: {  	[sflag:s0] =	ssyncadd.tile.s32 @!p0 $0x1;
	_ =	shalt  }
.Lfunc_end2:
_tile_overlayer_lowered:
.L_overlay_start_2:
0x2dd: {  	(tag) =	ssettag $0x2  }
0x2de: {  	s0 =	rddreg [dreg:$0x0];
	s2 =	stileid.u32  }
0x2df: {  	s1 =	rddreg [dreg:$0x1];
	p0 =	sne.s32 s2, $0x0  }
0x2e0: {  	s3 =	rddreg [dreg:$0x2];
	[bflag:$0x3] =	sbarrier.arrive $0xFFFF;
	s2 =	simm.s32 @!p0 $0x1C04  }
0x2e1: {  	[timem:s3], [sflag:s2] =	dma.local @!p0 [hbm:s0], s1  }
0x2e2: {  	s0 =	simm.s32 @!p0 $0x4  }
0x2e3: {  	_ =	swait.ge @!p0 [sflag:s0], s1  }
0x2e4: {  	s1 =	ssub.s32 @!p0 $0x0, s1;
	[sflag:s0] =	ssyncset.done @!p0 $0x0  }
0x2e5: {  	[sflag:s0] =	ssyncadd.s32 @!p0 s1  }
0x2e6: {  	[bflag:$0x3] =	sbarrier.arrive $0xFFFF  }
0x2e7: {  	_ =	shalt  }

// kernel: kernel.8.cloned.1.call-start
scs
__scs_entry_jumppad:
0x0: {  	(pc) =	sbr.rel $0x88, $3  }
0x1: {  	(tag) =	ssettag $0x0;
	lr =	simm.s32 $0x1  }
0x2: {  	[smem:$0x3F95] =	sst lr;
	_ =	strace $0xD0000000  }
0x3: {  	_ = 	snop  }
0x4: {  	_ = 	snop  }
0x5: {  	_ = 	snop  }
0x6: {  	_ = 	snop  }
0x7: {  	_ = 	snop  }
__scs_overlays_trampoline_lowered:
0x8: {  	[smem:$0x3FA4] =	sst s0  }
0x9: {  	[smem:$0x3FA5] =	sst s1  }
0xa: {  	[smem:$0x3FA6] =	sst s2  }
0xb: {  	[smem:$0x3FA7] =	sst s3  }
0xc: {  	[smem:$0x3FA8] =	sst s4  }
0xd: {  	[smem:$0x3FA9] =	sst s5  }
0xe: {  	[smem:$0x3FAA] =	sst s6  }
0xf: {  	[smem:$0x3FAB] =	sst s7  }
0x10: {  	[smem:$0x3FAC] =	sst s8  }
0x11: {  	[smem:$0x3FAD] =	sst s9;
	s0 =	simm.s32 @!p0 $0x0  }
0x12: {  	s1 =	sld [smem:$0x3F93];
	s0 =	simm.s32 @p0 $0x1  }
0x13: {  	[smem:$0x3FAE] =	sst s0;
	s0 =	simm.s32 @!p1 $0x0  }
0x14: {  	s2 =	sld [smem:$0x3F92];
	s0 =	simm.s32 @p1 $0x1  }
0x15: {  	[smem:$0x3FAF] =	sst s0;
	s0 =	simm.s32 @!p2 $0x0  }
0x16: {  	s3 =	sld [smem:$0x3FDB];
	s0 =	simm.s32 @p2 $0x1  }
0x17: {  	s4 =	simm.s32 $0x1BF5;
	[smem:$0x3FB1] =	sst s0  }
0x18: {  	s0 =	sld [smem:$0x3F94];
	_ =	swait.ge [sflag:s4], $0x0  }
0x19: {  	s7 =	sld [smem:$0x3F95]  }
0x1a: {  	s8 =	sadd.s32 $0xFFFFE003, lr  }
0x1b: {  	s9 =	sadd.s32 $0xFFFFFEF7, lr;
	s5 =	simm.s32 $0xFFFFFFFF;
	p2 =	slt.u32 s8, $0xFFFFF086  }
0x1c: {  	p1 =	slt.u32 s9, $0xF7A;
	s5 =	simm.s32 @!p2 $0x0  }
0x1d: {  	s5 =	simm.s32 @p1 $0x1;
	p0 =	seq.s32 s7, s2  }
0x1e: {  	s7 =	smul.u32 @!p0 $0xF7A, s2;
	p2 =	seq.s32 @!p0 s5, $0x0  }
0x1f: {  	s9 =	smul.u32 $0xF7A, s1;
	s8 =	simm.s32 @!p0 $0x1BF5;
	p2 =	por !p2, p0  }
0x20: {  	[sflag:s8] =	ssyncset.s32 @!p0 $0xFFFFF086;
	s6 =	sadd.s32 @!p0 s3, s7;
	s7 =	simm.s32 @!p0 $0x108  }
0x21: {  	s3 =	sadd.s32 s3, s9;
	s6 =	sadd.s32 @!p0 $0x88, s6;
	s7 =	simm.s32 @p2 $0x1082  }
0x22: {  	[simem:s7], [sflag:s8] =	dma.local @!p0 [hbm:s6], $0xF7A  }
0x23: {  	s9 =	sor.u32 $0xD0000000, s2;
	s6 =	simm.s32 $0x108;
	_ =	swait.ge @!p0 [sflag:s8], $0x0  }
0x24: {  	s3 =	sadd.s32 $0x88, s3;
	s6 =	simm.s32 @!p1 $0x1082;
	[sflag:s4] =	ssyncset.s32 $0xFFFFF086  }
0x25: {  	[simem:s6], [sflag:s4] =	dma.local [hbm:s3], $0xF7A  }
0x26: {  	[smem:$0x3F95] =	sst s1;
	(tag) =	ssettag s2;
	_ =	strace s9  }
0x27: {  	s1 =	sld [smem:$0x3FA5]  }
0x28: {  	s2 =	sld [smem:$0x3FA6]  }
0x29: {  	s4 =	sld [smem:$0x3FA8]  }
0x2a: {  	p0 =	seq.s32 s5, $0x0;
	s5 =	sld [smem:$0x3FA9]  }
0x2b: {  	s6 =	sld [smem:$0x3FAA]  }
0x2c: {  	s7 =	sld [smem:$0x3FAB]  }
0x2d: {  	s3 =	simm.s32 $0x108;
	s8 =	sld [smem:$0x3FAC]  }
0x2e: {  	s3 =	simm.s32 @!p0 $0x1082;
	s9 =	sld [smem:$0x3FAD]  }
0x2f: {  	lr =	sadd.s32 s0, s3;
	s0 =	sld [smem:$0x3FA4]  }
0x30: {  	s3 =	sld [smem:$0x3FA7]  }
0x31: {  	[smem:$0x3FB0] =	sst s10  }
0x32: {  	s10 =	sld [smem:$0x3FAE];
	_ =	sdelay $0x3  }
0x33: {  	p0 =	seq.s32 s10, $0x1;
	s10 =	sld [smem:$0x3FB0];
	_ =	sdelay $0x3  }
0x34: {  	[smem:$0x3FB0] =	sst s10  }
0x35: {  	s10 =	sld [smem:$0x3FAF];
	_ =	sdelay $0x3  }
0x36: {  	p1 =	seq.s32 s10, $0x1;
	s10 =	sld [smem:$0x3FB0];
	_ =	sdelay $0x3  }
0x37: {  	[smem:$0x3FB0] =	sst s10  }
0x38: {  	s10 =	sld [smem:$0x3FB1]  }
0x39: {  	_ = 	snop;
	(pc) =	sbr.ind lr, $3  }
0x3a: {  	_ = 	snop  }
0x3b: {  	_ = 	snop  }
0x3c: {  	p2 =	seq.s32 s10, $0x1;
	s10 =	sld [smem:$0x3FB0]  }
0x3d: {  	_ =	shalt  }
0x3e: {  	_ =	shalt  }
0x3f: {  	_ =	shalt  }
0x40: {  	_ =	shalt  }
0x41: {  	_ =	shalt  }
0x42: {  	_ =	shalt  }
0x43: {  	_ =	shalt  }
0x44: {  	_ =	shalt  }
0x45: {  	_ =	shalt  }
0x46: {  	_ =	shalt  }
0x47: {  	_ =	shalt  }
0x48: {  	_ =	shalt  }
0x49: {  	_ =	shalt  }
0x4a: {  	_ =	shalt  }
0x4b: {  	_ =	shalt  }
0x4c: {  	_ =	shalt  }
0x4d: {  	_ =	shalt  }
0x4e: {  	_ =	shalt  }
0x4f: {  	_ =	shalt  }
0x50: {  	_ =	shalt  }
0x51: {  	_ =	shalt  }
0x52: {  	_ =	shalt  }
0x53: {  	_ =	shalt  }
0x54: {  	_ =	shalt  }
0x55: {  	_ =	shalt  }
0x56: {  	_ =	shalt  }
0x57: {  	_ =	shalt  }
0x58: {  	_ =	shalt  }
0x59: {  	_ =	shalt  }
0x5a: {  	_ =	shalt  }
0x5b: {  	_ =	shalt  }
0x5c: {  	_ =	shalt  }
0x5d: {  	_ =	shalt  }
0x5e: {  	_ =	shalt  }
0x5f: {  	_ =	shalt  }
0x60: {  	_ =	shalt  }
0x61: {  	_ =	shalt  }
0x62: {  	_ =	shalt  }
0x63: {  	_ =	shalt  }
0x64: {  	_ =	shalt  }
0x65: {  	_ =	shalt  }
0x66: {  	_ =	shalt  }
0x67: {  	_ =	shalt  }
0x68: {  	_ =	shalt  }
0x69: {  	_ =	shalt  }
0x6a: {  	_ =	shalt  }
0x6b: {  	_ =	shalt  }
0x6c: {  	_ =	shalt  }
0x6d: {  	_ =	shalt  }
0x6e: {  	_ =	shalt  }
0x6f: {  	_ =	shalt  }
0x70: {  	_ =	shalt  }
0x71: {  	_ =	shalt  }
0x72: {  	_ =	shalt  }
0x73: {  	_ =	shalt  }
0x74: {  	_ =	shalt  }
0x75: {  	_ =	shalt  }
0x76: {  	_ =	shalt  }
0x77: {  	_ =	shalt  }
0x78: {  	_ =	shalt  }
0x79: {  	_ =	shalt  }
0x7a: {  	_ =	shalt  }
0x7b: {  	_ =	shalt  }
0x7c: {  	_ =	shalt  }
0x7d: {  	_ =	shalt  }
0x7e: {  	_ =	shalt  }
0x7f: {  	_ =	shalt  }
0x80: {  	_ =	shalt  }
0x81: {  	_ =	shalt  }
0x82: {  	_ =	shalt  }
0x83: {  	_ =	shalt  }
0x84: {  	_ =	shalt  }
0x85: {  	_ =	shalt  }
0x86: {  	_ =	shalt  }
0x87: {  	_ =	shalt  }
.Lfunc_end0:
.L_simem_size_0:
called_computation.1_lowered:
.L_overlay_start_0:
0x88: {  	s2 =	sld [smem:$0x3FD9]  }
0x89: {  	s3 =	sld [smem:$0x3FFE];
	_ =	sdelay $0x1  }
0x8a: {  	s1 =	srdreg.scid  }
0x8b: {  	s0 =	sand.u32 $0x1, s1  }
0x8c: {  	s17 =	sshll.u32 s0, $0xA;
	s2 =	sadd.s32 s3, s2  }
0x8d: {  	s2 =	sadd.s32 s2, s17  }
0x8e: {  	[smem:$0x3FBC] =	sst s2  }
0x8f: {  	_ = 	snop  }
0x90: {  	s2 =	sld [smem:$0x3FC8];
	(tm) =	ssettm $0x1  }
0x91: {  	s18 =	sld [smem:$0x3FFB];
	_ =	sdelay $0x3  }
0x92: {  	_ =	strace s18  }
0x93: {  	s3 =	sld [smem:$0x3FFC];
	_ =	sdelay $0x3  }
0x94: {  	_ =	strace s3  }
0x95: {  	s3 =	sld [smem:$0x3FFD];
	_ =	sdelay $0x3  }
0x96: {  	_ =	strace s3  }
0x97: {  	_ =	strace $0x8FFFFFFF  }
0x98: {  	s19 =	sld [smem:$0x3FDB];
	_ =	sdelay $0x1  }
0x99: {  	s4 =	simm.s32 $_scs_section_size  }
0x9a: {  	s5 =	simm.s32 $_size__tile_overlayer_lowered;
	s6 =	simm.s32 $_tile_overlayer_lowered  }
0x9b: {  	s22 =	simm.s32 $0x1BFF;
	s21 =	sshll.u32 s6, $0x1;
	s3 =	sadd.s32 s4, s19  }
0x9c: {  	s7 =	simm.s32 $0x0;
	s20 =	sshll.u32 s5, $0x1;
	s5 =	sadd.s32 s21, s3  }
0x9d: {  	[timem:s7], [sflag:s22] =	dma.local [hbm:s5], s20  }
0x9e: {  	_ =	swait.ge [sflag:s22], s20  }
0x9f: {  	s4 =	ssub.s32 $0x0, s20;
	[sflag:s22] =	ssyncset.done $0x0  }
0xa0: {  	[sflag:s22] =	ssyncadd.s32 s4;
	_ =	sdelay $0x1  }
0xa1: {  	s23 =	simm.s32 $0x1B8B  }
0xa2: {  	_ =	swait.ge [sflag:s23], $0x1  }
0xa3: {  	[sflag:s23] =	ssyncset.done $0x0  }
0xa4: {  	s25 =	simm.s32 $0x1B8E;
	s24 =	sld [smem:$0x3FFE];
	[sflag:s23] =	ssyncadd.s32 $0xFFFFFFFF  }
0xa5: {  	s26 =	simm.s32 $execute0_lowered;
	[smem:$0x3FD2] =	sst s25  }
0xa6: {  	s5 =	sshll.u32 s26, $0x1;
	_ =	strace $0x80000046;
	[dreg:$0x1] =	wrdreg $0xFFFFFFFF  }
0xa7: {  	s28 =	simm.s32 $_size_execute0_lowered;
	s3 =	sadd.s32 s3, s5;
	[dreg:$0x0] =	wrdreg $0x0  }
0xa8: {  	s5 =	sshll.u32 s28, $0x1;
	[dreg:$0x2] =	wrdreg s3  }
0xa9: {  	[dreg:$0x3] =	wrdreg s5  }
0xaa: {  	[dreg:$0x4] =	wrdreg $0xC0  }
0xab: {  	_ =	task [dreg:s7], $0x5FFFF  }
0xac: {  	[dreg:$0x1] =	wrdreg $0xFFFFFFFF  }
0xad: {  	[dreg:$0x0] =	wrdreg $0x60  }
0xae: {  	[dreg:$0x2] =	wrdreg s2  }
0xaf: {  	[dreg:$0x3] =	wrdreg s24  }
0xb0: {  	[dreg:$0x4] =	wrdreg $0xA  }
0xb1: {  	_ =	task.clear_ibuf [dreg:s7], $0x5FFFF;
	_ =	strace $0x90000046  }
0xb2: {  	s29 =	simm.s32 $0xA;
	_ =	strace $0x80000048  }
0xb3: {  	_ =	swait.ge [sflag:s29], $0x1  }
0xb4: {  	[sflag:s29] =	ssyncadd.s32 $0xFFFFFFFF  }
0xb5: {  	_ =	strace $0x90000048  }
0xb6: {  	_ =	sfence  }
0xb7: {  	s30 =	sld [smem:$0x0];
	_ =	sdelay $0x2  }
0xb8: {  	s31 =	sshll.u32 s1, $0xD;
	s1 =	sshrl.u32 s1, $0x2  }
0xb9: {  	s3 =	sand.u32 $0x4000, s31;
	s1 =	sadd.s32 s1, s30  }
0xba: {  	s0 =	sor.u32 s3, s0;
	s1 =	sshll.u32 s1, $0x11  }
0xbb: {  	s0 =	sor.u32 s1, s0  }
0xbc: {  	s0 =	sadd.s32 $0x8F2B, s0  }
0xbd: {  	[sflag:s0] =	ssyncadd.remote.s32 $0x1  }
0xbe: {  	_ =	sfence.sel $0xFFFF  }
0xbf: {  	[dreg:$0x0] =	wrdreg $0xFFFFFFFF;
	(pc) =	sbr.abs _section_cstart, $3  }
0xc0: {  	[dreg:$0x1] =	wrdreg $0xFFFFFFFF  }
0xc1: {  	_ =	task.clear_ibuf [dreg:s7], $0x2FFFF;
	_ =	strace $0x9FFFFFFF  }
0xc2: {  	(tm) =	ssettm $0x7FFFFFFF  }
0xc3: {  	_ =	shalt  }
tec
execute0_lowered:
.L_overlay_start_1:
0x0: {  	(tag) =	ssettag $0x1  }
0x1: {  	s3 =	rddreg [dreg:$0x0]  }
0x2: {  	s1 =	srdreg.scid;
	s0 =	stileid.u32  }
0x3: {  	s14 =	rddreg [dreg:$0x1];
	s15 =	sand.u32 $0x1, s1;
	s4 =	sshll.u32 s0, $0x1  }
0x4: {  	s2 =	simm.s32 $0x0;
	s1 =	rddreg [dreg:$0x2];
	s16 =	sor.u32 s15, s4  }
0x5: {  	[smem:$0x7FF] =	sst s2;
	s4 =	sshll.u32 s16, $0x6  }
0x6: {  	_ =	strace $0x80000047;
	s4 =	sadd.s32 s3, s4;
	s3 =	simm.s32 $0x2  }
0x7: {  	[tilespmem:s2], [sflag:$0x2] =	stream.linear.gather [hbm4b:s4+s2], $0x200, $0x38;
	[tilespmem:$0x4200] =	vst v63  }
0x8: {  	_ =	swait.ge [sflag:s3], $0x200  }
0x9: {  	s6 =	simm.s32 $0x80;
	[sflag:s3] =	ssyncset.done $0x0  }
0xa: {  	s7 =	simm.s32 $0x200;
	s5 =	sadd.s32 $0x188400, s14;
	[sflag:s3] =	ssyncadd.s32 $0xFFFFFE00  }
0xb: {  	[tilespmem:s7], [sflag:$0x1] =	stream.indirect.gather [hbm4b:s5+s6], $0x20, s2, s6, $0xb8;
	[tilespmem:$0x4200] =	vst v63  }
0xc: {  	s8 =	simm.s32 $0x1200  }
0xd: {  	[tilespmem:s8], [sflag:$0x1] =	stream.indirect.gather [hbm4b:s5+s6], $0x20, s6, s6, $0xb8;
	[tilespmem:$0x4200] =	vst v63  }
0xe: {  	s9 =	simm.s32 $0x100;
	s10 =	simm.s32 $0x2200  }
0xf: {  	[tilespmem:s10], [sflag:$0x1] =	stream.indirect.gather [hbm4b:s5+s6], $0x20, s9, s6, $0xb8;
	[tilespmem:$0x4200] =	vst v63  }
0x10: {  	s11 =	simm.s32 $0x180;
	s12 =	simm.s32 $0x3200;
	s13 =	simm.s32 $0x1  }
0x11: {  	[tilespmem:s12], [sflag:$0x1] =	stream.indirect.gather [hbm4b:s5+s6], $0x20, s11, s6, $0xb8;
	[tilespmem:$0x4200] =	vst v63  }
0x12: {  	_ =	swait.ge [sflag:s13], $0x1000  }
0x13: {  	[sflag:s13] =	ssyncset.done $0x0  }
0x14: {  	[sflag:s13] =	ssyncadd.s32 $0xFFFFF000  }
0x15: {  	_ =	swait.ge [sflag:s13], $0x1000  }
0x16: {  	[sflag:s13] =	ssyncset.done $0x0  }
0x17: {  	s15 =	ssub.s32 $0x2, s15;
	[sflag:s13] =	ssyncadd.s32 $0xFFFFF000  }
0x18: {  	s17 =	sshrl.u32 s15, $0x1;
	_ =	swait.ge [sflag:s13], $0x1000  }
0x19: {  	s15 =	ssub.s32 s15, s17;
	[sflag:s13] =	ssyncset.done $0x0  }
0x1a: {  	s15 =	smax.u32 s15, $0x1;
	[sflag:s13] =	ssyncadd.s32 $0xFFFFF000  }
0x1b: {  	s16 =	sshll.u32 s16, $0xB;
	p0 =	sne.s32 s15, $0x1;
	_ =	swait.ge [sflag:s13], $0x1000  }
.Ltmp0:
0x1c: {  	s14 =	sadd.s32 s16, s14;
	[sflag:s13] =	ssyncset.done $0x0;
	(pc) =	sbr.rel @!p0 .LBB2_2-.Ltmp0, $4  }
0x1d: {  	s14 =	sadd.s32 $0x1800, s14;
	[sflag:s13] =	ssyncadd.s32 $0xFFFFF000  }
0x1e: {  	[hbm4b:s14+s2] =	stream.linear.scatter [tilespmem:s7], [sflag:$0x2], $0x4000, $0x38;
	[tilespmem:$0x4200] =	vst v63  }
0x1f: {  	_ =	swait.ge [sflag:s3], $0x4000  }
0x20: {  	s15 =	sadd.s32 $0xFFFFFFFF, s15;
	[sflag:s3] =	ssyncset.done $0x0  }
.LBB2_1:
0x21: {  	p0 =	sne.s32 s15, $0x1;
	s15 =	sadd.s32 $0xFFFFFFFF, s15;
	[sflag:s3] =	ssyncadd.s32 $0xFFFFC000  }
0x22: {  	[tilespmem:s2], [sflag:$0x2] =	stream.linear.gather [hbm4b:s4+s2], $0x200, $0x38;
	[tilespmem:$0x4200] =	vst v63  }
0x23: {  	_ =	swait.ge [sflag:s3], $0x200  }
0x24: {  	[sflag:s3] =	ssyncset.done $0x0  }
0x25: {  	[sflag:s3] =	ssyncadd.s32 $0xFFFFFE00  }
0x26: {  	[tilespmem:s7], [sflag:$0x1] =	stream.indirect.gather [hbm4b:s5+s6], $0x20, s2, s6, $0xb8;
	[tilespmem:$0x4200] =	vst v63  }
0x27: {  	_ = 	snop  }
0x28: {  	[tilespmem:s8], [sflag:$0x1] =	stream.indirect.gather [hbm4b:s5+s6], $0x20, s6, s6, $0xb8;
	[tilespmem:$0x4200] =	vst v63  }
0x29: {  	_ = 	snop  }
0x2a: {  	[tilespmem:s10], [sflag:$0x1] =	stream.indirect.gather [hbm4b:s5+s6], $0x20, s9, s6, $0xb8;
	[tilespmem:$0x4200] =	vst v63  }
0x2b: {  	_ = 	snop  }
0x2c: {  	[tilespmem:s12], [sflag:$0x1] =	stream.indirect.gather [hbm4b:s5+s6], $0x20, s11, s6, $0xb8;
	[tilespmem:$0x4200] =	vst v63  }
0x2d: {  	_ =	swait.ge [sflag:s13], $0x1000  }
0x2e: {  	[sflag:s13] =	ssyncset.done $0x0  }
0x2f: {  	[sflag:s13] =	ssyncadd.s32 $0xFFFFF000  }
0x30: {  	_ =	swait.ge [sflag:s13], $0x1000  }
0x31: {  	[sflag:s13] =	ssyncset.done $0x0  }
0x32: {  	[sflag:s13] =	ssyncadd.s32 $0xFFFFF000  }
0x33: {  	_ =	swait.ge [sflag:s13], $0x1000  }
0x34: {  	[sflag:s13] =	ssyncset.done $0x0  }
0x35: {  	[sflag:s13] =	ssyncadd.s32 $0xFFFFF000  }
0x36: {  	_ =	swait.ge [sflag:s13], $0x1000  }
.Ltmp1:
0x37: {  	[sflag:s13] =	ssyncset.done $0x0;
	(pc) =	sbr.rel @p0 .LBB2_1-.Ltmp1, $4  }
0x38: {  	[sflag:s13] =	ssyncadd.s32 $0xFFFFF000  }
0x39: {  	[hbm4b:s14+s2] =	stream.linear.scatter [tilespmem:s7], [sflag:$0x2], $0x4000, $0x38;
	[tilespmem:$0x4200] =	vst v63  }
0x3a: {  	_ =	swait.ge [sflag:s3], $0x4000  }
0x3b: {  	[sflag:s3] =	ssyncset.done $0x0  }
.LBB2_2:
0x3c: {  	[sflag:s3] =	ssyncadd.s32 $0xFFFFC000  }
0x3d: {  	_ =	sfence.sel $0x180000  }
0x3e: {  	[bflag:$0x0] =	sbarrier.arrive $0xFFFF  }
0x3f: {  	p0 =	sne.s32 s0, $0x0;
	_ =	strace $0x90000047  }
0x40: {  	s0 =	sadd.s32 @!p0 $0x100000, s1;
	[bflag:$0x2] =	sbarrier.arrive $0xFFFF  }
0x41: {  	[sflag:s0] =	ssyncadd.tile.s32 @!p0 $0x1;
	_ =	shalt  }
.Lfunc_end2:
_tile_overlayer_lowered:
.L_overlay_start_2:
0x42: {  	(tag) =	ssettag $0x2  }
0x43: {  	s0 =	rddreg [dreg:$0x0];
	s2 =	stileid.u32  }
0x44: {  	s1 =	rddreg [dreg:$0x1];
	p0 =	sne.s32 s2, $0x0  }
0x45: {  	s3 =	rddreg [dreg:$0x2];
	[bflag:$0x3] =	sbarrier.arrive $0xFFFF;
	s2 =	simm.s32 @!p0 $0x1C02  }
0x46: {  	[timem:s3], [sflag:s2] =	dma.local @!p0 [hbm:s0], s1  }
0x47: {  	s0 =	simm.s32 @!p0 $0x2  }
0x48: {  	_ =	swait.ge @!p0 [sflag:s0], s1  }
0x49: {  	s1 =	ssub.s32 @!p0 $0x0, s1;
	[sflag:s0] =	ssyncset.done @!p0 $0x0  }
0x4a: {  	[sflag:s0] =	ssyncadd.s32 @!p0 s1  }
0x4b: {  	[bflag:$0x3] =	sbarrier.arrive $0xFFFF  }
0x4c: {  	_ =	shalt  }

</sc_bundles>
